<compile_context>
chip_gen: v7x
topology: tpu7x:2x2x1
jax: 0.10.2.dev20260603
libtpu: 0.0.44.dev20260713+nightly
codegen_flags: <defaults>
</compile_context>

<pallas_src>
import jax
import jax.numpy as jnp
from jax import lax
from jax.experimental import pallas as pl
from jax.experimental.pallas import tpu as pltpu
from jax.experimental.pallas import tpu_sc as plsc

N = 10000
E = 320000
D = 128
NP = 10240

NC = 2
NS = 16
NW = NC * NS
EPW = E // NW

CHD = 80
NCHD = (E // NS) // CHD
NBD = 5
NGD = NCHD // NBD

CH = 32
EPWP = 10240
EPAD = NW * EPWP
NCHA = EPWP // CH
SPC = 8
NSPAN = NCHA // SPC
NB = 8

ROWS_PER_TILE = NP // NS
ZR = 128


def _sc_mesh():
    return plsc.VectorSubcoreMesh(core_axis_name="c", subcore_axis_name="s")


def _rsqrt_nr(d):
    one = jnp.full((16,), 1.0, jnp.float32)
    c15 = jnp.full((16,), 1.5, jnp.float32)
    ch = jnp.full((16,), 0.5, jnp.float32)
    x = one / d
    for _ in range(20):
        x = x * (c15 - ch * d * x * x)
    return x


def _deg_body(edges4_hbm, out_hbm, idxv, ones_v, zb_v, nv, sdeg, sem_a):
    cid = lax.axis_index("c")
    sid = lax.axis_index("s")

    for j in range(CHD // 16):
        ones_v[pl.ds(16 * j, 16)] = jnp.ones((16,), jnp.float32)

    def _z(i, _):
        zb_v[pl.ds(16 * i, 16)] = jnp.zeros((16,), jnp.float32)
        return 0
    lax.fori_loop(0, (NP // NS) // 16, _z, 0)

    seg = NP // NS
    pltpu.sync_copy(zb_v, sdeg.at[pl.ds(sid * seg, seg)])
    pltpu.sync_copy(edges4_hbm.at[cid, sid], idxv)
    plsc.subcore_barrier()

    def _count(g, _):
        for b in range(NBD):
            row = g * NBD + b
            pltpu.async_copy(ones_v, sdeg.at[idxv.at[row]], sem_a, add=True)
        for b in range(NBD):
            row = g * NBD + b
            pltpu.make_async_copy(ones_v, sdeg.at[idxv.at[row]], sem_a).wait()
        return 0
    lax.fori_loop(0, NGD, _count, 0)

    plsc.subcore_barrier()
    pltpu.sync_copy(sdeg.at[pl.ds(sid * seg, seg)], zb_v)
    def _n(i, _):
        d = jnp.maximum(zb_v[pl.ds(16 * i, 16)], jnp.full((16,), 1.0, jnp.float32))
        nv[pl.ds(16 * i, 16)] = _rsqrt_nr(d)
        return 0
    lax.fori_loop(0, seg // 16, _n, 0)
    pltpu.sync_copy(nv, out_hbm.at[cid, pl.ds(sid * seg, seg)])


def _sc_degrees(edges4):
    k = pl.kernel(
        _deg_body,
        out_type=jax.ShapeDtypeStruct((NC, NP), jnp.float32),
        mesh=_sc_mesh(),
        scratch_types=[
            pltpu.VMEM((NCHD, CHD), jnp.int32),
            pltpu.VMEM((CHD,), jnp.float32),
            pltpu.VMEM((NP // NS,), jnp.float32),
            pltpu.VMEM((NP // NS,), jnp.float32),
            pltpu.VMEM_SHARED((NP,), jnp.float32),
            pltpu.SemaphoreType.DMA,
        ],
    )
    return k(edges4)


def _agg_body(hw_hbm, src3_hbm, dst3_hbm, out_hbm, sagg, srcv, dstv,
              r0, r1, r2, r3, r4, r5, r6, r7,
              g0, g1, g2, g3, g4, g5, g6, g7,
              s0, s1, s2, s3, s4, s5, s6, s7, isem_s, isem_d):
    rows = (r0, r1, r2, r3, r4, r5, r6, r7)
    gsem = (g0, g1, g2, g3, g4, g5, g6, g7)
    ssem = (s0, s1, s2, s3, s4, s5, s6, s7)
    cid = lax.axis_index("c")
    sid = lax.axis_index("s")
    wid = cid * NS + sid

    def _z(r, _):
        for j in range(D // 16):
            rows[0][r, pl.ds(16 * j, 16)] = jnp.zeros((16,), jnp.float32)
        return 0
    lax.fori_loop(0, CH, _z, 0)
    pltpu.async_copy(src3_hbm.at[wid, pl.ds(0, SPC), :], srcv.at[0], isem_s)
    pltpu.async_copy(dst3_hbm.at[wid, pl.ds(0, SPC), :], dstv.at[0], isem_d)
    for kk in range(ROWS_PER_TILE // CH):
        pltpu.async_copy(rows[0],
                         sagg.at[pl.ds(sid * ROWS_PER_TILE + kk * CH, CH), :],
                         gsem[0])
    for kk in range(ROWS_PER_TILE // CH):
        pltpu.make_async_copy(
            rows[0], sagg.at[pl.ds(sid * ROWS_PER_TILE + kk * CH, CH), :],
            gsem[0]).wait()
    pltpu.make_async_copy(src3_hbm.at[wid, pl.ds(0, SPC), :], srcv.at[0],
                          isem_s).wait()
    pltpu.make_async_copy(dst3_hbm.at[wid, pl.ds(0, SPC), :], dstv.at[0],
                          isem_d).wait()
    plsc.subcore_barrier()

    def _span(s, _):
        p = lax.rem(s, 2)

        @pl.when(s + 1 < NSPAN)
        def _prefetch():
            pltpu.async_copy(src3_hbm.at[wid, pl.ds((s + 1) * SPC, SPC), :],
                             srcv.at[1 - p], isem_s)
            pltpu.async_copy(dst3_hbm.at[wid, pl.ds((s + 1) * SPC, SPC), :],
                             dstv.at[1 - p], isem_d)

        for half in range(SPC // NB):
            for b in range(NB):
                ch = half * NB + b
                if half == 0:
                    @pl.when(s > 0)
                    def _wait_prev(b=b):
                        pltpu.make_async_copy(
                            rows[b], sagg.at[dstv.at[p, 0]], ssem[b]).wait()
                else:
                    pltpu.make_async_copy(
                        rows[b], sagg.at[dstv.at[p, 0]], ssem[b]).wait()
                pltpu.async_copy(hw_hbm.at[srcv.at[p, ch]], rows[b], gsem[b])
            for b in range(NB):
                ch = half * NB + b
                pltpu.make_async_copy(
                    hw_hbm.at[srcv.at[p, ch]], rows[b], gsem[b]).wait()
                pltpu.async_copy(rows[b], sagg.at[dstv.at[p, ch]], ssem[b],
                                 add=True)

        @pl.when(s + 1 < NSPAN)
        def _wait_prefetch():
            pltpu.make_async_copy(src3_hbm.at[wid, pl.ds((s + 1) * SPC, SPC), :],
                                  srcv.at[1 - p], isem_s).wait()
            pltpu.make_async_copy(dst3_hbm.at[wid, pl.ds((s + 1) * SPC, SPC), :],
                                  dstv.at[1 - p], isem_d).wait()
        return 0
    lax.fori_loop(0, NSPAN, _span, 0)

    for b in range(NB):
        pltpu.make_async_copy(rows[b], sagg.at[dstv.at[0, 0]], ssem[b]).wait()
    plsc.subcore_barrier()
    for kk in range(ROWS_PER_TILE // ZR):
        r0_ = sid * ROWS_PER_TILE + kk * ZR
        pltpu.async_copy(sagg.at[pl.ds(r0_, ZR), :],
                         out_hbm.at[cid, pl.ds(r0_, ZR), :], gsem[kk % NB])
    for kk in range(ROWS_PER_TILE // ZR):
        r0_ = sid * ROWS_PER_TILE + kk * ZR
        pltpu.make_async_copy(sagg.at[pl.ds(r0_, ZR), :],
                              out_hbm.at[cid, pl.ds(r0_, ZR), :],
                              gsem[kk % NB]).wait()


def _sc_aggregate(hw, src3, dst3):
    k = pl.kernel(
        _agg_body,
        out_type=jax.ShapeDtypeStruct((NC, NP, D), jnp.float32),
        mesh=_sc_mesh(),
        scratch_types=[
            pltpu.VMEM_SHARED((NP, D), jnp.float32),
            pltpu.VMEM((2, SPC, CH), jnp.int32),
            pltpu.VMEM((2, SPC, CH), jnp.int32),
        ] + [pltpu.VMEM((CH, D), jnp.float32)] * NB
          + [pltpu.SemaphoreType.DMA] * (2 * NB + 2),
    )
    return k(hw, src3, dst3)


_RB = 1000
_RBP = 1024


def _mm_body(x_ref, w_ref, no_ref, out_ref):
    y = jnp.dot(x_ref[...], w_ref[...], preferred_element_type=jnp.float32)
    out_ref[...] = y * no_ref[...]


def _tc_matmul_scale(x, w, no):
    return pl.pallas_call(
        _mm_body,
        grid=(N // _RB,),
        in_specs=[
            pl.BlockSpec((_RB, D), lambda i: (i, 0)),
            pl.BlockSpec((D, D), lambda i: (0, 0)),
            pl.BlockSpec((_RB, 1), lambda i: (i, 0)),
        ],
        out_specs=pl.BlockSpec((_RB, D), lambda i: (i, 0)),
        out_shape=jax.ShapeDtypeStruct((N, D), jnp.float32),
    )(x, w, no)


def _fuse_body(aggp_ref, ni_ref, b_ref, w_ref, no_ref, out_ref):
    x = (aggp_ref[0] + aggp_ref[1]) * ni_ref[...] + b_ref[...]
    x = jnp.maximum(x, 0.0)
    y = jnp.dot(x, w_ref[...], preferred_element_type=jnp.float32)
    out_ref[...] = y * no_ref[...]


def _tc_fuse(aggp, ni, b, w, no):
    return pl.pallas_call(
        _fuse_body,
        grid=(N // _RB,),
        in_specs=[
            pl.BlockSpec((2, _RB, D), lambda i: (0, i, 0)),
            pl.BlockSpec((_RB, 1), lambda i: (i, 0)),
            pl.BlockSpec((1, D), lambda i: (0, 0)),
            pl.BlockSpec((D, D), lambda i: (0, 0)),
            pl.BlockSpec((_RB, 1), lambda i: (i, 0)),
        ],
        out_specs=pl.BlockSpec((_RB, D), lambda i: (i, 0)),
        out_shape=jax.ShapeDtypeStruct((N, D), jnp.float32),
    )(aggp, ni, b, w, no)


def _final_body(aggp_ref, ni_ref, b_ref, out_ref):
    out_ref[...] = (aggp_ref[0] + aggp_ref[1]) * ni_ref[...] + b_ref[...]


def _tc_final(aggp, ni, b):
    return pl.pallas_call(
        _final_body,
        grid=(N // _RB,),
        in_specs=[
            pl.BlockSpec((2, _RB, D), lambda i: (0, i, 0)),
            pl.BlockSpec((_RB, 1), lambda i: (i, 0)),
            pl.BlockSpec((1, D), lambda i: (0, 0)),
        ],
        out_specs=pl.BlockSpec((_RB, D), lambda i: (i, 0)),
        out_shape=jax.ShapeDtypeStruct((N, D), jnp.float32),
    )(aggp, ni, b)


def kernel(t, h, edge_index, W1, b1, W2, b2):
    edges4 = edge_index.reshape(2, NS, NCHD, CHD)
    npad = EPAD - E
    pad_src = jnp.arange(npad, dtype=jnp.int32) % N
    pad_dst = N + (jnp.arange(npad, dtype=jnp.int32) % (NP - N))
    src3a = jnp.concatenate([edge_index[0], pad_src]).reshape(NW, NCHA, CH)
    dst3a = jnp.concatenate([edge_index[1], pad_dst]).reshape(NW, NCHA, CH)

    norms = _sc_degrees(edges4)
    no_p = norms[0].reshape(NP, 1)
    ni_p = norms[1].reshape(NP, 1)
    no_n = no_p[:N]
    ni_n = ni_p[:N]
    b1r = b1.reshape(1, D)
    b2r = b2.reshape(1, D)

    hw1 = _tc_matmul_scale(h, W1, no_n)
    agg1 = _sc_aggregate(hw1, src3a, dst3a)
    hw2 = _tc_fuse(agg1, ni_n, b1r, W2, no_n)
    agg2 = _sc_aggregate(hw2, src3a, dst3a)
    return _tc_final(agg2, ni_n, b2r)

# --- scband reference (transcript-rebuilt; emitter-appended) ---
"""Pipeline reference for scband-gdelayer-39367670235153 (READ-ONLY COPY).

The authoritative reference and input builder live on the scoring server;
editing this copy changes nothing except your own understanding.
"""

import jax, jax.numpy as jnp
import numpy as np

N = 10000
E = 320000
D = 128


def _glorot(key, shape):
    s = float(np.sqrt(6.0 / (shape[0] + shape[1])))
    return jax.random.uniform(key, shape, dtype=jnp.float32, minval=-s, maxval=s)


def setup_inputs(seed: int = 0) -> dict:
    key = jax.random.key(seed)
    k1, k2, k3, k4 = jax.random.split(key, 4)
    h = jax.random.normal(k1, (N, D), dtype=jnp.float32)
    edge_index = jax.random.randint(k2, (2, E), 0, N, dtype=jnp.int32)
    W1 = _glorot(k3, (D, D))
    b1 = jnp.zeros((D,), dtype=jnp.float32)
    W2 = _glorot(k4, (D, D))
    b2 = jnp.zeros((D,), dtype=jnp.float32)
    return {"t": 0, "h": h, "edge_index": edge_index, "W1": W1, "b1": b1, "W2": W2, "b2": b2}


def _graph_conv(h, src, dst, W, b):
    # DGL GraphConv with norm='both': h * D_out^{-1/2} -> W -> scatter-add to dst -> * D_in^{-1/2} -> + b
    n = h.shape[0]
    ones = jnp.ones((src.shape[0],), dtype=jnp.float32)
    deg_out = jnp.zeros((n,), dtype=jnp.float32).at[src].add(ones)
    deg_in = jnp.zeros((n,), dtype=jnp.float32).at[dst].add(ones)
    norm_out = jax.lax.rsqrt(jnp.maximum(deg_out, 1.0))
    norm_in = jax.lax.rsqrt(jnp.maximum(deg_in, 1.0))
    h = h * norm_out[:, None]
    h = h @ W
    msg = jnp.take(h, src, axis=0)
    agg = jax.ops.segment_sum(msg, dst, num_segments=n)
    rst = agg * norm_in[:, None]
    return rst + b


def reference(t, h, edge_index, W1, b1, W2, b2):
    src = edge_index[0]
    dst = edge_index[1]
    x = _graph_conv(h, src, dst, W1, b1)
    # dropout is identity in eval / deterministic reference
    x = jax.nn.relu(x)
    x = _graph_conv(x, src, dst, W2, b2)
    return x

if __name__ == "__main__":
    import jax
    _d = setup_inputs()
    print(jax.jit(kernel)(*tuple(_d.values())))

</pallas_src>

<mosaic_0001>
#map = affine_map<(d0, d1) -> (0, 0, 0, 0)>
#map1 = affine_map<(d0, d1) -> (0, 0)>
module attributes {stable_mosaic.version = 14 : i64} {
  func.func @_deg_body(%arg0: i32, %arg1: i32, %arg2: memref<2x16x250x80xi32, #tpu.memory_space<hbm>>, %arg3: memref<2x10240xf32, #tpu.memory_space<hbm>>, %arg4: memref<250x80xi32, #tpu.memory_space<vmem>>, %arg5: memref<80xf32, #tpu.memory_space<vmem>>, %arg6: memref<640xf32, #tpu.memory_space<vmem>>, %arg7: memref<640xf32, #tpu.memory_space<vmem>>, %arg8: memref<10240xf32, #tpu.memory_space<vmem_shared>>, %arg9: memref<!tpu.dma_semaphore, #tpu.memory_space<semaphore_mem>>) attributes {dimension_semantics = [#tpu.dimension_semantics<core_parallel>, #tpu.dimension_semantics<subcore_parallel>], iteration_bounds = array<i64: 2, 16>, scalar_prefetch = 0 : i64, scratch_operands = 6 : i64, tpu.core_type = #tpu.core_type<sc_vector_subcore>, window_params = [{transform_indices = #map}, {transform_indices = #map1}]} {
    %broadcast_in_dim3A = arith.constant 1.000000e+00 : f32
    %broadcast_in_dim3A_0 = vector.broadcast %broadcast_in_dim3A : f32 to vector<16xf32>
    %swap3A = arith.constant 0 : index
    %swap3A_1 = tpu.vector_load %arg5[%swap3A] {strides = array<i32>} : memref<80xf32, #tpu.memory_space<vmem>>, vector<16xf32>,
    %swap3A_2 = vector.shape_cast %swap3A_1 : vector<16xf32> to vector<16xf32>
    %swap3A_3 = vector.shape_cast %broadcast_in_dim3A_0 : vector<16xf32> to vector<16xf32>
    tpu.vector_store %arg5[%swap3A], %swap3A_3 {strides = array<i32>} : memref<80xf32, #tpu.memory_space<vmem>>, vector<16xf32>,
    %broadcast_in_dim3A_4 = arith.constant 1.000000e+00 : f32
    %broadcast_in_dim3A_5 = vector.broadcast %broadcast_in_dim3A_4 : f32 to vector<16xf32>
    %swap3A_6 = arith.constant 16 : index
    %swap3A_7 = tpu.vector_load %arg5[%swap3A_6] {strides = array<i32>} : memref<80xf32, #tpu.memory_space<vmem>>, vector<16xf32>,
    %swap3A_8 = vector.shape_cast %swap3A_7 : vector<16xf32> to vector<16xf32>
    %swap3A_9 = vector.shape_cast %broadcast_in_dim3A_5 : vector<16xf32> to vector<16xf32>
    tpu.vector_store %arg5[%swap3A_6], %swap3A_9 {strides = array<i32>} : memref<80xf32, #tpu.memory_space<vmem>>, vector<16xf32>,
    %broadcast_in_dim3A_10 = arith.constant 1.000000e+00 : f32
    %broadcast_in_dim3A_11 = vector.broadcast %broadcast_in_dim3A_10 : f32 to vector<16xf32>
    %swap3A_12 = arith.constant 32 : index
    %swap3A_13 = tpu.vector_load %arg5[%swap3A_12] {strides = array<i32>} : memref<80xf32, #tpu.memory_space<vmem>>, vector<16xf32>,
    %swap3A_14 = vector.shape_cast %swap3A_13 : vector<16xf32> to vector<16xf32>
    %swap3A_15 = vector.shape_cast %broadcast_in_dim3A_11 : vector<16xf32> to vector<16xf32>
    tpu.vector_store %arg5[%swap3A_12], %swap3A_15 {strides = array<i32>} : memref<80xf32, #tpu.memory_space<vmem>>, vector<16xf32>,
    %broadcast_in_dim3A_16 = arith.constant 1.000000e+00 : f32
    %broadcast_in_dim3A_17 = vector.broadcast %broadcast_in_dim3A_16 : f32 to vector<16xf32>
    %swap3A_18 = arith.constant 48 : index
    %swap3A_19 = tpu.vector_load %arg5[%swap3A_18] {strides = array<i32>} : memref<80xf32, #tpu.memory_space<vmem>>, vector<16xf32>,
    %swap3A_20 = vector.shape_cast %swap3A_19 : vector<16xf32> to vector<16xf32>
    %swap3A_21 = vector.shape_cast %broadcast_in_dim3A_17 : vector<16xf32> to vector<16xf32>
    tpu.vector_store %arg5[%swap3A_18], %swap3A_21 {strides = array<i32>} : memref<80xf32, #tpu.memory_space<vmem>>, vector<16xf32>,
    %broadcast_in_dim3A_22 = arith.constant 1.000000e+00 : f32
    %broadcast_in_dim3A_23 = vector.broadcast %broadcast_in_dim3A_22 : f32 to vector<16xf32>
    %swap3A_24 = arith.constant 64 : index
    %swap3A_25 = tpu.vector_load %arg5[%swap3A_24] {strides = array<i32>} : memref<80xf32, #tpu.memory_space<vmem>>, vector<16xf32>,
    %swap3A_26 = vector.shape_cast %swap3A_25 : vector<16xf32> to vector<16xf32>
    %swap3A_27 = vector.shape_cast %broadcast_in_dim3A_23 : vector<16xf32> to vector<16xf32>
    tpu.vector_store %arg5[%swap3A_24], %swap3A_27 {strides = array<i32>} : memref<80xf32, #tpu.memory_space<vmem>>, vector<16xf32>,
    %scan3A = arith.constant 0 : i32
    %scan3A_28 = arith.constant 0 : i32
    %scan3A_29 = arith.constant 40 : i32
    %scan3A_30 = arith.addi %scan3A_28, %scan3A_29 : i32
    %scan3A_31 = arith.constant 1 : i32
    %scan3A_32 = scf.for %scan3A_54 = %scan3A_28 to %scan3A_30 step %scan3A_31 iter_args(%scan3A_55 = %scan3A) -> (i32)  : i32 {
      %broadcast_in_dim3A_56 = arith.constant 0.000000e+00 : f32
      %broadcast_in_dim3A_57 = vector.broadcast %broadcast_in_dim3A_56 : f32 to vector<16xf32>
      %mul3A_58 = arith.constant 16 : i32
      %mul3A_59 = arith.muli %mul3A_58, %scan3A_54 : i32
      %swap3A_60 = arith.index_cast %mul3A_59 : i32 to index
      %swap3A_61 = tpu.vector_load %arg6[%swap3A_60] {strides = array<i32>} : memref<640xf32, #tpu.memory_space<vmem>>, vector<16xf32>,
      %swap3A_62 = vector.shape_cast %swap3A_61 : vector<16xf32> to vector<16xf32>
      %swap3A_63 = vector.shape_cast %broadcast_in_dim3A_57 : vector<16xf32> to vector<16xf32>
      tpu.vector_store %arg6[%swap3A_60], %swap3A_63 {strides = array<i32>} : memref<640xf32, #tpu.memory_space<vmem>>, vector<16xf32>,
      %scan3A_64 = arith.constant 0 : i32
      scf.yield %scan3A_64 : i32
    }
    %scan3A_33 = arith.constant 40 : i32
    %mul3A = arith.constant 640 : i32
    %mul3A_34 = arith.muli %arg1, %mul3A : i32
    "tpu.region"() ({
      %run_scoped3A = tpu.sem_alloc : memref<!tpu.dma_semaphore, #tpu.memory_space<semaphore_mem>>
      %dma_start3A = tpu.memref_slice %arg8[%mul3A_34] : memref<10240xf32, #tpu.memory_space<vmem_shared>> -> memref<640xf32, #tpu.memory_space<vmem_shared>>
      %dma_start3A_54 = tpu.memref_slice %arg8[%mul3A_34] : memref<10240xf32, #tpu.memory_space<vmem_shared>> -> memref<640xf32, #tpu.memory_space<vmem_shared>>
      tpu.enqueue_dma source(%arg6 : memref<640xf32, #tpu.memory_space<vmem>>) target(%dma_start3A_54 : memref<640xf32, #tpu.memory_space<vmem_shared>>) target_semaphore(%run_scoped3A : memref<!tpu.dma_semaphore, #tpu.memory_space<semaphore_mem>>)
      %dma_wait3A = tpu.memref_slice %arg8[%mul3A_34] : memref<10240xf32, #tpu.memory_space<vmem_shared>> -> memref<640xf32, #tpu.memory_space<vmem_shared>>
      %dma_wait3A_55 = tpu.memref_slice %arg8[%mul3A_34] : memref<10240xf32, #tpu.memory_space<vmem_shared>> -> memref<640xf32, #tpu.memory_space<vmem_shared>>
      tpu.wait_dma2 semaphore(%run_scoped3A : memref<!tpu.dma_semaphore, #tpu.memory_space<semaphore_mem>>) src(%arg6 : memref<640xf32, #tpu.memory_space<vmem>>) dst(%dma_wait3A_55 : memref<640xf32, #tpu.memory_space<vmem_shared>>)
      tpu.yield
    }) : () -> ()
    "tpu.region"() ({
      %run_scoped3A = tpu.sem_alloc : memref<!tpu.dma_semaphore, #tpu.memory_space<semaphore_mem>>
      %dma_start3A = arith.constant 0 : i32
      %dma_start3A_54 = arith.constant 0 : i32
      %dma_start3A_55 = tpu.memref_slice %arg2[%arg0, %arg1, %dma_start3A, %dma_start3A_54] : memref<2x16x250x80xi32, #tpu.memory_space<hbm>> -> memref<1x1x250x80xi32, #tpu.memory_space<hbm>>
      %dma_start3A_56 = tpu.memref_squeeze %dma_start3A_55 : memref<1x1x250x80xi32, #tpu.memory_space<hbm>> -> memref<250x80xi32, #tpu.memory_space<hbm>>
      %dma_start3A_57 = arith.constant 0 : i32
      %dma_start3A_58 = arith.constant 0 : i32
      %dma_start3A_59 = tpu.memref_slice %arg2[%arg0, %arg1, %dma_start3A_57, %dma_start3A_58] : memref<2x16x250x80xi32, #tpu.memory_space<hbm>> -> memref<1x1x250x80xi32, #tpu.memory_space<hbm>>
      %dma_start3A_60 = tpu.memref_squeeze %dma_start3A_59 : memref<1x1x250x80xi32, #tpu.memory_space<hbm>> -> memref<250x80xi32, #tpu.memory_space<hbm>>
      tpu.enqueue_dma source(%dma_start3A_60 : memref<250x80xi32, #tpu.memory_space<hbm>>) target(%arg4 : memref<250x80xi32, #tpu.memory_space<vmem>>) target_semaphore(%run_scoped3A : memref<!tpu.dma_semaphore, #tpu.memory_space<semaphore_mem>>)
      %dma_wait3A = arith.constant 0 : i32
      %dma_wait3A_61 = arith.constant 0 : i32
      %dma_wait3A_62 = tpu.memref_slice %arg2[%arg0, %arg1, %dma_wait3A, %dma_wait3A_61] : memref<2x16x250x80xi32, #tpu.memory_space<hbm>> -> memref<1x1x250x80xi32, #tpu.memory_space<hbm>>
      %dma_wait3A_63 = tpu.memref_squeeze %dma_wait3A_62 : memref<1x1x250x80xi32, #tpu.memory_space<hbm>> -> memref<250x80xi32, #tpu.memory_space<hbm>>
      %dma_wait3A_64 = arith.constant 0 : i32
      %dma_wait3A_65 = arith.constant 0 : i32
      %dma_wait3A_66 = tpu.memref_slice %arg2[%arg0, %arg1, %dma_wait3A_64, %dma_wait3A_65] : memref<2x16x250x80xi32, #tpu.memory_space<hbm>> -> memref<1x1x250x80xi32, #tpu.memory_space<hbm>>
      %dma_wait3A_67 = tpu.memref_squeeze %dma_wait3A_66 : memref<1x1x250x80xi32, #tpu.memory_space<hbm>> -> memref<250x80xi32, #tpu.memory_space<hbm>>
      tpu.wait_dma2 semaphore(%run_scoped3A : memref<!tpu.dma_semaphore, #tpu.memory_space<semaphore_mem>>) src(%dma_wait3A_67 : memref<250x80xi32, #tpu.memory_space<hbm>>) dst(%arg4 : memref<250x80xi32, #tpu.memory_space<vmem>>)
      tpu.yield
    }) : () -> ()
    %barrier3A = arith.constant 0 : index
    tpu.barrier barrier_id(%barrier3A)
    %scan3A_35 = arith.constant 0 : i32
    %scan3A_36 = arith.constant 0 : i32
    %scan3A_37 = arith.constant 50 : i32
    %scan3A_38 = arith.addi %scan3A_36, %scan3A_37 : i32
    %scan3A_39 = arith.constant 1 : i32
    %scan3A_40 = scf.for %scan3A_54 = %scan3A_36 to %scan3A_38 step %scan3A_39 iter_args(%scan3A_55 = %scan3A_35) -> (i32)  : i32 {
      %mul3A_56 = arith.constant 5 : i32
      %mul3A_57 = arith.muli %scan3A_54, %mul3A_56 : i32
      %add3A = arith.constant 0 : i32
      %add3A_58 = arith.addi %mul3A_57, %add3A : i32
      %dma_start3A = arith.constant 0 : i32
      %dma_start3A_59 = tpu.memref_slice %arg4[%add3A_58, %dma_start3A] : memref<250x80xi32, #tpu.memory_space<vmem>> -> memref<1x80xi32, #tpu.memory_space<vmem>>
      %dma_start3A_60 = tpu.memref_squeeze %dma_start3A_59 : memref<1x80xi32, #tpu.memory_space<vmem>> -> memref<80xi32, #tpu.memory_space<vmem>>
      %dma_start3A_61 = arith.constant 0 : i32
      %dma_start3A_62 = tpu.memref_slice %arg8[%dma_start3A_61] : memref<10240xf32, #tpu.memory_space<vmem_shared>> -> memref<10240xf32, #tpu.memory_space<vmem_shared>>
      tpu.enqueue_indirect_dma source(%arg5 : memref<80xf32, #tpu.memory_space<vmem>>) target(%dma_start3A_62 : memref<10240xf32, #tpu.memory_space<vmem_shared>>) offsets(%dma_start3A_60 : memref<80xi32, #tpu.memory_space<vmem>>) semaphore(%arg9 : memref<!tpu.dma_semaphore, #tpu.memory_space<semaphore_mem>>) {add = true}
      %mul3A_63 = arith.constant 5 : i32
      %mul3A_64 = arith.muli %scan3A_54, %mul3A_63 : i32
      %add3A_65 = arith.constant 1 : i32
      %add3A_66 = arith.addi %mul3A_64, %add3A_65 : i32
      %dma_start3A_67 = arith.constant 0 : i32
      %dma_start3A_68 = tpu.memref_slice %arg4[%add3A_66, %dma_start3A_67] : memref<250x80xi32, #tpu.memory_space<vmem>> -> memref<1x80xi32, #tpu.memory_space<vmem>>
      %dma_start3A_69 = tpu.memref_squeeze %dma_start3A_68 : memref<1x80xi32, #tpu.memory_space<vmem>> -> memref<80xi32, #tpu.memory_space<vmem>>
      %dma_start3A_70 = arith.constant 0 : i32
      %dma_start3A_71 = tpu.memref_slice %arg8[%dma_start3A_70] : memref<10240xf32, #tpu.memory_space<vmem_shared>> -> memref<10240xf32, #tpu.memory_space<vmem_shared>>
      tpu.enqueue_indirect_dma source(%arg5 : memref<80xf32, #tpu.memory_space<vmem>>) target(%dma_start3A_71 : memref<10240xf32, #tpu.memory_space<vmem_shared>>) offsets(%dma_start3A_69 : memref<80xi32, #tpu.memory_space<vmem>>) semaphore(%arg9 : memref<!tpu.dma_semaphore, #tpu.memory_space<semaphore_mem>>) {add = true}
      %mul3A_72 = arith.constant 5 : i32
      %mul3A_73 = arith.muli %scan3A_54, %mul3A_72 : i32
      %add3A_74 = arith.constant 2 : i32
      %add3A_75 = arith.addi %mul3A_73, %add3A_74 : i32
      %dma_start3A_76 = arith.constant 0 : i32
      %dma_start3A_77 = tpu.memref_slice %arg4[%add3A_75, %dma_start3A_76] : memref<250x80xi32, #tpu.memory_space<vmem>> -> memref<1x80xi32, #tpu.memory_space<vmem>>
      %dma_start3A_78 = tpu.memref_squeeze %dma_start3A_77 : memref<1x80xi32, #tpu.memory_space<vmem>> -> memref<80xi32, #tpu.memory_space<vmem>>
      %dma_start3A_79 = arith.constant 0 : i32
      %dma_start3A_80 = tpu.memref_slice %arg8[%dma_start3A_79] : memref<10240xf32, #tpu.memory_space<vmem_shared>> -> memref<10240xf32, #tpu.memory_space<vmem_shared>>
      tpu.enqueue_indirect_dma source(%arg5 : memref<80xf32, #tpu.memory_space<vmem>>) target(%dma_start3A_80 : memref<10240xf32, #tpu.memory_space<vmem_shared>>) offsets(%dma_start3A_78 : memref<80xi32, #tpu.memory_space<vmem>>) semaphore(%arg9 : memref<!tpu.dma_semaphore, #tpu.memory_space<semaphore_mem>>) {add = true}
      %mul3A_81 = arith.constant 5 : i32
      %mul3A_82 = arith.muli %scan3A_54, %mul3A_81 : i32
      %add3A_83 = arith.constant 3 : i32
      %add3A_84 = arith.addi %mul3A_82, %add3A_83 : i32
      %dma_start3A_85 = arith.constant 0 : i32
      %dma_start3A_86 = tpu.memref_slice %arg4[%add3A_84, %dma_start3A_85] : memref<250x80xi32, #tpu.memory_space<vmem>> -> memref<1x80xi32, #tpu.memory_space<vmem>>
      %dma_start3A_87 = tpu.memref_squeeze %dma_start3A_86 : memref<1x80xi32, #tpu.memory_space<vmem>> -> memref<80xi32, #tpu.memory_space<vmem>>
      %dma_start3A_88 = arith.constant 0 : i32
      %dma_start3A_89 = tpu.memref_slice %arg8[%dma_start3A_88] : memref<10240xf32, #tpu.memory_space<vmem_shared>> -> memref<10240xf32, #tpu.memory_space<vmem_shared>>
      tpu.enqueue_indirect_dma source(%arg5 : memref<80xf32, #tpu.memory_space<vmem>>) target(%dma_start3A_89 : memref<10240xf32, #tpu.memory_space<vmem_shared>>) offsets(%dma_start3A_87 : memref<80xi32, #tpu.memory_space<vmem>>) semaphore(%arg9 : memref<!tpu.dma_semaphore, #tpu.memory_space<semaphore_mem>>) {add = true}
      %mul3A_90 = arith.constant 5 : i32
      %mul3A_91 = arith.muli %scan3A_54, %mul3A_90 : i32
      %add3A_92 = arith.constant 4 : i32
      %add3A_93 = arith.addi %mul3A_91, %add3A_92 : i32
      %dma_start3A_94 = arith.constant 0 : i32
      %dma_start3A_95 = tpu.memref_slice %arg4[%add3A_93, %dma_start3A_94] : memref<250x80xi32, #tpu.memory_space<vmem>> -> memref<1x80xi32, #tpu.memory_space<vmem>>
      %dma_start3A_96 = tpu.memref_squeeze %dma_start3A_95 : memref<1x80xi32, #tpu.memory_space<vmem>> -> memref<80xi32, #tpu.memory_space<vmem>>
      %dma_start3A_97 = arith.constant 0 : i32
      %dma_start3A_98 = tpu.memref_slice %arg8[%dma_start3A_97] : memref<10240xf32, #tpu.memory_space<vmem_shared>> -> memref<10240xf32, #tpu.memory_space<vmem_shared>>
      tpu.enqueue_indirect_dma source(%arg5 : memref<80xf32, #tpu.memory_space<vmem>>) target(%dma_start3A_98 : memref<10240xf32, #tpu.memory_space<vmem_shared>>) offsets(%dma_start3A_96 : memref<80xi32, #tpu.memory_space<vmem>>) semaphore(%arg9 : memref<!tpu.dma_semaphore, #tpu.memory_space<semaphore_mem>>) {add = true}
      %mul3A_99 = arith.constant 5 : i32
      %mul3A_100 = arith.muli %scan3A_54, %mul3A_99 : i32
      %add3A_101 = arith.constant 0 : i32
      %add3A_102 = arith.addi %mul3A_100, %add3A_101 : i32
      %dma_wait3A = arith.constant 0 : i32
      %dma_wait3A_103 = tpu.memref_slice %arg4[%add3A_102, %dma_wait3A] : memref<250x80xi32, #tpu.memory_space<vmem>> -> memref<1x80xi32, #tpu.memory_space<vmem>>
      %dma_wait3A_104 = tpu.memref_squeeze %dma_wait3A_103 : memref<1x80xi32, #tpu.memory_space<vmem>> -> memref<80xi32, #tpu.memory_space<vmem>>
      %dma_wait3A_105 = arith.constant 0 : i32
      %dma_wait3A_106 = tpu.memref_slice %arg8[%dma_wait3A_105] : memref<10240xf32, #tpu.memory_space<vmem_shared>> -> memref<10240xf32, #tpu.memory_space<vmem_shared>>
      tpu.wait_indirect_dma semaphore(%arg9 : memref<!tpu.dma_semaphore, #tpu.memory_space<semaphore_mem>>) src(%arg5 : memref<80xf32, #tpu.memory_space<vmem>>) dst(%dma_wait3A_106 : memref<10240xf32, #tpu.memory_space<vmem_shared>>)
      %mul3A_107 = arith.constant 5 : i32
      %mul3A_108 = arith.muli %scan3A_54, %mul3A_107 : i32
      %add3A_109 = arith.constant 1 : i32
      %add3A_110 = arith.addi %mul3A_108, %add3A_109 : i32
      %dma_wait3A_111 = arith.constant 0 : i32
      %dma_wait3A_112 = tpu.memref_slice %arg4[%add3A_110, %dma_wait3A_111] : memref<250x80xi32, #tpu.memory_space<vmem>> -> memref<1x80xi32, #tpu.memory_space<vmem>>
      %dma_wait3A_113 = tpu.memref_squeeze %dma_wait3A_112 : memref<1x80xi32, #tpu.memory_space<vmem>> -> memref<80xi32, #tpu.memory_space<vmem>>
      %dma_wait3A_114 = arith.constant 0 : i32
      %dma_wait3A_115 = tpu.memref_slice %arg8[%dma_wait3A_114] : memref<10240xf32, #tpu.memory_space<vmem_shared>> -> memref<10240xf32, #tpu.memory_space<vmem_shared>>
      tpu.wait_indirect_dma semaphore(%arg9 : memref<!tpu.dma_semaphore, #tpu.memory_space<semaphore_mem>>) src(%arg5 : memref<80xf32, #tpu.memory_space<vmem>>) dst(%dma_wait3A_115 : memref<10240xf32, #tpu.memory_space<vmem_shared>>)
      %mul3A_116 = arith.constant 5 : i32
      %mul3A_117 = arith.muli %scan3A_54, %mul3A_116 : i32
      %add3A_118 = arith.constant 2 : i32
      %add3A_119 = arith.addi %mul3A_117, %add3A_118 : i32
      %dma_wait3A_120 = arith.constant 0 : i32
      %dma_wait3A_121 = tpu.memref_slice %arg4[%add3A_119, %dma_wait3A_120] : memref<250x80xi32, #tpu.memory_space<vmem>> -> memref<1x80xi32, #tpu.memory_space<vmem>>
      %dma_wait3A_122 = tpu.memref_squeeze %dma_wait3A_121 : memref<1x80xi32, #tpu.memory_space<vmem>> -> memref<80xi32, #tpu.memory_space<vmem>>
      %dma_wait3A_123 = arith.constant 0 : i32
      %dma_wait3A_124 = tpu.memref_slice %arg8[%dma_wait3A_123] : memref<10240xf32, #tpu.memory_space<vmem_shared>> -> memref<10240xf32, #tpu.memory_space<vmem_shared>>
      tpu.wait_indirect_dma semaphore(%arg9 : memref<!tpu.dma_semaphore, #tpu.memory_space<semaphore_mem>>) src(%arg5 : memref<80xf32, #tpu.memory_space<vmem>>) dst(%dma_wait3A_124 : memref<10240xf32, #tpu.memory_space<vmem_shared>>)
      %mul3A_125 = arith.constant 5 : i32
      %mul3A_126 = arith.muli %scan3A_54, %mul3A_125 : i32
      %add3A_127 = arith.constant 3 : i32
      %add3A_128 = arith.addi %mul3A_126, %add3A_127 : i32
      %dma_wait3A_129 = arith.constant 0 : i32
      %dma_wait3A_130 = tpu.memref_slice %arg4[%add3A_128, %dma_wait3A_129] : memref<250x80xi32, #tpu.memory_space<vmem>> -> memref<1x80xi32, #tpu.memory_space<vmem>>
      %dma_wait3A_131 = tpu.memref_squeeze %dma_wait3A_130 : memref<1x80xi32, #tpu.memory_space<vmem>> -> memref<80xi32, #tpu.memory_space<vmem>>
      %dma_wait3A_132 = arith.constant 0 : i32
      %dma_wait3A_133 = tpu.memref_slice %arg8[%dma_wait3A_132] : memref<10240xf32, #tpu.memory_space<vmem_shared>> -> memref<10240xf32, #tpu.memory_space<vmem_shared>>
      tpu.wait_indirect_dma semaphore(%arg9 : memref<!tpu.dma_semaphore, #tpu.memory_space<semaphore_mem>>) src(%arg5 : memref<80xf32, #tpu.memory_space<vmem>>) dst(%dma_wait3A_133 : memref<10240xf32, #tpu.memory_space<vmem_shared>>)
      %mul3A_134 = arith.constant 5 : i32
      %mul3A_135 = arith.muli %scan3A_54, %mul3A_134 : i32
      %add3A_136 = arith.constant 4 : i32
      %add3A_137 = arith.addi %mul3A_135, %add3A_136 : i32
      %dma_wait3A_138 = arith.constant 0 : i32
      %dma_wait3A_139 = tpu.memref_slice %arg4[%add3A_137, %dma_wait3A_138] : memref<250x80xi32, #tpu.memory_space<vmem>> -> memref<1x80xi32, #tpu.memory_space<vmem>>
      %dma_wait3A_140 = tpu.memref_squeeze %dma_wait3A_139 : memref<1x80xi32, #tpu.memory_space<vmem>> -> memref<80xi32, #tpu.memory_space<vmem>>
      %dma_wait3A_141 = arith.constant 0 : i32
      %dma_wait3A_142 = tpu.memref_slice %arg8[%dma_wait3A_141] : memref<10240xf32, #tpu.memory_space<vmem_shared>> -> memref<10240xf32, #tpu.memory_space<vmem_shared>>
      tpu.wait_indirect_dma semaphore(%arg9 : memref<!tpu.dma_semaphore, #tpu.memory_space<semaphore_mem>>) src(%arg5 : memref<80xf32, #tpu.memory_space<vmem>>) dst(%dma_wait3A_142 : memref<10240xf32, #tpu.memory_space<vmem_shared>>)
      %scan3A_143 = arith.constant 0 : i32
      scf.yield %scan3A_143 : i32
    }
    %scan3A_41 = arith.constant 50 : i32
    %barrier3A_42 = arith.constant 0 : index
    tpu.barrier barrier_id(%barrier3A_42)
    %mul3A_43 = arith.constant 640 : i32
    %mul3A_44 = arith.muli %arg1, %mul3A_43 : i32
    "tpu.region"() ({
      %run_scoped3A = tpu.sem_alloc : memref<!tpu.dma_semaphore, #tpu.memory_space<semaphore_mem>>
      %dma_start3A = tpu.memref_slice %arg8[%mul3A_44] : memref<10240xf32, #tpu.memory_space<vmem_shared>> -> memref<640xf32, #tpu.memory_space<vmem_shared>>
      %dma_start3A_54 = tpu.memref_slice %arg8[%mul3A_44] : memref<10240xf32, #tpu.memory_space<vmem_shared>> -> memref<640xf32, #tpu.memory_space<vmem_shared>>
      tpu.enqueue_dma source(%dma_start3A_54 : memref<640xf32, #tpu.memory_space<vmem_shared>>) target(%arg6 : memref<640xf32, #tpu.memory_space<vmem>>) target_semaphore(%run_scoped3A : memref<!tpu.dma_semaphore, #tpu.memory_space<semaphore_mem>>)
      %dma_wait3A = tpu.memref_slice %arg8[%mul3A_44] : memref<10240xf32, #tpu.memory_space<vmem_shared>> -> memref<640xf32, #tpu.memory_space<vmem_shared>>
      %dma_wait3A_55 = tpu.memref_slice %arg8[%mul3A_44] : memref<10240xf32, #tpu.memory_space<vmem_shared>> -> memref<640xf32, #tpu.memory_space<vmem_shared>>
      tpu.wait_dma2 semaphore(%run_scoped3A : memref<!tpu.dma_semaphore, #tpu.memory_space<semaphore_mem>>) src(%dma_wait3A_55 : memref<640xf32, #tpu.memory_space<vmem_shared>>) dst(%arg6 : memref<640xf32, #tpu.memory_space<vmem>>)
      tpu.yield
    }) : () -> ()
    %scan3A_45 = arith.constant 0 : i32
    %scan3A_46 = arith.constant 0 : i32
    %scan3A_47 = arith.constant 40 : i32
    %scan3A_48 = arith.addi %scan3A_46, %scan3A_47 : i32
    %scan3A_49 = arith.constant 1 : i32
    %scan3A_50 = scf.for %scan3A_54 = %scan3A_46 to %scan3A_48 step %scan3A_49 iter_args(%scan3A_55 = %scan3A_45) -> (i32)  : i32 {
      %mul3A_56 = arith.constant 16 : i32
      %mul3A_57 = arith.muli %mul3A_56, %scan3A_54 : i32
      %get3A = arith.index_cast %mul3A_57 : i32 to index
      %get3A_58 = tpu.vector_load %arg6[%get3A] {strides = array<i32>} : memref<640xf32, #tpu.memory_space<vmem>>, vector<16xf32>,
      %get3A_59 = vector.shape_cast %get3A_58 : vector<16xf32> to vector<16xf32>
      %broadcast_in_dim3A_60 = arith.constant 1.000000e+00 : f32
      %broadcast_in_dim3A_61 = vector.broadcast %broadcast_in_dim3A_60 : f32 to vector<16xf32>
      %max3A = arith.maximumf %get3A_59, %broadcast_in_dim3A_61 : vector<16xf32>
      %broadcast_in_dim3A_62 = arith.constant 1.000000e+00 : f32
      %broadcast_in_dim3A_63 = vector.broadcast %broadcast_in_dim3A_62 : f32 to vector<16xf32>
      %broadcast_in_dim3A_64 = arith.constant 1.500000e+00 : f32
      %broadcast_in_dim3A_65 = vector.broadcast %broadcast_in_dim3A_64 : f32 to vector<16xf32>
      %broadcast_in_dim3A_66 = arith.constant 5.000000e-01 : f32
      %broadcast_in_dim3A_67 = vector.broadcast %broadcast_in_dim3A_66 : f32 to vector<16xf32>
      %div3A = arith.divf %broadcast_in_dim3A_63, %max3A : vector<16xf32>
      %mul3A_68 = arith.mulf %broadcast_in_dim3A_67, %max3A : vector<16xf32>
      %mul3A_69 = arith.mulf %mul3A_68, %div3A : vector<16xf32>
      %mul3A_70 = arith.mulf %mul3A_69, %div3A : vector<16xf32>
      %sub3A = arith.subf %broadcast_in_dim3A_65, %mul3A_70 : vector<16xf32>
      %mul3A_71 = arith.mulf %div3A, %sub3A : vector<16xf32>
      %mul3A_72 = arith.mulf %broadcast_in_dim3A_67, %max3A : vector<16xf32>
      %mul3A_73 = arith.mulf %mul3A_72, %mul3A_71 : vector<16xf32>
      %mul3A_74 = arith.mulf %mul3A_73, %mul3A_71 : vector<16xf32>
      %sub3A_75 = arith.subf %broadcast_in_dim3A_65, %mul3A_74 : vector<16xf32>
      %mul3A_76 = arith.mulf %mul3A_71, %sub3A_75 : vector<16xf32>
      %mul3A_77 = arith.mulf %broadcast_in_dim3A_67, %max3A : vector<16xf32>
      %mul3A_78 = arith.mulf %mul3A_77, %mul3A_76 : vector<16xf32>
      %mul3A_79 = arith.mulf %mul3A_78, %mul3A_76 : vector<16xf32>
      %sub3A_80 = arith.subf %broadcast_in_dim3A_65, %mul3A_79 : vector<16xf32>
      %mul3A_81 = arith.mulf %mul3A_76, %sub3A_80 : vector<16xf32>
      %mul3A_82 = arith.mulf %broadcast_in_dim3A_67, %max3A : vector<16xf32>
      %mul3A_83 = arith.mulf %mul3A_82, %mul3A_81 : vector<16xf32>
      %mul3A_84 = arith.mulf %mul3A_83, %mul3A_81 : vector<16xf32>
      %sub3A_85 = arith.subf %broadcast_in_dim3A_65, %mul3A_84 : vector<16xf32>
      %mul3A_86 = arith.mulf %mul3A_81, %sub3A_85 : vector<16xf32>
      %mul3A_87 = arith.mulf %broadcast_in_dim3A_67, %max3A : vector<16xf32>
      %mul3A_88 = arith.mulf %mul3A_87, %mul3A_86 : vector<16xf32>
      %mul3A_89 = arith.mulf %mul3A_88, %mul3A_86 : vector<16xf32>
      %sub3A_90 = arith.subf %broadcast_in_dim3A_65, %mul3A_89 : vector<16xf32>
      %mul3A_91 = arith.mulf %mul3A_86, %sub3A_90 : vector<16xf32>
      %mul3A_92 = arith.mulf %broadcast_in_dim3A_67, %max3A : vector<16xf32>
      %mul3A_93 = arith.mulf %mul3A_92, %mul3A_91 : vector<16xf32>
      %mul3A_94 = arith.mulf %mul3A_93, %mul3A_91 : vector<16xf32>
      %sub3A_95 = arith.subf %broadcast_in_dim3A_65, %mul3A_94 : vector<16xf32>
      %mul3A_96 = arith.mulf %mul3A_91, %sub3A_95 : vector<16xf32>
      %mul3A_97 = arith.mulf %broadcast_in_dim3A_67, %max3A : vector<16xf32>
      %mul3A_98 = arith.mulf %mul3A_97, %mul3A_96 : vector<16xf32>
      %mul3A_99 = arith.mulf %mul3A_98, %mul3A_96 : vector<16xf32>
      %sub3A_100 = arith.subf %broadcast_in_dim3A_65, %mul3A_99 : vector<16xf32>
      %mul3A_101 = arith.mulf %mul3A_96, %sub3A_100 : vector<16xf32>
      %mul3A_102 = arith.mulf %broadcast_in_dim3A_67, %max3A : vector<16xf32>
      %mul3A_103 = arith.mulf %mul3A_102, %mul3A_101 : vector<16xf32>
      %mul3A_104 = arith.mulf %mul3A_103, %mul3A_101 : vector<16xf32>
      %sub3A_105 = arith.subf %broadcast_in_dim3A_65, %mul3A_104 : vector<16xf32>
      %mul3A_106 = arith.mulf %mul3A_101, %sub3A_105 : vector<16xf32>
      %mul3A_107 = arith.mulf %broadcast_in_dim3A_67, %max3A : vector<16xf32>
      %mul3A_108 = arith.mulf %mul3A_107, %mul3A_106 : vector<16xf32>
      %mul3A_109 = arith.mulf %mul3A_108, %mul3A_106 : vector<16xf32>
      %sub3A_110 = arith.subf %broadcast_in_dim3A_65, %mul3A_109 : vector<16xf32>
      %mul3A_111 = arith.mulf %mul3A_106, %sub3A_110 : vector<16xf32>
      %mul3A_112 = arith.mulf %broadcast_in_dim3A_67, %max3A : vector<16xf32>
      %mul3A_113 = arith.mulf %mul3A_112, %mul3A_111 : vector<16xf32>
      %mul3A_114 = arith.mulf %mul3A_113, %mul3A_111 : vector<16xf32>
      %sub3A_115 = arith.subf %broadcast_in_dim3A_65, %mul3A_114 : vector<16xf32>
      %mul3A_116 = arith.mulf %mul3A_111, %sub3A_115 : vector<16xf32>
      %mul3A_117 = arith.mulf %broadcast_in_dim3A_67, %max3A : vector<16xf32>
      %mul3A_118 = arith.mulf %mul3A_117, %mul3A_116 : vector<16xf32>
      %mul3A_119 = arith.mulf %mul3A_118, %mul3A_116 : vector<16xf32>
      %sub3A_120 = arith.subf %broadcast_in_dim3A_65, %mul3A_119 : vector<16xf32>
      %mul3A_121 = arith.mulf %mul3A_116, %sub3A_120 : vector<16xf32>
      %mul3A_122 = arith.mulf %broadcast_in_dim3A_67, %max3A : vector<16xf32>
      %mul3A_123 = arith.mulf %mul3A_122, %mul3A_121 : vector<16xf32>
      %mul3A_124 = arith.mulf %mul3A_123, %mul3A_121 : vector<16xf32>
      %sub3A_125 = arith.subf %broadcast_in_dim3A_65, %mul3A_124 : vector<16xf32>
      %mul3A_126 = arith.mulf %mul3A_121, %sub3A_125 : vector<16xf32>
      %mul3A_127 = arith.mulf %broadcast_in_dim3A_67, %max3A : vector<16xf32>
      %mul3A_128 = arith.mulf %mul3A_127, %mul3A_126 : vector<16xf32>
      %mul3A_129 = arith.mulf %mul3A_128, %mul3A_126 : vector<16xf32>
      %sub3A_130 = arith.subf %broadcast_in_dim3A_65, %mul3A_129 : vector<16xf32>
      %mul3A_131 = arith.mulf %mul3A_126, %sub3A_130 : vector<16xf32>
      %mul3A_132 = arith.mulf %broadcast_in_dim3A_67, %max3A : vector<16xf32>
      %mul3A_133 = arith.mulf %mul3A_132, %mul3A_131 : vector<16xf32>
      %mul3A_134 = arith.mulf %mul3A_133, %mul3A_131 : vector<16xf32>
      %sub3A_135 = arith.subf %broadcast_in_dim3A_65, %mul3A_134 : vector<16xf32>
      %mul3A_136 = arith.mulf %mul3A_131, %sub3A_135 : vector<16xf32>
      %mul3A_137 = arith.mulf %broadcast_in_dim3A_67, %max3A : vector<16xf32>
      %mul3A_138 = arith.mulf %mul3A_137, %mul3A_136 : vector<16xf32>
      %mul3A_139 = arith.mulf %mul3A_138, %mul3A_136 : vector<16xf32>
      %sub3A_140 = arith.subf %broadcast_in_dim3A_65, %mul3A_139 : vector<16xf32>
      %mul3A_141 = arith.mulf %mul3A_136, %sub3A_140 : vector<16xf32>
      %mul3A_142 = arith.mulf %broadcast_in_dim3A_67, %max3A : vector<16xf32>
      %mul3A_143 = arith.mulf %mul3A_142, %mul3A_141 : vector<16xf32>
      %mul3A_144 = arith.mulf %mul3A_143, %mul3A_141 : vector<16xf32>
      %sub3A_145 = arith.subf %broadcast_in_dim3A_65, %mul3A_144 : vector<16xf32>
      %mul3A_146 = arith.mulf %mul3A_141, %sub3A_145 : vector<16xf32>
      %mul3A_147 = arith.mulf %broadcast_in_dim3A_67, %max3A : vector<16xf32>
      %mul3A_148 = arith.mulf %mul3A_147, %mul3A_146 : vector<16xf32>
      %mul3A_149 = arith.mulf %mul3A_148, %mul3A_146 : vector<16xf32>
      %sub3A_150 = arith.subf %broadcast_in_dim3A_65, %mul3A_149 : vector<16xf32>
      %mul3A_151 = arith.mulf %mul3A_146, %sub3A_150 : vector<16xf32>
      %mul3A_152 = arith.mulf %broadcast_in_dim3A_67, %max3A : vector<16xf32>
      %mul3A_153 = arith.mulf %mul3A_152, %mul3A_151 : vector<16xf32>
      %mul3A_154 = arith.mulf %mul3A_153, %mul3A_151 : vector<16xf32>
      %sub3A_155 = arith.subf %broadcast_in_dim3A_65, %mul3A_154 : vector<16xf32>
      %mul3A_156 = arith.mulf %mul3A_151, %sub3A_155 : vector<16xf32>
      %mul3A_157 = arith.mulf %broadcast_in_dim3A_67, %max3A : vector<16xf32>
      %mul3A_158 = arith.mulf %mul3A_157, %mul3A_156 : vector<16xf32>
      %mul3A_159 = arith.mulf %mul3A_158, %mul3A_156 : vector<16xf32>
      %sub3A_160 = arith.subf %broadcast_in_dim3A_65, %mul3A_159 : vector<16xf32>
      %mul3A_161 = arith.mulf %mul3A_156, %sub3A_160 : vector<16xf32>
      %mul3A_162 = arith.mulf %broadcast_in_dim3A_67, %max3A : vector<16xf32>
      %mul3A_163 = arith.mulf %mul3A_162, %mul3A_161 : vector<16xf32>
      %mul3A_164 = arith.mulf %mul3A_163, %mul3A_161 : vector<16xf32>
      %sub3A_165 = arith.subf %broadcast_in_dim3A_65, %mul3A_164 : vector<16xf32>
      %mul3A_166 = arith.mulf %mul3A_161, %sub3A_165 : vector<16xf32>
      %mul3A_167 = arith.constant 16 : i32
      %mul3A_168 = arith.muli %mul3A_167, %scan3A_54 : i32
      %swap3A_169 = arith.index_cast %mul3A_168 : i32 to index
      %swap3A_170 = tpu.vector_load %arg7[%swap3A_169] {strides = array<i32>} : memref<640xf32, #tpu.memory_space<vmem>>, vector<16xf32>,
      %swap3A_171 = vector.shape_cast %swap3A_170 : vector<16xf32> to vector<16xf32>
      %swap3A_172 = vector.shape_cast %mul3A_166 : vector<16xf32> to vector<16xf32>
      tpu.vector_store %arg7[%swap3A_169], %swap3A_172 {strides = array<i32>} : memref<640xf32, #tpu.memory_space<vmem>>, vector<16xf32>,
      %scan3A_173 = arith.constant 0 : i32
      scf.yield %scan3A_173 : i32
    }
    %scan3A_51 = arith.constant 40 : i32
    %mul3A_52 = arith.constant 640 : i32
    %mul3A_53 = arith.muli %arg1, %mul3A_52 : i32
    "tpu.region"() ({
      %run_scoped3A = tpu.sem_alloc : memref<!tpu.dma_semaphore, #tpu.memory_space<semaphore_mem>>
      %dma_start3A = tpu.memref_slice %arg3[%arg0, %mul3A_53] : memref<2x10240xf32, #tpu.memory_space<hbm>> -> memref<1x640xf32, #tpu.memory_space<hbm>>
      %dma_start3A_54 = tpu.memref_squeeze %dma_start3A : memref<1x640xf32, #tpu.memory_space<hbm>> -> memref<640xf32, #tpu.memory_space<hbm>>
      %dma_start3A_55 = tpu.memref_slice %arg3[%arg0, %mul3A_53] : memref<2x10240xf32, #tpu.memory_space<hbm>> -> memref<1x640xf32, #tpu.memory_space<hbm>>
      %dma_start3A_56 = tpu.memref_squeeze %dma_start3A_55 : memref<1x640xf32, #tpu.memory_space<hbm>> -> memref<640xf32, #tpu.memory_space<hbm>>
      tpu.enqueue_dma source(%arg7 : memref<640xf32, #tpu.memory_space<vmem>>) target(%dma_start3A_56 : memref<640xf32, #tpu.memory_space<hbm>>) target_semaphore(%run_scoped3A : memref<!tpu.dma_semaphore, #tpu.memory_space<semaphore_mem>>)
      %dma_wait3A = tpu.memref_slice %arg3[%arg0, %mul3A_53] : memref<2x10240xf32, #tpu.memory_space<hbm>> -> memref<1x640xf32, #tpu.memory_space<hbm>>
      %dma_wait3A_57 = tpu.memref_squeeze %dma_wait3A : memref<1x640xf32, #tpu.memory_space<hbm>> -> memref<640xf32, #tpu.memory_space<hbm>>
      %dma_wait3A_58 = tpu.memref_slice %arg3[%arg0, %mul3A_53] : memref<2x10240xf32, #tpu.memory_space<hbm>> -> memref<1x640xf32, #tpu.memory_space<hbm>>
      %dma_wait3A_59 = tpu.memref_squeeze %dma_wait3A_58 : memref<1x640xf32, #tpu.memory_space<hbm>> -> memref<640xf32, #tpu.memory_space<hbm>>
      tpu.wait_dma2 semaphore(%run_scoped3A : memref<!tpu.dma_semaphore, #tpu.memory_space<semaphore_mem>>) src(%arg7 : memref<640xf32, #tpu.memory_space<vmem>>) dst(%dma_wait3A_59 : memref<640xf32, #tpu.memory_space<hbm>>)
      tpu.yield
    }) : () -> ()
    return
  }
}

#map = affine_map<(d0, d1) -> (0, 0)>
#map1 = affine_map<(d0, d1) -> (0, 0, 0)>
module attributes {stable_mosaic.version = 14 : i64} {
  func.func @_agg_body(%arg0: i32, %arg1: i32, %arg2: memref<10000x128xf32, #tpu.memory_space<hbm>>, %arg3: memref<32x320x32xi32, #tpu.memory_space<hbm>>, %arg4: memref<32x320x32xi32, #tpu.memory_space<hbm>>, %arg5: memref<2x10240x128xf32, #tpu.memory_space<hbm>>, %arg6: memref<10240x128xf32, #tpu.memory_space<vmem_shared>>, %arg7: memref<2x8x32xi32, #tpu.memory_space<vmem>>, %arg8: memref<2x8x32xi32, #tpu.memory_space<vmem>>, %arg9: memref<32x128xf32, #tpu.memory_space<vmem>>, %arg10: memref<32x128xf32, #tpu.memory_space<vmem>>, %arg11: memref<32x128xf32, #tpu.memory_space<vmem>>, %arg12: memref<32x128xf32, #tpu.memory_space<vmem>>, %arg13: memref<32x128xf32, #tpu.memory_space<vmem>>, %arg14: memref<32x128xf32, #tpu.memory_space<vmem>>, %arg15: memref<32x128xf32, #tpu.memory_space<vmem>>, %arg16: memref<32x128xf32, #tpu.memory_space<vmem>>, %arg17: memref<!tpu.dma_semaphore, #tpu.memory_space<semaphore_mem>>, %arg18: memref<!tpu.dma_semaphore, #tpu.memory_space<semaphore_mem>>, %arg19: memref<!tpu.dma_semaphore, #tpu.memory_space<semaphore_mem>>, %arg20: memref<!tpu.dma_semaphore, #tpu.memory_space<semaphore_mem>>, %arg21: memref<!tpu.dma_semaphore, #tpu.memory_space<semaphore_mem>>, %arg22: memref<!tpu.dma_semaphore, #tpu.memory_space<semaphore_mem>>, %arg23: memref<!tpu.dma_semaphore, #tpu.memory_space<semaphore_mem>>, %arg24: memref<!tpu.dma_semaphore, #tpu.memory_space<semaphore_mem>>, %arg25: memref<!tpu.dma_semaphore, #tpu.memory_space<semaphore_mem>>, %arg26: memref<!tpu.dma_semaphore, #tpu.memory_space<semaphore_mem>>, %arg27: memref<!tpu.dma_semaphore, #tpu.memory_space<semaphore_mem>>, %arg28: memref<!tpu.dma_semaphore, #tpu.memory_space<semaphore_mem>>, %arg29: memref<!tpu.dma_semaphore, #tpu.memory_space<semaphore_mem>>, %arg30: memref<!tpu.dma_semaphore, #tpu.memory_space<semaphore_mem>>, %arg31: memref<!tpu.dma_semaphore, #tpu.memory_space<semaphore_mem>>, %arg32: memref<!tpu.dma_semaphore, #tpu.memory_space<semaphore_mem>>, %arg33: memref<!tpu.dma_semaphore, #tpu.memory_space<semaphore_mem>>, %arg34: memref<!tpu.dma_semaphore, #tpu.memory_space<semaphore_mem>>) attributes {dimension_semantics = [#tpu.dimension_semantics<core_parallel>, #tpu.dimension_semantics<subcore_parallel>], iteration_bounds = array<i64: 2, 16>, scalar_prefetch = 0 : i64, scratch_operands = 29 : i64, tpu.core_type = #tpu.core_type<sc_vector_subcore>, window_params = [{transform_indices = #map}, {transform_indices = #map1}, {transform_indices = #map1}, {transform_indices = #map1}]} {
    %mul3A = arith.constant 16 : i32
    %mul3A_0 = arith.muli %arg0, %mul3A : i32
    %add3A = arith.addi %mul3A_0, %arg1 : i32
    %scan3A = arith.constant 0 : i32
    %scan3A_1 = arith.constant 0 : i32
    %scan3A_2 = arith.constant 32 : i32
    %scan3A_3 = arith.addi %scan3A_1, %scan3A_2 : i32
    %scan3A_4 = arith.constant 1 : i32
    %scan3A_5 = scf.for %scan3A_555 = %scan3A_1 to %scan3A_3 step %scan3A_4 iter_args(%scan3A_556 = %scan3A) -> (i32)  : i32 {
      %broadcast_in_dim3A = arith.constant 0.000000e+00 : f32
      %broadcast_in_dim3A_557 = vector.broadcast %broadcast_in_dim3A : f32 to vector<16xf32>
      %swap3A = arith.index_cast %scan3A_555 : i32 to index
      %swap3A_558 = arith.constant 0 : index
      %swap3A_559 = tpu.vector_load %arg9[%swap3A, %swap3A_558] {strides = array<i32>} : memref<32x128xf32, #tpu.memory_space<vmem>>, vector<1x16xf32>,
      %swap3A_560 = vector.shape_cast %swap3A_559 : vector<1x16xf32> to vector<16xf32>
      %swap3A_561 = vector.shape_cast %broadcast_in_dim3A_557 : vector<16xf32> to vector<1x16xf32>
      tpu.vector_store %arg9[%swap3A, %swap3A_558], %swap3A_561 {strides = array<i32>} : memref<32x128xf32, #tpu.memory_space<vmem>>, vector<1x16xf32>,
      %broadcast_in_dim3A_562 = arith.constant 0.000000e+00 : f32
      %broadcast_in_dim3A_563 = vector.broadcast %broadcast_in_dim3A_562 : f32 to vector<16xf32>
      %swap3A_564 = arith.index_cast %scan3A_555 : i32 to index
      %swap3A_565 = arith.constant 16 : index
      %swap3A_566 = tpu.vector_load %arg9[%swap3A_564, %swap3A_565] {strides = array<i32>} : memref<32x128xf32, #tpu.memory_space<vmem>>, vector<1x16xf32>,
      %swap3A_567 = vector.shape_cast %swap3A_566 : vector<1x16xf32> to vector<16xf32>
      %swap3A_568 = vector.shape_cast %broadcast_in_dim3A_563 : vector<16xf32> to vector<1x16xf32>
      tpu.vector_store %arg9[%swap3A_564, %swap3A_565], %swap3A_568 {strides = array<i32>} : memref<32x128xf32, #tpu.memory_space<vmem>>, vector<1x16xf32>,
      %broadcast_in_dim3A_569 = arith.constant 0.000000e+00 : f32
      %broadcast_in_dim3A_570 = vector.broadcast %broadcast_in_dim3A_569 : f32 to vector<16xf32>
      %swap3A_571 = arith.index_cast %scan3A_555 : i32 to index
      %swap3A_572 = arith.constant 32 : index
      %swap3A_573 = tpu.vector_load %arg9[%swap3A_571, %swap3A_572] {strides = array<i32>} : memref<32x128xf32, #tpu.memory_space<vmem>>, vector<1x16xf32>,
      %swap3A_574 = vector.shape_cast %swap3A_573 : vector<1x16xf32> to vector<16xf32>
      %swap3A_575 = vector.shape_cast %broadcast_in_dim3A_570 : vector<16xf32> to vector<1x16xf32>
      tpu.vector_store %arg9[%swap3A_571, %swap3A_572], %swap3A_575 {strides = array<i32>} : memref<32x128xf32, #tpu.memory_space<vmem>>, vector<1x16xf32>,
      %broadcast_in_dim3A_576 = arith.constant 0.000000e+00 : f32
      %broadcast_in_dim3A_577 = vector.broadcast %broadcast_in_dim3A_576 : f32 to vector<16xf32>
      %swap3A_578 = arith.index_cast %scan3A_555 : i32 to index
      %swap3A_579 = arith.constant 48 : index
      %swap3A_580 = tpu.vector_load %arg9[%swap3A_578, %swap3A_579] {strides = array<i32>} : memref<32x128xf32, #tpu.memory_space<vmem>>, vector<1x16xf32>,
      %swap3A_581 = vector.shape_cast %swap3A_580 : vector<1x16xf32> to vector<16xf32>
      %swap3A_582 = vector.shape_cast %broadcast_in_dim3A_577 : vector<16xf32> to vector<1x16xf32>
      tpu.vector_store %arg9[%swap3A_578, %swap3A_579], %swap3A_582 {strides = array<i32>} : memref<32x128xf32, #tpu.memory_space<vmem>>, vector<1x16xf32>,
      %broadcast_in_dim3A_583 = arith.constant 0.000000e+00 : f32
      %broadcast_in_dim3A_584 = vector.broadcast %broadcast_in_dim3A_583 : f32 to vector<16xf32>
      %swap3A_585 = arith.index_cast %scan3A_555 : i32 to index
      %swap3A_586 = arith.constant 64 : index
      %swap3A_587 = tpu.vector_load %arg9[%swap3A_585, %swap3A_586] {strides = array<i32>} : memref<32x128xf32, #tpu.memory_space<vmem>>, vector<1x16xf32>,
      %swap3A_588 = vector.shape_cast %swap3A_587 : vector<1x16xf32> to vector<16xf32>
      %swap3A_589 = vector.shape_cast %broadcast_in_dim3A_584 : vector<16xf32> to vector<1x16xf32>
      tpu.vector_store %arg9[%swap3A_585, %swap3A_586], %swap3A_589 {strides = array<i32>} : memref<32x128xf32, #tpu.memory_space<vmem>>, vector<1x16xf32>,
      %broadcast_in_dim3A_590 = arith.constant 0.000000e+00 : f32
      %broadcast_in_dim3A_591 = vector.broadcast %broadcast_in_dim3A_590 : f32 to vector<16xf32>
      %swap3A_592 = arith.index_cast %scan3A_555 : i32 to index
      %swap3A_593 = arith.constant 80 : index
      %swap3A_594 = tpu.vector_load %arg9[%swap3A_592, %swap3A_593] {strides = array<i32>} : memref<32x128xf32, #tpu.memory_space<vmem>>, vector<1x16xf32>,
      %swap3A_595 = vector.shape_cast %swap3A_594 : vector<1x16xf32> to vector<16xf32>
      %swap3A_596 = vector.shape_cast %broadcast_in_dim3A_591 : vector<16xf32> to vector<1x16xf32>
      tpu.vector_store %arg9[%swap3A_592, %swap3A_593], %swap3A_596 {strides = array<i32>} : memref<32x128xf32, #tpu.memory_space<vmem>>, vector<1x16xf32>,
      %broadcast_in_dim3A_597 = arith.constant 0.000000e+00 : f32
      %broadcast_in_dim3A_598 = vector.broadcast %broadcast_in_dim3A_597 : f32 to vector<16xf32>
      %swap3A_599 = arith.index_cast %scan3A_555 : i32 to index
      %swap3A_600 = arith.constant 96 : index
      %swap3A_601 = tpu.vector_load %arg9[%swap3A_599, %swap3A_600] {strides = array<i32>} : memref<32x128xf32, #tpu.memory_space<vmem>>, vector<1x16xf32>,
      %swap3A_602 = vector.shape_cast %swap3A_601 : vector<1x16xf32> to vector<16xf32>
      %swap3A_603 = vector.shape_cast %broadcast_in_dim3A_598 : vector<16xf32> to vector<1x16xf32>
      tpu.vector_store %arg9[%swap3A_599, %swap3A_600], %swap3A_603 {strides = array<i32>} : memref<32x128xf32, #tpu.memory_space<vmem>>, vector<1x16xf32>,
      %broadcast_in_dim3A_604 = arith.constant 0.000000e+00 : f32
      %broadcast_in_dim3A_605 = vector.broadcast %broadcast_in_dim3A_604 : f32 to vector<16xf32>
      %swap3A_606 = arith.index_cast %scan3A_555 : i32 to index
      %swap3A_607 = arith.constant 112 : index
      %swap3A_608 = tpu.vector_load %arg9[%swap3A_606, %swap3A_607] {strides = array<i32>} : memref<32x128xf32, #tpu.memory_space<vmem>>, vector<1x16xf32>,
      %swap3A_609 = vector.shape_cast %swap3A_608 : vector<1x16xf32> to vector<16xf32>
      %swap3A_610 = vector.shape_cast %broadcast_in_dim3A_605 : vector<16xf32> to vector<1x16xf32>
      tpu.vector_store %arg9[%swap3A_606, %swap3A_607], %swap3A_610 {strides = array<i32>} : memref<32x128xf32, #tpu.memory_space<vmem>>, vector<1x16xf32>,
      %scan3A_611 = arith.constant 0 : i32
      scf.yield %scan3A_611 : i32
    }
    %scan3A_6 = arith.constant 32 : i32
    %dma_start3A = arith.constant 0 : i32
    %dma_start3A_7 = arith.constant 0 : i32
    %dma_start3A_8 = arith.constant 0 : i32
    %dma_start3A_9 = tpu.memref_slice %arg7[%dma_start3A, %dma_start3A_7, %dma_start3A_8] : memref<2x8x32xi32, #tpu.memory_space<vmem>> -> memref<1x8x32xi32, #tpu.memory_space<vmem>>
    %dma_start3A_10 = tpu.memref_squeeze %dma_start3A_9 : memref<1x8x32xi32, #tpu.memory_space<vmem>> -> memref<8x32xi32, #tpu.memory_space<vmem>>
    %dma_start3A_11 = arith.constant 0 : i32
    %dma_start3A_12 = arith.constant 0 : i32
    %dma_start3A_13 = tpu.memref_slice %arg3[%add3A, %dma_start3A_11, %dma_start3A_12] : memref<32x320x32xi32, #tpu.memory_space<hbm>> -> memref<1x8x32xi32, #tpu.memory_space<hbm>>
    %dma_start3A_14 = tpu.memref_squeeze %dma_start3A_13 : memref<1x8x32xi32, #tpu.memory_space<hbm>> -> memref<8x32xi32, #tpu.memory_space<hbm>>
    %dma_start3A_15 = arith.constant 0 : i32
    %dma_start3A_16 = arith.constant 0 : i32
    %dma_start3A_17 = tpu.memref_slice %arg7[%dma_start3A, %dma_start3A_15, %dma_start3A_16] : memref<2x8x32xi32, #tpu.memory_space<vmem>> -> memref<1x8x32xi32, #tpu.memory_space<vmem>>
    %dma_start3A_18 = tpu.memref_squeeze %dma_start3A_17 : memref<1x8x32xi32, #tpu.memory_space<vmem>> -> memref<8x32xi32, #tpu.memory_space<vmem>>
    %dma_start3A_19 = arith.constant 0 : i32
    %dma_start3A_20 = arith.constant 0 : i32
    %dma_start3A_21 = tpu.memref_slice %arg3[%add3A, %dma_start3A_19, %dma_start3A_20] : memref<32x320x32xi32, #tpu.memory_space<hbm>> -> memref<1x8x32xi32, #tpu.memory_space<hbm>>
    %dma_start3A_22 = tpu.memref_squeeze %dma_start3A_21 : memref<1x8x32xi32, #tpu.memory_space<hbm>> -> memref<8x32xi32, #tpu.memory_space<hbm>>
    tpu.enqueue_dma source(%dma_start3A_22 : memref<8x32xi32, #tpu.memory_space<hbm>>) target(%dma_start3A_18 : memref<8x32xi32, #tpu.memory_space<vmem>>) target_semaphore(%arg33 : memref<!tpu.dma_semaphore, #tpu.memory_space<semaphore_mem>>)
    %dma_start3A_23 = arith.constant 0 : i32
    %dma_start3A_24 = arith.constant 0 : i32
    %dma_start3A_25 = arith.constant 0 : i32
    %dma_start3A_26 = tpu.memref_slice %arg8[%dma_start3A_23, %dma_start3A_24, %dma_start3A_25] : memref<2x8x32xi32, #tpu.memory_space<vmem>> -> memref<1x8x32xi32, #tpu.memory_space<vmem>>
    %dma_start3A_27 = tpu.memref_squeeze %dma_start3A_26 : memref<1x8x32xi32, #tpu.memory_space<vmem>> -> memref<8x32xi32, #tpu.memory_space<vmem>>
    %dma_start3A_28 = arith.constant 0 : i32
    %dma_start3A_29 = arith.constant 0 : i32
    %dma_start3A_30 = tpu.memref_slice %arg4[%add3A, %dma_start3A_28, %dma_start3A_29] : memref<32x320x32xi32, #tpu.memory_space<hbm>> -> memref<1x8x32xi32, #tpu.memory_space<hbm>>
    %dma_start3A_31 = tpu.memref_squeeze %dma_start3A_30 : memref<1x8x32xi32, #tpu.memory_space<hbm>> -> memref<8x32xi32, #tpu.memory_space<hbm>>
    %dma_start3A_32 = arith.constant 0 : i32
    %dma_start3A_33 = arith.constant 0 : i32
    %dma_start3A_34 = tpu.memref_slice %arg8[%dma_start3A_23, %dma_start3A_32, %dma_start3A_33] : memref<2x8x32xi32, #tpu.memory_space<vmem>> -> memref<1x8x32xi32, #tpu.memory_space<vmem>>
    %dma_start3A_35 = tpu.memref_squeeze %dma_start3A_34 : memref<1x8x32xi32, #tpu.memory_space<vmem>> -> memref<8x32xi32, #tpu.memory_space<vmem>>
    %dma_start3A_36 = arith.constant 0 : i32
    %dma_start3A_37 = arith.constant 0 : i32
    %dma_start3A_38 = tpu.memref_slice %arg4[%add3A, %dma_start3A_36, %dma_start3A_37] : memref<32x320x32xi32, #tpu.memory_space<hbm>> -> memref<1x8x32xi32, #tpu.memory_space<hbm>>
    %dma_start3A_39 = tpu.memref_squeeze %dma_start3A_38 : memref<1x8x32xi32, #tpu.memory_space<hbm>> -> memref<8x32xi32, #tpu.memory_space<hbm>>
    tpu.enqueue_dma source(%dma_start3A_39 : memref<8x32xi32, #tpu.memory_space<hbm>>) target(%dma_start3A_35 : memref<8x32xi32, #tpu.memory_space<vmem>>) target_semaphore(%arg34 : memref<!tpu.dma_semaphore, #tpu.memory_space<semaphore_mem>>)
    %mul3A_40 = arith.constant 640 : i32
    %mul3A_41 = arith.muli %arg1, %mul3A_40 : i32
    %add3A_42 = arith.constant 0 : i32
    %add3A_43 = arith.addi %mul3A_41, %add3A_42 : i32
    %dma_start3A_44 = arith.constant 0 : i32
    %dma_start3A_45 = tpu.memref_slice %arg6[%add3A_43, %dma_start3A_44] : memref<10240x128xf32, #tpu.memory_space<vmem_shared>> -> memref<32x128xf32, #tpu.memory_space<vmem_shared>>
    %dma_start3A_46 = arith.constant 0 : i32
    %dma_start3A_47 = tpu.memref_slice %arg6[%add3A_43, %dma_start3A_46] : memref<10240x128xf32, #tpu.memory_space<vmem_shared>> -> memref<32x128xf32, #tpu.memory_space<vmem_shared>>
    tpu.enqueue_dma source(%arg9 : memref<32x128xf32, #tpu.memory_space<vmem>>) target(%dma_start3A_47 : memref<32x128xf32, #tpu.memory_space<vmem_shared>>) target_semaphore(%arg17 : memref<!tpu.dma_semaphore, #tpu.memory_space<semaphore_mem>>)
    %mul3A_48 = arith.constant 640 : i32
    %mul3A_49 = arith.muli %arg1, %mul3A_48 : i32
    %add3A_50 = arith.constant 32 : i32
    %add3A_51 = arith.addi %mul3A_49, %add3A_50 : i32
    %dma_start3A_52 = arith.constant 0 : i32
    %dma_start3A_53 = tpu.memref_slice %arg6[%add3A_51, %dma_start3A_52] : memref<10240x128xf32, #tpu.memory_space<vmem_shared>> -> memref<32x128xf32, #tpu.memory_space<vmem_shared>>
    %dma_start3A_54 = arith.constant 0 : i32
    %dma_start3A_55 = tpu.memref_slice %arg6[%add3A_51, %dma_start3A_54] : memref<10240x128xf32, #tpu.memory_space<vmem_shared>> -> memref<32x128xf32, #tpu.memory_space<vmem_shared>>
    tpu.enqueue_dma source(%arg9 : memref<32x128xf32, #tpu.memory_space<vmem>>) target(%dma_start3A_55 : memref<32x128xf32, #tpu.memory_space<vmem_shared>>) target_semaphore(%arg17 : memref<!tpu.dma_semaphore, #tpu.memory_space<semaphore_mem>>)
    %mul3A_56 = arith.constant 640 : i32
    %mul3A_57 = arith.muli %arg1, %mul3A_56 : i32
    %add3A_58 = arith.constant 64 : i32
    %add3A_59 = arith.addi %mul3A_57, %add3A_58 : i32
    %dma_start3A_60 = arith.constant 0 : i32
    %dma_start3A_61 = tpu.memref_slice %arg6[%add3A_59, %dma_start3A_60] : memref<10240x128xf32, #tpu.memory_space<vmem_shared>> -> memref<32x128xf32, #tpu.memory_space<vmem_shared>>
    %dma_start3A_62 = arith.constant 0 : i32
    %dma_start3A_63 = tpu.memref_slice %arg6[%add3A_59, %dma_start3A_62] : memref<10240x128xf32, #tpu.memory_space<vmem_shared>> -> memref<32x128xf32, #tpu.memory_space<vmem_shared>>
    tpu.enqueue_dma source(%arg9 : memref<32x128xf32, #tpu.memory_space<vmem>>) target(%dma_start3A_63 : memref<32x128xf32, #tpu.memory_space<vmem_shared>>) target_semaphore(%arg17 : memref<!tpu.dma_semaphore, #tpu.memory_space<semaphore_mem>>)
    %mul3A_64 = arith.constant 640 : i32
    %mul3A_65 = arith.muli %arg1, %mul3A_64 : i32
    %add3A_66 = arith.constant 96 : i32
    %add3A_67 = arith.addi %mul3A_65, %add3A_66 : i32
    %dma_start3A_68 = arith.constant 0 : i32
    %dma_start3A_69 = tpu.memref_slice %arg6[%add3A_67, %dma_start3A_68] : memref<10240x128xf32, #tpu.memory_space<vmem_shared>> -> memref<32x128xf32, #tpu.memory_space<vmem_shared>>
    %dma_start3A_70 = arith.constant 0 : i32
    %dma_start3A_71 = tpu.memref_slice %arg6[%add3A_67, %dma_start3A_70] : memref<10240x128xf32, #tpu.memory_space<vmem_shared>> -> memref<32x128xf32, #tpu.memory_space<vmem_shared>>
    tpu.enqueue_dma source(%arg9 : memref<32x128xf32, #tpu.memory_space<vmem>>) target(%dma_start3A_71 : memref<32x128xf32, #tpu.memory_space<vmem_shared>>) target_semaphore(%arg17 : memref<!tpu.dma_semaphore, #tpu.memory_space<semaphore_mem>>)
    %mul3A_72 = arith.constant 640 : i32
    %mul3A_73 = arith.muli %arg1, %mul3A_72 : i32
    %add3A_74 = arith.constant 128 : i32
    %add3A_75 = arith.addi %mul3A_73, %add3A_74 : i32
    %dma_start3A_76 = arith.constant 0 : i32
    %dma_start3A_77 = tpu.memref_slice %arg6[%add3A_75, %dma_start3A_76] : memref<10240x128xf32, #tpu.memory_space<vmem_shared>> -> memref<32x128xf32, #tpu.memory_space<vmem_shared>>
    %dma_start3A_78 = arith.constant 0 : i32
    %dma_start3A_79 = tpu.memref_slice %arg6[%add3A_75, %dma_start3A_78] : memref<10240x128xf32, #tpu.memory_space<vmem_shared>> -> memref<32x128xf32, #tpu.memory_space<vmem_shared>>
    tpu.enqueue_dma source(%arg9 : memref<32x128xf32, #tpu.memory_space<vmem>>) target(%dma_start3A_79 : memref<32x128xf32, #tpu.memory_space<vmem_shared>>) target_semaphore(%arg17 : memref<!tpu.dma_semaphore, #tpu.memory_space<semaphore_mem>>)
    %mul3A_80 = arith.constant 640 : i32
    %mul3A_81 = arith.muli %arg1, %mul3A_80 : i32
    %add3A_82 = arith.constant 160 : i32
    %add3A_83 = arith.addi %mul3A_81, %add3A_82 : i32
    %dma_start3A_84 = arith.constant 0 : i32
    %dma_start3A_85 = tpu.memref_slice %arg6[%add3A_83, %dma_start3A_84] : memref<10240x128xf32, #tpu.memory_space<vmem_shared>> -> memref<32x128xf32, #tpu.memory_space<vmem_shared>>
    %dma_start3A_86 = arith.constant 0 : i32
    %dma_start3A_87 = tpu.memref_slice %arg6[%add3A_83, %dma_start3A_86] : memref<10240x128xf32, #tpu.memory_space<vmem_shared>> -> memref<32x128xf32, #tpu.memory_space<vmem_shared>>
    tpu.enqueue_dma source(%arg9 : memref<32x128xf32, #tpu.memory_space<vmem>>) target(%dma_start3A_87 : memref<32x128xf32, #tpu.memory_space<vmem_shared>>) target_semaphore(%arg17 : memref<!tpu.dma_semaphore, #tpu.memory_space<semaphore_mem>>)
    %mul3A_88 = arith.constant 640 : i32
    %mul3A_89 = arith.muli %arg1, %mul3A_88 : i32
    %add3A_90 = arith.constant 192 : i32
    %add3A_91 = arith.addi %mul3A_89, %add3A_90 : i32
    %dma_start3A_92 = arith.constant 0 : i32
    %dma_start3A_93 = tpu.memref_slice %arg6[%add3A_91, %dma_start3A_92] : memref<10240x128xf32, #tpu.memory_space<vmem_shared>> -> memref<32x128xf32, #tpu.memory_space<vmem_shared>>
    %dma_start3A_94 = arith.constant 0 : i32
    %dma_start3A_95 = tpu.memref_slice %arg6[%add3A_91, %dma_start3A_94] : memref<10240x128xf32, #tpu.memory_space<vmem_shared>> -> memref<32x128xf32, #tpu.memory_space<vmem_shared>>
    tpu.enqueue_dma source(%arg9 : memref<32x128xf32, #tpu.memory_space<vmem>>) target(%dma_start3A_95 : memref<32x128xf32, #tpu.memory_space<vmem_shared>>) target_semaphore(%arg17 : memref<!tpu.dma_semaphore, #tpu.memory_space<semaphore_mem>>)
    %mul3A_96 = arith.constant 640 : i32
    %mul3A_97 = arith.muli %arg1, %mul3A_96 : i32
    %add3A_98 = arith.constant 224 : i32
    %add3A_99 = arith.addi %mul3A_97, %add3A_98 : i32
    %dma_start3A_100 = arith.constant 0 : i32
    %dma_start3A_101 = tpu.memref_slice %arg6[%add3A_99, %dma_start3A_100] : memref<10240x128xf32, #tpu.memory_space<vmem_shared>> -> memref<32x128xf32, #tpu.memory_space<vmem_shared>>
    %dma_start3A_102 = arith.constant 0 : i32
    %dma_start3A_103 = tpu.memref_slice %arg6[%add3A_99, %dma_start3A_102] : memref<10240x128xf32, #tpu.memory_space<vmem_shared>> -> memref<32x128xf32, #tpu.memory_space<vmem_shared>>
    tpu.enqueue_dma source(%arg9 : memref<32x128xf32, #tpu.memory_space<vmem>>) target(%dma_start3A_103 : memref<32x128xf32, #tpu.memory_space<vmem_shared>>) target_semaphore(%arg17 : memref<!tpu.dma_semaphore, #tpu.memory_space<semaphore_mem>>)
    %mul3A_104 = arith.constant 640 : i32
    %mul3A_105 = arith.muli %arg1, %mul3A_104 : i32
    %add3A_106 = arith.constant 256 : i32
    %add3A_107 = arith.addi %mul3A_105, %add3A_106 : i32
    %dma_start3A_108 = arith.constant 0 : i32
    %dma_start3A_109 = tpu.memref_slice %arg6[%add3A_107, %dma_start3A_108] : memref<10240x128xf32, #tpu.memory_space<vmem_shared>> -> memref<32x128xf32, #tpu.memory_space<vmem_shared>>
    %dma_start3A_110 = arith.constant 0 : i32
    %dma_start3A_111 = tpu.memref_slice %arg6[%add3A_107, %dma_start3A_110] : memref<10240x128xf32, #tpu.memory_space<vmem_shared>> -> memref<32x128xf32, #tpu.memory_space<vmem_shared>>
    tpu.enqueue_dma source(%arg9 : memref<32x128xf32, #tpu.memory_space<vmem>>) target(%dma_start3A_111 : memref<32x128xf32, #tpu.memory_space<vmem_shared>>) target_semaphore(%arg17 : memref<!tpu.dma_semaphore, #tpu.memory_space<semaphore_mem>>)
    %mul3A_112 = arith.constant 640 : i32
    %mul3A_113 = arith.muli %arg1, %mul3A_112 : i32
    %add3A_114 = arith.constant 288 : i32
    %add3A_115 = arith.addi %mul3A_113, %add3A_114 : i32
    %dma_start3A_116 = arith.constant 0 : i32
    %dma_start3A_117 = tpu.memref_slice %arg6[%add3A_115, %dma_start3A_116] : memref<10240x128xf32, #tpu.memory_space<vmem_shared>> -> memref<32x128xf32, #tpu.memory_space<vmem_shared>>
    %dma_start3A_118 = arith.constant 0 : i32
    %dma_start3A_119 = tpu.memref_slice %arg6[%add3A_115, %dma_start3A_118] : memref<10240x128xf32, #tpu.memory_space<vmem_shared>> -> memref<32x128xf32, #tpu.memory_space<vmem_shared>>
    tpu.enqueue_dma source(%arg9 : memref<32x128xf32, #tpu.memory_space<vmem>>) target(%dma_start3A_119 : memref<32x128xf32, #tpu.memory_space<vmem_shared>>) target_semaphore(%arg17 : memref<!tpu.dma_semaphore, #tpu.memory_space<semaphore_mem>>)
    %mul3A_120 = arith.constant 640 : i32
    %mul3A_121 = arith.muli %arg1, %mul3A_120 : i32
    %add3A_122 = arith.constant 320 : i32
    %add3A_123 = arith.addi %mul3A_121, %add3A_122 : i32
    %dma_start3A_124 = arith.constant 0 : i32
    %dma_start3A_125 = tpu.memref_slice %arg6[%add3A_123, %dma_start3A_124] : memref<10240x128xf32, #tpu.memory_space<vmem_shared>> -> memref<32x128xf32, #tpu.memory_space<vmem_shared>>
    %dma_start3A_126 = arith.constant 0 : i32
    %dma_start3A_127 = tpu.memref_slice %arg6[%add3A_123, %dma_start3A_126] : memref<10240x128xf32, #tpu.memory_space<vmem_shared>> -> memref<32x128xf32, #tpu.memory_space<vmem_shared>>
    tpu.enqueue_dma source(%arg9 : memref<32x128xf32, #tpu.memory_space<vmem>>) target(%dma_start3A_127 : memref<32x128xf32, #tpu.memory_space<vmem_shared>>) target_semaphore(%arg17 : memref<!tpu.dma_semaphore, #tpu.memory_space<semaphore_mem>>)
    %mul3A_128 = arith.constant 640 : i32
    %mul3A_129 = arith.muli %arg1, %mul3A_128 : i32
    %add3A_130 = arith.constant 352 : i32
    %add3A_131 = arith.addi %mul3A_129, %add3A_130 : i32
    %dma_start3A_132 = arith.constant 0 : i32
    %dma_start3A_133 = tpu.memref_slice %arg6[%add3A_131, %dma_start3A_132] : memref<10240x128xf32, #tpu.memory_space<vmem_shared>> -> memref<32x128xf32, #tpu.memory_space<vmem_shared>>
    %dma_start3A_134 = arith.constant 0 : i32
    %dma_start3A_135 = tpu.memref_slice %arg6[%add3A_131, %dma_start3A_134] : memref<10240x128xf32, #tpu.memory_space<vmem_shared>> -> memref<32x128xf32, #tpu.memory_space<vmem_shared>>
    tpu.enqueue_dma source(%arg9 : memref<32x128xf32, #tpu.memory_space<vmem>>) target(%dma_start3A_135 : memref<32x128xf32, #tpu.memory_space<vmem_shared>>) target_semaphore(%arg17 : memref<!tpu.dma_semaphore, #tpu.memory_space<semaphore_mem>>)
    %mul3A_136 = arith.constant 640 : i32
    %mul3A_137 = arith.muli %arg1, %mul3A_136 : i32
    %add3A_138 = arith.constant 384 : i32
    %add3A_139 = arith.addi %mul3A_137, %add3A_138 : i32
    %dma_start3A_140 = arith.constant 0 : i32
    %dma_start3A_141 = tpu.memref_slice %arg6[%add3A_139, %dma_start3A_140] : memref<10240x128xf32, #tpu.memory_space<vmem_shared>> -> memref<32x128xf32, #tpu.memory_space<vmem_shared>>
    %dma_start3A_142 = arith.constant 0 : i32
    %dma_start3A_143 = tpu.memref_slice %arg6[%add3A_139, %dma_start3A_142] : memref<10240x128xf32, #tpu.memory_space<vmem_shared>> -> memref<32x128xf32, #tpu.memory_space<vmem_shared>>
    tpu.enqueue_dma source(%arg9 : memref<32x128xf32, #tpu.memory_space<vmem>>) target(%dma_start3A_143 : memref<32x128xf32, #tpu.memory_space<vmem_shared>>) target_semaphore(%arg17 : memref<!tpu.dma_semaphore, #tpu.memory_space<semaphore_mem>>)
    %mul3A_144 = arith.constant 640 : i32
    %mul3A_145 = arith.muli %arg1, %mul3A_144 : i32
    %add3A_146 = arith.constant 416 : i32
    %add3A_147 = arith.addi %mul3A_145, %add3A_146 : i32
    %dma_start3A_148 = arith.constant 0 : i32
    %dma_start3A_149 = tpu.memref_slice %arg6[%add3A_147, %dma_start3A_148] : memref<10240x128xf32, #tpu.memory_space<vmem_shared>> -> memref<32x128xf32, #tpu.memory_space<vmem_shared>>
    %dma_start3A_150 = arith.constant 0 : i32
    %dma_start3A_151 = tpu.memref_slice %arg6[%add3A_147, %dma_start3A_150] : memref<10240x128xf32, #tpu.memory_space<vmem_shared>> -> memref<32x128xf32, #tpu.memory_space<vmem_shared>>
    tpu.enqueue_dma source(%arg9 : memref<32x128xf32, #tpu.memory_space<vmem>>) target(%dma_start3A_151 : memref<32x128xf32, #tpu.memory_space<vmem_shared>>) target_semaphore(%arg17 : memref<!tpu.dma_semaphore, #tpu.memory_space<semaphore_mem>>)
    %mul3A_152 = arith.constant 640 : i32
    %mul3A_153 = arith.muli %arg1, %mul3A_152 : i32
    %add3A_154 = arith.constant 448 : i32
    %add3A_155 = arith.addi %mul3A_153, %add3A_154 : i32
    %dma_start3A_156 = arith.constant 0 : i32
    %dma_start3A_157 = tpu.memref_slice %arg6[%add3A_155, %dma_start3A_156] : memref<10240x128xf32, #tpu.memory_space<vmem_shared>> -> memref<32x128xf32, #tpu.memory_space<vmem_shared>>
    %dma_start3A_158 = arith.constant 0 : i32
    %dma_start3A_159 = tpu.memref_slice %arg6[%add3A_155, %dma_start3A_158] : memref<10240x128xf32, #tpu.memory_space<vmem_shared>> -> memref<32x128xf32, #tpu.memory_space<vmem_shared>>
    tpu.enqueue_dma source(%arg9 : memref<32x128xf32, #tpu.memory_space<vmem>>) target(%dma_start3A_159 : memref<32x128xf32, #tpu.memory_space<vmem_shared>>) target_semaphore(%arg17 : memref<!tpu.dma_semaphore, #tpu.memory_space<semaphore_mem>>)
    %mul3A_160 = arith.constant 640 : i32
    %mul3A_161 = arith.muli %arg1, %mul3A_160 : i32
    %add3A_162 = arith.constant 480 : i32
    %add3A_163 = arith.addi %mul3A_161, %add3A_162 : i32
    %dma_start3A_164 = arith.constant 0 : i32
    %dma_start3A_165 = tpu.memref_slice %arg6[%add3A_163, %dma_start3A_164] : memref<10240x128xf32, #tpu.memory_space<vmem_shared>> -> memref<32x128xf32, #tpu.memory_space<vmem_shared>>
    %dma_start3A_166 = arith.constant 0 : i32
    %dma_start3A_167 = tpu.memref_slice %arg6[%add3A_163, %dma_start3A_166] : memref<10240x128xf32, #tpu.memory_space<vmem_shared>> -> memref<32x128xf32, #tpu.memory_space<vmem_shared>>
    tpu.enqueue_dma source(%arg9 : memref<32x128xf32, #tpu.memory_space<vmem>>) target(%dma_start3A_167 : memref<32x128xf32, #tpu.memory_space<vmem_shared>>) target_semaphore(%arg17 : memref<!tpu.dma_semaphore, #tpu.memory_space<semaphore_mem>>)
    %mul3A_168 = arith.constant 640 : i32
    %mul3A_169 = arith.muli %arg1, %mul3A_168 : i32
    %add3A_170 = arith.constant 512 : i32
    %add3A_171 = arith.addi %mul3A_169, %add3A_170 : i32
    %dma_start3A_172 = arith.constant 0 : i32
    %dma_start3A_173 = tpu.memref_slice %arg6[%add3A_171, %dma_start3A_172] : memref<10240x128xf32, #tpu.memory_space<vmem_shared>> -> memref<32x128xf32, #tpu.memory_space<vmem_shared>>
    %dma_start3A_174 = arith.constant 0 : i32
    %dma_start3A_175 = tpu.memref_slice %arg6[%add3A_171, %dma_start3A_174] : memref<10240x128xf32, #tpu.memory_space<vmem_shared>> -> memref<32x128xf32, #tpu.memory_space<vmem_shared>>
    tpu.enqueue_dma source(%arg9 : memref<32x128xf32, #tpu.memory_space<vmem>>) target(%dma_start3A_175 : memref<32x128xf32, #tpu.memory_space<vmem_shared>>) target_semaphore(%arg17 : memref<!tpu.dma_semaphore, #tpu.memory_space<semaphore_mem>>)
    %mul3A_176 = arith.constant 640 : i32
    %mul3A_177 = arith.muli %arg1, %mul3A_176 : i32
    %add3A_178 = arith.constant 544 : i32
    %add3A_179 = arith.addi %mul3A_177, %add3A_178 : i32
    %dma_start3A_180 = arith.constant 0 : i32
    %dma_start3A_181 = tpu.memref_slice %arg6[%add3A_179, %dma_start3A_180] : memref<10240x128xf32, #tpu.memory_space<vmem_shared>> -> memref<32x128xf32, #tpu.memory_space<vmem_shared>>
    %dma_start3A_182 = arith.constant 0 : i32
    %dma_start3A_183 = tpu.memref_slice %arg6[%add3A_179, %dma_start3A_182] : memref<10240x128xf32, #tpu.memory_space<vmem_shared>> -> memref<32x128xf32, #tpu.memory_space<vmem_shared>>
    tpu.enqueue_dma source(%arg9 : memref<32x128xf32, #tpu.memory_space<vmem>>) target(%dma_start3A_183 : memref<32x128xf32, #tpu.memory_space<vmem_shared>>) target_semaphore(%arg17 : memref<!tpu.dma_semaphore, #tpu.memory_space<semaphore_mem>>)
    %mul3A_184 = arith.constant 640 : i32
    %mul3A_185 = arith.muli %arg1, %mul3A_184 : i32
    %add3A_186 = arith.constant 576 : i32
    %add3A_187 = arith.addi %mul3A_185, %add3A_186 : i32
    %dma_start3A_188 = arith.constant 0 : i32
    %dma_start3A_189 = tpu.memref_slice %arg6[%add3A_187, %dma_start3A_188] : memref<10240x128xf32, #tpu.memory_space<vmem_shared>> -> memref<32x128xf32, #tpu.memory_space<vmem_shared>>
    %dma_start3A_190 = arith.constant 0 : i32
    %dma_start3A_191 = tpu.memref_slice %arg6[%add3A_187, %dma_start3A_190] : memref<10240x128xf32, #tpu.memory_space<vmem_shared>> -> memref<32x128xf32, #tpu.memory_space<vmem_shared>>
    tpu.enqueue_dma source(%arg9 : memref<32x128xf32, #tpu.memory_space<vmem>>) target(%dma_start3A_191 : memref<32x128xf32, #tpu.memory_space<vmem_shared>>) target_semaphore(%arg17 : memref<!tpu.dma_semaphore, #tpu.memory_space<semaphore_mem>>)
    %mul3A_192 = arith.constant 640 : i32
    %mul3A_193 = arith.muli %arg1, %mul3A_192 : i32
    %add3A_194 = arith.constant 608 : i32
    %add3A_195 = arith.addi %mul3A_193, %add3A_194 : i32
    %dma_start3A_196 = arith.constant 0 : i32
    %dma_start3A_197 = tpu.memref_slice %arg6[%add3A_195, %dma_start3A_196] : memref<10240x128xf32, #tpu.memory_space<vmem_shared>> -> memref<32x128xf32, #tpu.memory_space<vmem_shared>>
    %dma_start3A_198 = arith.constant 0 : i32
    %dma_start3A_199 = tpu.memref_slice %arg6[%add3A_195, %dma_start3A_198] : memref<10240x128xf32, #tpu.memory_space<vmem_shared>> -> memref<32x128xf32, #tpu.memory_space<vmem_shared>>
    tpu.enqueue_dma source(%arg9 : memref<32x128xf32, #tpu.memory_space<vmem>>) target(%dma_start3A_199 : memref<32x128xf32, #tpu.memory_space<vmem_shared>>) target_semaphore(%arg17 : memref<!tpu.dma_semaphore, #tpu.memory_space<semaphore_mem>>)
    %mul3A_200 = arith.constant 640 : i32
    %mul3A_201 = arith.muli %arg1, %mul3A_200 : i32
    %add3A_202 = arith.constant 0 : i32
    %add3A_203 = arith.addi %mul3A_201, %add3A_202 : i32
    %dma_wait3A = arith.constant 0 : i32
    %dma_wait3A_204 = tpu.memref_slice %arg6[%add3A_203, %dma_wait3A] : memref<10240x128xf32, #tpu.memory_space<vmem_shared>> -> memref<32x128xf32, #tpu.memory_space<vmem_shared>>
    %dma_wait3A_205 = arith.constant 0 : i32
    %dma_wait3A_206 = tpu.memref_slice %arg6[%add3A_203, %dma_wait3A_205] : memref<10240x128xf32, #tpu.memory_space<vmem_shared>> -> memref<32x128xf32, #tpu.memory_space<vmem_shared>>
    tpu.wait_dma2 semaphore(%arg17 : memref<!tpu.dma_semaphore, #tpu.memory_space<semaphore_mem>>) src(%arg9 : memref<32x128xf32, #tpu.memory_space<vmem>>) dst(%dma_wait3A_206 : memref<32x128xf32, #tpu.memory_space<vmem_shared>>)
    %mul3A_207 = arith.constant 640 : i32
    %mul3A_208 = arith.muli %arg1, %mul3A_207 : i32
    %add3A_209 = arith.constant 32 : i32
    %add3A_210 = arith.addi %mul3A_208, %add3A_209 : i32
    %dma_wait3A_211 = arith.constant 0 : i32
    %dma_wait3A_212 = tpu.memref_slice %arg6[%add3A_210, %dma_wait3A_211] : memref<10240x128xf32, #tpu.memory_space<vmem_shared>> -> memref<32x128xf32, #tpu.memory_space<vmem_shared>>
    %dma_wait3A_213 = arith.constant 0 : i32
    %dma_wait3A_214 = tpu.memref_slice %arg6[%add3A_210, %dma_wait3A_213] : memref<10240x128xf32, #tpu.memory_space<vmem_shared>> -> memref<32x128xf32, #tpu.memory_space<vmem_shared>>
    tpu.wait_dma2 semaphore(%arg17 : memref<!tpu.dma_semaphore, #tpu.memory_space<semaphore_mem>>) src(%arg9 : memref<32x128xf32, #tpu.memory_space<vmem>>) dst(%dma_wait3A_214 : memref<32x128xf32, #tpu.memory_space<vmem_shared>>)
    %mul3A_215 = arith.constant 640 : i32
    %mul3A_216 = arith.muli %arg1, %mul3A_215 : i32
    %add3A_217 = arith.constant 64 : i32
    %add3A_218 = arith.addi %mul3A_216, %add3A_217 : i32
    %dma_wait3A_219 = arith.constant 0 : i32
    %dma_wait3A_220 = tpu.memref_slice %arg6[%add3A_218, %dma_wait3A_219] : memref<10240x128xf32, #tpu.memory_space<vmem_shared>> -> memref<32x128xf32, #tpu.memory_space<vmem_shared>>
    %dma_wait3A_221 = arith.constant 0 : i32
    %dma_wait3A_222 = tpu.memref_slice %arg6[%add3A_218, %dma_wait3A_221] : memref<10240x128xf32, #tpu.memory_space<vmem_shared>> -> memref<32x128xf32, #tpu.memory_space<vmem_shared>>
    tpu.wait_dma2 semaphore(%arg17 : memref<!tpu.dma_semaphore, #tpu.memory_space<semaphore_mem>>) src(%arg9 : memref<32x128xf32, #tpu.memory_space<vmem>>) dst(%dma_wait3A_222 : memref<32x128xf32, #tpu.memory_space<vmem_shared>>)
    %mul3A_223 = arith.constant 640 : i32
    %mul3A_224 = arith.muli %arg1, %mul3A_223 : i32
    %add3A_225 = arith.constant 96 : i32
    %add3A_226 = arith.addi %mul3A_224, %add3A_225 : i32
    %dma_wait3A_227 = arith.constant 0 : i32
    %dma_wait3A_228 = tpu.memref_slice %arg6[%add3A_226, %dma_wait3A_227] : memref<10240x128xf32, #tpu.memory_space<vmem_shared>> -> memref<32x128xf32, #tpu.memory_space<vmem_shared>>
    %dma_wait3A_229 = arith.constant 0 : i32
    %dma_wait3A_230 = tpu.memref_slice %arg6[%add3A_226, %dma_wait3A_229] : memref<10240x128xf32, #tpu.memory_space<vmem_shared>> -> memref<32x128xf32, #tpu.memory_space<vmem_shared>>
    tpu.wait_dma2 semaphore(%arg17 : memref<!tpu.dma_semaphore, #tpu.memory_space<semaphore_mem>>) src(%arg9 : memref<32x128xf32, #tpu.memory_space<vmem>>) dst(%dma_wait3A_230 : memref<32x128xf32, #tpu.memory_space<vmem_shared>>)
    %mul3A_231 = arith.constant 640 : i32
    %mul3A_232 = arith.muli %arg1, %mul3A_231 : i32
    %add3A_233 = arith.constant 128 : i32
    %add3A_234 = arith.addi %mul3A_232, %add3A_233 : i32
    %dma_wait3A_235 = arith.constant 0 : i32
    %dma_wait3A_236 = tpu.memref_slice %arg6[%add3A_234, %dma_wait3A_235] : memref<10240x128xf32, #tpu.memory_space<vmem_shared>> -> memref<32x128xf32, #tpu.memory_space<vmem_shared>>
    %dma_wait3A_237 = arith.constant 0 : i32
    %dma_wait3A_238 = tpu.memref_slice %arg6[%add3A_234, %dma_wait3A_237] : memref<10240x128xf32, #tpu.memory_space<vmem_shared>> -> memref<32x128xf32, #tpu.memory_space<vmem_shared>>
    tpu.wait_dma2 semaphore(%arg17 : memref<!tpu.dma_semaphore, #tpu.memory_space<semaphore_mem>>) src(%arg9 : memref<32x128xf32, #tpu.memory_space<vmem>>) dst(%dma_wait3A_238 : memref<32x128xf32, #tpu.memory_space<vmem_shared>>)
    %mul3A_239 = arith.constant 640 : i32
    %mul3A_240 = arith.muli %arg1, %mul3A_239 : i32
    %add3A_241 = arith.constant 160 : i32
    %add3A_242 = arith.addi %mul3A_240, %add3A_241 : i32
    %dma_wait3A_243 = arith.constant 0 : i32
    %dma_wait3A_244 = tpu.memref_slice %arg6[%add3A_242, %dma_wait3A_243] : memref<10240x128xf32, #tpu.memory_space<vmem_shared>> -> memref<32x128xf32, #tpu.memory_space<vmem_shared>>
    %dma_wait3A_245 = arith.constant 0 : i32
    %dma_wait3A_246 = tpu.memref_slice %arg6[%add3A_242, %dma_wait3A_245] : memref<10240x128xf32, #tpu.memory_space<vmem_shared>> -> memref<32x128xf32, #tpu.memory_space<vmem_shared>>
    tpu.wait_dma2 semaphore(%arg17 : memref<!tpu.dma_semaphore, #tpu.memory_space<semaphore_mem>>) src(%arg9 : memref<32x128xf32, #tpu.memory_space<vmem>>) dst(%dma_wait3A_246 : memref<32x128xf32, #tpu.memory_space<vmem_shared>>)
    %mul3A_247 = arith.constant 640 : i32
    %mul3A_248 = arith.muli %arg1, %mul3A_247 : i32
    %add3A_249 = arith.constant 192 : i32
    %add3A_250 = arith.addi %mul3A_248, %add3A_249 : i32
    %dma_wait3A_251 = arith.constant 0 : i32
    %dma_wait3A_252 = tpu.memref_slice %arg6[%add3A_250, %dma_wait3A_251] : memref<10240x128xf32, #tpu.memory_space<vmem_shared>> -> memref<32x128xf32, #tpu.memory_space<vmem_shared>>
    %dma_wait3A_253 = arith.constant 0 : i32
    %dma_wait3A_254 = tpu.memref_slice %arg6[%add3A_250, %dma_wait3A_253] : memref<10240x128xf32, #tpu.memory_space<vmem_shared>> -> memref<32x128xf32, #tpu.memory_space<vmem_shared>>
    tpu.wait_dma2 semaphore(%arg17 : memref<!tpu.dma_semaphore, #tpu.memory_space<semaphore_mem>>) src(%arg9 : memref<32x128xf32, #tpu.memory_space<vmem>>) dst(%dma_wait3A_254 : memref<32x128xf32, #tpu.memory_space<vmem_shared>>)
    %mul3A_255 = arith.constant 640 : i32
    %mul3A_256 = arith.muli %arg1, %mul3A_255 : i32
    %add3A_257 = arith.constant 224 : i32
    %add3A_258 = arith.addi %mul3A_256, %add3A_257 : i32
    %dma_wait3A_259 = arith.constant 0 : i32
    %dma_wait3A_260 = tpu.memref_slice %arg6[%add3A_258, %dma_wait3A_259] : memref<10240x128xf32, #tpu.memory_space<vmem_shared>> -> memref<32x128xf32, #tpu.memory_space<vmem_shared>>
    %dma_wait3A_261 = arith.constant 0 : i32
    %dma_wait3A_262 = tpu.memref_slice %arg6[%add3A_258, %dma_wait3A_261] : memref<10240x128xf32, #tpu.memory_space<vmem_shared>> -> memref<32x128xf32, #tpu.memory_space<vmem_shared>>
    tpu.wait_dma2 semaphore(%arg17 : memref<!tpu.dma_semaphore, #tpu.memory_space<semaphore_mem>>) src(%arg9 : memref<32x128xf32, #tpu.memory_space<vmem>>) dst(%dma_wait3A_262 : memref<32x128xf32, #tpu.memory_space<vmem_shared>>)
    %mul3A_263 = arith.constant 640 : i32
    %mul3A_264 = arith.muli %arg1, %mul3A_263 : i32
    %add3A_265 = arith.constant 256 : i32
    %add3A_266 = arith.addi %mul3A_264, %add3A_265 : i32
    %dma_wait3A_267 = arith.constant 0 : i32
    %dma_wait3A_268 = tpu.memref_slice %arg6[%add3A_266, %dma_wait3A_267] : memref<10240x128xf32, #tpu.memory_space<vmem_shared>> -> memref<32x128xf32, #tpu.memory_space<vmem_shared>>
    %dma_wait3A_269 = arith.constant 0 : i32
    %dma_wait3A_270 = tpu.memref_slice %arg6[%add3A_266, %dma_wait3A_269] : memref<10240x128xf32, #tpu.memory_space<vmem_shared>> -> memref<32x128xf32, #tpu.memory_space<vmem_shared>>
    tpu.wait_dma2 semaphore(%arg17 : memref<!tpu.dma_semaphore, #tpu.memory_space<semaphore_mem>>) src(%arg9 : memref<32x128xf32, #tpu.memory_space<vmem>>) dst(%dma_wait3A_270 : memref<32x128xf32, #tpu.memory_space<vmem_shared>>)
    %mul3A_271 = arith.constant 640 : i32
    %mul3A_272 = arith.muli %arg1, %mul3A_271 : i32
    %add3A_273 = arith.constant 288 : i32
    %add3A_274 = arith.addi %mul3A_272, %add3A_273 : i32
    %dma_wait3A_275 = arith.constant 0 : i32
    %dma_wait3A_276 = tpu.memref_slice %arg6[%add3A_274, %dma_wait3A_275] : memref<10240x128xf32, #tpu.memory_space<vmem_shared>> -> memref<32x128xf32, #tpu.memory_space<vmem_shared>>
    %dma_wait3A_277 = arith.constant 0 : i32
    %dma_wait3A_278 = tpu.memref_slice %arg6[%add3A_274, %dma_wait3A_277] : memref<10240x128xf32, #tpu.memory_space<vmem_shared>> -> memref<32x128xf32, #tpu.memory_space<vmem_shared>>
    tpu.wait_dma2 semaphore(%arg17 : memref<!tpu.dma_semaphore, #tpu.memory_space<semaphore_mem>>) src(%arg9 : memref<32x128xf32, #tpu.memory_space<vmem>>) dst(%dma_wait3A_278 : memref<32x128xf32, #tpu.memory_space<vmem_shared>>)
    %mul3A_279 = arith.constant 640 : i32
    %mul3A_280 = arith.muli %arg1, %mul3A_279 : i32
    %add3A_281 = arith.constant 320 : i32
    %add3A_282 = arith.addi %mul3A_280, %add3A_281 : i32
    %dma_wait3A_283 = arith.constant 0 : i32
    %dma_wait3A_284 = tpu.memref_slice %arg6[%add3A_282, %dma_wait3A_283] : memref<10240x128xf32, #tpu.memory_space<vmem_shared>> -> memref<32x128xf32, #tpu.memory_space<vmem_shared>>
    %dma_wait3A_285 = arith.constant 0 : i32
    %dma_wait3A_286 = tpu.memref_slice %arg6[%add3A_282, %dma_wait3A_285] : memref<10240x128xf32, #tpu.memory_space<vmem_shared>> -> memref<32x128xf32, #tpu.memory_space<vmem_shared>>
    tpu.wait_dma2 semaphore(%arg17 : memref<!tpu.dma_semaphore, #tpu.memory_space<semaphore_mem>>) src(%arg9 : memref<32x128xf32, #tpu.memory_space<vmem>>) dst(%dma_wait3A_286 : memref<32x128xf32, #tpu.memory_space<vmem_shared>>)
    %mul3A_287 = arith.constant 640 : i32
    %mul3A_288 = arith.muli %arg1, %mul3A_287 : i32
    %add3A_289 = arith.constant 352 : i32
    %add3A_290 = arith.addi %mul3A_288, %add3A_289 : i32
    %dma_wait3A_291 = arith.constant 0 : i32
    %dma_wait3A_292 = tpu.memref_slice %arg6[%add3A_290, %dma_wait3A_291] : memref<10240x128xf32, #tpu.memory_space<vmem_shared>> -> memref<32x128xf32, #tpu.memory_space<vmem_shared>>
    %dma_wait3A_293 = arith.constant 0 : i32
    %dma_wait3A_294 = tpu.memref_slice %arg6[%add3A_290, %dma_wait3A_293] : memref<10240x128xf32, #tpu.memory_space<vmem_shared>> -> memref<32x128xf32, #tpu.memory_space<vmem_shared>>
    tpu.wait_dma2 semaphore(%arg17 : memref<!tpu.dma_semaphore, #tpu.memory_space<semaphore_mem>>) src(%arg9 : memref<32x128xf32, #tpu.memory_space<vmem>>) dst(%dma_wait3A_294 : memref<32x128xf32, #tpu.memory_space<vmem_shared>>)
    %mul3A_295 = arith.constant 640 : i32
    %mul3A_296 = arith.muli %arg1, %mul3A_295 : i32
    %add3A_297 = arith.constant 384 : i32
    %add3A_298 = arith.addi %mul3A_296, %add3A_297 : i32
    %dma_wait3A_299 = arith.constant 0 : i32
    %dma_wait3A_300 = tpu.memref_slice %arg6[%add3A_298, %dma_wait3A_299] : memref<10240x128xf32, #tpu.memory_space<vmem_shared>> -> memref<32x128xf32, #tpu.memory_space<vmem_shared>>
    %dma_wait3A_301 = arith.constant 0 : i32
    %dma_wait3A_302 = tpu.memref_slice %arg6[%add3A_298, %dma_wait3A_301] : memref<10240x128xf32, #tpu.memory_space<vmem_shared>> -> memref<32x128xf32, #tpu.memory_space<vmem_shared>>
    tpu.wait_dma2 semaphore(%arg17 : memref<!tpu.dma_semaphore, #tpu.memory_space<semaphore_mem>>) src(%arg9 : memref<32x128xf32, #tpu.memory_space<vmem>>) dst(%dma_wait3A_302 : memref<32x128xf32, #tpu.memory_space<vmem_shared>>)
    %mul3A_303 = arith.constant 640 : i32
    %mul3A_304 = arith.muli %arg1, %mul3A_303 : i32
    %add3A_305 = arith.constant 416 : i32
    %add3A_306 = arith.addi %mul3A_304, %add3A_305 : i32
    %dma_wait3A_307 = arith.constant 0 : i32
    %dma_wait3A_308 = tpu.memref_slice %arg6[%add3A_306, %dma_wait3A_307] : memref<10240x128xf32, #tpu.memory_space<vmem_shared>> -> memref<32x128xf32, #tpu.memory_space<vmem_shared>>
    %dma_wait3A_309 = arith.constant 0 : i32
    %dma_wait3A_310 = tpu.memref_slice %arg6[%add3A_306, %dma_wait3A_309] : memref<10240x128xf32, #tpu.memory_space<vmem_shared>> -> memref<32x128xf32, #tpu.memory_space<vmem_shared>>
    tpu.wait_dma2 semaphore(%arg17 : memref<!tpu.dma_semaphore, #tpu.memory_space<semaphore_mem>>) src(%arg9 : memref<32x128xf32, #tpu.memory_space<vmem>>) dst(%dma_wait3A_310 : memref<32x128xf32, #tpu.memory_space<vmem_shared>>)
    %mul3A_311 = arith.constant 640 : i32
    %mul3A_312 = arith.muli %arg1, %mul3A_311 : i32
    %add3A_313 = arith.constant 448 : i32
    %add3A_314 = arith.addi %mul3A_312, %add3A_313 : i32
    %dma_wait3A_315 = arith.constant 0 : i32
    %dma_wait3A_316 = tpu.memref_slice %arg6[%add3A_314, %dma_wait3A_315] : memref<10240x128xf32, #tpu.memory_space<vmem_shared>> -> memref<32x128xf32, #tpu.memory_space<vmem_shared>>
    %dma_wait3A_317 = arith.constant 0 : i32
    %dma_wait3A_318 = tpu.memref_slice %arg6[%add3A_314, %dma_wait3A_317] : memref<10240x128xf32, #tpu.memory_space<vmem_shared>> -> memref<32x128xf32, #tpu.memory_space<vmem_shared>>
    tpu.wait_dma2 semaphore(%arg17 : memref<!tpu.dma_semaphore, #tpu.memory_space<semaphore_mem>>) src(%arg9 : memref<32x128xf32, #tpu.memory_space<vmem>>) dst(%dma_wait3A_318 : memref<32x128xf32, #tpu.memory_space<vmem_shared>>)
    %mul3A_319 = arith.constant 640 : i32
    %mul3A_320 = arith.muli %arg1, %mul3A_319 : i32
    %add3A_321 = arith.constant 480 : i32
    %add3A_322 = arith.addi %mul3A_320, %add3A_321 : i32
    %dma_wait3A_323 = arith.constant 0 : i32
    %dma_wait3A_324 = tpu.memref_slice %arg6[%add3A_322, %dma_wait3A_323] : memref<10240x128xf32, #tpu.memory_space<vmem_shared>> -> memref<32x128xf32, #tpu.memory_space<vmem_shared>>
    %dma_wait3A_325 = arith.constant 0 : i32
    %dma_wait3A_326 = tpu.memref_slice %arg6[%add3A_322, %dma_wait3A_325] : memref<10240x128xf32, #tpu.memory_space<vmem_shared>> -> memref<32x128xf32, #tpu.memory_space<vmem_shared>>
    tpu.wait_dma2 semaphore(%arg17 : memref<!tpu.dma_semaphore, #tpu.memory_space<semaphore_mem>>) src(%arg9 : memref<32x128xf32, #tpu.memory_space<vmem>>) dst(%dma_wait3A_326 : memref<32x128xf32, #tpu.memory_space<vmem_shared>>)
    %mul3A_327 = arith.constant 640 : i32
    %mul3A_328 = arith.muli %arg1, %mul3A_327 : i32
    %add3A_329 = arith.constant 512 : i32
    %add3A_330 = arith.addi %mul3A_328, %add3A_329 : i32
    %dma_wait3A_331 = arith.constant 0 : i32
    %dma_wait3A_332 = tpu.memref_slice %arg6[%add3A_330, %dma_wait3A_331] : memref<10240x128xf32, #tpu.memory_space<vmem_shared>> -> memref<32x128xf32, #tpu.memory_space<vmem_shared>>
    %dma_wait3A_333 = arith.constant 0 : i32
    %dma_wait3A_334 = tpu.memref_slice %arg6[%add3A_330, %dma_wait3A_333] : memref<10240x128xf32, #tpu.memory_space<vmem_shared>> -> memref<32x128xf32, #tpu.memory_space<vmem_shared>>
    tpu.wait_dma2 semaphore(%arg17 : memref<!tpu.dma_semaphore, #tpu.memory_space<semaphore_mem>>) src(%arg9 : memref<32x128xf32, #tpu.memory_space<vmem>>) dst(%dma_wait3A_334 : memref<32x128xf32, #tpu.memory_space<vmem_shared>>)
    %mul3A_335 = arith.constant 640 : i32
    %mul3A_336 = arith.muli %arg1, %mul3A_335 : i32
    %add3A_337 = arith.constant 544 : i32
    %add3A_338 = arith.addi %mul3A_336, %add3A_337 : i32
    %dma_wait3A_339 = arith.constant 0 : i32
    %dma_wait3A_340 = tpu.memref_slice %arg6[%add3A_338, %dma_wait3A_339] : memref<10240x128xf32, #tpu.memory_space<vmem_shared>> -> memref<32x128xf32, #tpu.memory_space<vmem_shared>>
    %dma_wait3A_341 = arith.constant 0 : i32
    %dma_wait3A_342 = tpu.memref_slice %arg6[%add3A_338, %dma_wait3A_341] : memref<10240x128xf32, #tpu.memory_space<vmem_shared>> -> memref<32x128xf32, #tpu.memory_space<vmem_shared>>
    tpu.wait_dma2 semaphore(%arg17 : memref<!tpu.dma_semaphore, #tpu.memory_space<semaphore_mem>>) src(%arg9 : memref<32x128xf32, #tpu.memory_space<vmem>>) dst(%dma_wait3A_342 : memref<32x128xf32, #tpu.memory_space<vmem_shared>>)
    %mul3A_343 = arith.constant 640 : i32
    %mul3A_344 = arith.muli %arg1, %mul3A_343 : i32
    %add3A_345 = arith.constant 576 : i32
    %add3A_346 = arith.addi %mul3A_344, %add3A_345 : i32
    %dma_wait3A_347 = arith.constant 0 : i32
    %dma_wait3A_348 = tpu.memref_slice %arg6[%add3A_346, %dma_wait3A_347] : memref<10240x128xf32, #tpu.memory_space<vmem_shared>> -> memref<32x128xf32, #tpu.memory_space<vmem_shared>>
    %dma_wait3A_349 = arith.constant 0 : i32
    %dma_wait3A_350 = tpu.memref_slice %arg6[%add3A_346, %dma_wait3A_349] : memref<10240x128xf32, #tpu.memory_space<vmem_shared>> -> memref<32x128xf32, #tpu.memory_space<vmem_shared>>
    tpu.wait_dma2 semaphore(%arg17 : memref<!tpu.dma_semaphore, #tpu.memory_space<semaphore_mem>>) src(%arg9 : memref<32x128xf32, #tpu.memory_space<vmem>>) dst(%dma_wait3A_350 : memref<32x128xf32, #tpu.memory_space<vmem_shared>>)
    %mul3A_351 = arith.constant 640 : i32
    %mul3A_352 = arith.muli %arg1, %mul3A_351 : i32
    %add3A_353 = arith.constant 608 : i32
    %add3A_354 = arith.addi %mul3A_352, %add3A_353 : i32
    %dma_wait3A_355 = arith.constant 0 : i32
    %dma_wait3A_356 = tpu.memref_slice %arg6[%add3A_354, %dma_wait3A_355] : memref<10240x128xf32, #tpu.memory_space<vmem_shared>> -> memref<32x128xf32, #tpu.memory_space<vmem_shared>>
    %dma_wait3A_357 = arith.constant 0 : i32
    %dma_wait3A_358 = tpu.memref_slice %arg6[%add3A_354, %dma_wait3A_357] : memref<10240x128xf32, #tpu.memory_space<vmem_shared>> -> memref<32x128xf32, #tpu.memory_space<vmem_shared>>
    tpu.wait_dma2 semaphore(%arg17 : memref<!tpu.dma_semaphore, #tpu.memory_space<semaphore_mem>>) src(%arg9 : memref<32x128xf32, #tpu.memory_space<vmem>>) dst(%dma_wait3A_358 : memref<32x128xf32, #tpu.memory_space<vmem_shared>>)
    %dma_wait3A_359 = arith.constant 0 : i32
    %dma_wait3A_360 = arith.constant 0 : i32
    %dma_wait3A_361 = arith.constant 0 : i32
    %dma_wait3A_362 = tpu.memref_slice %arg7[%dma_wait3A_359, %dma_wait3A_360, %dma_wait3A_361] : memref<2x8x32xi32, #tpu.memory_space<vmem>> -> memref<1x8x32xi32, #tpu.memory_space<vmem>>
    %dma_wait3A_363 = tpu.memref_squeeze %dma_wait3A_362 : memref<1x8x32xi32, #tpu.memory_space<vmem>> -> memref<8x32xi32, #tpu.memory_space<vmem>>
    %dma_wait3A_364 = arith.constant 0 : i32
    %dma_wait3A_365 = arith.constant 0 : i32
    %dma_wait3A_366 = tpu.memref_slice %arg3[%add3A, %dma_wait3A_364, %dma_wait3A_365] : memref<32x320x32xi32, #tpu.memory_space<hbm>> -> memref<1x8x32xi32, #tpu.memory_space<hbm>>
    %dma_wait3A_367 = tpu.memref_squeeze %dma_wait3A_366 : memref<1x8x32xi32, #tpu.memory_space<hbm>> -> memref<8x32xi32, #tpu.memory_space<hbm>>
    %dma_wait3A_368 = arith.constant 0 : i32
    %dma_wait3A_369 = arith.constant 0 : i32
    %dma_wait3A_370 = tpu.memref_slice %arg7[%dma_wait3A_359, %dma_wait3A_368, %dma_wait3A_369] : memref<2x8x32xi32, #tpu.memory_space<vmem>> -> memref<1x8x32xi32, #tpu.memory_space<vmem>>
    %dma_wait3A_371 = tpu.memref_squeeze %dma_wait3A_370 : memref<1x8x32xi32, #tpu.memory_space<vmem>> -> memref<8x32xi32, #tpu.memory_space<vmem>>
    %dma_wait3A_372 = arith.constant 0 : i32
    %dma_wait3A_373 = arith.constant 0 : i32
    %dma_wait3A_374 = tpu.memref_slice %arg3[%add3A, %dma_wait3A_372, %dma_wait3A_373] : memref<32x320x32xi32, #tpu.memory_space<hbm>> -> memref<1x8x32xi32, #tpu.memory_space<hbm>>
    %dma_wait3A_375 = tpu.memref_squeeze %dma_wait3A_374 : memref<1x8x32xi32, #tpu.memory_space<hbm>> -> memref<8x32xi32, #tpu.memory_space<hbm>>
    tpu.wait_dma2 semaphore(%arg33 : memref<!tpu.dma_semaphore, #tpu.memory_space<semaphore_mem>>) src(%dma_wait3A_375 : memref<8x32xi32, #tpu.memory_space<hbm>>) dst(%dma_wait3A_371 : memref<8x32xi32, #tpu.memory_space<vmem>>)
    %dma_wait3A_376 = arith.constant 0 : i32
    %dma_wait3A_377 = arith.constant 0 : i32
    %dma_wait3A_378 = arith.constant 0 : i32
    %dma_wait3A_379 = tpu.memref_slice %arg8[%dma_wait3A_376, %dma_wait3A_377, %dma_wait3A_378] : memref<2x8x32xi32, #tpu.memory_space<vmem>> -> memref<1x8x32xi32, #tpu.memory_space<vmem>>
    %dma_wait3A_380 = tpu.memref_squeeze %dma_wait3A_379 : memref<1x8x32xi32, #tpu.memory_space<vmem>> -> memref<8x32xi32, #tpu.memory_space<vmem>>
    %dma_wait3A_381 = arith.constant 0 : i32
    %dma_wait3A_382 = arith.constant 0 : i32
    %dma_wait3A_383 = tpu.memref_slice %arg4[%add3A, %dma_wait3A_381, %dma_wait3A_382] : memref<32x320x32xi32, #tpu.memory_space<hbm>> -> memref<1x8x32xi32, #tpu.memory_space<hbm>>
    %dma_wait3A_384 = tpu.memref_squeeze %dma_wait3A_383 : memref<1x8x32xi32, #tpu.memory_space<hbm>> -> memref<8x32xi32, #tpu.memory_space<hbm>>
    %dma_wait3A_385 = arith.constant 0 : i32
    %dma_wait3A_386 = arith.constant 0 : i32
    %dma_wait3A_387 = tpu.memref_slice %arg8[%dma_wait3A_376, %dma_wait3A_385, %dma_wait3A_386] : memref<2x8x32xi32, #tpu.memory_space<vmem>> -> memref<1x8x32xi32, #tpu.memory_space<vmem>>
    %dma_wait3A_388 = tpu.memref_squeeze %dma_wait3A_387 : memref<1x8x32xi32, #tpu.memory_space<vmem>> -> memref<8x32xi32, #tpu.memory_space<vmem>>
    %dma_wait3A_389 = arith.constant 0 : i32
    %dma_wait3A_390 = arith.constant 0 : i32
    %dma_wait3A_391 = tpu.memref_slice %arg4[%add3A, %dma_wait3A_389, %dma_wait3A_390] : memref<32x320x32xi32, #tpu.memory_space<hbm>> -> memref<1x8x32xi32, #tpu.memory_space<hbm>>
    %dma_wait3A_392 = tpu.memref_squeeze %dma_wait3A_391 : memref<1x8x32xi32, #tpu.memory_space<hbm>> -> memref<8x32xi32, #tpu.memory_space<hbm>>
    tpu.wait_dma2 semaphore(%arg34 : memref<!tpu.dma_semaphore, #tpu.memory_space<semaphore_mem>>) src(%dma_wait3A_392 : memref<8x32xi32, #tpu.memory_space<hbm>>) dst(%dma_wait3A_388 : memref<8x32xi32, #tpu.memory_space<vmem>>)
    %barrier3A = arith.constant 0 : index
    tpu.barrier barrier_id(%barrier3A)
    %scan3A_393 = arith.constant 0 : i32
    %scan3A_394 = arith.constant 0 : i32
    %scan3A_395 = arith.constant 40 : i32
    %scan3A_396 = arith.addi %scan3A_394, %scan3A_395 : i32
    %scan3A_397 = arith.constant 1 : i32
    %scan3A_398 = scf.for %scan3A_555 = %scan3A_394 to %scan3A_396 step %scan3A_397 iter_args(%scan3A_556 = %scan3A_393) -> (i32)  : i32 {
      %rem3A = arith.constant 2 : i32
      %rem3A_557 = arith.remsi %scan3A_555, %rem3A : i32
      %add3A_558 = arith.constant 1 : i32
      %add3A_559 = arith.addi %scan3A_555, %add3A_558 : i32
      %lt3A = arith.constant 40 : i32
      %lt3A_560 = arith.cmpi slt, %add3A_559, %lt3A : i32
      %convert_element_type3A = arith.extui %lt3A_560 : i1 to i32
      %cond3A = arith.constant 0 : i32
      %cond3A_561 = arith.cmpi ne, %convert_element_type3A, %cond3A : i32
      scf.if %cond3A_561 {
        %add3A_777 = arith.constant 1 : i32
        %add3A_778 = arith.addi %scan3A_555, %add3A_777 : i32
        %mul3A_779 = arith.constant 8 : i32
        %mul3A_780 = arith.muli %add3A_778, %mul3A_779 : i32
        %sub3A = arith.constant 1 : i32
        %sub3A_781 = arith.subi %sub3A, %rem3A_557 : i32
        %dma_start3A_782 = arith.constant 0 : i32
        %dma_start3A_783 = arith.constant 0 : i32
        %dma_start3A_784 = tpu.memref_slice %arg7[%sub3A_781, %dma_start3A_782, %dma_start3A_783] : memref<2x8x32xi32, #tpu.memory_space<vmem>> -> memref<1x8x32xi32, #tpu.memory_space<vmem>>
        %dma_start3A_785 = tpu.memref_squeeze %dma_start3A_784 : memref<1x8x32xi32, #tpu.memory_space<vmem>> -> memref<8x32xi32, #tpu.memory_space<vmem>>
        %dma_start3A_786 = arith.constant 0 : i32
        %dma_start3A_787 = tpu.memref_slice %arg3[%add3A, %mul3A_780, %dma_start3A_786] : memref<32x320x32xi32, #tpu.memory_space<hbm>> -> memref<1x8x32xi32, #tpu.memory_space<hbm>>
        %dma_start3A_788 = tpu.memref_squeeze %dma_start3A_787 : memref<1x8x32xi32, #tpu.memory_space<hbm>> -> memref<8x32xi32, #tpu.memory_space<hbm>>
        %dma_start3A_789 = arith.constant 0 : i32
        %dma_start3A_790 = arith.constant 0 : i32
        %dma_start3A_791 = tpu.memref_slice %arg7[%sub3A_781, %dma_start3A_789, %dma_start3A_790] : memref<2x8x32xi32, #tpu.memory_space<vmem>> -> memref<1x8x32xi32, #tpu.memory_space<vmem>>
        %dma_start3A_792 = tpu.memref_squeeze %dma_start3A_791 : memref<1x8x32xi32, #tpu.memory_space<vmem>> -> memref<8x32xi32, #tpu.memory_space<vmem>>
        %dma_start3A_793 = arith.constant 0 : i32
        %dma_start3A_794 = tpu.memref_slice %arg3[%add3A, %mul3A_780, %dma_start3A_793] : memref<32x320x32xi32, #tpu.memory_space<hbm>> -> memref<1x8x32xi32, #tpu.memory_space<hbm>>
        %dma_start3A_795 = tpu.memref_squeeze %dma_start3A_794 : memref<1x8x32xi32, #tpu.memory_space<hbm>> -> memref<8x32xi32, #tpu.memory_space<hbm>>
        tpu.enqueue_dma source(%dma_start3A_795 : memref<8x32xi32, #tpu.memory_space<hbm>>) target(%dma_start3A_792 : memref<8x32xi32, #tpu.memory_space<vmem>>) target_semaphore(%arg33 : memref<!tpu.dma_semaphore, #tpu.memory_space<semaphore_mem>>)
        %add3A_796 = arith.constant 1 : i32
        %add3A_797 = arith.addi %scan3A_555, %add3A_796 : i32
        %mul3A_798 = arith.constant 8 : i32
        %mul3A_799 = arith.muli %add3A_797, %mul3A_798 : i32
        %sub3A_800 = arith.constant 1 : i32
        %sub3A_801 = arith.subi %sub3A_800, %rem3A_557 : i32
        %dma_start3A_802 = arith.constant 0 : i32
        %dma_start3A_803 = arith.constant 0 : i32
        %dma_start3A_804 = tpu.memref_slice %arg8[%sub3A_801, %dma_start3A_802, %dma_start3A_803] : memref<2x8x32xi32, #tpu.memory_space<vmem>> -> memref<1x8x32xi32, #tpu.memory_space<vmem>>
        %dma_start3A_805 = tpu.memref_squeeze %dma_start3A_804 : memref<1x8x32xi32, #tpu.memory_space<vmem>> -> memref<8x32xi32, #tpu.memory_space<vmem>>
        %dma_start3A_806 = arith.constant 0 : i32
        %dma_start3A_807 = tpu.memref_slice %arg4[%add3A, %mul3A_799, %dma_start3A_806] : memref<32x320x32xi32, #tpu.memory_space<hbm>> -> memref<1x8x32xi32, #tpu.memory_space<hbm>>
        %dma_start3A_808 = tpu.memref_squeeze %dma_start3A_807 : memref<1x8x32xi32, #tpu.memory_space<hbm>> -> memref<8x32xi32, #tpu.memory_space<hbm>>
        %dma_start3A_809 = arith.constant 0 : i32
        %dma_start3A_810 = arith.constant 0 : i32
        %dma_start3A_811 = tpu.memref_slice %arg8[%sub3A_801, %dma_start3A_809, %dma_start3A_810] : memref<2x8x32xi32, #tpu.memory_space<vmem>> -> memref<1x8x32xi32, #tpu.memory_space<vmem>>
        %dma_start3A_812 = tpu.memref_squeeze %dma_start3A_811 : memref<1x8x32xi32, #tpu.memory_space<vmem>> -> memref<8x32xi32, #tpu.memory_space<vmem>>
        %dma_start3A_813 = arith.constant 0 : i32
        %dma_start3A_814 = tpu.memref_slice %arg4[%add3A, %mul3A_799, %dma_start3A_813] : memref<32x320x32xi32, #tpu.memory_space<hbm>> -> memref<1x8x32xi32, #tpu.memory_space<hbm>>
        %dma_start3A_815 = tpu.memref_squeeze %dma_start3A_814 : memref<1x8x32xi32, #tpu.memory_space<hbm>> -> memref<8x32xi32, #tpu.memory_space<hbm>>
        tpu.enqueue_dma source(%dma_start3A_815 : memref<8x32xi32, #tpu.memory_space<hbm>>) target(%dma_start3A_812 : memref<8x32xi32, #tpu.memory_space<vmem>>) target_semaphore(%arg34 : memref<!tpu.dma_semaphore, #tpu.memory_space<semaphore_mem>>)
      } else {
      }
      %gt3A = arith.constant 0 : i32
      %gt3A_562 = arith.cmpi sgt, %scan3A_555, %gt3A : i32
      %convert_element_type3A_563 = arith.extui %gt3A_562 : i1 to i32
      %cond3A_564 = arith.constant 0 : i32
      %cond3A_565 = arith.cmpi ne, %convert_element_type3A_563, %cond3A_564 : i32
      scf.if %cond3A_565 {
        %dma_wait3A_777 = arith.constant 0 : i32
        %dma_wait3A_778 = arith.constant 0 : i32
        %dma_wait3A_779 = tpu.memref_slice %arg8[%rem3A_557, %dma_wait3A_777, %dma_wait3A_778] : memref<2x8x32xi32, #tpu.memory_space<vmem>> -> memref<1x1x32xi32, #tpu.memory_space<vmem>>
        %dma_wait3A_780 = tpu.memref_squeeze %dma_wait3A_779 : memref<1x1x32xi32, #tpu.memory_space<vmem>> -> memref<32xi32, #tpu.memory_space<vmem>>
        %dma_wait3A_781 = arith.constant 0 : i32
        %dma_wait3A_782 = arith.constant 0 : i32
        %dma_wait3A_783 = tpu.memref_slice %arg6[%dma_wait3A_781, %dma_wait3A_782] : memref<10240x128xf32, #tpu.memory_space<vmem_shared>> -> memref<10240x128xf32, #tpu.memory_space<vmem_shared>>
        tpu.wait_indirect_dma semaphore(%arg25 : memref<!tpu.dma_semaphore, #tpu.memory_space<semaphore_mem>>) src(%arg9 : memref<32x128xf32, #tpu.memory_space<vmem>>) dst(%dma_wait3A_783 : memref<10240x128xf32, #tpu.memory_space<vmem_shared>>)
      } else {
      }
      %dma_start3A_566 = arith.constant 0 : i32
      %dma_start3A_567 = arith.constant 0 : i32
      %dma_start3A_568 = tpu.memref_slice %arg7[%rem3A_557, %dma_start3A_566, %dma_start3A_567] : memref<2x8x32xi32, #tpu.memory_space<vmem>> -> memref<1x1x32xi32, #tpu.memory_space<vmem>>
      %dma_start3A_569 = tpu.memref_squeeze %dma_start3A_568 : memref<1x1x32xi32, #tpu.memory_space<vmem>> -> memref<32xi32, #tpu.memory_space<vmem>>
      %dma_start3A_570 = arith.constant 0 : i32
      %dma_start3A_571 = arith.constant 0 : i32
      %dma_start3A_572 = tpu.memref_slice %arg2[%dma_start3A_570, %dma_start3A_571] : memref<10000x128xf32, #tpu.memory_space<hbm>> -> memref<10000x128xf32, #tpu.memory_space<hbm>>
      tpu.enqueue_indirect_dma source(%dma_start3A_572 : memref<10000x128xf32, #tpu.memory_space<hbm>>) target(%arg9 : memref<32x128xf32, #tpu.memory_space<vmem>>) offsets(%dma_start3A_569 : memref<32xi32, #tpu.memory_space<vmem>>) semaphore(%arg17 : memref<!tpu.dma_semaphore, #tpu.memory_space<semaphore_mem>>)
      %gt3A_573 = arith.constant 0 : i32
      %gt3A_574 = arith.cmpi sgt, %scan3A_555, %gt3A_573 : i32
      %convert_element_type3A_575 = arith.extui %gt3A_574 : i1 to i32
      %cond3A_576 = arith.constant 0 : i32
      %cond3A_577 = arith.cmpi ne, %convert_element_type3A_575, %cond3A_576 : i32
      scf.if %cond3A_577 {
        %dma_wait3A_777 = arith.constant 0 : i32
        %dma_wait3A_778 = arith.constant 0 : i32
        %dma_wait3A_779 = tpu.memref_slice %arg8[%rem3A_557, %dma_wait3A_777, %dma_wait3A_778] : memref<2x8x32xi32, #tpu.memory_space<vmem>> -> memref<1x1x32xi32, #tpu.memory_space<vmem>>
        %dma_wait3A_780 = tpu.memref_squeeze %dma_wait3A_779 : memref<1x1x32xi32, #tpu.memory_space<vmem>> -> memref<32xi32, #tpu.memory_space<vmem>>
        %dma_wait3A_781 = arith.constant 0 : i32
        %dma_wait3A_782 = arith.constant 0 : i32
        %dma_wait3A_783 = tpu.memref_slice %arg6[%dma_wait3A_781, %dma_wait3A_782] : memref<10240x128xf32, #tpu.memory_space<vmem_shared>> -> memref<10240x128xf32, #tpu.memory_space<vmem_shared>>
        tpu.wait_indirect_dma semaphore(%arg26 : memref<!tpu.dma_semaphore, #tpu.memory_space<semaphore_mem>>) src(%arg10 : memref<32x128xf32, #tpu.memory_space<vmem>>) dst(%dma_wait3A_783 : memref<10240x128xf32, #tpu.memory_space<vmem_shared>>)
      } else {
      }
      %dma_start3A_578 = arith.constant 1 : i32
      %dma_start3A_579 = arith.constant 0 : i32
      %dma_start3A_580 = tpu.memref_slice %arg7[%rem3A_557, %dma_start3A_578, %dma_start3A_579] : memref<2x8x32xi32, #tpu.memory_space<vmem>> -> memref<1x1x32xi32, #tpu.memory_space<vmem>>
      %dma_start3A_581 = tpu.memref_squeeze %dma_start3A_580 : memref<1x1x32xi32, #tpu.memory_space<vmem>> -> memref<32xi32, #tpu.memory_space<vmem>>
      %dma_start3A_582 = arith.constant 0 : i32
      %dma_start3A_583 = arith.constant 0 : i32
      %dma_start3A_584 = tpu.memref_slice %arg2[%dma_start3A_582, %dma_start3A_583] : memref<10000x128xf32, #tpu.memory_space<hbm>> -> memref<10000x128xf32, #tpu.memory_space<hbm>>
      tpu.enqueue_indirect_dma source(%dma_start3A_584 : memref<10000x128xf32, #tpu.memory_space<hbm>>) target(%arg10 : memref<32x128xf32, #tpu.memory_space<vmem>>) offsets(%dma_start3A_581 : memref<32xi32, #tpu.memory_space<vmem>>) semaphore(%arg18 : memref<!tpu.dma_semaphore, #tpu.memory_space<semaphore_mem>>)
      %gt3A_585 = arith.constant 0 : i32
      %gt3A_586 = arith.cmpi sgt, %scan3A_555, %gt3A_585 : i32
      %convert_element_type3A_587 = arith.extui %gt3A_586 : i1 to i32
      %cond3A_588 = arith.constant 0 : i32
      %cond3A_589 = arith.cmpi ne, %convert_element_type3A_587, %cond3A_588 : i32
      scf.if %cond3A_589 {
        %dma_wait3A_777 = arith.constant 0 : i32
        %dma_wait3A_778 = arith.constant 0 : i32
        %dma_wait3A_779 = tpu.memref_slice %arg8[%rem3A_557, %dma_wait3A_777, %dma_wait3A_778] : memref<2x8x32xi32, #tpu.memory_space<vmem>> -> memref<1x1x32xi32, #tpu.memory_space<vmem>>
        %dma_wait3A_780 = tpu.memref_squeeze %dma_wait3A_779 : memref<1x1x32xi32, #tpu.memory_space<vmem>> -> memref<32xi32, #tpu.memory_space<vmem>>
        %dma_wait3A_781 = arith.constant 0 : i32
        %dma_wait3A_782 = arith.constant 0 : i32
        %dma_wait3A_783 = tpu.memref_slice %arg6[%dma_wait3A_781, %dma_wait3A_782] : memref<10240x128xf32, #tpu.memory_space<vmem_shared>> -> memref<10240x128xf32, #tpu.memory_space<vmem_shared>>
        tpu.wait_indirect_dma semaphore(%arg27 : memref<!tpu.dma_semaphore, #tpu.memory_space<semaphore_mem>>) src(%arg11 : memref<32x128xf32, #tpu.memory_space<vmem>>) dst(%dma_wait3A_783 : memref<10240x128xf32, #tpu.memory_space<vmem_shared>>)
      } else {
      }
      %dma_start3A_590 = arith.constant 2 : i32
      %dma_start3A_591 = arith.constant 0 : i32
      %dma_start3A_592 = tpu.memref_slice %arg7[%rem3A_557, %dma_start3A_590, %dma_start3A_591] : memref<2x8x32xi32, #tpu.memory_space<vmem>> -> memref<1x1x32xi32, #tpu.memory_space<vmem>>
      %dma_start3A_593 = tpu.memref_squeeze %dma_start3A_592 : memref<1x1x32xi32, #tpu.memory_space<vmem>> -> memref<32xi32, #tpu.memory_space<vmem>>
      %dma_start3A_594 = arith.constant 0 : i32
      %dma_start3A_595 = arith.constant 0 : i32
      %dma_start3A_596 = tpu.memref_slice %arg2[%dma_start3A_594, %dma_start3A_595] : memref<10000x128xf32, #tpu.memory_space<hbm>> -> memref<10000x128xf32, #tpu.memory_space<hbm>>
      tpu.enqueue_indirect_dma source(%dma_start3A_596 : memref<10000x128xf32, #tpu.memory_space<hbm>>) target(%arg11 : memref<32x128xf32, #tpu.memory_space<vmem>>) offsets(%dma_start3A_593 : memref<32xi32, #tpu.memory_space<vmem>>) semaphore(%arg19 : memref<!tpu.dma_semaphore, #tpu.memory_space<semaphore_mem>>)
      %gt3A_597 = arith.constant 0 : i32
      %gt3A_598 = arith.cmpi sgt, %scan3A_555, %gt3A_597 : i32
      %convert_element_type3A_599 = arith.extui %gt3A_598 : i1 to i32
      %cond3A_600 = arith.constant 0 : i32
      %cond3A_601 = arith.cmpi ne, %convert_element_type3A_599, %cond3A_600 : i32
      scf.if %cond3A_601 {
        %dma_wait3A_777 = arith.constant 0 : i32
        %dma_wait3A_778 = arith.constant 0 : i32
        %dma_wait3A_779 = tpu.memref_slice %arg8[%rem3A_557, %dma_wait3A_777, %dma_wait3A_778] : memref<2x8x32xi32, #tpu.memory_space<vmem>> -> memref<1x1x32xi32, #tpu.memory_space<vmem>>
        %dma_wait3A_780 = tpu.memref_squeeze %dma_wait3A_779 : memref<1x1x32xi32, #tpu.memory_space<vmem>> -> memref<32xi32, #tpu.memory_space<vmem>>
        %dma_wait3A_781 = arith.constant 0 : i32
        %dma_wait3A_782 = arith.constant 0 : i32
        %dma_wait3A_783 = tpu.memref_slice %arg6[%dma_wait3A_781, %dma_wait3A_782] : memref<10240x128xf32, #tpu.memory_space<vmem_shared>> -> memref<10240x128xf32, #tpu.memory_space<vmem_shared>>
        tpu.wait_indirect_dma semaphore(%arg28 : memref<!tpu.dma_semaphore, #tpu.memory_space<semaphore_mem>>) src(%arg12 : memref<32x128xf32, #tpu.memory_space<vmem>>) dst(%dma_wait3A_783 : memref<10240x128xf32, #tpu.memory_space<vmem_shared>>)
      } else {
      }
      %dma_start3A_602 = arith.constant 3 : i32
      %dma_start3A_603 = arith.constant 0 : i32
      %dma_start3A_604 = tpu.memref_slice %arg7[%rem3A_557, %dma_start3A_602, %dma_start3A_603] : memref<2x8x32xi32, #tpu.memory_space<vmem>> -> memref<1x1x32xi32, #tpu.memory_space<vmem>>
      %dma_start3A_605 = tpu.memref_squeeze %dma_start3A_604 : memref<1x1x32xi32, #tpu.memory_space<vmem>> -> memref<32xi32, #tpu.memory_space<vmem>>
      %dma_start3A_606 = arith.constant 0 : i32
      %dma_start3A_607 = arith.constant 0 : i32
      %dma_start3A_608 = tpu.memref_slice %arg2[%dma_start3A_606, %dma_start3A_607] : memref<10000x128xf32, #tpu.memory_space<hbm>> -> memref<10000x128xf32, #tpu.memory_space<hbm>>
      tpu.enqueue_indirect_dma source(%dma_start3A_608 : memref<10000x128xf32, #tpu.memory_space<hbm>>) target(%arg12 : memref<32x128xf32, #tpu.memory_space<vmem>>) offsets(%dma_start3A_605 : memref<32xi32, #tpu.memory_space<vmem>>) semaphore(%arg20 : memref<!tpu.dma_semaphore, #tpu.memory_space<semaphore_mem>>)
      %gt3A_609 = arith.constant 0 : i32
      %gt3A_610 = arith.cmpi sgt, %scan3A_555, %gt3A_609 : i32
      %convert_element_type3A_611 = arith.extui %gt3A_610 : i1 to i32
      %cond3A_612 = arith.constant 0 : i32
      %cond3A_613 = arith.cmpi ne, %convert_element_type3A_611, %cond3A_612 : i32
      scf.if %cond3A_613 {
        %dma_wait3A_777 = arith.constant 0 : i32
        %dma_wait3A_778 = arith.constant 0 : i32
        %dma_wait3A_779 = tpu.memref_slice %arg8[%rem3A_557, %dma_wait3A_777, %dma_wait3A_778] : memref<2x8x32xi32, #tpu.memory_space<vmem>> -> memref<1x1x32xi32, #tpu.memory_space<vmem>>
        %dma_wait3A_780 = tpu.memref_squeeze %dma_wait3A_779 : memref<1x1x32xi32, #tpu.memory_space<vmem>> -> memref<32xi32, #tpu.memory_space<vmem>>
        %dma_wait3A_781 = arith.constant 0 : i32
        %dma_wait3A_782 = arith.constant 0 : i32
        %dma_wait3A_783 = tpu.memref_slice %arg6[%dma_wait3A_781, %dma_wait3A_782] : memref<10240x128xf32, #tpu.memory_space<vmem_shared>> -> memref<10240x128xf32, #tpu.memory_space<vmem_shared>>
        tpu.wait_indirect_dma semaphore(%arg29 : memref<!tpu.dma_semaphore, #tpu.memory_space<semaphore_mem>>) src(%arg13 : memref<32x128xf32, #tpu.memory_space<vmem>>) dst(%dma_wait3A_783 : memref<10240x128xf32, #tpu.memory_space<vmem_shared>>)
      } else {
      }
      %dma_start3A_614 = arith.constant 4 : i32
      %dma_start3A_615 = arith.constant 0 : i32
      %dma_start3A_616 = tpu.memref_slice %arg7[%rem3A_557, %dma_start3A_614, %dma_start3A_615] : memref<2x8x32xi32, #tpu.memory_space<vmem>> -> memref<1x1x32xi32, #tpu.memory_space<vmem>>
      %dma_start3A_617 = tpu.memref_squeeze %dma_start3A_616 : memref<1x1x32xi32, #tpu.memory_space<vmem>> -> memref<32xi32, #tpu.memory_space<vmem>>
      %dma_start3A_618 = arith.constant 0 : i32
      %dma_start3A_619 = arith.constant 0 : i32
      %dma_start3A_620 = tpu.memref_slice %arg2[%dma_start3A_618, %dma_start3A_619] : memref<10000x128xf32, #tpu.memory_space<hbm>> -> memref<10000x128xf32, #tpu.memory_space<hbm>>
      tpu.enqueue_indirect_dma source(%dma_start3A_620 : memref<10000x128xf32, #tpu.memory_space<hbm>>) target(%arg13 : memref<32x128xf32, #tpu.memory_space<vmem>>) offsets(%dma_start3A_617 : memref<32xi32, #tpu.memory_space<vmem>>) semaphore(%arg21 : memref<!tpu.dma_semaphore, #tpu.memory_space<semaphore_mem>>)
      %gt3A_621 = arith.constant 0 : i32
      %gt3A_622 = arith.cmpi sgt, %scan3A_555, %gt3A_621 : i32
      %convert_element_type3A_623 = arith.extui %gt3A_622 : i1 to i32
      %cond3A_624 = arith.constant 0 : i32
      %cond3A_625 = arith.cmpi ne, %convert_element_type3A_623, %cond3A_624 : i32
      scf.if %cond3A_625 {
        %dma_wait3A_777 = arith.constant 0 : i32
        %dma_wait3A_778 = arith.constant 0 : i32
        %dma_wait3A_779 = tpu.memref_slice %arg8[%rem3A_557, %dma_wait3A_777, %dma_wait3A_778] : memref<2x8x32xi32, #tpu.memory_space<vmem>> -> memref<1x1x32xi32, #tpu.memory_space<vmem>>
        %dma_wait3A_780 = tpu.memref_squeeze %dma_wait3A_779 : memref<1x1x32xi32, #tpu.memory_space<vmem>> -> memref<32xi32, #tpu.memory_space<vmem>>
        %dma_wait3A_781 = arith.constant 0 : i32
        %dma_wait3A_782 = arith.constant 0 : i32
        %dma_wait3A_783 = tpu.memref_slice %arg6[%dma_wait3A_781, %dma_wait3A_782] : memref<10240x128xf32, #tpu.memory_space<vmem_shared>> -> memref<10240x128xf32, #tpu.memory_space<vmem_shared>>
        tpu.wait_indirect_dma semaphore(%arg30 : memref<!tpu.dma_semaphore, #tpu.memory_space<semaphore_mem>>) src(%arg14 : memref<32x128xf32, #tpu.memory_space<vmem>>) dst(%dma_wait3A_783 : memref<10240x128xf32, #tpu.memory_space<vmem_shared>>)
      } else {
      }
      %dma_start3A_626 = arith.constant 5 : i32
      %dma_start3A_627 = arith.constant 0 : i32
      %dma_start3A_628 = tpu.memref_slice %arg7[%rem3A_557, %dma_start3A_626, %dma_start3A_627] : memref<2x8x32xi32, #tpu.memory_space<vmem>> -> memref<1x1x32xi32, #tpu.memory_space<vmem>>
      %dma_start3A_629 = tpu.memref_squeeze %dma_start3A_628 : memref<1x1x32xi32, #tpu.memory_space<vmem>> -> memref<32xi32, #tpu.memory_space<vmem>>
      %dma_start3A_630 = arith.constant 0 : i32
      %dma_start3A_631 = arith.constant 0 : i32
      %dma_start3A_632 = tpu.memref_slice %arg2[%dma_start3A_630, %dma_start3A_631] : memref<10000x128xf32, #tpu.memory_space<hbm>> -> memref<10000x128xf32, #tpu.memory_space<hbm>>
      tpu.enqueue_indirect_dma source(%dma_start3A_632 : memref<10000x128xf32, #tpu.memory_space<hbm>>) target(%arg14 : memref<32x128xf32, #tpu.memory_space<vmem>>) offsets(%dma_start3A_629 : memref<32xi32, #tpu.memory_space<vmem>>) semaphore(%arg22 : memref<!tpu.dma_semaphore, #tpu.memory_space<semaphore_mem>>)
      %gt3A_633 = arith.constant 0 : i32
      %gt3A_634 = arith.cmpi sgt, %scan3A_555, %gt3A_633 : i32
      %convert_element_type3A_635 = arith.extui %gt3A_634 : i1 to i32
      %cond3A_636 = arith.constant 0 : i32
      %cond3A_637 = arith.cmpi ne, %convert_element_type3A_635, %cond3A_636 : i32
      scf.if %cond3A_637 {
        %dma_wait3A_777 = arith.constant 0 : i32
        %dma_wait3A_778 = arith.constant 0 : i32
        %dma_wait3A_779 = tpu.memref_slice %arg8[%rem3A_557, %dma_wait3A_777, %dma_wait3A_778] : memref<2x8x32xi32, #tpu.memory_space<vmem>> -> memref<1x1x32xi32, #tpu.memory_space<vmem>>
        %dma_wait3A_780 = tpu.memref_squeeze %dma_wait3A_779 : memref<1x1x32xi32, #tpu.memory_space<vmem>> -> memref<32xi32, #tpu.memory_space<vmem>>
        %dma_wait3A_781 = arith.constant 0 : i32
        %dma_wait3A_782 = arith.constant 0 : i32
        %dma_wait3A_783 = tpu.memref_slice %arg6[%dma_wait3A_781, %dma_wait3A_782] : memref<10240x128xf32, #tpu.memory_space<vmem_shared>> -> memref<10240x128xf32, #tpu.memory_space<vmem_shared>>
        tpu.wait_indirect_dma semaphore(%arg31 : memref<!tpu.dma_semaphore, #tpu.memory_space<semaphore_mem>>) src(%arg15 : memref<32x128xf32, #tpu.memory_space<vmem>>) dst(%dma_wait3A_783 : memref<10240x128xf32, #tpu.memory_space<vmem_shared>>)
      } else {
      }
      %dma_start3A_638 = arith.constant 6 : i32
      %dma_start3A_639 = arith.constant 0 : i32
      %dma_start3A_640 = tpu.memref_slice %arg7[%rem3A_557, %dma_start3A_638, %dma_start3A_639] : memref<2x8x32xi32, #tpu.memory_space<vmem>> -> memref<1x1x32xi32, #tpu.memory_space<vmem>>
      %dma_start3A_641 = tpu.memref_squeeze %dma_start3A_640 : memref<1x1x32xi32, #tpu.memory_space<vmem>> -> memref<32xi32, #tpu.memory_space<vmem>>
      %dma_start3A_642 = arith.constant 0 : i32
      %dma_start3A_643 = arith.constant 0 : i32
      %dma_start3A_644 = tpu.memref_slice %arg2[%dma_start3A_642, %dma_start3A_643] : memref<10000x128xf32, #tpu.memory_space<hbm>> -> memref<10000x128xf32, #tpu.memory_space<hbm>>
      tpu.enqueue_indirect_dma source(%dma_start3A_644 : memref<10000x128xf32, #tpu.memory_space<hbm>>) target(%arg15 : memref<32x128xf32, #tpu.memory_space<vmem>>) offsets(%dma_start3A_641 : memref<32xi32, #tpu.memory_space<vmem>>) semaphore(%arg23 : memref<!tpu.dma_semaphore, #tpu.memory_space<semaphore_mem>>)
      %gt3A_645 = arith.constant 0 : i32
      %gt3A_646 = arith.cmpi sgt, %scan3A_555, %gt3A_645 : i32
      %convert_element_type3A_647 = arith.extui %gt3A_646 : i1 to i32
      %cond3A_648 = arith.constant 0 : i32
      %cond3A_649 = arith.cmpi ne, %convert_element_type3A_647, %cond3A_648 : i32
      scf.if %cond3A_649 {
        %dma_wait3A_777 = arith.constant 0 : i32
        %dma_wait3A_778 = arith.constant 0 : i32
        %dma_wait3A_779 = tpu.memref_slice %arg8[%rem3A_557, %dma_wait3A_777, %dma_wait3A_778] : memref<2x8x32xi32, #tpu.memory_space<vmem>> -> memref<1x1x32xi32, #tpu.memory_space<vmem>>
        %dma_wait3A_780 = tpu.memref_squeeze %dma_wait3A_779 : memref<1x1x32xi32, #tpu.memory_space<vmem>> -> memref<32xi32, #tpu.memory_space<vmem>>
        %dma_wait3A_781 = arith.constant 0 : i32
        %dma_wait3A_782 = arith.constant 0 : i32
        %dma_wait3A_783 = tpu.memref_slice %arg6[%dma_wait3A_781, %dma_wait3A_782] : memref<10240x128xf32, #tpu.memory_space<vmem_shared>> -> memref<10240x128xf32, #tpu.memory_space<vmem_shared>>
        tpu.wait_indirect_dma semaphore(%arg32 : memref<!tpu.dma_semaphore, #tpu.memory_space<semaphore_mem>>) src(%arg16 : memref<32x128xf32, #tpu.memory_space<vmem>>) dst(%dma_wait3A_783 : memref<10240x128xf32, #tpu.memory_space<vmem_shared>>)
      } else {
      }
      %dma_start3A_650 = arith.constant 7 : i32
      %dma_start3A_651 = arith.constant 0 : i32
      %dma_start3A_652 = tpu.memref_slice %arg7[%rem3A_557, %dma_start3A_650, %dma_start3A_651] : memref<2x8x32xi32, #tpu.memory_space<vmem>> -> memref<1x1x32xi32, #tpu.memory_space<vmem>>
      %dma_start3A_653 = tpu.memref_squeeze %dma_start3A_652 : memref<1x1x32xi32, #tpu.memory_space<vmem>> -> memref<32xi32, #tpu.memory_space<vmem>>
      %dma_start3A_654 = arith.constant 0 : i32
      %dma_start3A_655 = arith.constant 0 : i32
      %dma_start3A_656 = tpu.memref_slice %arg2[%dma_start3A_654, %dma_start3A_655] : memref<10000x128xf32, #tpu.memory_space<hbm>> -> memref<10000x128xf32, #tpu.memory_space<hbm>>
      tpu.enqueue_indirect_dma source(%dma_start3A_656 : memref<10000x128xf32, #tpu.memory_space<hbm>>) target(%arg16 : memref<32x128xf32, #tpu.memory_space<vmem>>) offsets(%dma_start3A_653 : memref<32xi32, #tpu.memory_space<vmem>>) semaphore(%arg24 : memref<!tpu.dma_semaphore, #tpu.memory_space<semaphore_mem>>)
      %dma_wait3A_657 = arith.constant 0 : i32
      %dma_wait3A_658 = arith.constant 0 : i32
      %dma_wait3A_659 = tpu.memref_slice %arg7[%rem3A_557, %dma_wait3A_657, %dma_wait3A_658] : memref<2x8x32xi32, #tpu.memory_space<vmem>> -> memref<1x1x32xi32, #tpu.memory_space<vmem>>
      %dma_wait3A_660 = tpu.memref_squeeze %dma_wait3A_659 : memref<1x1x32xi32, #tpu.memory_space<vmem>> -> memref<32xi32, #tpu.memory_space<vmem>>
      %dma_wait3A_661 = arith.constant 0 : i32
      %dma_wait3A_662 = arith.constant 0 : i32
      %dma_wait3A_663 = tpu.memref_slice %arg2[%dma_wait3A_661, %dma_wait3A_662] : memref<10000x128xf32, #tpu.memory_space<hbm>> -> memref<10000x128xf32, #tpu.memory_space<hbm>>
      tpu.wait_indirect_dma semaphore(%arg17 : memref<!tpu.dma_semaphore, #tpu.memory_space<semaphore_mem>>) src(%dma_wait3A_663 : memref<10000x128xf32, #tpu.memory_space<hbm>>) dst(%arg9 : memref<32x128xf32, #tpu.memory_space<vmem>>)
      %dma_start3A_664 = arith.constant 0 : i32
      %dma_start3A_665 = arith.constant 0 : i32
      %dma_start3A_666 = tpu.memref_slice %arg8[%rem3A_557, %dma_start3A_664, %dma_start3A_665] : memref<2x8x32xi32, #tpu.memory_space<vmem>> -> memref<1x1x32xi32, #tpu.memory_space<vmem>>
      %dma_start3A_667 = tpu.memref_squeeze %dma_start3A_666 : memref<1x1x32xi32, #tpu.memory_space<vmem>> -> memref<32xi32, #tpu.memory_space<vmem>>
      %dma_start3A_668 = arith.constant 0 : i32
      %dma_start3A_669 = arith.constant 0 : i32
      %dma_start3A_670 = tpu.memref_slice %arg6[%dma_start3A_668, %dma_start3A_669] : memref<10240x128xf32, #tpu.memory_space<vmem_shared>> -> memref<10240x128xf32, #tpu.memory_space<vmem_shared>>
      tpu.enqueue_indirect_dma source(%arg9 : memref<32x128xf32, #tpu.memory_space<vmem>>) target(%dma_start3A_670 : memref<10240x128xf32, #tpu.memory_space<vmem_shared>>) offsets(%dma_start3A_667 : memref<32xi32, #tpu.memory_space<vmem>>) semaphore(%arg25 : memref<!tpu.dma_semaphore, #tpu.memory_space<semaphore_mem>>) {add = true}
      %dma_wait3A_671 = arith.constant 1 : i32
      %dma_wait3A_672 = arith.constant 0 : i32
      %dma_wait3A_673 = tpu.memref_slice %arg7[%rem3A_557, %dma_wait3A_671, %dma_wait3A_672] : memref<2x8x32xi32, #tpu.memory_space<vmem>> -> memref<1x1x32xi32, #tpu.memory_space<vmem>>
      %dma_wait3A_674 = tpu.memref_squeeze %dma_wait3A_673 : memref<1x1x32xi32, #tpu.memory_space<vmem>> -> memref<32xi32, #tpu.memory_space<vmem>>
      %dma_wait3A_675 = arith.constant 0 : i32
      %dma_wait3A_676 = arith.constant 0 : i32
      %dma_wait3A_677 = tpu.memref_slice %arg2[%dma_wait3A_675, %dma_wait3A_676] : memref<10000x128xf32, #tpu.memory_space<hbm>> -> memref<10000x128xf32, #tpu.memory_space<hbm>>
      tpu.wait_indirect_dma semaphore(%arg18 : memref<!tpu.dma_semaphore, #tpu.memory_space<semaphore_mem>>) src(%dma_wait3A_677 : memref<10000x128xf32, #tpu.memory_space<hbm>>) dst(%arg10 : memref<32x128xf32, #tpu.memory_space<vmem>>)
      %dma_start3A_678 = arith.constant 1 : i32
      %dma_start3A_679 = arith.constant 0 : i32
      %dma_start3A_680 = tpu.memref_slice %arg8[%rem3A_557, %dma_start3A_678, %dma_start3A_679] : memref<2x8x32xi32, #tpu.memory_space<vmem>> -> memref<1x1x32xi32, #tpu.memory_space<vmem>>
      %dma_start3A_681 = tpu.memref_squeeze %dma_start3A_680 : memref<1x1x32xi32, #tpu.memory_space<vmem>> -> memref<32xi32, #tpu.memory_space<vmem>>
      %dma_start3A_682 = arith.constant 0 : i32
      %dma_start3A_683 = arith.constant 0 : i32
      %dma_start3A_684 = tpu.memref_slice %arg6[%dma_start3A_682, %dma_start3A_683] : memref<10240x128xf32, #tpu.memory_space<vmem_shared>> -> memref<10240x128xf32, #tpu.memory_space<vmem_shared>>
      tpu.enqueue_indirect_dma source(%arg10 : memref<32x128xf32, #tpu.memory_space<vmem>>) target(%dma_start3A_684 : memref<10240x128xf32, #tpu.memory_space<vmem_shared>>) offsets(%dma_start3A_681 : memref<32xi32, #tpu.memory_space<vmem>>) semaphore(%arg26 : memref<!tpu.dma_semaphore, #tpu.memory_space<semaphore_mem>>) {add = true}
      %dma_wait3A_685 = arith.constant 2 : i32
      %dma_wait3A_686 = arith.constant 0 : i32
      %dma_wait3A_687 = tpu.memref_slice %arg7[%rem3A_557, %dma_wait3A_685, %dma_wait3A_686] : memref<2x8x32xi32, #tpu.memory_space<vmem>> -> memref<1x1x32xi32, #tpu.memory_space<vmem>>
      %dma_wait3A_688 = tpu.memref_squeeze %dma_wait3A_687 : memref<1x1x32xi32, #tpu.memory_space<vmem>> -> memref<32xi32, #tpu.memory_space<vmem>>
      %dma_wait3A_689 = arith.constant 0 : i32
      %dma_wait3A_690 = arith.constant 0 : i32
      %dma_wait3A_691 = tpu.memref_slice %arg2[%dma_wait3A_689, %dma_wait3A_690] : memref<10000x128xf32, #tpu.memory_space<hbm>> -> memref<10000x128xf32, #tpu.memory_space<hbm>>
      tpu.wait_indirect_dma semaphore(%arg19 : memref<!tpu.dma_semaphore, #tpu.memory_space<semaphore_mem>>) src(%dma_wait3A_691 : memref<10000x128xf32, #tpu.memory_space<hbm>>) dst(%arg11 : memref<32x128xf32, #tpu.memory_space<vmem>>)
      %dma_start3A_692 = arith.constant 2 : i32
      %dma_start3A_693 = arith.constant 0 : i32
      %dma_start3A_694 = tpu.memref_slice %arg8[%rem3A_557, %dma_start3A_692, %dma_start3A_693] : memref<2x8x32xi32, #tpu.memory_space<vmem>> -> memref<1x1x32xi32, #tpu.memory_space<vmem>>
      %dma_start3A_695 = tpu.memref_squeeze %dma_start3A_694 : memref<1x1x32xi32, #tpu.memory_space<vmem>> -> memref<32xi32, #tpu.memory_space<vmem>>
      %dma_start3A_696 = arith.constant 0 : i32
      %dma_start3A_697 = arith.constant 0 : i32
      %dma_start3A_698 = tpu.memref_slice %arg6[%dma_start3A_696, %dma_start3A_697] : memref<10240x128xf32, #tpu.memory_space<vmem_shared>> -> memref<10240x128xf32, #tpu.memory_space<vmem_shared>>
      tpu.enqueue_indirect_dma source(%arg11 : memref<32x128xf32, #tpu.memory_space<vmem>>) target(%dma_start3A_698 : memref<10240x128xf32, #tpu.memory_space<vmem_shared>>) offsets(%dma_start3A_695 : memref<32xi32, #tpu.memory_space<vmem>>) semaphore(%arg27 : memref<!tpu.dma_semaphore, #tpu.memory_space<semaphore_mem>>) {add = true}
      %dma_wait3A_699 = arith.constant 3 : i32
      %dma_wait3A_700 = arith.constant 0 : i32
      %dma_wait3A_701 = tpu.memref_slice %arg7[%rem3A_557, %dma_wait3A_699, %dma_wait3A_700] : memref<2x8x32xi32, #tpu.memory_space<vmem>> -> memref<1x1x32xi32, #tpu.memory_space<vmem>>
      %dma_wait3A_702 = tpu.memref_squeeze %dma_wait3A_701 : memref<1x1x32xi32, #tpu.memory_space<vmem>> -> memref<32xi32, #tpu.memory_space<vmem>>
      %dma_wait3A_703 = arith.constant 0 : i32
      %dma_wait3A_704 = arith.constant 0 : i32
      %dma_wait3A_705 = tpu.memref_slice %arg2[%dma_wait3A_703, %dma_wait3A_704] : memref<10000x128xf32, #tpu.memory_space<hbm>> -> memref<10000x128xf32, #tpu.memory_space<hbm>>
      tpu.wait_indirect_dma semaphore(%arg20 : memref<!tpu.dma_semaphore, #tpu.memory_space<semaphore_mem>>) src(%dma_wait3A_705 : memref<10000x128xf32, #tpu.memory_space<hbm>>) dst(%arg12 : memref<32x128xf32, #tpu.memory_space<vmem>>)
      %dma_start3A_706 = arith.constant 3 : i32
      %dma_start3A_707 = arith.constant 0 : i32
      %dma_start3A_708 = tpu.memref_slice %arg8[%rem3A_557, %dma_start3A_706, %dma_start3A_707] : memref<2x8x32xi32, #tpu.memory_space<vmem>> -> memref<1x1x32xi32, #tpu.memory_space<vmem>>
      %dma_start3A_709 = tpu.memref_squeeze %dma_start3A_708 : memref<1x1x32xi32, #tpu.memory_space<vmem>> -> memref<32xi32, #tpu.memory_space<vmem>>
      %dma_start3A_710 = arith.constant 0 : i32
      %dma_start3A_711 = arith.constant 0 : i32
      %dma_start3A_712 = tpu.memref_slice %arg6[%dma_start3A_710, %dma_start3A_711] : memref<10240x128xf32, #tpu.memory_space<vmem_shared>> -> memref<10240x128xf32, #tpu.memory_space<vmem_shared>>
      tpu.enqueue_indirect_dma source(%arg12 : memref<32x128xf32, #tpu.memory_space<vmem>>) target(%dma_start3A_712 : memref<10240x128xf32, #tpu.memory_space<vmem_shared>>) offsets(%dma_start3A_709 : memref<32xi32, #tpu.memory_space<vmem>>) semaphore(%arg28 : memref<!tpu.dma_semaphore, #tpu.memory_space<semaphore_mem>>) {add = true}
      %dma_wait3A_713 = arith.constant 4 : i32
      %dma_wait3A_714 = arith.constant 0 : i32
      %dma_wait3A_715 = tpu.memref_slice %arg7[%rem3A_557, %dma_wait3A_713, %dma_wait3A_714] : memref<2x8x32xi32, #tpu.memory_space<vmem>> -> memref<1x1x32xi32, #tpu.memory_space<vmem>>
      %dma_wait3A_716 = tpu.memref_squeeze %dma_wait3A_715 : memref<1x1x32xi32, #tpu.memory_space<vmem>> -> memref<32xi32, #tpu.memory_space<vmem>>
      %dma_wait3A_717 = arith.constant 0 : i32
      %dma_wait3A_718 = arith.constant 0 : i32
      %dma_wait3A_719 = tpu.memref_slice %arg2[%dma_wait3A_717, %dma_wait3A_718] : memref<10000x128xf32, #tpu.memory_space<hbm>> -> memref<10000x128xf32, #tpu.memory_space<hbm>>
      tpu.wait_indirect_dma semaphore(%arg21 : memref<!tpu.dma_semaphore, #tpu.memory_space<semaphore_mem>>) src(%dma_wait3A_719 : memref<10000x128xf32, #tpu.memory_space<hbm>>) dst(%arg13 : memref<32x128xf32, #tpu.memory_space<vmem>>)
      %dma_start3A_720 = arith.constant 4 : i32
      %dma_start3A_721 = arith.constant 0 : i32
      %dma_start3A_722 = tpu.memref_slice %arg8[%rem3A_557, %dma_start3A_720, %dma_start3A_721] : memref<2x8x32xi32, #tpu.memory_space<vmem>> -> memref<1x1x32xi32, #tpu.memory_space<vmem>>
      %dma_start3A_723 = tpu.memref_squeeze %dma_start3A_722 : memref<1x1x32xi32, #tpu.memory_space<vmem>> -> memref<32xi32, #tpu.memory_space<vmem>>
      %dma_start3A_724 = arith.constant 0 : i32
      %dma_start3A_725 = arith.constant 0 : i32
      %dma_start3A_726 = tpu.memref_slice %arg6[%dma_start3A_724, %dma_start3A_725] : memref<10240x128xf32, #tpu.memory_space<vmem_shared>> -> memref<10240x128xf32, #tpu.memory_space<vmem_shared>>
      tpu.enqueue_indirect_dma source(%arg13 : memref<32x128xf32, #tpu.memory_space<vmem>>) target(%dma_start3A_726 : memref<10240x128xf32, #tpu.memory_space<vmem_shared>>) offsets(%dma_start3A_723 : memref<32xi32, #tpu.memory_space<vmem>>) semaphore(%arg29 : memref<!tpu.dma_semaphore, #tpu.memory_space<semaphore_mem>>) {add = true}
      %dma_wait3A_727 = arith.constant 5 : i32
      %dma_wait3A_728 = arith.constant 0 : i32
      %dma_wait3A_729 = tpu.memref_slice %arg7[%rem3A_557, %dma_wait3A_727, %dma_wait3A_728] : memref<2x8x32xi32, #tpu.memory_space<vmem>> -> memref<1x1x32xi32, #tpu.memory_space<vmem>>
      %dma_wait3A_730 = tpu.memref_squeeze %dma_wait3A_729 : memref<1x1x32xi32, #tpu.memory_space<vmem>> -> memref<32xi32, #tpu.memory_space<vmem>>
      %dma_wait3A_731 = arith.constant 0 : i32
      %dma_wait3A_732 = arith.constant 0 : i32
      %dma_wait3A_733 = tpu.memref_slice %arg2[%dma_wait3A_731, %dma_wait3A_732] : memref<10000x128xf32, #tpu.memory_space<hbm>> -> memref<10000x128xf32, #tpu.memory_space<hbm>>
      tpu.wait_indirect_dma semaphore(%arg22 : memref<!tpu.dma_semaphore, #tpu.memory_space<semaphore_mem>>) src(%dma_wait3A_733 : memref<10000x128xf32, #tpu.memory_space<hbm>>) dst(%arg14 : memref<32x128xf32, #tpu.memory_space<vmem>>)
      %dma_start3A_734 = arith.constant 5 : i32
      %dma_start3A_735 = arith.constant 0 : i32
      %dma_start3A_736 = tpu.memref_slice %arg8[%rem3A_557, %dma_start3A_734, %dma_start3A_735] : memref<2x8x32xi32, #tpu.memory_space<vmem>> -> memref<1x1x32xi32, #tpu.memory_space<vmem>>
      %dma_start3A_737 = tpu.memref_squeeze %dma_start3A_736 : memref<1x1x32xi32, #tpu.memory_space<vmem>> -> memref<32xi32, #tpu.memory_space<vmem>>
      %dma_start3A_738 = arith.constant 0 : i32
      %dma_start3A_739 = arith.constant 0 : i32
      %dma_start3A_740 = tpu.memref_slice %arg6[%dma_start3A_738, %dma_start3A_739] : memref<10240x128xf32, #tpu.memory_space<vmem_shared>> -> memref<10240x128xf32, #tpu.memory_space<vmem_shared>>
      tpu.enqueue_indirect_dma source(%arg14 : memref<32x128xf32, #tpu.memory_space<vmem>>) target(%dma_start3A_740 : memref<10240x128xf32, #tpu.memory_space<vmem_shared>>) offsets(%dma_start3A_737 : memref<32xi32, #tpu.memory_space<vmem>>) semaphore(%arg30 : memref<!tpu.dma_semaphore, #tpu.memory_space<semaphore_mem>>) {add = true}
      %dma_wait3A_741 = arith.constant 6 : i32
      %dma_wait3A_742 = arith.constant 0 : i32
      %dma_wait3A_743 = tpu.memref_slice %arg7[%rem3A_557, %dma_wait3A_741, %dma_wait3A_742] : memref<2x8x32xi32, #tpu.memory_space<vmem>> -> memref<1x1x32xi32, #tpu.memory_space<vmem>>
      %dma_wait3A_744 = tpu.memref_squeeze %dma_wait3A_743 : memref<1x1x32xi32, #tpu.memory_space<vmem>> -> memref<32xi32, #tpu.memory_space<vmem>>
      %dma_wait3A_745 = arith.constant 0 : i32
      %dma_wait3A_746 = arith.constant 0 : i32
      %dma_wait3A_747 = tpu.memref_slice %arg2[%dma_wait3A_745, %dma_wait3A_746] : memref<10000x128xf32, #tpu.memory_space<hbm>> -> memref<10000x128xf32, #tpu.memory_space<hbm>>
      tpu.wait_indirect_dma semaphore(%arg23 : memref<!tpu.dma_semaphore, #tpu.memory_space<semaphore_mem>>) src(%dma_wait3A_747 : memref<10000x128xf32, #tpu.memory_space<hbm>>) dst(%arg15 : memref<32x128xf32, #tpu.memory_space<vmem>>)
      %dma_start3A_748 = arith.constant 6 : i32
      %dma_start3A_749 = arith.constant 0 : i32
      %dma_start3A_750 = tpu.memref_slice %arg8[%rem3A_557, %dma_start3A_748, %dma_start3A_749] : memref<2x8x32xi32, #tpu.memory_space<vmem>> -> memref<1x1x32xi32, #tpu.memory_space<vmem>>
      %dma_start3A_751 = tpu.memref_squeeze %dma_start3A_750 : memref<1x1x32xi32, #tpu.memory_space<vmem>> -> memref<32xi32, #tpu.memory_space<vmem>>
      %dma_start3A_752 = arith.constant 0 : i32
      %dma_start3A_753 = arith.constant 0 : i32
      %dma_start3A_754 = tpu.memref_slice %arg6[%dma_start3A_752, %dma_start3A_753] : memref<10240x128xf32, #tpu.memory_space<vmem_shared>> -> memref<10240x128xf32, #tpu.memory_space<vmem_shared>>
      tpu.enqueue_indirect_dma source(%arg15 : memref<32x128xf32, #tpu.memory_space<vmem>>) target(%dma_start3A_754 : memref<10240x128xf32, #tpu.memory_space<vmem_shared>>) offsets(%dma_start3A_751 : memref<32xi32, #tpu.memory_space<vmem>>) semaphore(%arg31 : memref<!tpu.dma_semaphore, #tpu.memory_space<semaphore_mem>>) {add = true}
      %dma_wait3A_755 = arith.constant 7 : i32
      %dma_wait3A_756 = arith.constant 0 : i32
      %dma_wait3A_757 = tpu.memref_slice %arg7[%rem3A_557, %dma_wait3A_755, %dma_wait3A_756] : memref<2x8x32xi32, #tpu.memory_space<vmem>> -> memref<1x1x32xi32, #tpu.memory_space<vmem>>
      %dma_wait3A_758 = tpu.memref_squeeze %dma_wait3A_757 : memref<1x1x32xi32, #tpu.memory_space<vmem>> -> memref<32xi32, #tpu.memory_space<vmem>>
      %dma_wait3A_759 = arith.constant 0 : i32
      %dma_wait3A_760 = arith.constant 0 : i32
      %dma_wait3A_761 = tpu.memref_slice %arg2[%dma_wait3A_759, %dma_wait3A_760] : memref<10000x128xf32, #tpu.memory_space<hbm>> -> memref<10000x128xf32, #tpu.memory_space<hbm>>
      tpu.wait_indirect_dma semaphore(%arg24 : memref<!tpu.dma_semaphore, #tpu.memory_space<semaphore_mem>>) src(%dma_wait3A_761 : memref<10000x128xf32, #tpu.memory_space<hbm>>) dst(%arg16 : memref<32x128xf32, #tpu.memory_space<vmem>>)
      %dma_start3A_762 = arith.constant 7 : i32
      %dma_start3A_763 = arith.constant 0 : i32
      %dma_start3A_764 = tpu.memref_slice %arg8[%rem3A_557, %dma_start3A_762, %dma_start3A_763] : memref<2x8x32xi32, #tpu.memory_space<vmem>> -> memref<1x1x32xi32, #tpu.memory_space<vmem>>
      %dma_start3A_765 = tpu.memref_squeeze %dma_start3A_764 : memref<1x1x32xi32, #tpu.memory_space<vmem>> -> memref<32xi32, #tpu.memory_space<vmem>>
      %dma_start3A_766 = arith.constant 0 : i32
      %dma_start3A_767 = arith.constant 0 : i32
      %dma_start3A_768 = tpu.memref_slice %arg6[%dma_start3A_766, %dma_start3A_767] : memref<10240x128xf32, #tpu.memory_space<vmem_shared>> -> memref<10240x128xf32, #tpu.memory_space<vmem_shared>>
      tpu.enqueue_indirect_dma source(%arg16 : memref<32x128xf32, #tpu.memory_space<vmem>>) target(%dma_start3A_768 : memref<10240x128xf32, #tpu.memory_space<vmem_shared>>) offsets(%dma_start3A_765 : memref<32xi32, #tpu.memory_space<vmem>>) semaphore(%arg32 : memref<!tpu.dma_semaphore, #tpu.memory_space<semaphore_mem>>) {add = true}
      %add3A_769 = arith.constant 1 : i32
      %add3A_770 = arith.addi %scan3A_555, %add3A_769 : i32
      %lt3A_771 = arith.constant 40 : i32
      %lt3A_772 = arith.cmpi slt, %add3A_770, %lt3A_771 : i32
      %convert_element_type3A_773 = arith.extui %lt3A_772 : i1 to i32
      %cond3A_774 = arith.constant 0 : i32
      %cond3A_775 = arith.cmpi ne, %convert_element_type3A_773, %cond3A_774 : i32
      scf.if %cond3A_775 {
        %add3A_777 = arith.constant 1 : i32
        %add3A_778 = arith.addi %scan3A_555, %add3A_777 : i32
        %mul3A_779 = arith.constant 8 : i32
        %mul3A_780 = arith.muli %add3A_778, %mul3A_779 : i32
        %sub3A = arith.constant 1 : i32
        %sub3A_781 = arith.subi %sub3A, %rem3A_557 : i32
        %dma_wait3A_782 = arith.constant 0 : i32
        %dma_wait3A_783 = arith.constant 0 : i32
        %dma_wait3A_784 = tpu.memref_slice %arg7[%sub3A_781, %dma_wait3A_782, %dma_wait3A_783] : memref<2x8x32xi32, #tpu.memory_space<vmem>> -> memref<1x8x32xi32, #tpu.memory_space<vmem>>
        %dma_wait3A_785 = tpu.memref_squeeze %dma_wait3A_784 : memref<1x8x32xi32, #tpu.memory_space<vmem>> -> memref<8x32xi32, #tpu.memory_space<vmem>>
        %dma_wait3A_786 = arith.constant 0 : i32
        %dma_wait3A_787 = tpu.memref_slice %arg3[%add3A, %mul3A_780, %dma_wait3A_786] : memref<32x320x32xi32, #tpu.memory_space<hbm>> -> memref<1x8x32xi32, #tpu.memory_space<hbm>>
        %dma_wait3A_788 = tpu.memref_squeeze %dma_wait3A_787 : memref<1x8x32xi32, #tpu.memory_space<hbm>> -> memref<8x32xi32, #tpu.memory_space<hbm>>
        %dma_wait3A_789 = arith.constant 0 : i32
        %dma_wait3A_790 = arith.constant 0 : i32
        %dma_wait3A_791 = tpu.memref_slice %arg7[%sub3A_781, %dma_wait3A_789, %dma_wait3A_790] : memref<2x8x32xi32, #tpu.memory_space<vmem>> -> memref<1x8x32xi32, #tpu.memory_space<vmem>>
        %dma_wait3A_792 = tpu.memref_squeeze %dma_wait3A_791 : memref<1x8x32xi32, #tpu.memory_space<vmem>> -> memref<8x32xi32, #tpu.memory_space<vmem>>
        %dma_wait3A_793 = arith.constant 0 : i32
        %dma_wait3A_794 = tpu.memref_slice %arg3[%add3A, %mul3A_780, %dma_wait3A_793] : memref<32x320x32xi32, #tpu.memory_space<hbm>> -> memref<1x8x32xi32, #tpu.memory_space<hbm>>
        %dma_wait3A_795 = tpu.memref_squeeze %dma_wait3A_794 : memref<1x8x32xi32, #tpu.memory_space<hbm>> -> memref<8x32xi32, #tpu.memory_space<hbm>>
        tpu.wait_dma2 semaphore(%arg33 : memref<!tpu.dma_semaphore, #tpu.memory_space<semaphore_mem>>) src(%dma_wait3A_795 : memref<8x32xi32, #tpu.memory_space<hbm>>) dst(%dma_wait3A_792 : memref<8x32xi32, #tpu.memory_space<vmem>>)
        %add3A_796 = arith.constant 1 : i32
        %add3A_797 = arith.addi %scan3A_555, %add3A_796 : i32
        %mul3A_798 = arith.constant 8 : i32
        %mul3A_799 = arith.muli %add3A_797, %mul3A_798 : i32
        %sub3A_800 = arith.constant 1 : i32
        %sub3A_801 = arith.subi %sub3A_800, %rem3A_557 : i32
        %dma_wait3A_802 = arith.constant 0 : i32
        %dma_wait3A_803 = arith.constant 0 : i32
        %dma_wait3A_804 = tpu.memref_slice %arg8[%sub3A_801, %dma_wait3A_802, %dma_wait3A_803] : memref<2x8x32xi32, #tpu.memory_space<vmem>> -> memref<1x8x32xi32, #tpu.memory_space<vmem>>
        %dma_wait3A_805 = tpu.memref_squeeze %dma_wait3A_804 : memref<1x8x32xi32, #tpu.memory_space<vmem>> -> memref<8x32xi32, #tpu.memory_space<vmem>>
        %dma_wait3A_806 = arith.constant 0 : i32
        %dma_wait3A_807 = tpu.memref_slice %arg4[%add3A, %mul3A_799, %dma_wait3A_806] : memref<32x320x32xi32, #tpu.memory_space<hbm>> -> memref<1x8x32xi32, #tpu.memory_space<hbm>>
        %dma_wait3A_808 = tpu.memref_squeeze %dma_wait3A_807 : memref<1x8x32xi32, #tpu.memory_space<hbm>> -> memref<8x32xi32, #tpu.memory_space<hbm>>
        %dma_wait3A_809 = arith.constant 0 : i32
        %dma_wait3A_810 = arith.constant 0 : i32
        %dma_wait3A_811 = tpu.memref_slice %arg8[%sub3A_801, %dma_wait3A_809, %dma_wait3A_810] : memref<2x8x32xi32, #tpu.memory_space<vmem>> -> memref<1x8x32xi32, #tpu.memory_space<vmem>>
        %dma_wait3A_812 = tpu.memref_squeeze %dma_wait3A_811 : memref<1x8x32xi32, #tpu.memory_space<vmem>> -> memref<8x32xi32, #tpu.memory_space<vmem>>
        %dma_wait3A_813 = arith.constant 0 : i32
        %dma_wait3A_814 = tpu.memref_slice %arg4[%add3A, %mul3A_799, %dma_wait3A_813] : memref<32x320x32xi32, #tpu.memory_space<hbm>> -> memref<1x8x32xi32, #tpu.memory_space<hbm>>
        %dma_wait3A_815 = tpu.memref_squeeze %dma_wait3A_814 : memref<1x8x32xi32, #tpu.memory_space<hbm>> -> memref<8x32xi32, #tpu.memory_space<hbm>>
        tpu.wait_dma2 semaphore(%arg34 : memref<!tpu.dma_semaphore, #tpu.memory_space<semaphore_mem>>) src(%dma_wait3A_815 : memref<8x32xi32, #tpu.memory_space<hbm>>) dst(%dma_wait3A_812 : memref<8x32xi32, #tpu.memory_space<vmem>>)
      } else {
      }
      %scan3A_776 = arith.constant 0 : i32
      scf.yield %scan3A_776 : i32
    }
    %scan3A_399 = arith.constant 40 : i32
    %dma_wait3A_400 = arith.constant 0 : i32
    %dma_wait3A_401 = arith.constant 0 : i32
    %dma_wait3A_402 = arith.constant 0 : i32
    %dma_wait3A_403 = tpu.memref_slice %arg8[%dma_wait3A_400, %dma_wait3A_401, %dma_wait3A_402] : memref<2x8x32xi32, #tpu.memory_space<vmem>> -> memref<1x1x32xi32, #tpu.memory_space<vmem>>
    %dma_wait3A_404 = tpu.memref_squeeze %dma_wait3A_403 : memref<1x1x32xi32, #tpu.memory_space<vmem>> -> memref<32xi32, #tpu.memory_space<vmem>>
    %dma_wait3A_405 = arith.constant 0 : i32
    %dma_wait3A_406 = arith.constant 0 : i32
    %dma_wait3A_407 = tpu.memref_slice %arg6[%dma_wait3A_405, %dma_wait3A_406] : memref<10240x128xf32, #tpu.memory_space<vmem_shared>> -> memref<10240x128xf32, #tpu.memory_space<vmem_shared>>
    tpu.wait_indirect_dma semaphore(%arg25 : memref<!tpu.dma_semaphore, #tpu.memory_space<semaphore_mem>>) src(%arg9 : memref<32x128xf32, #tpu.memory_space<vmem>>) dst(%dma_wait3A_407 : memref<10240x128xf32, #tpu.memory_space<vmem_shared>>)
    %dma_wait3A_408 = arith.constant 0 : i32
    %dma_wait3A_409 = arith.constant 0 : i32
    %dma_wait3A_410 = arith.constant 0 : i32
    %dma_wait3A_411 = tpu.memref_slice %arg8[%dma_wait3A_408, %dma_wait3A_409, %dma_wait3A_410] : memref<2x8x32xi32, #tpu.memory_space<vmem>> -> memref<1x1x32xi32, #tpu.memory_space<vmem>>
    %dma_wait3A_412 = tpu.memref_squeeze %dma_wait3A_411 : memref<1x1x32xi32, #tpu.memory_space<vmem>> -> memref<32xi32, #tpu.memory_space<vmem>>
    %dma_wait3A_413 = arith.constant 0 : i32
    %dma_wait3A_414 = arith.constant 0 : i32
    %dma_wait3A_415 = tpu.memref_slice %arg6[%dma_wait3A_413, %dma_wait3A_414] : memref<10240x128xf32, #tpu.memory_space<vmem_shared>> -> memref<10240x128xf32, #tpu.memory_space<vmem_shared>>
    tpu.wait_indirect_dma semaphore(%arg26 : memref<!tpu.dma_semaphore, #tpu.memory_space<semaphore_mem>>) src(%arg10 : memref<32x128xf32, #tpu.memory_space<vmem>>) dst(%dma_wait3A_415 : memref<10240x128xf32, #tpu.memory_space<vmem_shared>>)
    %dma_wait3A_416 = arith.constant 0 : i32
    %dma_wait3A_417 = arith.constant 0 : i32
    %dma_wait3A_418 = arith.constant 0 : i32
    %dma_wait3A_419 = tpu.memref_slice %arg8[%dma_wait3A_416, %dma_wait3A_417, %dma_wait3A_418] : memref<2x8x32xi32, #tpu.memory_space<vmem>> -> memref<1x1x32xi32, #tpu.memory_space<vmem>>
    %dma_wait3A_420 = tpu.memref_squeeze %dma_wait3A_419 : memref<1x1x32xi32, #tpu.memory_space<vmem>> -> memref<32xi32, #tpu.memory_space<vmem>>
    %dma_wait3A_421 = arith.constant 0 : i32
    %dma_wait3A_422 = arith.constant 0 : i32
    %dma_wait3A_423 = tpu.memref_slice %arg6[%dma_wait3A_421, %dma_wait3A_422] : memref<10240x128xf32, #tpu.memory_space<vmem_shared>> -> memref<10240x128xf32, #tpu.memory_space<vmem_shared>>
    tpu.wait_indirect_dma semaphore(%arg27 : memref<!tpu.dma_semaphore, #tpu.memory_space<semaphore_mem>>) src(%arg11 : memref<32x128xf32, #tpu.memory_space<vmem>>) dst(%dma_wait3A_423 : memref<10240x128xf32, #tpu.memory_space<vmem_shared>>)
    %dma_wait3A_424 = arith.constant 0 : i32
    %dma_wait3A_425 = arith.constant 0 : i32
    %dma_wait3A_426 = arith.constant 0 : i32
    %dma_wait3A_427 = tpu.memref_slice %arg8[%dma_wait3A_424, %dma_wait3A_425, %dma_wait3A_426] : memref<2x8x32xi32, #tpu.memory_space<vmem>> -> memref<1x1x32xi32, #tpu.memory_space<vmem>>
    %dma_wait3A_428 = tpu.memref_squeeze %dma_wait3A_427 : memref<1x1x32xi32, #tpu.memory_space<vmem>> -> memref<32xi32, #tpu.memory_space<vmem>>
    %dma_wait3A_429 = arith.constant 0 : i32
    %dma_wait3A_430 = arith.constant 0 : i32
    %dma_wait3A_431 = tpu.memref_slice %arg6[%dma_wait3A_429, %dma_wait3A_430] : memref<10240x128xf32, #tpu.memory_space<vmem_shared>> -> memref<10240x128xf32, #tpu.memory_space<vmem_shared>>
    tpu.wait_indirect_dma semaphore(%arg28 : memref<!tpu.dma_semaphore, #tpu.memory_space<semaphore_mem>>) src(%arg12 : memref<32x128xf32, #tpu.memory_space<vmem>>) dst(%dma_wait3A_431 : memref<10240x128xf32, #tpu.memory_space<vmem_shared>>)
    %dma_wait3A_432 = arith.constant 0 : i32
    %dma_wait3A_433 = arith.constant 0 : i32
    %dma_wait3A_434 = arith.constant 0 : i32
    %dma_wait3A_435 = tpu.memref_slice %arg8[%dma_wait3A_432, %dma_wait3A_433, %dma_wait3A_434] : memref<2x8x32xi32, #tpu.memory_space<vmem>> -> memref<1x1x32xi32, #tpu.memory_space<vmem>>
    %dma_wait3A_436 = tpu.memref_squeeze %dma_wait3A_435 : memref<1x1x32xi32, #tpu.memory_space<vmem>> -> memref<32xi32, #tpu.memory_space<vmem>>
    %dma_wait3A_437 = arith.constant 0 : i32
    %dma_wait3A_438 = arith.constant 0 : i32
    %dma_wait3A_439 = tpu.memref_slice %arg6[%dma_wait3A_437, %dma_wait3A_438] : memref<10240x128xf32, #tpu.memory_space<vmem_shared>> -> memref<10240x128xf32, #tpu.memory_space<vmem_shared>>
    tpu.wait_indirect_dma semaphore(%arg29 : memref<!tpu.dma_semaphore, #tpu.memory_space<semaphore_mem>>) src(%arg13 : memref<32x128xf32, #tpu.memory_space<vmem>>) dst(%dma_wait3A_439 : memref<10240x128xf32, #tpu.memory_space<vmem_shared>>)
    %dma_wait3A_440 = arith.constant 0 : i32
    %dma_wait3A_441 = arith.constant 0 : i32
    %dma_wait3A_442 = arith.constant 0 : i32
    %dma_wait3A_443 = tpu.memref_slice %arg8[%dma_wait3A_440, %dma_wait3A_441, %dma_wait3A_442] : memref<2x8x32xi32, #tpu.memory_space<vmem>> -> memref<1x1x32xi32, #tpu.memory_space<vmem>>
    %dma_wait3A_444 = tpu.memref_squeeze %dma_wait3A_443 : memref<1x1x32xi32, #tpu.memory_space<vmem>> -> memref<32xi32, #tpu.memory_space<vmem>>
    %dma_wait3A_445 = arith.constant 0 : i32
    %dma_wait3A_446 = arith.constant 0 : i32
    %dma_wait3A_447 = tpu.memref_slice %arg6[%dma_wait3A_445, %dma_wait3A_446] : memref<10240x128xf32, #tpu.memory_space<vmem_shared>> -> memref<10240x128xf32, #tpu.memory_space<vmem_shared>>
    tpu.wait_indirect_dma semaphore(%arg30 : memref<!tpu.dma_semaphore, #tpu.memory_space<semaphore_mem>>) src(%arg14 : memref<32x128xf32, #tpu.memory_space<vmem>>) dst(%dma_wait3A_447 : memref<10240x128xf32, #tpu.memory_space<vmem_shared>>)
    %dma_wait3A_448 = arith.constant 0 : i32
    %dma_wait3A_449 = arith.constant 0 : i32
    %dma_wait3A_450 = arith.constant 0 : i32
    %dma_wait3A_451 = tpu.memref_slice %arg8[%dma_wait3A_448, %dma_wait3A_449, %dma_wait3A_450] : memref<2x8x32xi32, #tpu.memory_space<vmem>> -> memref<1x1x32xi32, #tpu.memory_space<vmem>>
    %dma_wait3A_452 = tpu.memref_squeeze %dma_wait3A_451 : memref<1x1x32xi32, #tpu.memory_space<vmem>> -> memref<32xi32, #tpu.memory_space<vmem>>
    %dma_wait3A_453 = arith.constant 0 : i32
    %dma_wait3A_454 = arith.constant 0 : i32
    %dma_wait3A_455 = tpu.memref_slice %arg6[%dma_wait3A_453, %dma_wait3A_454] : memref<10240x128xf32, #tpu.memory_space<vmem_shared>> -> memref<10240x128xf32, #tpu.memory_space<vmem_shared>>
    tpu.wait_indirect_dma semaphore(%arg31 : memref<!tpu.dma_semaphore, #tpu.memory_space<semaphore_mem>>) src(%arg15 : memref<32x128xf32, #tpu.memory_space<vmem>>) dst(%dma_wait3A_455 : memref<10240x128xf32, #tpu.memory_space<vmem_shared>>)
    %dma_wait3A_456 = arith.constant 0 : i32
    %dma_wait3A_457 = arith.constant 0 : i32
    %dma_wait3A_458 = arith.constant 0 : i32
    %dma_wait3A_459 = tpu.memref_slice %arg8[%dma_wait3A_456, %dma_wait3A_457, %dma_wait3A_458] : memref<2x8x32xi32, #tpu.memory_space<vmem>> -> memref<1x1x32xi32, #tpu.memory_space<vmem>>
    %dma_wait3A_460 = tpu.memref_squeeze %dma_wait3A_459 : memref<1x1x32xi32, #tpu.memory_space<vmem>> -> memref<32xi32, #tpu.memory_space<vmem>>
    %dma_wait3A_461 = arith.constant 0 : i32
    %dma_wait3A_462 = arith.constant 0 : i32
    %dma_wait3A_463 = tpu.memref_slice %arg6[%dma_wait3A_461, %dma_wait3A_462] : memref<10240x128xf32, #tpu.memory_space<vmem_shared>> -> memref<10240x128xf32, #tpu.memory_space<vmem_shared>>
    tpu.wait_indirect_dma semaphore(%arg32 : memref<!tpu.dma_semaphore, #tpu.memory_space<semaphore_mem>>) src(%arg16 : memref<32x128xf32, #tpu.memory_space<vmem>>) dst(%dma_wait3A_463 : memref<10240x128xf32, #tpu.memory_space<vmem_shared>>)
    %barrier3A_464 = arith.constant 0 : index
    tpu.barrier barrier_id(%barrier3A_464)
    %mul3A_465 = arith.constant 640 : i32
    %mul3A_466 = arith.muli %arg1, %mul3A_465 : i32
    %add3A_467 = arith.constant 0 : i32
    %add3A_468 = arith.addi %mul3A_466, %add3A_467 : i32
    %dma_start3A_469 = arith.constant 0 : i32
    %dma_start3A_470 = tpu.memref_slice %arg5[%arg0, %add3A_468, %dma_start3A_469] : memref<2x10240x128xf32, #tpu.memory_space<hbm>> -> memref<1x128x128xf32, #tpu.memory_space<hbm>>
    %dma_start3A_471 = tpu.memref_squeeze %dma_start3A_470 : memref<1x128x128xf32, #tpu.memory_space<hbm>> -> memref<128x128xf32, #tpu.memory_space<hbm>>
    %dma_start3A_472 = arith.constant 0 : i32
    %dma_start3A_473 = tpu.memref_slice %arg6[%add3A_468, %dma_start3A_472] : memref<10240x128xf32, #tpu.memory_space<vmem_shared>> -> memref<128x128xf32, #tpu.memory_space<vmem_shared>>
    tpu.enqueue_dma source(%dma_start3A_473 : memref<128x128xf32, #tpu.memory_space<vmem_shared>>) target(%dma_start3A_471 : memref<128x128xf32, #tpu.memory_space<hbm>>) target_semaphore(%arg17 : memref<!tpu.dma_semaphore, #tpu.memory_space<semaphore_mem>>)
    %mul3A_474 = arith.constant 640 : i32
    %mul3A_475 = arith.muli %arg1, %mul3A_474 : i32
    %add3A_476 = arith.constant 128 : i32
    %add3A_477 = arith.addi %mul3A_475, %add3A_476 : i32
    %dma_start3A_478 = arith.constant 0 : i32
    %dma_start3A_479 = tpu.memref_slice %arg5[%arg0, %add3A_477, %dma_start3A_478] : memref<2x10240x128xf32, #tpu.memory_space<hbm>> -> memref<1x128x128xf32, #tpu.memory_space<hbm>>
    %dma_start3A_480 = tpu.memref_squeeze %dma_start3A_479 : memref<1x128x128xf32, #tpu.memory_space<hbm>> -> memref<128x128xf32, #tpu.memory_space<hbm>>
    %dma_start3A_481 = arith.constant 0 : i32
    %dma_start3A_482 = tpu.memref_slice %arg6[%add3A_477, %dma_start3A_481] : memref<10240x128xf32, #tpu.memory_space<vmem_shared>> -> memref<128x128xf32, #tpu.memory_space<vmem_shared>>
    tpu.enqueue_dma source(%dma_start3A_482 : memref<128x128xf32, #tpu.memory_space<vmem_shared>>) target(%dma_start3A_480 : memref<128x128xf32, #tpu.memory_space<hbm>>) target_semaphore(%arg18 : memref<!tpu.dma_semaphore, #tpu.memory_space<semaphore_mem>>)
    %mul3A_483 = arith.constant 640 : i32
    %mul3A_484 = arith.muli %arg1, %mul3A_483 : i32
    %add3A_485 = arith.constant 256 : i32
    %add3A_486 = arith.addi %mul3A_484, %add3A_485 : i32
    %dma_start3A_487 = arith.constant 0 : i32
    %dma_start3A_488 = tpu.memref_slice %arg5[%arg0, %add3A_486, %dma_start3A_487] : memref<2x10240x128xf32, #tpu.memory_space<hbm>> -> memref<1x128x128xf32, #tpu.memory_space<hbm>>
    %dma_start3A_489 = tpu.memref_squeeze %dma_start3A_488 : memref<1x128x128xf32, #tpu.memory_space<hbm>> -> memref<128x128xf32, #tpu.memory_space<hbm>>
    %dma_start3A_490 = arith.constant 0 : i32
    %dma_start3A_491 = tpu.memref_slice %arg6[%add3A_486, %dma_start3A_490] : memref<10240x128xf32, #tpu.memory_space<vmem_shared>> -> memref<128x128xf32, #tpu.memory_space<vmem_shared>>
    tpu.enqueue_dma source(%dma_start3A_491 : memref<128x128xf32, #tpu.memory_space<vmem_shared>>) target(%dma_start3A_489 : memref<128x128xf32, #tpu.memory_space<hbm>>) target_semaphore(%arg19 : memref<!tpu.dma_semaphore, #tpu.memory_space<semaphore_mem>>)
    %mul3A_492 = arith.constant 640 : i32
    %mul3A_493 = arith.muli %arg1, %mul3A_492 : i32
    %add3A_494 = arith.constant 384 : i32
    %add3A_495 = arith.addi %mul3A_493, %add3A_494 : i32
    %dma_start3A_496 = arith.constant 0 : i32
    %dma_start3A_497 = tpu.memref_slice %arg5[%arg0, %add3A_495, %dma_start3A_496] : memref<2x10240x128xf32, #tpu.memory_space<hbm>> -> memref<1x128x128xf32, #tpu.memory_space<hbm>>
    %dma_start3A_498 = tpu.memref_squeeze %dma_start3A_497 : memref<1x128x128xf32, #tpu.memory_space<hbm>> -> memref<128x128xf32, #tpu.memory_space<hbm>>
    %dma_start3A_499 = arith.constant 0 : i32
    %dma_start3A_500 = tpu.memref_slice %arg6[%add3A_495, %dma_start3A_499] : memref<10240x128xf32, #tpu.memory_space<vmem_shared>> -> memref<128x128xf32, #tpu.memory_space<vmem_shared>>
    tpu.enqueue_dma source(%dma_start3A_500 : memref<128x128xf32, #tpu.memory_space<vmem_shared>>) target(%dma_start3A_498 : memref<128x128xf32, #tpu.memory_space<hbm>>) target_semaphore(%arg20 : memref<!tpu.dma_semaphore, #tpu.memory_space<semaphore_mem>>)
    %mul3A_501 = arith.constant 640 : i32
    %mul3A_502 = arith.muli %arg1, %mul3A_501 : i32
    %add3A_503 = arith.constant 512 : i32
    %add3A_504 = arith.addi %mul3A_502, %add3A_503 : i32
    %dma_start3A_505 = arith.constant 0 : i32
    %dma_start3A_506 = tpu.memref_slice %arg5[%arg0, %add3A_504, %dma_start3A_505] : memref<2x10240x128xf32, #tpu.memory_space<hbm>> -> memref<1x128x128xf32, #tpu.memory_space<hbm>>
    %dma_start3A_507 = tpu.memref_squeeze %dma_start3A_506 : memref<1x128x128xf32, #tpu.memory_space<hbm>> -> memref<128x128xf32, #tpu.memory_space<hbm>>
    %dma_start3A_508 = arith.constant 0 : i32
    %dma_start3A_509 = tpu.memref_slice %arg6[%add3A_504, %dma_start3A_508] : memref<10240x128xf32, #tpu.memory_space<vmem_shared>> -> memref<128x128xf32, #tpu.memory_space<vmem_shared>>
    tpu.enqueue_dma source(%dma_start3A_509 : memref<128x128xf32, #tpu.memory_space<vmem_shared>>) target(%dma_start3A_507 : memref<128x128xf32, #tpu.memory_space<hbm>>) target_semaphore(%arg21 : memref<!tpu.dma_semaphore, #tpu.memory_space<semaphore_mem>>)
    %mul3A_510 = arith.constant 640 : i32
    %mul3A_511 = arith.muli %arg1, %mul3A_510 : i32
    %add3A_512 = arith.constant 0 : i32
    %add3A_513 = arith.addi %mul3A_511, %add3A_512 : i32
    %dma_wait3A_514 = arith.constant 0 : i32
    %dma_wait3A_515 = tpu.memref_slice %arg5[%arg0, %add3A_513, %dma_wait3A_514] : memref<2x10240x128xf32, #tpu.memory_space<hbm>> -> memref<1x128x128xf32, #tpu.memory_space<hbm>>
    %dma_wait3A_516 = tpu.memref_squeeze %dma_wait3A_515 : memref<1x128x128xf32, #tpu.memory_space<hbm>> -> memref<128x128xf32, #tpu.memory_space<hbm>>
    %dma_wait3A_517 = arith.constant 0 : i32
    %dma_wait3A_518 = tpu.memref_slice %arg6[%add3A_513, %dma_wait3A_517] : memref<10240x128xf32, #tpu.memory_space<vmem_shared>> -> memref<128x128xf32, #tpu.memory_space<vmem_shared>>
    tpu.wait_dma2 semaphore(%arg17 : memref<!tpu.dma_semaphore, #tpu.memory_space<semaphore_mem>>) src(%dma_wait3A_518 : memref<128x128xf32, #tpu.memory_space<vmem_shared>>) dst(%dma_wait3A_516 : memref<128x128xf32, #tpu.memory_space<hbm>>)
    %mul3A_519 = arith.constant 640 : i32
    %mul3A_520 = arith.muli %arg1, %mul3A_519 : i32
    %add3A_521 = arith.constant 128 : i32
    %add3A_522 = arith.addi %mul3A_520, %add3A_521 : i32
    %dma_wait3A_523 = arith.constant 0 : i32
    %dma_wait3A_524 = tpu.memref_slice %arg5[%arg0, %add3A_522, %dma_wait3A_523] : memref<2x10240x128xf32, #tpu.memory_space<hbm>> -> memref<1x128x128xf32, #tpu.memory_space<hbm>>
    %dma_wait3A_525 = tpu.memref_squeeze %dma_wait3A_524 : memref<1x128x128xf32, #tpu.memory_space<hbm>> -> memref<128x128xf32, #tpu.memory_space<hbm>>
    %dma_wait3A_526 = arith.constant 0 : i32
    %dma_wait3A_527 = tpu.memref_slice %arg6[%add3A_522, %dma_wait3A_526] : memref<10240x128xf32, #tpu.memory_space<vmem_shared>> -> memref<128x128xf32, #tpu.memory_space<vmem_shared>>
    tpu.wait_dma2 semaphore(%arg18 : memref<!tpu.dma_semaphore, #tpu.memory_space<semaphore_mem>>) src(%dma_wait3A_527 : memref<128x128xf32, #tpu.memory_space<vmem_shared>>) dst(%dma_wait3A_525 : memref<128x128xf32, #tpu.memory_space<hbm>>)
    %mul3A_528 = arith.constant 640 : i32
    %mul3A_529 = arith.muli %arg1, %mul3A_528 : i32
    %add3A_530 = arith.constant 256 : i32
    %add3A_531 = arith.addi %mul3A_529, %add3A_530 : i32
    %dma_wait3A_532 = arith.constant 0 : i32
    %dma_wait3A_533 = tpu.memref_slice %arg5[%arg0, %add3A_531, %dma_wait3A_532] : memref<2x10240x128xf32, #tpu.memory_space<hbm>> -> memref<1x128x128xf32, #tpu.memory_space<hbm>>
    %dma_wait3A_534 = tpu.memref_squeeze %dma_wait3A_533 : memref<1x128x128xf32, #tpu.memory_space<hbm>> -> memref<128x128xf32, #tpu.memory_space<hbm>>
    %dma_wait3A_535 = arith.constant 0 : i32
    %dma_wait3A_536 = tpu.memref_slice %arg6[%add3A_531, %dma_wait3A_535] : memref<10240x128xf32, #tpu.memory_space<vmem_shared>> -> memref<128x128xf32, #tpu.memory_space<vmem_shared>>
    tpu.wait_dma2 semaphore(%arg19 : memref<!tpu.dma_semaphore, #tpu.memory_space<semaphore_mem>>) src(%dma_wait3A_536 : memref<128x128xf32, #tpu.memory_space<vmem_shared>>) dst(%dma_wait3A_534 : memref<128x128xf32, #tpu.memory_space<hbm>>)
    %mul3A_537 = arith.constant 640 : i32
    %mul3A_538 = arith.muli %arg1, %mul3A_537 : i32
    %add3A_539 = arith.constant 384 : i32
    %add3A_540 = arith.addi %mul3A_538, %add3A_539 : i32
    %dma_wait3A_541 = arith.constant 0 : i32
    %dma_wait3A_542 = tpu.memref_slice %arg5[%arg0, %add3A_540, %dma_wait3A_541] : memref<2x10240x128xf32, #tpu.memory_space<hbm>> -> memref<1x128x128xf32, #tpu.memory_space<hbm>>
    %dma_wait3A_543 = tpu.memref_squeeze %dma_wait3A_542 : memref<1x128x128xf32, #tpu.memory_space<hbm>> -> memref<128x128xf32, #tpu.memory_space<hbm>>
    %dma_wait3A_544 = arith.constant 0 : i32
    %dma_wait3A_545 = tpu.memref_slice %arg6[%add3A_540, %dma_wait3A_544] : memref<10240x128xf32, #tpu.memory_space<vmem_shared>> -> memref<128x128xf32, #tpu.memory_space<vmem_shared>>
    tpu.wait_dma2 semaphore(%arg20 : memref<!tpu.dma_semaphore, #tpu.memory_space<semaphore_mem>>) src(%dma_wait3A_545 : memref<128x128xf32, #tpu.memory_space<vmem_shared>>) dst(%dma_wait3A_543 : memref<128x128xf32, #tpu.memory_space<hbm>>)
    %mul3A_546 = arith.constant 640 : i32
    %mul3A_547 = arith.muli %arg1, %mul3A_546 : i32
    %add3A_548 = arith.constant 512 : i32
    %add3A_549 = arith.addi %mul3A_547, %add3A_548 : i32
    %dma_wait3A_550 = arith.constant 0 : i32
    %dma_wait3A_551 = tpu.memref_slice %arg5[%arg0, %add3A_549, %dma_wait3A_550] : memref<2x10240x128xf32, #tpu.memory_space<hbm>> -> memref<1x128x128xf32, #tpu.memory_space<hbm>>
    %dma_wait3A_552 = tpu.memref_squeeze %dma_wait3A_551 : memref<1x128x128xf32, #tpu.memory_space<hbm>> -> memref<128x128xf32, #tpu.memory_space<hbm>>
    %dma_wait3A_553 = arith.constant 0 : i32
    %dma_wait3A_554 = tpu.memref_slice %arg6[%add3A_549, %dma_wait3A_553] : memref<10240x128xf32, #tpu.memory_space<vmem_shared>> -> memref<128x128xf32, #tpu.memory_space<vmem_shared>>
    tpu.wait_dma2 semaphore(%arg21 : memref<!tpu.dma_semaphore, #tpu.memory_space<semaphore_mem>>) src(%dma_wait3A_554 : memref<128x128xf32, #tpu.memory_space<vmem_shared>>) dst(%dma_wait3A_552 : memref<128x128xf32, #tpu.memory_space<hbm>>)
    return
  }
}

#map = affine_map<(d0, d1) -> (0, 0)>
#map1 = affine_map<(d0, d1) -> (0, 0, 0)>
module attributes {stable_mosaic.version = 14 : i64} {
  func.func @_agg_body(%arg0: i32, %arg1: i32, %arg2: memref<10000x128xf32, #tpu.memory_space<hbm>>, %arg3: memref<32x320x32xi32, #tpu.memory_space<hbm>>, %arg4: memref<32x320x32xi32, #tpu.memory_space<hbm>>, %arg5: memref<2x10240x128xf32, #tpu.memory_space<hbm>>, %arg6: memref<10240x128xf32, #tpu.memory_space<vmem_shared>>, %arg7: memref<2x8x32xi32, #tpu.memory_space<vmem>>, %arg8: memref<2x8x32xi32, #tpu.memory_space<vmem>>, %arg9: memref<32x128xf32, #tpu.memory_space<vmem>>, %arg10: memref<32x128xf32, #tpu.memory_space<vmem>>, %arg11: memref<32x128xf32, #tpu.memory_space<vmem>>, %arg12: memref<32x128xf32, #tpu.memory_space<vmem>>, %arg13: memref<32x128xf32, #tpu.memory_space<vmem>>, %arg14: memref<32x128xf32, #tpu.memory_space<vmem>>, %arg15: memref<32x128xf32, #tpu.memory_space<vmem>>, %arg16: memref<32x128xf32, #tpu.memory_space<vmem>>, %arg17: memref<!tpu.dma_semaphore, #tpu.memory_space<semaphore_mem>>, %arg18: memref<!tpu.dma_semaphore, #tpu.memory_space<semaphore_mem>>, %arg19: memref<!tpu.dma_semaphore, #tpu.memory_space<semaphore_mem>>, %arg20: memref<!tpu.dma_semaphore, #tpu.memory_space<semaphore_mem>>, %arg21: memref<!tpu.dma_semaphore, #tpu.memory_space<semaphore_mem>>, %arg22: memref<!tpu.dma_semaphore, #tpu.memory_space<semaphore_mem>>, %arg23: memref<!tpu.dma_semaphore, #tpu.memory_space<semaphore_mem>>, %arg24: memref<!tpu.dma_semaphore, #tpu.memory_space<semaphore_mem>>, %arg25: memref<!tpu.dma_semaphore, #tpu.memory_space<semaphore_mem>>, %arg26: memref<!tpu.dma_semaphore, #tpu.memory_space<semaphore_mem>>, %arg27: memref<!tpu.dma_semaphore, #tpu.memory_space<semaphore_mem>>, %arg28: memref<!tpu.dma_semaphore, #tpu.memory_space<semaphore_mem>>, %arg29: memref<!tpu.dma_semaphore, #tpu.memory_space<semaphore_mem>>, %arg30: memref<!tpu.dma_semaphore, #tpu.memory_space<semaphore_mem>>, %arg31: memref<!tpu.dma_semaphore, #tpu.memory_space<semaphore_mem>>, %arg32: memref<!tpu.dma_semaphore, #tpu.memory_space<semaphore_mem>>, %arg33: memref<!tpu.dma_semaphore, #tpu.memory_space<semaphore_mem>>, %arg34: memref<!tpu.dma_semaphore, #tpu.memory_space<semaphore_mem>>) attributes {dimension_semantics = [#tpu.dimension_semantics<core_parallel>, #tpu.dimension_semantics<subcore_parallel>], iteration_bounds = array<i64: 2, 16>, scalar_prefetch = 0 : i64, scratch_operands = 29 : i64, tpu.core_type = #tpu.core_type<sc_vector_subcore>, window_params = [{transform_indices = #map}, {transform_indices = #map1}, {transform_indices = #map1}, {transform_indices = #map1}]} {
    %mul3A = arith.constant 16 : i32
    %mul3A_0 = arith.muli %arg0, %mul3A : i32
    %add3A = arith.addi %mul3A_0, %arg1 : i32
    %scan3A = arith.constant 0 : i32
    %scan3A_1 = arith.constant 0 : i32
    %scan3A_2 = arith.constant 32 : i32
    %scan3A_3 = arith.addi %scan3A_1, %scan3A_2 : i32
    %scan3A_4 = arith.constant 1 : i32
    %scan3A_5 = scf.for %scan3A_555 = %scan3A_1 to %scan3A_3 step %scan3A_4 iter_args(%scan3A_556 = %scan3A) -> (i32)  : i32 {
      %broadcast_in_dim3A = arith.constant 0.000000e+00 : f32
      %broadcast_in_dim3A_557 = vector.broadcast %broadcast_in_dim3A : f32 to vector<16xf32>
      %swap3A = arith.index_cast %scan3A_555 : i32 to index
      %swap3A_558 = arith.constant 0 : index
      %swap3A_559 = tpu.vector_load %arg9[%swap3A, %swap3A_558] {strides = array<i32>} : memref<32x128xf32, #tpu.memory_space<vmem>>, vector<1x16xf32>,
      %swap3A_560 = vector.shape_cast %swap3A_559 : vector<1x16xf32> to vector<16xf32>
      %swap3A_561 = vector.shape_cast %broadcast_in_dim3A_557 : vector<16xf32> to vector<1x16xf32>
      tpu.vector_store %arg9[%swap3A, %swap3A_558], %swap3A_561 {strides = array<i32>} : memref<32x128xf32, #tpu.memory_space<vmem>>, vector<1x16xf32>,
      %broadcast_in_dim3A_562 = arith.constant 0.000000e+00 : f32
      %broadcast_in_dim3A_563 = vector.broadcast %broadcast_in_dim3A_562 : f32 to vector<16xf32>
      %swap3A_564 = arith.index_cast %scan3A_555 : i32 to index
      %swap3A_565 = arith.constant 16 : index
      %swap3A_566 = tpu.vector_load %arg9[%swap3A_564, %swap3A_565] {strides = array<i32>} : memref<32x128xf32, #tpu.memory_space<vmem>>, vector<1x16xf32>,
      %swap3A_567 = vector.shape_cast %swap3A_566 : vector<1x16xf32> to vector<16xf32>
      %swap3A_568 = vector.shape_cast %broadcast_in_dim3A_563 : vector<16xf32> to vector<1x16xf32>
      tpu.vector_store %arg9[%swap3A_564, %swap3A_565], %swap3A_568 {strides = array<i32>} : memref<32x128xf32, #tpu.memory_space<vmem>>, vector<1x16xf32>,
      %broadcast_in_dim3A_569 = arith.constant 0.000000e+00 : f32
      %broadcast_in_dim3A_570 = vector.broadcast %broadcast_in_dim3A_569 : f32 to vector<16xf32>
      %swap3A_571 = arith.index_cast %scan3A_555 : i32 to index
      %swap3A_572 = arith.constant 32 : index
      %swap3A_573 = tpu.vector_load %arg9[%swap3A_571, %swap3A_572] {strides = array<i32>} : memref<32x128xf32, #tpu.memory_space<vmem>>, vector<1x16xf32>,
      %swap3A_574 = vector.shape_cast %swap3A_573 : vector<1x16xf32> to vector<16xf32>
      %swap3A_575 = vector.shape_cast %broadcast_in_dim3A_570 : vector<16xf32> to vector<1x16xf32>
      tpu.vector_store %arg9[%swap3A_571, %swap3A_572], %swap3A_575 {strides = array<i32>} : memref<32x128xf32, #tpu.memory_space<vmem>>, vector<1x16xf32>,
      %broadcast_in_dim3A_576 = arith.constant 0.000000e+00 : f32
      %broadcast_in_dim3A_577 = vector.broadcast %broadcast_in_dim3A_576 : f32 to vector<16xf32>
      %swap3A_578 = arith.index_cast %scan3A_555 : i32 to index
      %swap3A_579 = arith.constant 48 : index
      %swap3A_580 = tpu.vector_load %arg9[%swap3A_578, %swap3A_579] {strides = array<i32>} : memref<32x128xf32, #tpu.memory_space<vmem>>, vector<1x16xf32>,
      %swap3A_581 = vector.shape_cast %swap3A_580 : vector<1x16xf32> to vector<16xf32>
      %swap3A_582 = vector.shape_cast %broadcast_in_dim3A_577 : vector<16xf32> to vector<1x16xf32>
      tpu.vector_store %arg9[%swap3A_578, %swap3A_579], %swap3A_582 {strides = array<i32>} : memref<32x128xf32, #tpu.memory_space<vmem>>, vector<1x16xf32>,
      %broadcast_in_dim3A_583 = arith.constant 0.000000e+00 : f32
      %broadcast_in_dim3A_584 = vector.broadcast %broadcast_in_dim3A_583 : f32 to vector<16xf32>
      %swap3A_585 = arith.index_cast %scan3A_555 : i32 to index
      %swap3A_586 = arith.constant 64 : index
      %swap3A_587 = tpu.vector_load %arg9[%swap3A_585, %swap3A_586] {strides = array<i32>} : memref<32x128xf32, #tpu.memory_space<vmem>>, vector<1x16xf32>,
      %swap3A_588 = vector.shape_cast %swap3A_587 : vector<1x16xf32> to vector<16xf32>
      %swap3A_589 = vector.shape_cast %broadcast_in_dim3A_584 : vector<16xf32> to vector<1x16xf32>
      tpu.vector_store %arg9[%swap3A_585, %swap3A_586], %swap3A_589 {strides = array<i32>} : memref<32x128xf32, #tpu.memory_space<vmem>>, vector<1x16xf32>,
      %broadcast_in_dim3A_590 = arith.constant 0.000000e+00 : f32
      %broadcast_in_dim3A_591 = vector.broadcast %broadcast_in_dim3A_590 : f32 to vector<16xf32>
      %swap3A_592 = arith.index_cast %scan3A_555 : i32 to index
      %swap3A_593 = arith.constant 80 : index
      %swap3A_594 = tpu.vector_load %arg9[%swap3A_592, %swap3A_593] {strides = array<i32>} : memref<32x128xf32, #tpu.memory_space<vmem>>, vector<1x16xf32>,
      %swap3A_595 = vector.shape_cast %swap3A_594 : vector<1x16xf32> to vector<16xf32>
      %swap3A_596 = vector.shape_cast %broadcast_in_dim3A_591 : vector<16xf32> to vector<1x16xf32>
      tpu.vector_store %arg9[%swap3A_592, %swap3A_593], %swap3A_596 {strides = array<i32>} : memref<32x128xf32, #tpu.memory_space<vmem>>, vector<1x16xf32>,
      %broadcast_in_dim3A_597 = arith.constant 0.000000e+00 : f32
      %broadcast_in_dim3A_598 = vector.broadcast %broadcast_in_dim3A_597 : f32 to vector<16xf32>
      %swap3A_599 = arith.index_cast %scan3A_555 : i32 to index
      %swap3A_600 = arith.constant 96 : index
      %swap3A_601 = tpu.vector_load %arg9[%swap3A_599, %swap3A_600] {strides = array<i32>} : memref<32x128xf32, #tpu.memory_space<vmem>>, vector<1x16xf32>,
      %swap3A_602 = vector.shape_cast %swap3A_601 : vector<1x16xf32> to vector<16xf32>
      %swap3A_603 = vector.shape_cast %broadcast_in_dim3A_598 : vector<16xf32> to vector<1x16xf32>
      tpu.vector_store %arg9[%swap3A_599, %swap3A_600], %swap3A_603 {strides = array<i32>} : memref<32x128xf32, #tpu.memory_space<vmem>>, vector<1x16xf32>,
      %broadcast_in_dim3A_604 = arith.constant 0.000000e+00 : f32
      %broadcast_in_dim3A_605 = vector.broadcast %broadcast_in_dim3A_604 : f32 to vector<16xf32>
      %swap3A_606 = arith.index_cast %scan3A_555 : i32 to index
      %swap3A_607 = arith.constant 112 : index
      %swap3A_608 = tpu.vector_load %arg9[%swap3A_606, %swap3A_607] {strides = array<i32>} : memref<32x128xf32, #tpu.memory_space<vmem>>, vector<1x16xf32>,
      %swap3A_609 = vector.shape_cast %swap3A_608 : vector<1x16xf32> to vector<16xf32>
      %swap3A_610 = vector.shape_cast %broadcast_in_dim3A_605 : vector<16xf32> to vector<1x16xf32>
      tpu.vector_store %arg9[%swap3A_606, %swap3A_607], %swap3A_610 {strides = array<i32>} : memref<32x128xf32, #tpu.memory_space<vmem>>, vector<1x16xf32>,
      %scan3A_611 = arith.constant 0 : i32
      scf.yield %scan3A_611 : i32
    }
    %scan3A_6 = arith.constant 32 : i32
    %dma_start3A = arith.constant 0 : i32
    %dma_start3A_7 = arith.constant 0 : i32
    %dma_start3A_8 = arith.constant 0 : i32
    %dma_start3A_9 = tpu.memref_slice %arg7[%dma_start3A, %dma_start3A_7, %dma_start3A_8] : memref<2x8x32xi32, #tpu.memory_space<vmem>> -> memref<1x8x32xi32, #tpu.memory_space<vmem>>
    %dma_start3A_10 = tpu.memref_squeeze %dma_start3A_9 : memref<1x8x32xi32, #tpu.memory_space<vmem>> -> memref<8x32xi32, #tpu.memory_space<vmem>>
    %dma_start3A_11 = arith.constant 0 : i32
    %dma_start3A_12 = arith.constant 0 : i32
    %dma_start3A_13 = tpu.memref_slice %arg3[%add3A, %dma_start3A_11, %dma_start3A_12] : memref<32x320x32xi32, #tpu.memory_space<hbm>> -> memref<1x8x32xi32, #tpu.memory_space<hbm>>
    %dma_start3A_14 = tpu.memref_squeeze %dma_start3A_13 : memref<1x8x32xi32, #tpu.memory_space<hbm>> -> memref<8x32xi32, #tpu.memory_space<hbm>>
    %dma_start3A_15 = arith.constant 0 : i32
    %dma_start3A_16 = arith.constant 0 : i32
    %dma_start3A_17 = tpu.memref_slice %arg7[%dma_start3A, %dma_start3A_15, %dma_start3A_16] : memref<2x8x32xi32, #tpu.memory_space<vmem>> -> memref<1x8x32xi32, #tpu.memory_space<vmem>>
    %dma_start3A_18 = tpu.memref_squeeze %dma_start3A_17 : memref<1x8x32xi32, #tpu.memory_space<vmem>> -> memref<8x32xi32, #tpu.memory_space<vmem>>
    %dma_start3A_19 = arith.constant 0 : i32
    %dma_start3A_20 = arith.constant 0 : i32
    %dma_start3A_21 = tpu.memref_slice %arg3[%add3A, %dma_start3A_19, %dma_start3A_20] : memref<32x320x32xi32, #tpu.memory_space<hbm>> -> memref<1x8x32xi32, #tpu.memory_space<hbm>>
    %dma_start3A_22 = tpu.memref_squeeze %dma_start3A_21 : memref<1x8x32xi32, #tpu.memory_space<hbm>> -> memref<8x32xi32, #tpu.memory_space<hbm>>
    tpu.enqueue_dma source(%dma_start3A_22 : memref<8x32xi32, #tpu.memory_space<hbm>>) target(%dma_start3A_18 : memref<8x32xi32, #tpu.memory_space<vmem>>) target_semaphore(%arg33 : memref<!tpu.dma_semaphore, #tpu.memory_space<semaphore_mem>>)
    %dma_start3A_23 = arith.constant 0 : i32
    %dma_start3A_24 = arith.constant 0 : i32
    %dma_start3A_25 = arith.constant 0 : i32
    %dma_start3A_26 = tpu.memref_slice %arg8[%dma_start3A_23, %dma_start3A_24, %dma_start3A_25] : memref<2x8x32xi32, #tpu.memory_space<vmem>> -> memref<1x8x32xi32, #tpu.memory_space<vmem>>
    %dma_start3A_27 = tpu.memref_squeeze %dma_start3A_26 : memref<1x8x32xi32, #tpu.memory_space<vmem>> -> memref<8x32xi32, #tpu.memory_space<vmem>>
    %dma_start3A_28 = arith.constant 0 : i32
    %dma_start3A_29 = arith.constant 0 : i32
    %dma_start3A_30 = tpu.memref_slice %arg4[%add3A, %dma_start3A_28, %dma_start3A_29] : memref<32x320x32xi32, #tpu.memory_space<hbm>> -> memref<1x8x32xi32, #tpu.memory_space<hbm>>
    %dma_start3A_31 = tpu.memref_squeeze %dma_start3A_30 : memref<1x8x32xi32, #tpu.memory_space<hbm>> -> memref<8x32xi32, #tpu.memory_space<hbm>>
    %dma_start3A_32 = arith.constant 0 : i32
    %dma_start3A_33 = arith.constant 0 : i32
    %dma_start3A_34 = tpu.memref_slice %arg8[%dma_start3A_23, %dma_start3A_32, %dma_start3A_33] : memref<2x8x32xi32, #tpu.memory_space<vmem>> -> memref<1x8x32xi32, #tpu.memory_space<vmem>>
    %dma_start3A_35 = tpu.memref_squeeze %dma_start3A_34 : memref<1x8x32xi32, #tpu.memory_space<vmem>> -> memref<8x32xi32, #tpu.memory_space<vmem>>
    %dma_start3A_36 = arith.constant 0 : i32
    %dma_start3A_37 = arith.constant 0 : i32
    %dma_start3A_38 = tpu.memref_slice %arg4[%add3A, %dma_start3A_36, %dma_start3A_37] : memref<32x320x32xi32, #tpu.memory_space<hbm>> -> memref<1x8x32xi32, #tpu.memory_space<hbm>>
    %dma_start3A_39 = tpu.memref_squeeze %dma_start3A_38 : memref<1x8x32xi32, #tpu.memory_space<hbm>> -> memref<8x32xi32, #tpu.memory_space<hbm>>
    tpu.enqueue_dma source(%dma_start3A_39 : memref<8x32xi32, #tpu.memory_space<hbm>>) target(%dma_start3A_35 : memref<8x32xi32, #tpu.memory_space<vmem>>) target_semaphore(%arg34 : memref<!tpu.dma_semaphore, #tpu.memory_space<semaphore_mem>>)
    %mul3A_40 = arith.constant 640 : i32
    %mul3A_41 = arith.muli %arg1, %mul3A_40 : i32
    %add3A_42 = arith.constant 0 : i32
    %add3A_43 = arith.addi %mul3A_41, %add3A_42 : i32
    %dma_start3A_44 = arith.constant 0 : i32
    %dma_start3A_45 = tpu.memref_slice %arg6[%add3A_43, %dma_start3A_44] : memref<10240x128xf32, #tpu.memory_space<vmem_shared>> -> memref<32x128xf32, #tpu.memory_space<vmem_shared>>
    %dma_start3A_46 = arith.constant 0 : i32
    %dma_start3A_47 = tpu.memref_slice %arg6[%add3A_43, %dma_start3A_46] : memref<10240x128xf32, #tpu.memory_space<vmem_shared>> -> memref<32x128xf32, #tpu.memory_space<vmem_shared>>
    tpu.enqueue_dma source(%arg9 : memref<32x128xf32, #tpu.memory_space<vmem>>) target(%dma_start3A_47 : memref<32x128xf32, #tpu.memory_space<vmem_shared>>) target_semaphore(%arg17 : memref<!tpu.dma_semaphore, #tpu.memory_space<semaphore_mem>>)
    %mul3A_48 = arith.constant 640 : i32
    %mul3A_49 = arith.muli %arg1, %mul3A_48 : i32
    %add3A_50 = arith.constant 32 : i32
    %add3A_51 = arith.addi %mul3A_49, %add3A_50 : i32
    %dma_start3A_52 = arith.constant 0 : i32
    %dma_start3A_53 = tpu.memref_slice %arg6[%add3A_51, %dma_start3A_52] : memref<10240x128xf32, #tpu.memory_space<vmem_shared>> -> memref<32x128xf32, #tpu.memory_space<vmem_shared>>
    %dma_start3A_54 = arith.constant 0 : i32
    %dma_start3A_55 = tpu.memref_slice %arg6[%add3A_51, %dma_start3A_54] : memref<10240x128xf32, #tpu.memory_space<vmem_shared>> -> memref<32x128xf32, #tpu.memory_space<vmem_shared>>
    tpu.enqueue_dma source(%arg9 : memref<32x128xf32, #tpu.memory_space<vmem>>) target(%dma_start3A_55 : memref<32x128xf32, #tpu.memory_space<vmem_shared>>) target_semaphore(%arg17 : memref<!tpu.dma_semaphore, #tpu.memory_space<semaphore_mem>>)
    %mul3A_56 = arith.constant 640 : i32
    %mul3A_57 = arith.muli %arg1, %mul3A_56 : i32
    %add3A_58 = arith.constant 64 : i32
    %add3A_59 = arith.addi %mul3A_57, %add3A_58 : i32
    %dma_start3A_60 = arith.constant 0 : i32
    %dma_start3A_61 = tpu.memref_slice %arg6[%add3A_59, %dma_start3A_60] : memref<10240x128xf32, #tpu.memory_space<vmem_shared>> -> memref<32x128xf32, #tpu.memory_space<vmem_shared>>
    %dma_start3A_62 = arith.constant 0 : i32
    %dma_start3A_63 = tpu.memref_slice %arg6[%add3A_59, %dma_start3A_62] : memref<10240x128xf32, #tpu.memory_space<vmem_shared>> -> memref<32x128xf32, #tpu.memory_space<vmem_shared>>
    tpu.enqueue_dma source(%arg9 : memref<32x128xf32, #tpu.memory_space<vmem>>) target(%dma_start3A_63 : memref<32x128xf32, #tpu.memory_space<vmem_shared>>) target_semaphore(%arg17 : memref<!tpu.dma_semaphore, #tpu.memory_space<semaphore_mem>>)
    %mul3A_64 = arith.constant 640 : i32
    %mul3A_65 = arith.muli %arg1, %mul3A_64 : i32
    %add3A_66 = arith.constant 96 : i32
    %add3A_67 = arith.addi %mul3A_65, %add3A_66 : i32
    %dma_start3A_68 = arith.constant 0 : i32
    %dma_start3A_69 = tpu.memref_slice %arg6[%add3A_67, %dma_start3A_68] : memref<10240x128xf32, #tpu.memory_space<vmem_shared>> -> memref<32x128xf32, #tpu.memory_space<vmem_shared>>
    %dma_start3A_70 = arith.constant 0 : i32
    %dma_start3A_71 = tpu.memref_slice %arg6[%add3A_67, %dma_start3A_70] : memref<10240x128xf32, #tpu.memory_space<vmem_shared>> -> memref<32x128xf32, #tpu.memory_space<vmem_shared>>
    tpu.enqueue_dma source(%arg9 : memref<32x128xf32, #tpu.memory_space<vmem>>) target(%dma_start3A_71 : memref<32x128xf32, #tpu.memory_space<vmem_shared>>) target_semaphore(%arg17 : memref<!tpu.dma_semaphore, #tpu.memory_space<semaphore_mem>>)
    %mul3A_72 = arith.constant 640 : i32
    %mul3A_73 = arith.muli %arg1, %mul3A_72 : i32
    %add3A_74 = arith.constant 128 : i32
    %add3A_75 = arith.addi %mul3A_73, %add3A_74 : i32
    %dma_start3A_76 = arith.constant 0 : i32
    %dma_start3A_77 = tpu.memref_slice %arg6[%add3A_75, %dma_start3A_76] : memref<10240x128xf32, #tpu.memory_space<vmem_shared>> -> memref<32x128xf32, #tpu.memory_space<vmem_shared>>
    %dma_start3A_78 = arith.constant 0 : i32
    %dma_start3A_79 = tpu.memref_slice %arg6[%add3A_75, %dma_start3A_78] : memref<10240x128xf32, #tpu.memory_space<vmem_shared>> -> memref<32x128xf32, #tpu.memory_space<vmem_shared>>
    tpu.enqueue_dma source(%arg9 : memref<32x128xf32, #tpu.memory_space<vmem>>) target(%dma_start3A_79 : memref<32x128xf32, #tpu.memory_space<vmem_shared>>) target_semaphore(%arg17 : memref<!tpu.dma_semaphore, #tpu.memory_space<semaphore_mem>>)
    %mul3A_80 = arith.constant 640 : i32
    %mul3A_81 = arith.muli %arg1, %mul3A_80 : i32
    %add3A_82 = arith.constant 160 : i32
    %add3A_83 = arith.addi %mul3A_81, %add3A_82 : i32
    %dma_start3A_84 = arith.constant 0 : i32
    %dma_start3A_85 = tpu.memref_slice %arg6[%add3A_83, %dma_start3A_84] : memref<10240x128xf32, #tpu.memory_space<vmem_shared>> -> memref<32x128xf32, #tpu.memory_space<vmem_shared>>
    %dma_start3A_86 = arith.constant 0 : i32
    %dma_start3A_87 = tpu.memref_slice %arg6[%add3A_83, %dma_start3A_86] : memref<10240x128xf32, #tpu.memory_space<vmem_shared>> -> memref<32x128xf32, #tpu.memory_space<vmem_shared>>
    tpu.enqueue_dma source(%arg9 : memref<32x128xf32, #tpu.memory_space<vmem>>) target(%dma_start3A_87 : memref<32x128xf32, #tpu.memory_space<vmem_shared>>) target_semaphore(%arg17 : memref<!tpu.dma_semaphore, #tpu.memory_space<semaphore_mem>>)
    %mul3A_88 = arith.constant 640 : i32
    %mul3A_89 = arith.muli %arg1, %mul3A_88 : i32
    %add3A_90 = arith.constant 192 : i32
    %add3A_91 = arith.addi %mul3A_89, %add3A_90 : i32
    %dma_start3A_92 = arith.constant 0 : i32
    %dma_start3A_93 = tpu.memref_slice %arg6[%add3A_91, %dma_start3A_92] : memref<10240x128xf32, #tpu.memory_space<vmem_shared>> -> memref<32x128xf32, #tpu.memory_space<vmem_shared>>
    %dma_start3A_94 = arith.constant 0 : i32
    %dma_start3A_95 = tpu.memref_slice %arg6[%add3A_91, %dma_start3A_94] : memref<10240x128xf32, #tpu.memory_space<vmem_shared>> -> memref<32x128xf32, #tpu.memory_space<vmem_shared>>
    tpu.enqueue_dma source(%arg9 : memref<32x128xf32, #tpu.memory_space<vmem>>) target(%dma_start3A_95 : memref<32x128xf32, #tpu.memory_space<vmem_shared>>) target_semaphore(%arg17 : memref<!tpu.dma_semaphore, #tpu.memory_space<semaphore_mem>>)
    %mul3A_96 = arith.constant 640 : i32
    %mul3A_97 = arith.muli %arg1, %mul3A_96 : i32
    %add3A_98 = arith.constant 224 : i32
    %add3A_99 = arith.addi %mul3A_97, %add3A_98 : i32
    %dma_start3A_100 = arith.constant 0 : i32
    %dma_start3A_101 = tpu.memref_slice %arg6[%add3A_99, %dma_start3A_100] : memref<10240x128xf32, #tpu.memory_space<vmem_shared>> -> memref<32x128xf32, #tpu.memory_space<vmem_shared>>
    %dma_start3A_102 = arith.constant 0 : i32
    %dma_start3A_103 = tpu.memref_slice %arg6[%add3A_99, %dma_start3A_102] : memref<10240x128xf32, #tpu.memory_space<vmem_shared>> -> memref<32x128xf32, #tpu.memory_space<vmem_shared>>
    tpu.enqueue_dma source(%arg9 : memref<32x128xf32, #tpu.memory_space<vmem>>) target(%dma_start3A_103 : memref<32x128xf32, #tpu.memory_space<vmem_shared>>) target_semaphore(%arg17 : memref<!tpu.dma_semaphore, #tpu.memory_space<semaphore_mem>>)
    %mul3A_104 = arith.constant 640 : i32
    %mul3A_105 = arith.muli %arg1, %mul3A_104 : i32
    %add3A_106 = arith.constant 256 : i32
    %add3A_107 = arith.addi %mul3A_105, %add3A_106 : i32
    %dma_start3A_108 = arith.constant 0 : i32
    %dma_start3A_109 = tpu.memref_slice %arg6[%add3A_107, %dma_start3A_108] : memref<10240x128xf32, #tpu.memory_space<vmem_shared>> -> memref<32x128xf32, #tpu.memory_space<vmem_shared>>
    %dma_start3A_110 = arith.constant 0 : i32
    %dma_start3A_111 = tpu.memref_slice %arg6[%add3A_107, %dma_start3A_110] : memref<10240x128xf32, #tpu.memory_space<vmem_shared>> -> memref<32x128xf32, #tpu.memory_space<vmem_shared>>
    tpu.enqueue_dma source(%arg9 : memref<32x128xf32, #tpu.memory_space<vmem>>) target(%dma_start3A_111 : memref<32x128xf32, #tpu.memory_space<vmem_shared>>) target_semaphore(%arg17 : memref<!tpu.dma_semaphore, #tpu.memory_space<semaphore_mem>>)
    %mul3A_112 = arith.constant 640 : i32
    %mul3A_113 = arith.muli %arg1, %mul3A_112 : i32
    %add3A_114 = arith.constant 288 : i32
    %add3A_115 = arith.addi %mul3A_113, %add3A_114 : i32
    %dma_start3A_116 = arith.constant 0 : i32
    %dma_start3A_117 = tpu.memref_slice %arg6[%add3A_115, %dma_start3A_116] : memref<10240x128xf32, #tpu.memory_space<vmem_shared>> -> memref<32x128xf32, #tpu.memory_space<vmem_shared>>
    %dma_start3A_118 = arith.constant 0 : i32
    %dma_start3A_119 = tpu.memref_slice %arg6[%add3A_115, %dma_start3A_118] : memref<10240x128xf32, #tpu.memory_space<vmem_shared>> -> memref<32x128xf32, #tpu.memory_space<vmem_shared>>
    tpu.enqueue_dma source(%arg9 : memref<32x128xf32, #tpu.memory_space<vmem>>) target(%dma_start3A_119 : memref<32x128xf32, #tpu.memory_space<vmem_shared>>) target_semaphore(%arg17 : memref<!tpu.dma_semaphore, #tpu.memory_space<semaphore_mem>>)
    %mul3A_120 = arith.constant 640 : i32
    %mul3A_121 = arith.muli %arg1, %mul3A_120 : i32
    %add3A_122 = arith.constant 320 : i32
    %add3A_123 = arith.addi %mul3A_121, %add3A_122 : i32
    %dma_start3A_124 = arith.constant 0 : i32
    %dma_start3A_125 = tpu.memref_slice %arg6[%add3A_123, %dma_start3A_124] : memref<10240x128xf32, #tpu.memory_space<vmem_shared>> -> memref<32x128xf32, #tpu.memory_space<vmem_shared>>
    %dma_start3A_126 = arith.constant 0 : i32
    %dma_start3A_127 = tpu.memref_slice %arg6[%add3A_123, %dma_start3A_126] : memref<10240x128xf32, #tpu.memory_space<vmem_shared>> -> memref<32x128xf32, #tpu.memory_space<vmem_shared>>
    tpu.enqueue_dma source(%arg9 : memref<32x128xf32, #tpu.memory_space<vmem>>) target(%dma_start3A_127 : memref<32x128xf32, #tpu.memory_space<vmem_shared>>) target_semaphore(%arg17 : memref<!tpu.dma_semaphore, #tpu.memory_space<semaphore_mem>>)
    %mul3A_128 = arith.constant 640 : i32
    %mul3A_129 = arith.muli %arg1, %mul3A_128 : i32
    %add3A_130 = arith.constant 352 : i32
    %add3A_131 = arith.addi %mul3A_129, %add3A_130 : i32
    %dma_start3A_132 = arith.constant 0 : i32
    %dma_start3A_133 = tpu.memref_slice %arg6[%add3A_131, %dma_start3A_132] : memref<10240x128xf32, #tpu.memory_space<vmem_shared>> -> memref<32x128xf32, #tpu.memory_space<vmem_shared>>
    %dma_start3A_134 = arith.constant 0 : i32
    %dma_start3A_135 = tpu.memref_slice %arg6[%add3A_131, %dma_start3A_134] : memref<10240x128xf32, #tpu.memory_space<vmem_shared>> -> memref<32x128xf32, #tpu.memory_space<vmem_shared>>
    tpu.enqueue_dma source(%arg9 : memref<32x128xf32, #tpu.memory_space<vmem>>) target(%dma_start3A_135 : memref<32x128xf32, #tpu.memory_space<vmem_shared>>) target_semaphore(%arg17 : memref<!tpu.dma_semaphore, #tpu.memory_space<semaphore_mem>>)
    %mul3A_136 = arith.constant 640 : i32
    %mul3A_137 = arith.muli %arg1, %mul3A_136 : i32
    %add3A_138 = arith.constant 384 : i32
    %add3A_139 = arith.addi %mul3A_137, %add3A_138 : i32
    %dma_start3A_140 = arith.constant 0 : i32
    %dma_start3A_141 = tpu.memref_slice %arg6[%add3A_139, %dma_start3A_140] : memref<10240x128xf32, #tpu.memory_space<vmem_shared>> -> memref<32x128xf32, #tpu.memory_space<vmem_shared>>
    %dma_start3A_142 = arith.constant 0 : i32
    %dma_start3A_143 = tpu.memref_slice %arg6[%add3A_139, %dma_start3A_142] : memref<10240x128xf32, #tpu.memory_space<vmem_shared>> -> memref<32x128xf32, #tpu.memory_space<vmem_shared>>
    tpu.enqueue_dma source(%arg9 : memref<32x128xf32, #tpu.memory_space<vmem>>) target(%dma_start3A_143 : memref<32x128xf32, #tpu.memory_space<vmem_shared>>) target_semaphore(%arg17 : memref<!tpu.dma_semaphore, #tpu.memory_space<semaphore_mem>>)
    %mul3A_144 = arith.constant 640 : i32
    %mul3A_145 = arith.muli %arg1, %mul3A_144 : i32
    %add3A_146 = arith.constant 416 : i32
    %add3A_147 = arith.addi %mul3A_145, %add3A_146 : i32
    %dma_start3A_148 = arith.constant 0 : i32
    %dma_start3A_149 = tpu.memref_slice %arg6[%add3A_147, %dma_start3A_148] : memref<10240x128xf32, #tpu.memory_space<vmem_shared>> -> memref<32x128xf32, #tpu.memory_space<vmem_shared>>
    %dma_start3A_150 = arith.constant 0 : i32
    %dma_start3A_151 = tpu.memref_slice %arg6[%add3A_147, %dma_start3A_150] : memref<10240x128xf32, #tpu.memory_space<vmem_shared>> -> memref<32x128xf32, #tpu.memory_space<vmem_shared>>
    tpu.enqueue_dma source(%arg9 : memref<32x128xf32, #tpu.memory_space<vmem>>) target(%dma_start3A_151 : memref<32x128xf32, #tpu.memory_space<vmem_shared>>) target_semaphore(%arg17 : memref<!tpu.dma_semaphore, #tpu.memory_space<semaphore_mem>>)
    %mul3A_152 = arith.constant 640 : i32
    %mul3A_153 = arith.muli %arg1, %mul3A_152 : i32
    %add3A_154 = arith.constant 448 : i32
    %add3A_155 = arith.addi %mul3A_153, %add3A_154 : i32
    %dma_start3A_156 = arith.constant 0 : i32
    %dma_start3A_157 = tpu.memref_slice %arg6[%add3A_155, %dma_start3A_156] : memref<10240x128xf32, #tpu.memory_space<vmem_shared>> -> memref<32x128xf32, #tpu.memory_space<vmem_shared>>
    %dma_start3A_158 = arith.constant 0 : i32
    %dma_start3A_159 = tpu.memref_slice %arg6[%add3A_155, %dma_start3A_158] : memref<10240x128xf32, #tpu.memory_space<vmem_shared>> -> memref<32x128xf32, #tpu.memory_space<vmem_shared>>
    tpu.enqueue_dma source(%arg9 : memref<32x128xf32, #tpu.memory_space<vmem>>) target(%dma_start3A_159 : memref<32x128xf32, #tpu.memory_space<vmem_shared>>) target_semaphore(%arg17 : memref<!tpu.dma_semaphore, #tpu.memory_space<semaphore_mem>>)
    %mul3A_160 = arith.constant 640 : i32
    %mul3A_161 = arith.muli %arg1, %mul3A_160 : i32
    %add3A_162 = arith.constant 480 : i32
    %add3A_163 = arith.addi %mul3A_161, %add3A_162 : i32
    %dma_start3A_164 = arith.constant 0 : i32
    %dma_start3A_165 = tpu.memref_slice %arg6[%add3A_163, %dma_start3A_164] : memref<10240x128xf32, #tpu.memory_space<vmem_shared>> -> memref<32x128xf32, #tpu.memory_space<vmem_shared>>
    %dma_start3A_166 = arith.constant 0 : i32
    %dma_start3A_167 = tpu.memref_slice %arg6[%add3A_163, %dma_start3A_166] : memref<10240x128xf32, #tpu.memory_space<vmem_shared>> -> memref<32x128xf32, #tpu.memory_space<vmem_shared>>
    tpu.enqueue_dma source(%arg9 : memref<32x128xf32, #tpu.memory_space<vmem>>) target(%dma_start3A_167 : memref<32x128xf32, #tpu.memory_space<vmem_shared>>) target_semaphore(%arg17 : memref<!tpu.dma_semaphore, #tpu.memory_space<semaphore_mem>>)
    %mul3A_168 = arith.constant 640 : i32
    %mul3A_169 = arith.muli %arg1, %mul3A_168 : i32
    %add3A_170 = arith.constant 512 : i32
    %add3A_171 = arith.addi %mul3A_169, %add3A_170 : i32
    %dma_start3A_172 = arith.constant 0 : i32
    %dma_start3A_173 = tpu.memref_slice %arg6[%add3A_171, %dma_start3A_172] : memref<10240x128xf32, #tpu.memory_space<vmem_shared>> -> memref<32x128xf32, #tpu.memory_space<vmem_shared>>
    %dma_start3A_174 = arith.constant 0 : i32
    %dma_start3A_175 = tpu.memref_slice %arg6[%add3A_171, %dma_start3A_174] : memref<10240x128xf32, #tpu.memory_space<vmem_shared>> -> memref<32x128xf32, #tpu.memory_space<vmem_shared>>
    tpu.enqueue_dma source(%arg9 : memref<32x128xf32, #tpu.memory_space<vmem>>) target(%dma_start3A_175 : memref<32x128xf32, #tpu.memory_space<vmem_shared>>) target_semaphore(%arg17 : memref<!tpu.dma_semaphore, #tpu.memory_space<semaphore_mem>>)
    %mul3A_176 = arith.constant 640 : i32
    %mul3A_177 = arith.muli %arg1, %mul3A_176 : i32
    %add3A_178 = arith.constant 544 : i32
    %add3A_179 = arith.addi %mul3A_177, %add3A_178 : i32
    %dma_start3A_180 = arith.constant 0 : i32
    %dma_start3A_181 = tpu.memref_slice %arg6[%add3A_179, %dma_start3A_180] : memref<10240x128xf32, #tpu.memory_space<vmem_shared>> -> memref<32x128xf32, #tpu.memory_space<vmem_shared>>
    %dma_start3A_182 = arith.constant 0 : i32
    %dma_start3A_183 = tpu.memref_slice %arg6[%add3A_179, %dma_start3A_182] : memref<10240x128xf32, #tpu.memory_space<vmem_shared>> -> memref<32x128xf32, #tpu.memory_space<vmem_shared>>
    tpu.enqueue_dma source(%arg9 : memref<32x128xf32, #tpu.memory_space<vmem>>) target(%dma_start3A_183 : memref<32x128xf32, #tpu.memory_space<vmem_shared>>) target_semaphore(%arg17 : memref<!tpu.dma_semaphore, #tpu.memory_space<semaphore_mem>>)
    %mul3A_184 = arith.constant 640 : i32
    %mul3A_185 = arith.muli %arg1, %mul3A_184 : i32
    %add3A_186 = arith.constant 576 : i32
    %add3A_187 = arith.addi %mul3A_185, %add3A_186 : i32
    %dma_start3A_188 = arith.constant 0 : i32
    %dma_start3A_189 = tpu.memref_slice %arg6[%add3A_187, %dma_start3A_188] : memref<10240x128xf32, #tpu.memory_space<vmem_shared>> -> memref<32x128xf32, #tpu.memory_space<vmem_shared>>
    %dma_start3A_190 = arith.constant 0 : i32
    %dma_start3A_191 = tpu.memref_slice %arg6[%add3A_187, %dma_start3A_190] : memref<10240x128xf32, #tpu.memory_space<vmem_shared>> -> memref<32x128xf32, #tpu.memory_space<vmem_shared>>
    tpu.enqueue_dma source(%arg9 : memref<32x128xf32, #tpu.memory_space<vmem>>) target(%dma_start3A_191 : memref<32x128xf32, #tpu.memory_space<vmem_shared>>) target_semaphore(%arg17 : memref<!tpu.dma_semaphore, #tpu.memory_space<semaphore_mem>>)
    %mul3A_192 = arith.constant 640 : i32
    %mul3A_193 = arith.muli %arg1, %mul3A_192 : i32
    %add3A_194 = arith.constant 608 : i32
    %add3A_195 = arith.addi %mul3A_193, %add3A_194 : i32
    %dma_start3A_196 = arith.constant 0 : i32
    %dma_start3A_197 = tpu.memref_slice %arg6[%add3A_195, %dma_start3A_196] : memref<10240x128xf32, #tpu.memory_space<vmem_shared>> -> memref<32x128xf32, #tpu.memory_space<vmem_shared>>
    %dma_start3A_198 = arith.constant 0 : i32
    %dma_start3A_199 = tpu.memref_slice %arg6[%add3A_195, %dma_start3A_198] : memref<10240x128xf32, #tpu.memory_space<vmem_shared>> -> memref<32x128xf32, #tpu.memory_space<vmem_shared>>
    tpu.enqueue_dma source(%arg9 : memref<32x128xf32, #tpu.memory_space<vmem>>) target(%dma_start3A_199 : memref<32x128xf32, #tpu.memory_space<vmem_shared>>) target_semaphore(%arg17 : memref<!tpu.dma_semaphore, #tpu.memory_space<semaphore_mem>>)
    %mul3A_200 = arith.constant 640 : i32
    %mul3A_201 = arith.muli %arg1, %mul3A_200 : i32
    %add3A_202 = arith.constant 0 : i32
    %add3A_203 = arith.addi %mul3A_201, %add3A_202 : i32
    %dma_wait3A = arith.constant 0 : i32
    %dma_wait3A_204 = tpu.memref_slice %arg6[%add3A_203, %dma_wait3A] : memref<10240x128xf32, #tpu.memory_space<vmem_shared>> -> memref<32x128xf32, #tpu.memory_space<vmem_shared>>
    %dma_wait3A_205 = arith.constant 0 : i32
    %dma_wait3A_206 = tpu.memref_slice %arg6[%add3A_203, %dma_wait3A_205] : memref<10240x128xf32, #tpu.memory_space<vmem_shared>> -> memref<32x128xf32, #tpu.memory_space<vmem_shared>>
    tpu.wait_dma2 semaphore(%arg17 : memref<!tpu.dma_semaphore, #tpu.memory_space<semaphore_mem>>) src(%arg9 : memref<32x128xf32, #tpu.memory_space<vmem>>) dst(%dma_wait3A_206 : memref<32x128xf32, #tpu.memory_space<vmem_shared>>)
    %mul3A_207 = arith.constant 640 : i32
    %mul3A_208 = arith.muli %arg1, %mul3A_207 : i32
    %add3A_209 = arith.constant 32 : i32
    %add3A_210 = arith.addi %mul3A_208, %add3A_209 : i32
    %dma_wait3A_211 = arith.constant 0 : i32
    %dma_wait3A_212 = tpu.memref_slice %arg6[%add3A_210, %dma_wait3A_211] : memref<10240x128xf32, #tpu.memory_space<vmem_shared>> -> memref<32x128xf32, #tpu.memory_space<vmem_shared>>
    %dma_wait3A_213 = arith.constant 0 : i32
    %dma_wait3A_214 = tpu.memref_slice %arg6[%add3A_210, %dma_wait3A_213] : memref<10240x128xf32, #tpu.memory_space<vmem_shared>> -> memref<32x128xf32, #tpu.memory_space<vmem_shared>>
    tpu.wait_dma2 semaphore(%arg17 : memref<!tpu.dma_semaphore, #tpu.memory_space<semaphore_mem>>) src(%arg9 : memref<32x128xf32, #tpu.memory_space<vmem>>) dst(%dma_wait3A_214 : memref<32x128xf32, #tpu.memory_space<vmem_shared>>)
    %mul3A_215 = arith.constant 640 : i32
    %mul3A_216 = arith.muli %arg1, %mul3A_215 : i32
    %add3A_217 = arith.constant 64 : i32
    %add3A_218 = arith.addi %mul3A_216, %add3A_217 : i32
    %dma_wait3A_219 = arith.constant 0 : i32
    %dma_wait3A_220 = tpu.memref_slice %arg6[%add3A_218, %dma_wait3A_219] : memref<10240x128xf32, #tpu.memory_space<vmem_shared>> -> memref<32x128xf32, #tpu.memory_space<vmem_shared>>
    %dma_wait3A_221 = arith.constant 0 : i32
    %dma_wait3A_222 = tpu.memref_slice %arg6[%add3A_218, %dma_wait3A_221] : memref<10240x128xf32, #tpu.memory_space<vmem_shared>> -> memref<32x128xf32, #tpu.memory_space<vmem_shared>>
    tpu.wait_dma2 semaphore(%arg17 : memref<!tpu.dma_semaphore, #tpu.memory_space<semaphore_mem>>) src(%arg9 : memref<32x128xf32, #tpu.memory_space<vmem>>) dst(%dma_wait3A_222 : memref<32x128xf32, #tpu.memory_space<vmem_shared>>)
    %mul3A_223 = arith.constant 640 : i32
    %mul3A_224 = arith.muli %arg1, %mul3A_223 : i32
    %add3A_225 = arith.constant 96 : i32
    %add3A_226 = arith.addi %mul3A_224, %add3A_225 : i32
    %dma_wait3A_227 = arith.constant 0 : i32
    %dma_wait3A_228 = tpu.memref_slice %arg6[%add3A_226, %dma_wait3A_227] : memref<10240x128xf32, #tpu.memory_space<vmem_shared>> -> memref<32x128xf32, #tpu.memory_space<vmem_shared>>
    %dma_wait3A_229 = arith.constant 0 : i32
    %dma_wait3A_230 = tpu.memref_slice %arg6[%add3A_226, %dma_wait3A_229] : memref<10240x128xf32, #tpu.memory_space<vmem_shared>> -> memref<32x128xf32, #tpu.memory_space<vmem_shared>>
    tpu.wait_dma2 semaphore(%arg17 : memref<!tpu.dma_semaphore, #tpu.memory_space<semaphore_mem>>) src(%arg9 : memref<32x128xf32, #tpu.memory_space<vmem>>) dst(%dma_wait3A_230 : memref<32x128xf32, #tpu.memory_space<vmem_shared>>)
    %mul3A_231 = arith.constant 640 : i32
    %mul3A_232 = arith.muli %arg1, %mul3A_231 : i32
    %add3A_233 = arith.constant 128 : i32
    %add3A_234 = arith.addi %mul3A_232, %add3A_233 : i32
    %dma_wait3A_235 = arith.constant 0 : i32
    %dma_wait3A_236 = tpu.memref_slice %arg6[%add3A_234, %dma_wait3A_235] : memref<10240x128xf32, #tpu.memory_space<vmem_shared>> -> memref<32x128xf32, #tpu.memory_space<vmem_shared>>
    %dma_wait3A_237 = arith.constant 0 : i32
    %dma_wait3A_238 = tpu.memref_slice %arg6[%add3A_234, %dma_wait3A_237] : memref<10240x128xf32, #tpu.memory_space<vmem_shared>> -> memref<32x128xf32, #tpu.memory_space<vmem_shared>>
    tpu.wait_dma2 semaphore(%arg17 : memref<!tpu.dma_semaphore, #tpu.memory_space<semaphore_mem>>) src(%arg9 : memref<32x128xf32, #tpu.memory_space<vmem>>) dst(%dma_wait3A_238 : memref<32x128xf32, #tpu.memory_space<vmem_shared>>)
    %mul3A_239 = arith.constant 640 : i32
    %mul3A_240 = arith.muli %arg1, %mul3A_239 : i32
    %add3A_241 = arith.constant 160 : i32
    %add3A_242 = arith.addi %mul3A_240, %add3A_241 : i32
    %dma_wait3A_243 = arith.constant 0 : i32
    %dma_wait3A_244 = tpu.memref_slice %arg6[%add3A_242, %dma_wait3A_243] : memref<10240x128xf32, #tpu.memory_space<vmem_shared>> -> memref<32x128xf32, #tpu.memory_space<vmem_shared>>
    %dma_wait3A_245 = arith.constant 0 : i32
    %dma_wait3A_246 = tpu.memref_slice %arg6[%add3A_242, %dma_wait3A_245] : memref<10240x128xf32, #tpu.memory_space<vmem_shared>> -> memref<32x128xf32, #tpu.memory_space<vmem_shared>>
    tpu.wait_dma2 semaphore(%arg17 : memref<!tpu.dma_semaphore, #tpu.memory_space<semaphore_mem>>) src(%arg9 : memref<32x128xf32, #tpu.memory_space<vmem>>) dst(%dma_wait3A_246 : memref<32x128xf32, #tpu.memory_space<vmem_shared>>)
    %mul3A_247 = arith.constant 640 : i32
    %mul3A_248 = arith.muli %arg1, %mul3A_247 : i32
    %add3A_249 = arith.constant 192 : i32
    %add3A_250 = arith.addi %mul3A_248, %add3A_249 : i32
    %dma_wait3A_251 = arith.constant 0 : i32
    %dma_wait3A_252 = tpu.memref_slice %arg6[%add3A_250, %dma_wait3A_251] : memref<10240x128xf32, #tpu.memory_space<vmem_shared>> -> memref<32x128xf32, #tpu.memory_space<vmem_shared>>
    %dma_wait3A_253 = arith.constant 0 : i32
    %dma_wait3A_254 = tpu.memref_slice %arg6[%add3A_250, %dma_wait3A_253] : memref<10240x128xf32, #tpu.memory_space<vmem_shared>> -> memref<32x128xf32, #tpu.memory_space<vmem_shared>>
    tpu.wait_dma2 semaphore(%arg17 : memref<!tpu.dma_semaphore, #tpu.memory_space<semaphore_mem>>) src(%arg9 : memref<32x128xf32, #tpu.memory_space<vmem>>) dst(%dma_wait3A_254 : memref<32x128xf32, #tpu.memory_space<vmem_shared>>)
    %mul3A_255 = arith.constant 640 : i32
    %mul3A_256 = arith.muli %arg1, %mul3A_255 : i32
    %add3A_257 = arith.constant 224 : i32
    %add3A_258 = arith.addi %mul3A_256, %add3A_257 : i32
    %dma_wait3A_259 = arith.constant 0 : i32
    %dma_wait3A_260 = tpu.memref_slice %arg6[%add3A_258, %dma_wait3A_259] : memref<10240x128xf32, #tpu.memory_space<vmem_shared>> -> memref<32x128xf32, #tpu.memory_space<vmem_shared>>
    %dma_wait3A_261 = arith.constant 0 : i32
    %dma_wait3A_262 = tpu.memref_slice %arg6[%add3A_258, %dma_wait3A_261] : memref<10240x128xf32, #tpu.memory_space<vmem_shared>> -> memref<32x128xf32, #tpu.memory_space<vmem_shared>>
    tpu.wait_dma2 semaphore(%arg17 : memref<!tpu.dma_semaphore, #tpu.memory_space<semaphore_mem>>) src(%arg9 : memref<32x128xf32, #tpu.memory_space<vmem>>) dst(%dma_wait3A_262 : memref<32x128xf32, #tpu.memory_space<vmem_shared>>)
    %mul3A_263 = arith.constant 640 : i32
    %mul3A_264 = arith.muli %arg1, %mul3A_263 : i32
    %add3A_265 = arith.constant 256 : i32
    %add3A_266 = arith.addi %mul3A_264, %add3A_265 : i32
    %dma_wait3A_267 = arith.constant 0 : i32
    %dma_wait3A_268 = tpu.memref_slice %arg6[%add3A_266, %dma_wait3A_267] : memref<10240x128xf32, #tpu.memory_space<vmem_shared>> -> memref<32x128xf32, #tpu.memory_space<vmem_shared>>
    %dma_wait3A_269 = arith.constant 0 : i32
    %dma_wait3A_270 = tpu.memref_slice %arg6[%add3A_266, %dma_wait3A_269] : memref<10240x128xf32, #tpu.memory_space<vmem_shared>> -> memref<32x128xf32, #tpu.memory_space<vmem_shared>>
    tpu.wait_dma2 semaphore(%arg17 : memref<!tpu.dma_semaphore, #tpu.memory_space<semaphore_mem>>) src(%arg9 : memref<32x128xf32, #tpu.memory_space<vmem>>) dst(%dma_wait3A_270 : memref<32x128xf32, #tpu.memory_space<vmem_shared>>)
    %mul3A_271 = arith.constant 640 : i32
    %mul3A_272 = arith.muli %arg1, %mul3A_271 : i32
    %add3A_273 = arith.constant 288 : i32
    %add3A_274 = arith.addi %mul3A_272, %add3A_273 : i32
    %dma_wait3A_275 = arith.constant 0 : i32
    %dma_wait3A_276 = tpu.memref_slice %arg6[%add3A_274, %dma_wait3A_275] : memref<10240x128xf32, #tpu.memory_space<vmem_shared>> -> memref<32x128xf32, #tpu.memory_space<vmem_shared>>
    %dma_wait3A_277 = arith.constant 0 : i32
    %dma_wait3A_278 = tpu.memref_slice %arg6[%add3A_274, %dma_wait3A_277] : memref<10240x128xf32, #tpu.memory_space<vmem_shared>> -> memref<32x128xf32, #tpu.memory_space<vmem_shared>>
    tpu.wait_dma2 semaphore(%arg17 : memref<!tpu.dma_semaphore, #tpu.memory_space<semaphore_mem>>) src(%arg9 : memref<32x128xf32, #tpu.memory_space<vmem>>) dst(%dma_wait3A_278 : memref<32x128xf32, #tpu.memory_space<vmem_shared>>)
    %mul3A_279 = arith.constant 640 : i32
    %mul3A_280 = arith.muli %arg1, %mul3A_279 : i32
    %add3A_281 = arith.constant 320 : i32
    %add3A_282 = arith.addi %mul3A_280, %add3A_281 : i32
    %dma_wait3A_283 = arith.constant 0 : i32
    %dma_wait3A_284 = tpu.memref_slice %arg6[%add3A_282, %dma_wait3A_283] : memref<10240x128xf32, #tpu.memory_space<vmem_shared>> -> memref<32x128xf32, #tpu.memory_space<vmem_shared>>
    %dma_wait3A_285 = arith.constant 0 : i32
    %dma_wait3A_286 = tpu.memref_slice %arg6[%add3A_282, %dma_wait3A_285] : memref<10240x128xf32, #tpu.memory_space<vmem_shared>> -> memref<32x128xf32, #tpu.memory_space<vmem_shared>>
    tpu.wait_dma2 semaphore(%arg17 : memref<!tpu.dma_semaphore, #tpu.memory_space<semaphore_mem>>) src(%arg9 : memref<32x128xf32, #tpu.memory_space<vmem>>) dst(%dma_wait3A_286 : memref<32x128xf32, #tpu.memory_space<vmem_shared>>)
    %mul3A_287 = arith.constant 640 : i32
    %mul3A_288 = arith.muli %arg1, %mul3A_287 : i32
    %add3A_289 = arith.constant 352 : i32
    %add3A_290 = arith.addi %mul3A_288, %add3A_289 : i32
    %dma_wait3A_291 = arith.constant 0 : i32
    %dma_wait3A_292 = tpu.memref_slice %arg6[%add3A_290, %dma_wait3A_291] : memref<10240x128xf32, #tpu.memory_space<vmem_shared>> -> memref<32x128xf32, #tpu.memory_space<vmem_shared>>
    %dma_wait3A_293 = arith.constant 0 : i32
    %dma_wait3A_294 = tpu.memref_slice %arg6[%add3A_290, %dma_wait3A_293] : memref<10240x128xf32, #tpu.memory_space<vmem_shared>> -> memref<32x128xf32, #tpu.memory_space<vmem_shared>>
    tpu.wait_dma2 semaphore(%arg17 : memref<!tpu.dma_semaphore, #tpu.memory_space<semaphore_mem>>) src(%arg9 : memref<32x128xf32, #tpu.memory_space<vmem>>) dst(%dma_wait3A_294 : memref<32x128xf32, #tpu.memory_space<vmem_shared>>)
    %mul3A_295 = arith.constant 640 : i32
    %mul3A_296 = arith.muli %arg1, %mul3A_295 : i32
    %add3A_297 = arith.constant 384 : i32
    %add3A_298 = arith.addi %mul3A_296, %add3A_297 : i32
    %dma_wait3A_299 = arith.constant 0 : i32
    %dma_wait3A_300 = tpu.memref_slice %arg6[%add3A_298, %dma_wait3A_299] : memref<10240x128xf32, #tpu.memory_space<vmem_shared>> -> memref<32x128xf32, #tpu.memory_space<vmem_shared>>
    %dma_wait3A_301 = arith.constant 0 : i32
    %dma_wait3A_302 = tpu.memref_slice %arg6[%add3A_298, %dma_wait3A_301] : memref<10240x128xf32, #tpu.memory_space<vmem_shared>> -> memref<32x128xf32, #tpu.memory_space<vmem_shared>>
    tpu.wait_dma2 semaphore(%arg17 : memref<!tpu.dma_semaphore, #tpu.memory_space<semaphore_mem>>) src(%arg9 : memref<32x128xf32, #tpu.memory_space<vmem>>) dst(%dma_wait3A_302 : memref<32x128xf32, #tpu.memory_space<vmem_shared>>)
    %mul3A_303 = arith.constant 640 : i32
    %mul3A_304 = arith.muli %arg1, %mul3A_303 : i32
    %add3A_305 = arith.constant 416 : i32
    %add3A_306 = arith.addi %mul3A_304, %add3A_305 : i32
    %dma_wait3A_307 = arith.constant 0 : i32
    %dma_wait3A_308 = tpu.memref_slice %arg6[%add3A_306, %dma_wait3A_307] : memref<10240x128xf32, #tpu.memory_space<vmem_shared>> -> memref<32x128xf32, #tpu.memory_space<vmem_shared>>
    %dma_wait3A_309 = arith.constant 0 : i32
    %dma_wait3A_310 = tpu.memref_slice %arg6[%add3A_306, %dma_wait3A_309] : memref<10240x128xf32, #tpu.memory_space<vmem_shared>> -> memref<32x128xf32, #tpu.memory_space<vmem_shared>>
    tpu.wait_dma2 semaphore(%arg17 : memref<!tpu.dma_semaphore, #tpu.memory_space<semaphore_mem>>) src(%arg9 : memref<32x128xf32, #tpu.memory_space<vmem>>) dst(%dma_wait3A_310 : memref<32x128xf32, #tpu.memory_space<vmem_shared>>)
    %mul3A_311 = arith.constant 640 : i32
    %mul3A_312 = arith.muli %arg1, %mul3A_311 : i32
    %add3A_313 = arith.constant 448 : i32
    %add3A_314 = arith.addi %mul3A_312, %add3A_313 : i32
    %dma_wait3A_315 = arith.constant 0 : i32
    %dma_wait3A_316 = tpu.memref_slice %arg6[%add3A_314, %dma_wait3A_315] : memref<10240x128xf32, #tpu.memory_space<vmem_shared>> -> memref<32x128xf32, #tpu.memory_space<vmem_shared>>
    %dma_wait3A_317 = arith.constant 0 : i32
    %dma_wait3A_318 = tpu.memref_slice %arg6[%add3A_314, %dma_wait3A_317] : memref<10240x128xf32, #tpu.memory_space<vmem_shared>> -> memref<32x128xf32, #tpu.memory_space<vmem_shared>>
    tpu.wait_dma2 semaphore(%arg17 : memref<!tpu.dma_semaphore, #tpu.memory_space<semaphore_mem>>) src(%arg9 : memref<32x128xf32, #tpu.memory_space<vmem>>) dst(%dma_wait3A_318 : memref<32x128xf32, #tpu.memory_space<vmem_shared>>)
    %mul3A_319 = arith.constant 640 : i32
    %mul3A_320 = arith.muli %arg1, %mul3A_319 : i32
    %add3A_321 = arith.constant 480 : i32
    %add3A_322 = arith.addi %mul3A_320, %add3A_321 : i32
    %dma_wait3A_323 = arith.constant 0 : i32
    %dma_wait3A_324 = tpu.memref_slice %arg6[%add3A_322, %dma_wait3A_323] : memref<10240x128xf32, #tpu.memory_space<vmem_shared>> -> memref<32x128xf32, #tpu.memory_space<vmem_shared>>
    %dma_wait3A_325 = arith.constant 0 : i32
    %dma_wait3A_326 = tpu.memref_slice %arg6[%add3A_322, %dma_wait3A_325] : memref<10240x128xf32, #tpu.memory_space<vmem_shared>> -> memref<32x128xf32, #tpu.memory_space<vmem_shared>>
    tpu.wait_dma2 semaphore(%arg17 : memref<!tpu.dma_semaphore, #tpu.memory_space<semaphore_mem>>) src(%arg9 : memref<32x128xf32, #tpu.memory_space<vmem>>) dst(%dma_wait3A_326 : memref<32x128xf32, #tpu.memory_space<vmem_shared>>)
    %mul3A_327 = arith.constant 640 : i32
    %mul3A_328 = arith.muli %arg1, %mul3A_327 : i32
    %add3A_329 = arith.constant 512 : i32
    %add3A_330 = arith.addi %mul3A_328, %add3A_329 : i32
    %dma_wait3A_331 = arith.constant 0 : i32
    %dma_wait3A_332 = tpu.memref_slice %arg6[%add3A_330, %dma_wait3A_331] : memref<10240x128xf32, #tpu.memory_space<vmem_shared>> -> memref<32x128xf32, #tpu.memory_space<vmem_shared>>
    %dma_wait3A_333 = arith.constant 0 : i32
    %dma_wait3A_334 = tpu.memref_slice %arg6[%add3A_330, %dma_wait3A_333] : memref<10240x128xf32, #tpu.memory_space<vmem_shared>> -> memref<32x128xf32, #tpu.memory_space<vmem_shared>>
    tpu.wait_dma2 semaphore(%arg17 : memref<!tpu.dma_semaphore, #tpu.memory_space<semaphore_mem>>) src(%arg9 : memref<32x128xf32, #tpu.memory_space<vmem>>) dst(%dma_wait3A_334 : memref<32x128xf32, #tpu.memory_space<vmem_shared>>)
    %mul3A_335 = arith.constant 640 : i32
    %mul3A_336 = arith.muli %arg1, %mul3A_335 : i32
    %add3A_337 = arith.constant 544 : i32
    %add3A_338 = arith.addi %mul3A_336, %add3A_337 : i32
    %dma_wait3A_339 = arith.constant 0 : i32
    %dma_wait3A_340 = tpu.memref_slice %arg6[%add3A_338, %dma_wait3A_339] : memref<10240x128xf32, #tpu.memory_space<vmem_shared>> -> memref<32x128xf32, #tpu.memory_space<vmem_shared>>
    %dma_wait3A_341 = arith.constant 0 : i32
    %dma_wait3A_342 = tpu.memref_slice %arg6[%add3A_338, %dma_wait3A_341] : memref<10240x128xf32, #tpu.memory_space<vmem_shared>> -> memref<32x128xf32, #tpu.memory_space<vmem_shared>>
    tpu.wait_dma2 semaphore(%arg17 : memref<!tpu.dma_semaphore, #tpu.memory_space<semaphore_mem>>) src(%arg9 : memref<32x128xf32, #tpu.memory_space<vmem>>) dst(%dma_wait3A_342 : memref<32x128xf32, #tpu.memory_space<vmem_shared>>)
    %mul3A_343 = arith.constant 640 : i32
    %mul3A_344 = arith.muli %arg1, %mul3A_343 : i32
    %add3A_345 = arith.constant 576 : i32
    %add3A_346 = arith.addi %mul3A_344, %add3A_345 : i32
    %dma_wait3A_347 = arith.constant 0 : i32
    %dma_wait3A_348 = tpu.memref_slice %arg6[%add3A_346, %dma_wait3A_347] : memref<10240x128xf32, #tpu.memory_space<vmem_shared>> -> memref<32x128xf32, #tpu.memory_space<vmem_shared>>
    %dma_wait3A_349 = arith.constant 0 : i32
    %dma_wait3A_350 = tpu.memref_slice %arg6[%add3A_346, %dma_wait3A_349] : memref<10240x128xf32, #tpu.memory_space<vmem_shared>> -> memref<32x128xf32, #tpu.memory_space<vmem_shared>>
    tpu.wait_dma2 semaphore(%arg17 : memref<!tpu.dma_semaphore, #tpu.memory_space<semaphore_mem>>) src(%arg9 : memref<32x128xf32, #tpu.memory_space<vmem>>) dst(%dma_wait3A_350 : memref<32x128xf32, #tpu.memory_space<vmem_shared>>)
    %mul3A_351 = arith.constant 640 : i32
    %mul3A_352 = arith.muli %arg1, %mul3A_351 : i32
    %add3A_353 = arith.constant 608 : i32
    %add3A_354 = arith.addi %mul3A_352, %add3A_353 : i32
    %dma_wait3A_355 = arith.constant 0 : i32
    %dma_wait3A_356 = tpu.memref_slice %arg6[%add3A_354, %dma_wait3A_355] : memref<10240x128xf32, #tpu.memory_space<vmem_shared>> -> memref<32x128xf32, #tpu.memory_space<vmem_shared>>
    %dma_wait3A_357 = arith.constant 0 : i32
    %dma_wait3A_358 = tpu.memref_slice %arg6[%add3A_354, %dma_wait3A_357] : memref<10240x128xf32, #tpu.memory_space<vmem_shared>> -> memref<32x128xf32, #tpu.memory_space<vmem_shared>>
    tpu.wait_dma2 semaphore(%arg17 : memref<!tpu.dma_semaphore, #tpu.memory_space<semaphore_mem>>) src(%arg9 : memref<32x128xf32, #tpu.memory_space<vmem>>) dst(%dma_wait3A_358 : memref<32x128xf32, #tpu.memory_space<vmem_shared>>)
    %dma_wait3A_359 = arith.constant 0 : i32
    %dma_wait3A_360 = arith.constant 0 : i32
    %dma_wait3A_361 = arith.constant 0 : i32
    %dma_wait3A_362 = tpu.memref_slice %arg7[%dma_wait3A_359, %dma_wait3A_360, %dma_wait3A_361] : memref<2x8x32xi32, #tpu.memory_space<vmem>> -> memref<1x8x32xi32, #tpu.memory_space<vmem>>
    %dma_wait3A_363 = tpu.memref_squeeze %dma_wait3A_362 : memref<1x8x32xi32, #tpu.memory_space<vmem>> -> memref<8x32xi32, #tpu.memory_space<vmem>>
    %dma_wait3A_364 = arith.constant 0 : i32
    %dma_wait3A_365 = arith.constant 0 : i32
    %dma_wait3A_366 = tpu.memref_slice %arg3[%add3A, %dma_wait3A_364, %dma_wait3A_365] : memref<32x320x32xi32, #tpu.memory_space<hbm>> -> memref<1x8x32xi32, #tpu.memory_space<hbm>>
    %dma_wait3A_367 = tpu.memref_squeeze %dma_wait3A_366 : memref<1x8x32xi32, #tpu.memory_space<hbm>> -> memref<8x32xi32, #tpu.memory_space<hbm>>
    %dma_wait3A_368 = arith.constant 0 : i32
    %dma_wait3A_369 = arith.constant 0 : i32
    %dma_wait3A_370 = tpu.memref_slice %arg7[%dma_wait3A_359, %dma_wait3A_368, %dma_wait3A_369] : memref<2x8x32xi32, #tpu.memory_space<vmem>> -> memref<1x8x32xi32, #tpu.memory_space<vmem>>
    %dma_wait3A_371 = tpu.memref_squeeze %dma_wait3A_370 : memref<1x8x32xi32, #tpu.memory_space<vmem>> -> memref<8x32xi32, #tpu.memory_space<vmem>>
    %dma_wait3A_372 = arith.constant 0 : i32
    %dma_wait3A_373 = arith.constant 0 : i32
    %dma_wait3A_374 = tpu.memref_slice %arg3[%add3A, %dma_wait3A_372, %dma_wait3A_373] : memref<32x320x32xi32, #tpu.memory_space<hbm>> -> memref<1x8x32xi32, #tpu.memory_space<hbm>>
    %dma_wait3A_375 = tpu.memref_squeeze %dma_wait3A_374 : memref<1x8x32xi32, #tpu.memory_space<hbm>> -> memref<8x32xi32, #tpu.memory_space<hbm>>
    tpu.wait_dma2 semaphore(%arg33 : memref<!tpu.dma_semaphore, #tpu.memory_space<semaphore_mem>>) src(%dma_wait3A_375 : memref<8x32xi32, #tpu.memory_space<hbm>>) dst(%dma_wait3A_371 : memref<8x32xi32, #tpu.memory_space<vmem>>)
    %dma_wait3A_376 = arith.constant 0 : i32
    %dma_wait3A_377 = arith.constant 0 : i32
    %dma_wait3A_378 = arith.constant 0 : i32
    %dma_wait3A_379 = tpu.memref_slice %arg8[%dma_wait3A_376, %dma_wait3A_377, %dma_wait3A_378] : memref<2x8x32xi32, #tpu.memory_space<vmem>> -> memref<1x8x32xi32, #tpu.memory_space<vmem>>
    %dma_wait3A_380 = tpu.memref_squeeze %dma_wait3A_379 : memref<1x8x32xi32, #tpu.memory_space<vmem>> -> memref<8x32xi32, #tpu.memory_space<vmem>>
    %dma_wait3A_381 = arith.constant 0 : i32
    %dma_wait3A_382 = arith.constant 0 : i32
    %dma_wait3A_383 = tpu.memref_slice %arg4[%add3A, %dma_wait3A_381, %dma_wait3A_382] : memref<32x320x32xi32, #tpu.memory_space<hbm>> -> memref<1x8x32xi32, #tpu.memory_space<hbm>>
    %dma_wait3A_384 = tpu.memref_squeeze %dma_wait3A_383 : memref<1x8x32xi32, #tpu.memory_space<hbm>> -> memref<8x32xi32, #tpu.memory_space<hbm>>
    %dma_wait3A_385 = arith.constant 0 : i32
    %dma_wait3A_386 = arith.constant 0 : i32
    %dma_wait3A_387 = tpu.memref_slice %arg8[%dma_wait3A_376, %dma_wait3A_385, %dma_wait3A_386] : memref<2x8x32xi32, #tpu.memory_space<vmem>> -> memref<1x8x32xi32, #tpu.memory_space<vmem>>
    %dma_wait3A_388 = tpu.memref_squeeze %dma_wait3A_387 : memref<1x8x32xi32, #tpu.memory_space<vmem>> -> memref<8x32xi32, #tpu.memory_space<vmem>>
    %dma_wait3A_389 = arith.constant 0 : i32
    %dma_wait3A_390 = arith.constant 0 : i32
    %dma_wait3A_391 = tpu.memref_slice %arg4[%add3A, %dma_wait3A_389, %dma_wait3A_390] : memref<32x320x32xi32, #tpu.memory_space<hbm>> -> memref<1x8x32xi32, #tpu.memory_space<hbm>>
    %dma_wait3A_392 = tpu.memref_squeeze %dma_wait3A_391 : memref<1x8x32xi32, #tpu.memory_space<hbm>> -> memref<8x32xi32, #tpu.memory_space<hbm>>
    tpu.wait_dma2 semaphore(%arg34 : memref<!tpu.dma_semaphore, #tpu.memory_space<semaphore_mem>>) src(%dma_wait3A_392 : memref<8x32xi32, #tpu.memory_space<hbm>>) dst(%dma_wait3A_388 : memref<8x32xi32, #tpu.memory_space<vmem>>)
    %barrier3A = arith.constant 0 : index
    tpu.barrier barrier_id(%barrier3A)
    %scan3A_393 = arith.constant 0 : i32
    %scan3A_394 = arith.constant 0 : i32
    %scan3A_395 = arith.constant 40 : i32
    %scan3A_396 = arith.addi %scan3A_394, %scan3A_395 : i32
    %scan3A_397 = arith.constant 1 : i32
    %scan3A_398 = scf.for %scan3A_555 = %scan3A_394 to %scan3A_396 step %scan3A_397 iter_args(%scan3A_556 = %scan3A_393) -> (i32)  : i32 {
      %rem3A = arith.constant 2 : i32
      %rem3A_557 = arith.remsi %scan3A_555, %rem3A : i32
      %add3A_558 = arith.constant 1 : i32
      %add3A_559 = arith.addi %scan3A_555, %add3A_558 : i32
      %lt3A = arith.constant 40 : i32
      %lt3A_560 = arith.cmpi slt, %add3A_559, %lt3A : i32
      %convert_element_type3A = arith.extui %lt3A_560 : i1 to i32
      %cond3A = arith.constant 0 : i32
      %cond3A_561 = arith.cmpi ne, %convert_element_type3A, %cond3A : i32
      scf.if %cond3A_561 {
        %add3A_777 = arith.constant 1 : i32
        %add3A_778 = arith.addi %scan3A_555, %add3A_777 : i32
        %mul3A_779 = arith.constant 8 : i32
        %mul3A_780 = arith.muli %add3A_778, %mul3A_779 : i32
        %sub3A = arith.constant 1 : i32
        %sub3A_781 = arith.subi %sub3A, %rem3A_557 : i32
        %dma_start3A_782 = arith.constant 0 : i32
        %dma_start3A_783 = arith.constant 0 : i32
        %dma_start3A_784 = tpu.memref_slice %arg7[%sub3A_781, %dma_start3A_782, %dma_start3A_783] : memref<2x8x32xi32, #tpu.memory_space<vmem>> -> memref<1x8x32xi32, #tpu.memory_space<vmem>>
        %dma_start3A_785 = tpu.memref_squeeze %dma_start3A_784 : memref<1x8x32xi32, #tpu.memory_space<vmem>> -> memref<8x32xi32, #tpu.memory_space<vmem>>
        %dma_start3A_786 = arith.constant 0 : i32
        %dma_start3A_787 = tpu.memref_slice %arg3[%add3A, %mul3A_780, %dma_start3A_786] : memref<32x320x32xi32, #tpu.memory_space<hbm>> -> memref<1x8x32xi32, #tpu.memory_space<hbm>>
        %dma_start3A_788 = tpu.memref_squeeze %dma_start3A_787 : memref<1x8x32xi32, #tpu.memory_space<hbm>> -> memref<8x32xi32, #tpu.memory_space<hbm>>
        %dma_start3A_789 = arith.constant 0 : i32
        %dma_start3A_790 = arith.constant 0 : i32
        %dma_start3A_791 = tpu.memref_slice %arg7[%sub3A_781, %dma_start3A_789, %dma_start3A_790] : memref<2x8x32xi32, #tpu.memory_space<vmem>> -> memref<1x8x32xi32, #tpu.memory_space<vmem>>
        %dma_start3A_792 = tpu.memref_squeeze %dma_start3A_791 : memref<1x8x32xi32, #tpu.memory_space<vmem>> -> memref<8x32xi32, #tpu.memory_space<vmem>>
        %dma_start3A_793 = arith.constant 0 : i32
        %dma_start3A_794 = tpu.memref_slice %arg3[%add3A, %mul3A_780, %dma_start3A_793] : memref<32x320x32xi32, #tpu.memory_space<hbm>> -> memref<1x8x32xi32, #tpu.memory_space<hbm>>
        %dma_start3A_795 = tpu.memref_squeeze %dma_start3A_794 : memref<1x8x32xi32, #tpu.memory_space<hbm>> -> memref<8x32xi32, #tpu.memory_space<hbm>>
        tpu.enqueue_dma source(%dma_start3A_795 : memref<8x32xi32, #tpu.memory_space<hbm>>) target(%dma_start3A_792 : memref<8x32xi32, #tpu.memory_space<vmem>>) target_semaphore(%arg33 : memref<!tpu.dma_semaphore, #tpu.memory_space<semaphore_mem>>)
        %add3A_796 = arith.constant 1 : i32
        %add3A_797 = arith.addi %scan3A_555, %add3A_796 : i32
        %mul3A_798 = arith.constant 8 : i32
        %mul3A_799 = arith.muli %add3A_797, %mul3A_798 : i32
        %sub3A_800 = arith.constant 1 : i32
        %sub3A_801 = arith.subi %sub3A_800, %rem3A_557 : i32
        %dma_start3A_802 = arith.constant 0 : i32
        %dma_start3A_803 = arith.constant 0 : i32
        %dma_start3A_804 = tpu.memref_slice %arg8[%sub3A_801, %dma_start3A_802, %dma_start3A_803] : memref<2x8x32xi32, #tpu.memory_space<vmem>> -> memref<1x8x32xi32, #tpu.memory_space<vmem>>
        %dma_start3A_805 = tpu.memref_squeeze %dma_start3A_804 : memref<1x8x32xi32, #tpu.memory_space<vmem>> -> memref<8x32xi32, #tpu.memory_space<vmem>>
        %dma_start3A_806 = arith.constant 0 : i32
        %dma_start3A_807 = tpu.memref_slice %arg4[%add3A, %mul3A_799, %dma_start3A_806] : memref<32x320x32xi32, #tpu.memory_space<hbm>> -> memref<1x8x32xi32, #tpu.memory_space<hbm>>
        %dma_start3A_808 = tpu.memref_squeeze %dma_start3A_807 : memref<1x8x32xi32, #tpu.memory_space<hbm>> -> memref<8x32xi32, #tpu.memory_space<hbm>>
        %dma_start3A_809 = arith.constant 0 : i32
        %dma_start3A_810 = arith.constant 0 : i32
        %dma_start3A_811 = tpu.memref_slice %arg8[%sub3A_801, %dma_start3A_809, %dma_start3A_810] : memref<2x8x32xi32, #tpu.memory_space<vmem>> -> memref<1x8x32xi32, #tpu.memory_space<vmem>>
        %dma_start3A_812 = tpu.memref_squeeze %dma_start3A_811 : memref<1x8x32xi32, #tpu.memory_space<vmem>> -> memref<8x32xi32, #tpu.memory_space<vmem>>
        %dma_start3A_813 = arith.constant 0 : i32
        %dma_start3A_814 = tpu.memref_slice %arg4[%add3A, %mul3A_799, %dma_start3A_813] : memref<32x320x32xi32, #tpu.memory_space<hbm>> -> memref<1x8x32xi32, #tpu.memory_space<hbm>>
        %dma_start3A_815 = tpu.memref_squeeze %dma_start3A_814 : memref<1x8x32xi32, #tpu.memory_space<hbm>> -> memref<8x32xi32, #tpu.memory_space<hbm>>
        tpu.enqueue_dma source(%dma_start3A_815 : memref<8x32xi32, #tpu.memory_space<hbm>>) target(%dma_start3A_812 : memref<8x32xi32, #tpu.memory_space<vmem>>) target_semaphore(%arg34 : memref<!tpu.dma_semaphore, #tpu.memory_space<semaphore_mem>>)
      } else {
      }
      %gt3A = arith.constant 0 : i32
      %gt3A_562 = arith.cmpi sgt, %scan3A_555, %gt3A : i32
      %convert_element_type3A_563 = arith.extui %gt3A_562 : i1 to i32
      %cond3A_564 = arith.constant 0 : i32
      %cond3A_565 = arith.cmpi ne, %convert_element_type3A_563, %cond3A_564 : i32
      scf.if %cond3A_565 {
        %dma_wait3A_777 = arith.constant 0 : i32
        %dma_wait3A_778 = arith.constant 0 : i32
        %dma_wait3A_779 = tpu.memref_slice %arg8[%rem3A_557, %dma_wait3A_777, %dma_wait3A_778] : memref<2x8x32xi32, #tpu.memory_space<vmem>> -> memref<1x1x32xi32, #tpu.memory_space<vmem>>
        %dma_wait3A_780 = tpu.memref_squeeze %dma_wait3A_779 : memref<1x1x32xi32, #tpu.memory_space<vmem>> -> memref<32xi32, #tpu.memory_space<vmem>>
        %dma_wait3A_781 = arith.constant 0 : i32
        %dma_wait3A_782 = arith.constant 0 : i32
        %dma_wait3A_783 = tpu.memref_slice %arg6[%dma_wait3A_781, %dma_wait3A_782] : memref<10240x128xf32, #tpu.memory_space<vmem_shared>> -> memref<10240x128xf32, #tpu.memory_space<vmem_shared>>
        tpu.wait_indirect_dma semaphore(%arg25 : memref<!tpu.dma_semaphore, #tpu.memory_space<semaphore_mem>>) src(%arg9 : memref<32x128xf32, #tpu.memory_space<vmem>>) dst(%dma_wait3A_783 : memref<10240x128xf32, #tpu.memory_space<vmem_shared>>)
      } else {
      }
      %dma_start3A_566 = arith.constant 0 : i32
      %dma_start3A_567 = arith.constant 0 : i32
      %dma_start3A_568 = tpu.memref_slice %arg7[%rem3A_557, %dma_start3A_566, %dma_start3A_567] : memref<2x8x32xi32, #tpu.memory_space<vmem>> -> memref<1x1x32xi32, #tpu.memory_space<vmem>>
      %dma_start3A_569 = tpu.memref_squeeze %dma_start3A_568 : memref<1x1x32xi32, #tpu.memory_space<vmem>> -> memref<32xi32, #tpu.memory_space<vmem>>
      %dma_start3A_570 = arith.constant 0 : i32
      %dma_start3A_571 = arith.constant 0 : i32
      %dma_start3A_572 = tpu.memref_slice %arg2[%dma_start3A_570, %dma_start3A_571] : memref<10000x128xf32, #tpu.memory_space<hbm>> -> memref<10000x128xf32, #tpu.memory_space<hbm>>
      tpu.enqueue_indirect_dma source(%dma_start3A_572 : memref<10000x128xf32, #tpu.memory_space<hbm>>) target(%arg9 : memref<32x128xf32, #tpu.memory_space<vmem>>) offsets(%dma_start3A_569 : memref<32xi32, #tpu.memory_space<vmem>>) semaphore(%arg17 : memref<!tpu.dma_semaphore, #tpu.memory_space<semaphore_mem>>)
      %gt3A_573 = arith.constant 0 : i32
      %gt3A_574 = arith.cmpi sgt, %scan3A_555, %gt3A_573 : i32
      %convert_element_type3A_575 = arith.extui %gt3A_574 : i1 to i32
      %cond3A_576 = arith.constant 0 : i32
      %cond3A_577 = arith.cmpi ne, %convert_element_type3A_575, %cond3A_576 : i32
      scf.if %cond3A_577 {
        %dma_wait3A_777 = arith.constant 0 : i32
        %dma_wait3A_778 = arith.constant 0 : i32
        %dma_wait3A_779 = tpu.memref_slice %arg8[%rem3A_557, %dma_wait3A_777, %dma_wait3A_778] : memref<2x8x32xi32, #tpu.memory_space<vmem>> -> memref<1x1x32xi32, #tpu.memory_space<vmem>>
        %dma_wait3A_780 = tpu.memref_squeeze %dma_wait3A_779 : memref<1x1x32xi32, #tpu.memory_space<vmem>> -> memref<32xi32, #tpu.memory_space<vmem>>
        %dma_wait3A_781 = arith.constant 0 : i32
        %dma_wait3A_782 = arith.constant 0 : i32
        %dma_wait3A_783 = tpu.memref_slice %arg6[%dma_wait3A_781, %dma_wait3A_782] : memref<10240x128xf32, #tpu.memory_space<vmem_shared>> -> memref<10240x128xf32, #tpu.memory_space<vmem_shared>>
        tpu.wait_indirect_dma semaphore(%arg26 : memref<!tpu.dma_semaphore, #tpu.memory_space<semaphore_mem>>) src(%arg10 : memref<32x128xf32, #tpu.memory_space<vmem>>) dst(%dma_wait3A_783 : memref<10240x128xf32, #tpu.memory_space<vmem_shared>>)
      } else {
      }
      %dma_start3A_578 = arith.constant 1 : i32
      %dma_start3A_579 = arith.constant 0 : i32
      %dma_start3A_580 = tpu.memref_slice %arg7[%rem3A_557, %dma_start3A_578, %dma_start3A_579] : memref<2x8x32xi32, #tpu.memory_space<vmem>> -> memref<1x1x32xi32, #tpu.memory_space<vmem>>
      %dma_start3A_581 = tpu.memref_squeeze %dma_start3A_580 : memref<1x1x32xi32, #tpu.memory_space<vmem>> -> memref<32xi32, #tpu.memory_space<vmem>>
      %dma_start3A_582 = arith.constant 0 : i32
      %dma_start3A_583 = arith.constant 0 : i32
      %dma_start3A_584 = tpu.memref_slice %arg2[%dma_start3A_582, %dma_start3A_583] : memref<10000x128xf32, #tpu.memory_space<hbm>> -> memref<10000x128xf32, #tpu.memory_space<hbm>>
      tpu.enqueue_indirect_dma source(%dma_start3A_584 : memref<10000x128xf32, #tpu.memory_space<hbm>>) target(%arg10 : memref<32x128xf32, #tpu.memory_space<vmem>>) offsets(%dma_start3A_581 : memref<32xi32, #tpu.memory_space<vmem>>) semaphore(%arg18 : memref<!tpu.dma_semaphore, #tpu.memory_space<semaphore_mem>>)
      %gt3A_585 = arith.constant 0 : i32
      %gt3A_586 = arith.cmpi sgt, %scan3A_555, %gt3A_585 : i32
      %convert_element_type3A_587 = arith.extui %gt3A_586 : i1 to i32
      %cond3A_588 = arith.constant 0 : i32
      %cond3A_589 = arith.cmpi ne, %convert_element_type3A_587, %cond3A_588 : i32
      scf.if %cond3A_589 {
        %dma_wait3A_777 = arith.constant 0 : i32
        %dma_wait3A_778 = arith.constant 0 : i32
        %dma_wait3A_779 = tpu.memref_slice %arg8[%rem3A_557, %dma_wait3A_777, %dma_wait3A_778] : memref<2x8x32xi32, #tpu.memory_space<vmem>> -> memref<1x1x32xi32, #tpu.memory_space<vmem>>
        %dma_wait3A_780 = tpu.memref_squeeze %dma_wait3A_779 : memref<1x1x32xi32, #tpu.memory_space<vmem>> -> memref<32xi32, #tpu.memory_space<vmem>>
        %dma_wait3A_781 = arith.constant 0 : i32
        %dma_wait3A_782 = arith.constant 0 : i32
        %dma_wait3A_783 = tpu.memref_slice %arg6[%dma_wait3A_781, %dma_wait3A_782] : memref<10240x128xf32, #tpu.memory_space<vmem_shared>> -> memref<10240x128xf32, #tpu.memory_space<vmem_shared>>
        tpu.wait_indirect_dma semaphore(%arg27 : memref<!tpu.dma_semaphore, #tpu.memory_space<semaphore_mem>>) src(%arg11 : memref<32x128xf32, #tpu.memory_space<vmem>>) dst(%dma_wait3A_783 : memref<10240x128xf32, #tpu.memory_space<vmem_shared>>)
      } else {
      }
      %dma_start3A_590 = arith.constant 2 : i32
      %dma_start3A_591 = arith.constant 0 : i32
      %dma_start3A_592 = tpu.memref_slice %arg7[%rem3A_557, %dma_start3A_590, %dma_start3A_591] : memref<2x8x32xi32, #tpu.memory_space<vmem>> -> memref<1x1x32xi32, #tpu.memory_space<vmem>>
      %dma_start3A_593 = tpu.memref_squeeze %dma_start3A_592 : memref<1x1x32xi32, #tpu.memory_space<vmem>> -> memref<32xi32, #tpu.memory_space<vmem>>
      %dma_start3A_594 = arith.constant 0 : i32
      %dma_start3A_595 = arith.constant 0 : i32
      %dma_start3A_596 = tpu.memref_slice %arg2[%dma_start3A_594, %dma_start3A_595] : memref<10000x128xf32, #tpu.memory_space<hbm>> -> memref<10000x128xf32, #tpu.memory_space<hbm>>
      tpu.enqueue_indirect_dma source(%dma_start3A_596 : memref<10000x128xf32, #tpu.memory_space<hbm>>) target(%arg11 : memref<32x128xf32, #tpu.memory_space<vmem>>) offsets(%dma_start3A_593 : memref<32xi32, #tpu.memory_space<vmem>>) semaphore(%arg19 : memref<!tpu.dma_semaphore, #tpu.memory_space<semaphore_mem>>)
      %gt3A_597 = arith.constant 0 : i32
      %gt3A_598 = arith.cmpi sgt, %scan3A_555, %gt3A_597 : i32
      %convert_element_type3A_599 = arith.extui %gt3A_598 : i1 to i32
      %cond3A_600 = arith.constant 0 : i32
      %cond3A_601 = arith.cmpi ne, %convert_element_type3A_599, %cond3A_600 : i32
      scf.if %cond3A_601 {
        %dma_wait3A_777 = arith.constant 0 : i32
        %dma_wait3A_778 = arith.constant 0 : i32
        %dma_wait3A_779 = tpu.memref_slice %arg8[%rem3A_557, %dma_wait3A_777, %dma_wait3A_778] : memref<2x8x32xi32, #tpu.memory_space<vmem>> -> memref<1x1x32xi32, #tpu.memory_space<vmem>>
        %dma_wait3A_780 = tpu.memref_squeeze %dma_wait3A_779 : memref<1x1x32xi32, #tpu.memory_space<vmem>> -> memref<32xi32, #tpu.memory_space<vmem>>
        %dma_wait3A_781 = arith.constant 0 : i32
        %dma_wait3A_782 = arith.constant 0 : i32
        %dma_wait3A_783 = tpu.memref_slice %arg6[%dma_wait3A_781, %dma_wait3A_782] : memref<10240x128xf32, #tpu.memory_space<vmem_shared>> -> memref<10240x128xf32, #tpu.memory_space<vmem_shared>>
        tpu.wait_indirect_dma semaphore(%arg28 : memref<!tpu.dma_semaphore, #tpu.memory_space<semaphore_mem>>) src(%arg12 : memref<32x128xf32, #tpu.memory_space<vmem>>) dst(%dma_wait3A_783 : memref<10240x128xf32, #tpu.memory_space<vmem_shared>>)
      } else {
      }
      %dma_start3A_602 = arith.constant 3 : i32
      %dma_start3A_603 = arith.constant 0 : i32
      %dma_start3A_604 = tpu.memref_slice %arg7[%rem3A_557, %dma_start3A_602, %dma_start3A_603] : memref<2x8x32xi32, #tpu.memory_space<vmem>> -> memref<1x1x32xi32, #tpu.memory_space<vmem>>
      %dma_start3A_605 = tpu.memref_squeeze %dma_start3A_604 : memref<1x1x32xi32, #tpu.memory_space<vmem>> -> memref<32xi32, #tpu.memory_space<vmem>>
      %dma_start3A_606 = arith.constant 0 : i32
      %dma_start3A_607 = arith.constant 0 : i32
      %dma_start3A_608 = tpu.memref_slice %arg2[%dma_start3A_606, %dma_start3A_607] : memref<10000x128xf32, #tpu.memory_space<hbm>> -> memref<10000x128xf32, #tpu.memory_space<hbm>>
      tpu.enqueue_indirect_dma source(%dma_start3A_608 : memref<10000x128xf32, #tpu.memory_space<hbm>>) target(%arg12 : memref<32x128xf32, #tpu.memory_space<vmem>>) offsets(%dma_start3A_605 : memref<32xi32, #tpu.memory_space<vmem>>) semaphore(%arg20 : memref<!tpu.dma_semaphore, #tpu.memory_space<semaphore_mem>>)
      %gt3A_609 = arith.constant 0 : i32
      %gt3A_610 = arith.cmpi sgt, %scan3A_555, %gt3A_609 : i32
      %convert_element_type3A_611 = arith.extui %gt3A_610 : i1 to i32
      %cond3A_612 = arith.constant 0 : i32
      %cond3A_613 = arith.cmpi ne, %convert_element_type3A_611, %cond3A_612 : i32
      scf.if %cond3A_613 {
        %dma_wait3A_777 = arith.constant 0 : i32
        %dma_wait3A_778 = arith.constant 0 : i32
        %dma_wait3A_779 = tpu.memref_slice %arg8[%rem3A_557, %dma_wait3A_777, %dma_wait3A_778] : memref<2x8x32xi32, #tpu.memory_space<vmem>> -> memref<1x1x32xi32, #tpu.memory_space<vmem>>
        %dma_wait3A_780 = tpu.memref_squeeze %dma_wait3A_779 : memref<1x1x32xi32, #tpu.memory_space<vmem>> -> memref<32xi32, #tpu.memory_space<vmem>>
        %dma_wait3A_781 = arith.constant 0 : i32
        %dma_wait3A_782 = arith.constant 0 : i32
        %dma_wait3A_783 = tpu.memref_slice %arg6[%dma_wait3A_781, %dma_wait3A_782] : memref<10240x128xf32, #tpu.memory_space<vmem_shared>> -> memref<10240x128xf32, #tpu.memory_space<vmem_shared>>
        tpu.wait_indirect_dma semaphore(%arg29 : memref<!tpu.dma_semaphore, #tpu.memory_space<semaphore_mem>>) src(%arg13 : memref<32x128xf32, #tpu.memory_space<vmem>>) dst(%dma_wait3A_783 : memref<10240x128xf32, #tpu.memory_space<vmem_shared>>)
      } else {
      }
      %dma_start3A_614 = arith.constant 4 : i32
      %dma_start3A_615 = arith.constant 0 : i32
      %dma_start3A_616 = tpu.memref_slice %arg7[%rem3A_557, %dma_start3A_614, %dma_start3A_615] : memref<2x8x32xi32, #tpu.memory_space<vmem>> -> memref<1x1x32xi32, #tpu.memory_space<vmem>>
      %dma_start3A_617 = tpu.memref_squeeze %dma_start3A_616 : memref<1x1x32xi32, #tpu.memory_space<vmem>> -> memref<32xi32, #tpu.memory_space<vmem>>
      %dma_start3A_618 = arith.constant 0 : i32
      %dma_start3A_619 = arith.constant 0 : i32
      %dma_start3A_620 = tpu.memref_slice %arg2[%dma_start3A_618, %dma_start3A_619] : memref<10000x128xf32, #tpu.memory_space<hbm>> -> memref<10000x128xf32, #tpu.memory_space<hbm>>
      tpu.enqueue_indirect_dma source(%dma_start3A_620 : memref<10000x128xf32, #tpu.memory_space<hbm>>) target(%arg13 : memref<32x128xf32, #tpu.memory_space<vmem>>) offsets(%dma_start3A_617 : memref<32xi32, #tpu.memory_space<vmem>>) semaphore(%arg21 : memref<!tpu.dma_semaphore, #tpu.memory_space<semaphore_mem>>)
      %gt3A_621 = arith.constant 0 : i32
      %gt3A_622 = arith.cmpi sgt, %scan3A_555, %gt3A_621 : i32
      %convert_element_type3A_623 = arith.extui %gt3A_622 : i1 to i32
      %cond3A_624 = arith.constant 0 : i32
      %cond3A_625 = arith.cmpi ne, %convert_element_type3A_623, %cond3A_624 : i32
      scf.if %cond3A_625 {
        %dma_wait3A_777 = arith.constant 0 : i32
        %dma_wait3A_778 = arith.constant 0 : i32
        %dma_wait3A_779 = tpu.memref_slice %arg8[%rem3A_557, %dma_wait3A_777, %dma_wait3A_778] : memref<2x8x32xi32, #tpu.memory_space<vmem>> -> memref<1x1x32xi32, #tpu.memory_space<vmem>>
        %dma_wait3A_780 = tpu.memref_squeeze %dma_wait3A_779 : memref<1x1x32xi32, #tpu.memory_space<vmem>> -> memref<32xi32, #tpu.memory_space<vmem>>
        %dma_wait3A_781 = arith.constant 0 : i32
        %dma_wait3A_782 = arith.constant 0 : i32
        %dma_wait3A_783 = tpu.memref_slice %arg6[%dma_wait3A_781, %dma_wait3A_782] : memref<10240x128xf32, #tpu.memory_space<vmem_shared>> -> memref<10240x128xf32, #tpu.memory_space<vmem_shared>>
        tpu.wait_indirect_dma semaphore(%arg30 : memref<!tpu.dma_semaphore, #tpu.memory_space<semaphore_mem>>) src(%arg14 : memref<32x128xf32, #tpu.memory_space<vmem>>) dst(%dma_wait3A_783 : memref<10240x128xf32, #tpu.memory_space<vmem_shared>>)
      } else {
      }
      %dma_start3A_626 = arith.constant 5 : i32
      %dma_start3A_627 = arith.constant 0 : i32
      %dma_start3A_628 = tpu.memref_slice %arg7[%rem3A_557, %dma_start3A_626, %dma_start3A_627] : memref<2x8x32xi32, #tpu.memory_space<vmem>> -> memref<1x1x32xi32, #tpu.memory_space<vmem>>
      %dma_start3A_629 = tpu.memref_squeeze %dma_start3A_628 : memref<1x1x32xi32, #tpu.memory_space<vmem>> -> memref<32xi32, #tpu.memory_space<vmem>>
      %dma_start3A_630 = arith.constant 0 : i32
      %dma_start3A_631 = arith.constant 0 : i32
      %dma_start3A_632 = tpu.memref_slice %arg2[%dma_start3A_630, %dma_start3A_631] : memref<10000x128xf32, #tpu.memory_space<hbm>> -> memref<10000x128xf32, #tpu.memory_space<hbm>>
      tpu.enqueue_indirect_dma source(%dma_start3A_632 : memref<10000x128xf32, #tpu.memory_space<hbm>>) target(%arg14 : memref<32x128xf32, #tpu.memory_space<vmem>>) offsets(%dma_start3A_629 : memref<32xi32, #tpu.memory_space<vmem>>) semaphore(%arg22 : memref<!tpu.dma_semaphore, #tpu.memory_space<semaphore_mem>>)
      %gt3A_633 = arith.constant 0 : i32
      %gt3A_634 = arith.cmpi sgt, %scan3A_555, %gt3A_633 : i32
      %convert_element_type3A_635 = arith.extui %gt3A_634 : i1 to i32
      %cond3A_636 = arith.constant 0 : i32
      %cond3A_637 = arith.cmpi ne, %convert_element_type3A_635, %cond3A_636 : i32
      scf.if %cond3A_637 {
        %dma_wait3A_777 = arith.constant 0 : i32
        %dma_wait3A_778 = arith.constant 0 : i32
        %dma_wait3A_779 = tpu.memref_slice %arg8[%rem3A_557, %dma_wait3A_777, %dma_wait3A_778] : memref<2x8x32xi32, #tpu.memory_space<vmem>> -> memref<1x1x32xi32, #tpu.memory_space<vmem>>
        %dma_wait3A_780 = tpu.memref_squeeze %dma_wait3A_779 : memref<1x1x32xi32, #tpu.memory_space<vmem>> -> memref<32xi32, #tpu.memory_space<vmem>>
        %dma_wait3A_781 = arith.constant 0 : i32
        %dma_wait3A_782 = arith.constant 0 : i32
        %dma_wait3A_783 = tpu.memref_slice %arg6[%dma_wait3A_781, %dma_wait3A_782] : memref<10240x128xf32, #tpu.memory_space<vmem_shared>> -> memref<10240x128xf32, #tpu.memory_space<vmem_shared>>
        tpu.wait_indirect_dma semaphore(%arg31 : memref<!tpu.dma_semaphore, #tpu.memory_space<semaphore_mem>>) src(%arg15 : memref<32x128xf32, #tpu.memory_space<vmem>>) dst(%dma_wait3A_783 : memref<10240x128xf32, #tpu.memory_space<vmem_shared>>)
      } else {
      }
      %dma_start3A_638 = arith.constant 6 : i32
      %dma_start3A_639 = arith.constant 0 : i32
      %dma_start3A_640 = tpu.memref_slice %arg7[%rem3A_557, %dma_start3A_638, %dma_start3A_639] : memref<2x8x32xi32, #tpu.memory_space<vmem>> -> memref<1x1x32xi32, #tpu.memory_space<vmem>>
      %dma_start3A_641 = tpu.memref_squeeze %dma_start3A_640 : memref<1x1x32xi32, #tpu.memory_space<vmem>> -> memref<32xi32, #tpu.memory_space<vmem>>
      %dma_start3A_642 = arith.constant 0 : i32
      %dma_start3A_643 = arith.constant 0 : i32
      %dma_start3A_644 = tpu.memref_slice %arg2[%dma_start3A_642, %dma_start3A_643] : memref<10000x128xf32, #tpu.memory_space<hbm>> -> memref<10000x128xf32, #tpu.memory_space<hbm>>
      tpu.enqueue_indirect_dma source(%dma_start3A_644 : memref<10000x128xf32, #tpu.memory_space<hbm>>) target(%arg15 : memref<32x128xf32, #tpu.memory_space<vmem>>) offsets(%dma_start3A_641 : memref<32xi32, #tpu.memory_space<vmem>>) semaphore(%arg23 : memref<!tpu.dma_semaphore, #tpu.memory_space<semaphore_mem>>)
      %gt3A_645 = arith.constant 0 : i32
      %gt3A_646 = arith.cmpi sgt, %scan3A_555, %gt3A_645 : i32
      %convert_element_type3A_647 = arith.extui %gt3A_646 : i1 to i32
      %cond3A_648 = arith.constant 0 : i32
      %cond3A_649 = arith.cmpi ne, %convert_element_type3A_647, %cond3A_648 : i32
      scf.if %cond3A_649 {
        %dma_wait3A_777 = arith.constant 0 : i32
        %dma_wait3A_778 = arith.constant 0 : i32
        %dma_wait3A_779 = tpu.memref_slice %arg8[%rem3A_557, %dma_wait3A_777, %dma_wait3A_778] : memref<2x8x32xi32, #tpu.memory_space<vmem>> -> memref<1x1x32xi32, #tpu.memory_space<vmem>>
        %dma_wait3A_780 = tpu.memref_squeeze %dma_wait3A_779 : memref<1x1x32xi32, #tpu.memory_space<vmem>> -> memref<32xi32, #tpu.memory_space<vmem>>
        %dma_wait3A_781 = arith.constant 0 : i32
        %dma_wait3A_782 = arith.constant 0 : i32
        %dma_wait3A_783 = tpu.memref_slice %arg6[%dma_wait3A_781, %dma_wait3A_782] : memref<10240x128xf32, #tpu.memory_space<vmem_shared>> -> memref<10240x128xf32, #tpu.memory_space<vmem_shared>>
        tpu.wait_indirect_dma semaphore(%arg32 : memref<!tpu.dma_semaphore, #tpu.memory_space<semaphore_mem>>) src(%arg16 : memref<32x128xf32, #tpu.memory_space<vmem>>) dst(%dma_wait3A_783 : memref<10240x128xf32, #tpu.memory_space<vmem_shared>>)
      } else {
      }
      %dma_start3A_650 = arith.constant 7 : i32
      %dma_start3A_651 = arith.constant 0 : i32
      %dma_start3A_652 = tpu.memref_slice %arg7[%rem3A_557, %dma_start3A_650, %dma_start3A_651] : memref<2x8x32xi32, #tpu.memory_space<vmem>> -> memref<1x1x32xi32, #tpu.memory_space<vmem>>
      %dma_start3A_653 = tpu.memref_squeeze %dma_start3A_652 : memref<1x1x32xi32, #tpu.memory_space<vmem>> -> memref<32xi32, #tpu.memory_space<vmem>>
      %dma_start3A_654 = arith.constant 0 : i32
      %dma_start3A_655 = arith.constant 0 : i32
      %dma_start3A_656 = tpu.memref_slice %arg2[%dma_start3A_654, %dma_start3A_655] : memref<10000x128xf32, #tpu.memory_space<hbm>> -> memref<10000x128xf32, #tpu.memory_space<hbm>>
      tpu.enqueue_indirect_dma source(%dma_start3A_656 : memref<10000x128xf32, #tpu.memory_space<hbm>>) target(%arg16 : memref<32x128xf32, #tpu.memory_space<vmem>>) offsets(%dma_start3A_653 : memref<32xi32, #tpu.memory_space<vmem>>) semaphore(%arg24 : memref<!tpu.dma_semaphore, #tpu.memory_space<semaphore_mem>>)
      %dma_wait3A_657 = arith.constant 0 : i32
      %dma_wait3A_658 = arith.constant 0 : i32
      %dma_wait3A_659 = tpu.memref_slice %arg7[%rem3A_557, %dma_wait3A_657, %dma_wait3A_658] : memref<2x8x32xi32, #tpu.memory_space<vmem>> -> memref<1x1x32xi32, #tpu.memory_space<vmem>>
      %dma_wait3A_660 = tpu.memref_squeeze %dma_wait3A_659 : memref<1x1x32xi32, #tpu.memory_space<vmem>> -> memref<32xi32, #tpu.memory_space<vmem>>
      %dma_wait3A_661 = arith.constant 0 : i32
      %dma_wait3A_662 = arith.constant 0 : i32
      %dma_wait3A_663 = tpu.memref_slice %arg2[%dma_wait3A_661, %dma_wait3A_662] : memref<10000x128xf32, #tpu.memory_space<hbm>> -> memref<10000x128xf32, #tpu.memory_space<hbm>>
      tpu.wait_indirect_dma semaphore(%arg17 : memref<!tpu.dma_semaphore, #tpu.memory_space<semaphore_mem>>) src(%dma_wait3A_663 : memref<10000x128xf32, #tpu.memory_space<hbm>>) dst(%arg9 : memref<32x128xf32, #tpu.memory_space<vmem>>)
      %dma_start3A_664 = arith.constant 0 : i32
      %dma_start3A_665 = arith.constant 0 : i32
      %dma_start3A_666 = tpu.memref_slice %arg8[%rem3A_557, %dma_start3A_664, %dma_start3A_665] : memref<2x8x32xi32, #tpu.memory_space<vmem>> -> memref<1x1x32xi32, #tpu.memory_space<vmem>>
      %dma_start3A_667 = tpu.memref_squeeze %dma_start3A_666 : memref<1x1x32xi32, #tpu.memory_space<vmem>> -> memref<32xi32, #tpu.memory_space<vmem>>
      %dma_start3A_668 = arith.constant 0 : i32
      %dma_start3A_669 = arith.constant 0 : i32
      %dma_start3A_670 = tpu.memref_slice %arg6[%dma_start3A_668, %dma_start3A_669] : memref<10240x128xf32, #tpu.memory_space<vmem_shared>> -> memref<10240x128xf32, #tpu.memory_space<vmem_shared>>
      tpu.enqueue_indirect_dma source(%arg9 : memref<32x128xf32, #tpu.memory_space<vmem>>) target(%dma_start3A_670 : memref<10240x128xf32, #tpu.memory_space<vmem_shared>>) offsets(%dma_start3A_667 : memref<32xi32, #tpu.memory_space<vmem>>) semaphore(%arg25 : memref<!tpu.dma_semaphore, #tpu.memory_space<semaphore_mem>>) {add = true}
      %dma_wait3A_671 = arith.constant 1 : i32
      %dma_wait3A_672 = arith.constant 0 : i32
      %dma_wait3A_673 = tpu.memref_slice %arg7[%rem3A_557, %dma_wait3A_671, %dma_wait3A_672] : memref<2x8x32xi32, #tpu.memory_space<vmem>> -> memref<1x1x32xi32, #tpu.memory_space<vmem>>
      %dma_wait3A_674 = tpu.memref_squeeze %dma_wait3A_673 : memref<1x1x32xi32, #tpu.memory_space<vmem>> -> memref<32xi32, #tpu.memory_space<vmem>>
      %dma_wait3A_675 = arith.constant 0 : i32
      %dma_wait3A_676 = arith.constant 0 : i32
      %dma_wait3A_677 = tpu.memref_slice %arg2[%dma_wait3A_675, %dma_wait3A_676] : memref<10000x128xf32, #tpu.memory_space<hbm>> -> memref<10000x128xf32, #tpu.memory_space<hbm>>
      tpu.wait_indirect_dma semaphore(%arg18 : memref<!tpu.dma_semaphore, #tpu.memory_space<semaphore_mem>>) src(%dma_wait3A_677 : memref<10000x128xf32, #tpu.memory_space<hbm>>) dst(%arg10 : memref<32x128xf32, #tpu.memory_space<vmem>>)
      %dma_start3A_678 = arith.constant 1 : i32
      %dma_start3A_679 = arith.constant 0 : i32
      %dma_start3A_680 = tpu.memref_slice %arg8[%rem3A_557, %dma_start3A_678, %dma_start3A_679] : memref<2x8x32xi32, #tpu.memory_space<vmem>> -> memref<1x1x32xi32, #tpu.memory_space<vmem>>
      %dma_start3A_681 = tpu.memref_squeeze %dma_start3A_680 : memref<1x1x32xi32, #tpu.memory_space<vmem>> -> memref<32xi32, #tpu.memory_space<vmem>>
      %dma_start3A_682 = arith.constant 0 : i32
      %dma_start3A_683 = arith.constant 0 : i32
      %dma_start3A_684 = tpu.memref_slice %arg6[%dma_start3A_682, %dma_start3A_683] : memref<10240x128xf32, #tpu.memory_space<vmem_shared>> -> memref<10240x128xf32, #tpu.memory_space<vmem_shared>>
      tpu.enqueue_indirect_dma source(%arg10 : memref<32x128xf32, #tpu.memory_space<vmem>>) target(%dma_start3A_684 : memref<10240x128xf32, #tpu.memory_space<vmem_shared>>) offsets(%dma_start3A_681 : memref<32xi32, #tpu.memory_space<vmem>>) semaphore(%arg26 : memref<!tpu.dma_semaphore, #tpu.memory_space<semaphore_mem>>) {add = true}
      %dma_wait3A_685 = arith.constant 2 : i32
      %dma_wait3A_686 = arith.constant 0 : i32
      %dma_wait3A_687 = tpu.memref_slice %arg7[%rem3A_557, %dma_wait3A_685, %dma_wait3A_686] : memref<2x8x32xi32, #tpu.memory_space<vmem>> -> memref<1x1x32xi32, #tpu.memory_space<vmem>>
      %dma_wait3A_688 = tpu.memref_squeeze %dma_wait3A_687 : memref<1x1x32xi32, #tpu.memory_space<vmem>> -> memref<32xi32, #tpu.memory_space<vmem>>
      %dma_wait3A_689 = arith.constant 0 : i32
      %dma_wait3A_690 = arith.constant 0 : i32
      %dma_wait3A_691 = tpu.memref_slice %arg2[%dma_wait3A_689, %dma_wait3A_690] : memref<10000x128xf32, #tpu.memory_space<hbm>> -> memref<10000x128xf32, #tpu.memory_space<hbm>>
      tpu.wait_indirect_dma semaphore(%arg19 : memref<!tpu.dma_semaphore, #tpu.memory_space<semaphore_mem>>) src(%dma_wait3A_691 : memref<10000x128xf32, #tpu.memory_space<hbm>>) dst(%arg11 : memref<32x128xf32, #tpu.memory_space<vmem>>)
      %dma_start3A_692 = arith.constant 2 : i32
      %dma_start3A_693 = arith.constant 0 : i32
      %dma_start3A_694 = tpu.memref_slice %arg8[%rem3A_557, %dma_start3A_692, %dma_start3A_693] : memref<2x8x32xi32, #tpu.memory_space<vmem>> -> memref<1x1x32xi32, #tpu.memory_space<vmem>>
      %dma_start3A_695 = tpu.memref_squeeze %dma_start3A_694 : memref<1x1x32xi32, #tpu.memory_space<vmem>> -> memref<32xi32, #tpu.memory_space<vmem>>
      %dma_start3A_696 = arith.constant 0 : i32
      %dma_start3A_697 = arith.constant 0 : i32
      %dma_start3A_698 = tpu.memref_slice %arg6[%dma_start3A_696, %dma_start3A_697] : memref<10240x128xf32, #tpu.memory_space<vmem_shared>> -> memref<10240x128xf32, #tpu.memory_space<vmem_shared>>
      tpu.enqueue_indirect_dma source(%arg11 : memref<32x128xf32, #tpu.memory_space<vmem>>) target(%dma_start3A_698 : memref<10240x128xf32, #tpu.memory_space<vmem_shared>>) offsets(%dma_start3A_695 : memref<32xi32, #tpu.memory_space<vmem>>) semaphore(%arg27 : memref<!tpu.dma_semaphore, #tpu.memory_space<semaphore_mem>>) {add = true}
      %dma_wait3A_699 = arith.constant 3 : i32
      %dma_wait3A_700 = arith.constant 0 : i32
      %dma_wait3A_701 = tpu.memref_slice %arg7[%rem3A_557, %dma_wait3A_699, %dma_wait3A_700] : memref<2x8x32xi32, #tpu.memory_space<vmem>> -> memref<1x1x32xi32, #tpu.memory_space<vmem>>
      %dma_wait3A_702 = tpu.memref_squeeze %dma_wait3A_701 : memref<1x1x32xi32, #tpu.memory_space<vmem>> -> memref<32xi32, #tpu.memory_space<vmem>>
      %dma_wait3A_703 = arith.constant 0 : i32
      %dma_wait3A_704 = arith.constant 0 : i32
      %dma_wait3A_705 = tpu.memref_slice %arg2[%dma_wait3A_703, %dma_wait3A_704] : memref<10000x128xf32, #tpu.memory_space<hbm>> -> memref<10000x128xf32, #tpu.memory_space<hbm>>
      tpu.wait_indirect_dma semaphore(%arg20 : memref<!tpu.dma_semaphore, #tpu.memory_space<semaphore_mem>>) src(%dma_wait3A_705 : memref<10000x128xf32, #tpu.memory_space<hbm>>) dst(%arg12 : memref<32x128xf32, #tpu.memory_space<vmem>>)
      %dma_start3A_706 = arith.constant 3 : i32
      %dma_start3A_707 = arith.constant 0 : i32
      %dma_start3A_708 = tpu.memref_slice %arg8[%rem3A_557, %dma_start3A_706, %dma_start3A_707] : memref<2x8x32xi32, #tpu.memory_space<vmem>> -> memref<1x1x32xi32, #tpu.memory_space<vmem>>
      %dma_start3A_709 = tpu.memref_squeeze %dma_start3A_708 : memref<1x1x32xi32, #tpu.memory_space<vmem>> -> memref<32xi32, #tpu.memory_space<vmem>>
      %dma_start3A_710 = arith.constant 0 : i32
      %dma_start3A_711 = arith.constant 0 : i32
      %dma_start3A_712 = tpu.memref_slice %arg6[%dma_start3A_710, %dma_start3A_711] : memref<10240x128xf32, #tpu.memory_space<vmem_shared>> -> memref<10240x128xf32, #tpu.memory_space<vmem_shared>>
      tpu.enqueue_indirect_dma source(%arg12 : memref<32x128xf32, #tpu.memory_space<vmem>>) target(%dma_start3A_712 : memref<10240x128xf32, #tpu.memory_space<vmem_shared>>) offsets(%dma_start3A_709 : memref<32xi32, #tpu.memory_space<vmem>>) semaphore(%arg28 : memref<!tpu.dma_semaphore, #tpu.memory_space<semaphore_mem>>) {add = true}
      %dma_wait3A_713 = arith.constant 4 : i32
      %dma_wait3A_714 = arith.constant 0 : i32
      %dma_wait3A_715 = tpu.memref_slice %arg7[%rem3A_557, %dma_wait3A_713, %dma_wait3A_714] : memref<2x8x32xi32, #tpu.memory_space<vmem>> -> memref<1x1x32xi32, #tpu.memory_space<vmem>>
      %dma_wait3A_716 = tpu.memref_squeeze %dma_wait3A_715 : memref<1x1x32xi32, #tpu.memory_space<vmem>> -> memref<32xi32, #tpu.memory_space<vmem>>
      %dma_wait3A_717 = arith.constant 0 : i32
      %dma_wait3A_718 = arith.constant 0 : i32
      %dma_wait3A_719 = tpu.memref_slice %arg2[%dma_wait3A_717, %dma_wait3A_718] : memref<10000x128xf32, #tpu.memory_space<hbm>> -> memref<10000x128xf32, #tpu.memory_space<hbm>>
      tpu.wait_indirect_dma semaphore(%arg21 : memref<!tpu.dma_semaphore, #tpu.memory_space<semaphore_mem>>) src(%dma_wait3A_719 : memref<10000x128xf32, #tpu.memory_space<hbm>>) dst(%arg13 : memref<32x128xf32, #tpu.memory_space<vmem>>)
      %dma_start3A_720 = arith.constant 4 : i32
      %dma_start3A_721 = arith.constant 0 : i32
      %dma_start3A_722 = tpu.memref_slice %arg8[%rem3A_557, %dma_start3A_720, %dma_start3A_721] : memref<2x8x32xi32, #tpu.memory_space<vmem>> -> memref<1x1x32xi32, #tpu.memory_space<vmem>>
      %dma_start3A_723 = tpu.memref_squeeze %dma_start3A_722 : memref<1x1x32xi32, #tpu.memory_space<vmem>> -> memref<32xi32, #tpu.memory_space<vmem>>
      %dma_start3A_724 = arith.constant 0 : i32
      %dma_start3A_725 = arith.constant 0 : i32
      %dma_start3A_726 = tpu.memref_slice %arg6[%dma_start3A_724, %dma_start3A_725] : memref<10240x128xf32, #tpu.memory_space<vmem_shared>> -> memref<10240x128xf32, #tpu.memory_space<vmem_shared>>
      tpu.enqueue_indirect_dma source(%arg13 : memref<32x128xf32, #tpu.memory_space<vmem>>) target(%dma_start3A_726 : memref<10240x128xf32, #tpu.memory_space<vmem_shared>>) offsets(%dma_start3A_723 : memref<32xi32, #tpu.memory_space<vmem>>) semaphore(%arg29 : memref<!tpu.dma_semaphore, #tpu.memory_space<semaphore_mem>>) {add = true}
      %dma_wait3A_727 = arith.constant 5 : i32
      %dma_wait3A_728 = arith.constant 0 : i32
      %dma_wait3A_729 = tpu.memref_slice %arg7[%rem3A_557, %dma_wait3A_727, %dma_wait3A_728] : memref<2x8x32xi32, #tpu.memory_space<vmem>> -> memref<1x1x32xi32, #tpu.memory_space<vmem>>
      %dma_wait3A_730 = tpu.memref_squeeze %dma_wait3A_729 : memref<1x1x32xi32, #tpu.memory_space<vmem>> -> memref<32xi32, #tpu.memory_space<vmem>>
      %dma_wait3A_731 = arith.constant 0 : i32
      %dma_wait3A_732 = arith.constant 0 : i32
      %dma_wait3A_733 = tpu.memref_slice %arg2[%dma_wait3A_731, %dma_wait3A_732] : memref<10000x128xf32, #tpu.memory_space<hbm>> -> memref<10000x128xf32, #tpu.memory_space<hbm>>
      tpu.wait_indirect_dma semaphore(%arg22 : memref<!tpu.dma_semaphore, #tpu.memory_space<semaphore_mem>>) src(%dma_wait3A_733 : memref<10000x128xf32, #tpu.memory_space<hbm>>) dst(%arg14 : memref<32x128xf32, #tpu.memory_space<vmem>>)
      %dma_start3A_734 = arith.constant 5 : i32
      %dma_start3A_735 = arith.constant 0 : i32
      %dma_start3A_736 = tpu.memref_slice %arg8[%rem3A_557, %dma_start3A_734, %dma_start3A_735] : memref<2x8x32xi32, #tpu.memory_space<vmem>> -> memref<1x1x32xi32, #tpu.memory_space<vmem>>
      %dma_start3A_737 = tpu.memref_squeeze %dma_start3A_736 : memref<1x1x32xi32, #tpu.memory_space<vmem>> -> memref<32xi32, #tpu.memory_space<vmem>>
      %dma_start3A_738 = arith.constant 0 : i32
      %dma_start3A_739 = arith.constant 0 : i32
      %dma_start3A_740 = tpu.memref_slice %arg6[%dma_start3A_738, %dma_start3A_739] : memref<10240x128xf32, #tpu.memory_space<vmem_shared>> -> memref<10240x128xf32, #tpu.memory_space<vmem_shared>>
      tpu.enqueue_indirect_dma source(%arg14 : memref<32x128xf32, #tpu.memory_space<vmem>>) target(%dma_start3A_740 : memref<10240x128xf32, #tpu.memory_space<vmem_shared>>) offsets(%dma_start3A_737 : memref<32xi32, #tpu.memory_space<vmem>>) semaphore(%arg30 : memref<!tpu.dma_semaphore, #tpu.memory_space<semaphore_mem>>) {add = true}
      %dma_wait3A_741 = arith.constant 6 : i32
      %dma_wait3A_742 = arith.constant 0 : i32
      %dma_wait3A_743 = tpu.memref_slice %arg7[%rem3A_557, %dma_wait3A_741, %dma_wait3A_742] : memref<2x8x32xi32, #tpu.memory_space<vmem>> -> memref<1x1x32xi32, #tpu.memory_space<vmem>>
      %dma_wait3A_744 = tpu.memref_squeeze %dma_wait3A_743 : memref<1x1x32xi32, #tpu.memory_space<vmem>> -> memref<32xi32, #tpu.memory_space<vmem>>
      %dma_wait3A_745 = arith.constant 0 : i32
      %dma_wait3A_746 = arith.constant 0 : i32
      %dma_wait3A_747 = tpu.memref_slice %arg2[%dma_wait3A_745, %dma_wait3A_746] : memref<10000x128xf32, #tpu.memory_space<hbm>> -> memref<10000x128xf32, #tpu.memory_space<hbm>>
      tpu.wait_indirect_dma semaphore(%arg23 : memref<!tpu.dma_semaphore, #tpu.memory_space<semaphore_mem>>) src(%dma_wait3A_747 : memref<10000x128xf32, #tpu.memory_space<hbm>>) dst(%arg15 : memref<32x128xf32, #tpu.memory_space<vmem>>)
      %dma_start3A_748 = arith.constant 6 : i32
      %dma_start3A_749 = arith.constant 0 : i32
      %dma_start3A_750 = tpu.memref_slice %arg8[%rem3A_557, %dma_start3A_748, %dma_start3A_749] : memref<2x8x32xi32, #tpu.memory_space<vmem>> -> memref<1x1x32xi32, #tpu.memory_space<vmem>>
      %dma_start3A_751 = tpu.memref_squeeze %dma_start3A_750 : memref<1x1x32xi32, #tpu.memory_space<vmem>> -> memref<32xi32, #tpu.memory_space<vmem>>
      %dma_start3A_752 = arith.constant 0 : i32
      %dma_start3A_753 = arith.constant 0 : i32
      %dma_start3A_754 = tpu.memref_slice %arg6[%dma_start3A_752, %dma_start3A_753] : memref<10240x128xf32, #tpu.memory_space<vmem_shared>> -> memref<10240x128xf32, #tpu.memory_space<vmem_shared>>
      tpu.enqueue_indirect_dma source(%arg15 : memref<32x128xf32, #tpu.memory_space<vmem>>) target(%dma_start3A_754 : memref<10240x128xf32, #tpu.memory_space<vmem_shared>>) offsets(%dma_start3A_751 : memref<32xi32, #tpu.memory_space<vmem>>) semaphore(%arg31 : memref<!tpu.dma_semaphore, #tpu.memory_space<semaphore_mem>>) {add = true}
      %dma_wait3A_755 = arith.constant 7 : i32
      %dma_wait3A_756 = arith.constant 0 : i32
      %dma_wait3A_757 = tpu.memref_slice %arg7[%rem3A_557, %dma_wait3A_755, %dma_wait3A_756] : memref<2x8x32xi32, #tpu.memory_space<vmem>> -> memref<1x1x32xi32, #tpu.memory_space<vmem>>
      %dma_wait3A_758 = tpu.memref_squeeze %dma_wait3A_757 : memref<1x1x32xi32, #tpu.memory_space<vmem>> -> memref<32xi32, #tpu.memory_space<vmem>>
      %dma_wait3A_759 = arith.constant 0 : i32
      %dma_wait3A_760 = arith.constant 0 : i32
      %dma_wait3A_761 = tpu.memref_slice %arg2[%dma_wait3A_759, %dma_wait3A_760] : memref<10000x128xf32, #tpu.memory_space<hbm>> -> memref<10000x128xf32, #tpu.memory_space<hbm>>
      tpu.wait_indirect_dma semaphore(%arg24 : memref<!tpu.dma_semaphore, #tpu.memory_space<semaphore_mem>>) src(%dma_wait3A_761 : memref<10000x128xf32, #tpu.memory_space<hbm>>) dst(%arg16 : memref<32x128xf32, #tpu.memory_space<vmem>>)
      %dma_start3A_762 = arith.constant 7 : i32
      %dma_start3A_763 = arith.constant 0 : i32
      %dma_start3A_764 = tpu.memref_slice %arg8[%rem3A_557, %dma_start3A_762, %dma_start3A_763] : memref<2x8x32xi32, #tpu.memory_space<vmem>> -> memref<1x1x32xi32, #tpu.memory_space<vmem>>
      %dma_start3A_765 = tpu.memref_squeeze %dma_start3A_764 : memref<1x1x32xi32, #tpu.memory_space<vmem>> -> memref<32xi32, #tpu.memory_space<vmem>>
      %dma_start3A_766 = arith.constant 0 : i32
      %dma_start3A_767 = arith.constant 0 : i32
      %dma_start3A_768 = tpu.memref_slice %arg6[%dma_start3A_766, %dma_start3A_767] : memref<10240x128xf32, #tpu.memory_space<vmem_shared>> -> memref<10240x128xf32, #tpu.memory_space<vmem_shared>>
      tpu.enqueue_indirect_dma source(%arg16 : memref<32x128xf32, #tpu.memory_space<vmem>>) target(%dma_start3A_768 : memref<10240x128xf32, #tpu.memory_space<vmem_shared>>) offsets(%dma_start3A_765 : memref<32xi32, #tpu.memory_space<vmem>>) semaphore(%arg32 : memref<!tpu.dma_semaphore, #tpu.memory_space<semaphore_mem>>) {add = true}
      %add3A_769 = arith.constant 1 : i32
      %add3A_770 = arith.addi %scan3A_555, %add3A_769 : i32
      %lt3A_771 = arith.constant 40 : i32
      %lt3A_772 = arith.cmpi slt, %add3A_770, %lt3A_771 : i32
      %convert_element_type3A_773 = arith.extui %lt3A_772 : i1 to i32
      %cond3A_774 = arith.constant 0 : i32
      %cond3A_775 = arith.cmpi ne, %convert_element_type3A_773, %cond3A_774 : i32
      scf.if %cond3A_775 {
        %add3A_777 = arith.constant 1 : i32
        %add3A_778 = arith.addi %scan3A_555, %add3A_777 : i32
        %mul3A_779 = arith.constant 8 : i32
        %mul3A_780 = arith.muli %add3A_778, %mul3A_779 : i32
        %sub3A = arith.constant 1 : i32
        %sub3A_781 = arith.subi %sub3A, %rem3A_557 : i32
        %dma_wait3A_782 = arith.constant 0 : i32
        %dma_wait3A_783 = arith.constant 0 : i32
        %dma_wait3A_784 = tpu.memref_slice %arg7[%sub3A_781, %dma_wait3A_782, %dma_wait3A_783] : memref<2x8x32xi32, #tpu.memory_space<vmem>> -> memref<1x8x32xi32, #tpu.memory_space<vmem>>
        %dma_wait3A_785 = tpu.memref_squeeze %dma_wait3A_784 : memref<1x8x32xi32, #tpu.memory_space<vmem>> -> memref<8x32xi32, #tpu.memory_space<vmem>>
        %dma_wait3A_786 = arith.constant 0 : i32
        %dma_wait3A_787 = tpu.memref_slice %arg3[%add3A, %mul3A_780, %dma_wait3A_786] : memref<32x320x32xi32, #tpu.memory_space<hbm>> -> memref<1x8x32xi32, #tpu.memory_space<hbm>>
        %dma_wait3A_788 = tpu.memref_squeeze %dma_wait3A_787 : memref<1x8x32xi32, #tpu.memory_space<hbm>> -> memref<8x32xi32, #tpu.memory_space<hbm>>
        %dma_wait3A_789 = arith.constant 0 : i32
        %dma_wait3A_790 = arith.constant 0 : i32
        %dma_wait3A_791 = tpu.memref_slice %arg7[%sub3A_781, %dma_wait3A_789, %dma_wait3A_790] : memref<2x8x32xi32, #tpu.memory_space<vmem>> -> memref<1x8x32xi32, #tpu.memory_space<vmem>>
        %dma_wait3A_792 = tpu.memref_squeeze %dma_wait3A_791 : memref<1x8x32xi32, #tpu.memory_space<vmem>> -> memref<8x32xi32, #tpu.memory_space<vmem>>
        %dma_wait3A_793 = arith.constant 0 : i32
        %dma_wait3A_794 = tpu.memref_slice %arg3[%add3A, %mul3A_780, %dma_wait3A_793] : memref<32x320x32xi32, #tpu.memory_space<hbm>> -> memref<1x8x32xi32, #tpu.memory_space<hbm>>
        %dma_wait3A_795 = tpu.memref_squeeze %dma_wait3A_794 : memref<1x8x32xi32, #tpu.memory_space<hbm>> -> memref<8x32xi32, #tpu.memory_space<hbm>>
        tpu.wait_dma2 semaphore(%arg33 : memref<!tpu.dma_semaphore, #tpu.memory_space<semaphore_mem>>) src(%dma_wait3A_795 : memref<8x32xi32, #tpu.memory_space<hbm>>) dst(%dma_wait3A_792 : memref<8x32xi32, #tpu.memory_space<vmem>>)
        %add3A_796 = arith.constant 1 : i32
        %add3A_797 = arith.addi %scan3A_555, %add3A_796 : i32
        %mul3A_798 = arith.constant 8 : i32
        %mul3A_799 = arith.muli %add3A_797, %mul3A_798 : i32
        %sub3A_800 = arith.constant 1 : i32
        %sub3A_801 = arith.subi %sub3A_800, %rem3A_557 : i32
        %dma_wait3A_802 = arith.constant 0 : i32
        %dma_wait3A_803 = arith.constant 0 : i32
        %dma_wait3A_804 = tpu.memref_slice %arg8[%sub3A_801, %dma_wait3A_802, %dma_wait3A_803] : memref<2x8x32xi32, #tpu.memory_space<vmem>> -> memref<1x8x32xi32, #tpu.memory_space<vmem>>
        %dma_wait3A_805 = tpu.memref_squeeze %dma_wait3A_804 : memref<1x8x32xi32, #tpu.memory_space<vmem>> -> memref<8x32xi32, #tpu.memory_space<vmem>>
        %dma_wait3A_806 = arith.constant 0 : i32
        %dma_wait3A_807 = tpu.memref_slice %arg4[%add3A, %mul3A_799, %dma_wait3A_806] : memref<32x320x32xi32, #tpu.memory_space<hbm>> -> memref<1x8x32xi32, #tpu.memory_space<hbm>>
        %dma_wait3A_808 = tpu.memref_squeeze %dma_wait3A_807 : memref<1x8x32xi32, #tpu.memory_space<hbm>> -> memref<8x32xi32, #tpu.memory_space<hbm>>
        %dma_wait3A_809 = arith.constant 0 : i32
        %dma_wait3A_810 = arith.constant 0 : i32
        %dma_wait3A_811 = tpu.memref_slice %arg8[%sub3A_801, %dma_wait3A_809, %dma_wait3A_810] : memref<2x8x32xi32, #tpu.memory_space<vmem>> -> memref<1x8x32xi32, #tpu.memory_space<vmem>>
        %dma_wait3A_812 = tpu.memref_squeeze %dma_wait3A_811 : memref<1x8x32xi32, #tpu.memory_space<vmem>> -> memref<8x32xi32, #tpu.memory_space<vmem>>
        %dma_wait3A_813 = arith.constant 0 : i32
        %dma_wait3A_814 = tpu.memref_slice %arg4[%add3A, %mul3A_799, %dma_wait3A_813] : memref<32x320x32xi32, #tpu.memory_space<hbm>> -> memref<1x8x32xi32, #tpu.memory_space<hbm>>
        %dma_wait3A_815 = tpu.memref_squeeze %dma_wait3A_814 : memref<1x8x32xi32, #tpu.memory_space<hbm>> -> memref<8x32xi32, #tpu.memory_space<hbm>>
        tpu.wait_dma2 semaphore(%arg34 : memref<!tpu.dma_semaphore, #tpu.memory_space<semaphore_mem>>) src(%dma_wait3A_815 : memref<8x32xi32, #tpu.memory_space<hbm>>) dst(%dma_wait3A_812 : memref<8x32xi32, #tpu.memory_space<vmem>>)
      } else {
      }
      %scan3A_776 = arith.constant 0 : i32
      scf.yield %scan3A_776 : i32
    }
    %scan3A_399 = arith.constant 40 : i32
    %dma_wait3A_400 = arith.constant 0 : i32
    %dma_wait3A_401 = arith.constant 0 : i32
    %dma_wait3A_402 = arith.constant 0 : i32
    %dma_wait3A_403 = tpu.memref_slice %arg8[%dma_wait3A_400, %dma_wait3A_401, %dma_wait3A_402] : memref<2x8x32xi32, #tpu.memory_space<vmem>> -> memref<1x1x32xi32, #tpu.memory_space<vmem>>
    %dma_wait3A_404 = tpu.memref_squeeze %dma_wait3A_403 : memref<1x1x32xi32, #tpu.memory_space<vmem>> -> memref<32xi32, #tpu.memory_space<vmem>>
    %dma_wait3A_405 = arith.constant 0 : i32
    %dma_wait3A_406 = arith.constant 0 : i32
    %dma_wait3A_407 = tpu.memref_slice %arg6[%dma_wait3A_405, %dma_wait3A_406] : memref<10240x128xf32, #tpu.memory_space<vmem_shared>> -> memref<10240x128xf32, #tpu.memory_space<vmem_shared>>
    tpu.wait_indirect_dma semaphore(%arg25 : memref<!tpu.dma_semaphore, #tpu.memory_space<semaphore_mem>>) src(%arg9 : memref<32x128xf32, #tpu.memory_space<vmem>>) dst(%dma_wait3A_407 : memref<10240x128xf32, #tpu.memory_space<vmem_shared>>)
    %dma_wait3A_408 = arith.constant 0 : i32
    %dma_wait3A_409 = arith.constant 0 : i32
    %dma_wait3A_410 = arith.constant 0 : i32
    %dma_wait3A_411 = tpu.memref_slice %arg8[%dma_wait3A_408, %dma_wait3A_409, %dma_wait3A_410] : memref<2x8x32xi32, #tpu.memory_space<vmem>> -> memref<1x1x32xi32, #tpu.memory_space<vmem>>
    %dma_wait3A_412 = tpu.memref_squeeze %dma_wait3A_411 : memref<1x1x32xi32, #tpu.memory_space<vmem>> -> memref<32xi32, #tpu.memory_space<vmem>>
    %dma_wait3A_413 = arith.constant 0 : i32
    %dma_wait3A_414 = arith.constant 0 : i32
    %dma_wait3A_415 = tpu.memref_slice %arg6[%dma_wait3A_413, %dma_wait3A_414] : memref<10240x128xf32, #tpu.memory_space<vmem_shared>> -> memref<10240x128xf32, #tpu.memory_space<vmem_shared>>
    tpu.wait_indirect_dma semaphore(%arg26 : memref<!tpu.dma_semaphore, #tpu.memory_space<semaphore_mem>>) src(%arg10 : memref<32x128xf32, #tpu.memory_space<vmem>>) dst(%dma_wait3A_415 : memref<10240x128xf32, #tpu.memory_space<vmem_shared>>)
    %dma_wait3A_416 = arith.constant 0 : i32
    %dma_wait3A_417 = arith.constant 0 : i32
    %dma_wait3A_418 = arith.constant 0 : i32
    %dma_wait3A_419 = tpu.memref_slice %arg8[%dma_wait3A_416, %dma_wait3A_417, %dma_wait3A_418] : memref<2x8x32xi32, #tpu.memory_space<vmem>> -> memref<1x1x32xi32, #tpu.memory_space<vmem>>
    %dma_wait3A_420 = tpu.memref_squeeze %dma_wait3A_419 : memref<1x1x32xi32, #tpu.memory_space<vmem>> -> memref<32xi32, #tpu.memory_space<vmem>>
    %dma_wait3A_421 = arith.constant 0 : i32
    %dma_wait3A_422 = arith.constant 0 : i32
    %dma_wait3A_423 = tpu.memref_slice %arg6[%dma_wait3A_421, %dma_wait3A_422] : memref<10240x128xf32, #tpu.memory_space<vmem_shared>> -> memref<10240x128xf32, #tpu.memory_space<vmem_shared>>
    tpu.wait_indirect_dma semaphore(%arg27 : memref<!tpu.dma_semaphore, #tpu.memory_space<semaphore_mem>>) src(%arg11 : memref<32x128xf32, #tpu.memory_space<vmem>>) dst(%dma_wait3A_423 : memref<10240x128xf32, #tpu.memory_space<vmem_shared>>)
    %dma_wait3A_424 = arith.constant 0 : i32
    %dma_wait3A_425 = arith.constant 0 : i32
    %dma_wait3A_426 = arith.constant 0 : i32
    %dma_wait3A_427 = tpu.memref_slice %arg8[%dma_wait3A_424, %dma_wait3A_425, %dma_wait3A_426] : memref<2x8x32xi32, #tpu.memory_space<vmem>> -> memref<1x1x32xi32, #tpu.memory_space<vmem>>
    %dma_wait3A_428 = tpu.memref_squeeze %dma_wait3A_427 : memref<1x1x32xi32, #tpu.memory_space<vmem>> -> memref<32xi32, #tpu.memory_space<vmem>>
    %dma_wait3A_429 = arith.constant 0 : i32
    %dma_wait3A_430 = arith.constant 0 : i32
    %dma_wait3A_431 = tpu.memref_slice %arg6[%dma_wait3A_429, %dma_wait3A_430] : memref<10240x128xf32, #tpu.memory_space<vmem_shared>> -> memref<10240x128xf32, #tpu.memory_space<vmem_shared>>
    tpu.wait_indirect_dma semaphore(%arg28 : memref<!tpu.dma_semaphore, #tpu.memory_space<semaphore_mem>>) src(%arg12 : memref<32x128xf32, #tpu.memory_space<vmem>>) dst(%dma_wait3A_431 : memref<10240x128xf32, #tpu.memory_space<vmem_shared>>)
    %dma_wait3A_432 = arith.constant 0 : i32
    %dma_wait3A_433 = arith.constant 0 : i32
    %dma_wait3A_434 = arith.constant 0 : i32
    %dma_wait3A_435 = tpu.memref_slice %arg8[%dma_wait3A_432, %dma_wait3A_433, %dma_wait3A_434] : memref<2x8x32xi32, #tpu.memory_space<vmem>> -> memref<1x1x32xi32, #tpu.memory_space<vmem>>
    %dma_wait3A_436 = tpu.memref_squeeze %dma_wait3A_435 : memref<1x1x32xi32, #tpu.memory_space<vmem>> -> memref<32xi32, #tpu.memory_space<vmem>>
    %dma_wait3A_437 = arith.constant 0 : i32
    %dma_wait3A_438 = arith.constant 0 : i32
    %dma_wait3A_439 = tpu.memref_slice %arg6[%dma_wait3A_437, %dma_wait3A_438] : memref<10240x128xf32, #tpu.memory_space<vmem_shared>> -> memref<10240x128xf32, #tpu.memory_space<vmem_shared>>
    tpu.wait_indirect_dma semaphore(%arg29 : memref<!tpu.dma_semaphore, #tpu.memory_space<semaphore_mem>>) src(%arg13 : memref<32x128xf32, #tpu.memory_space<vmem>>) dst(%dma_wait3A_439 : memref<10240x128xf32, #tpu.memory_space<vmem_shared>>)
    %dma_wait3A_440 = arith.constant 0 : i32
    %dma_wait3A_441 = arith.constant 0 : i32
    %dma_wait3A_442 = arith.constant 0 : i32
    %dma_wait3A_443 = tpu.memref_slice %arg8[%dma_wait3A_440, %dma_wait3A_441, %dma_wait3A_442] : memref<2x8x32xi32, #tpu.memory_space<vmem>> -> memref<1x1x32xi32, #tpu.memory_space<vmem>>
    %dma_wait3A_444 = tpu.memref_squeeze %dma_wait3A_443 : memref<1x1x32xi32, #tpu.memory_space<vmem>> -> memref<32xi32, #tpu.memory_space<vmem>>
    %dma_wait3A_445 = arith.constant 0 : i32
    %dma_wait3A_446 = arith.constant 0 : i32
    %dma_wait3A_447 = tpu.memref_slice %arg6[%dma_wait3A_445, %dma_wait3A_446] : memref<10240x128xf32, #tpu.memory_space<vmem_shared>> -> memref<10240x128xf32, #tpu.memory_space<vmem_shared>>
    tpu.wait_indirect_dma semaphore(%arg30 : memref<!tpu.dma_semaphore, #tpu.memory_space<semaphore_mem>>) src(%arg14 : memref<32x128xf32, #tpu.memory_space<vmem>>) dst(%dma_wait3A_447 : memref<10240x128xf32, #tpu.memory_space<vmem_shared>>)
    %dma_wait3A_448 = arith.constant 0 : i32
    %dma_wait3A_449 = arith.constant 0 : i32
    %dma_wait3A_450 = arith.constant 0 : i32
    %dma_wait3A_451 = tpu.memref_slice %arg8[%dma_wait3A_448, %dma_wait3A_449, %dma_wait3A_450] : memref<2x8x32xi32, #tpu.memory_space<vmem>> -> memref<1x1x32xi32, #tpu.memory_space<vmem>>
    %dma_wait3A_452 = tpu.memref_squeeze %dma_wait3A_451 : memref<1x1x32xi32, #tpu.memory_space<vmem>> -> memref<32xi32, #tpu.memory_space<vmem>>
    %dma_wait3A_453 = arith.constant 0 : i32
    %dma_wait3A_454 = arith.constant 0 : i32
    %dma_wait3A_455 = tpu.memref_slice %arg6[%dma_wait3A_453, %dma_wait3A_454] : memref<10240x128xf32, #tpu.memory_space<vmem_shared>> -> memref<10240x128xf32, #tpu.memory_space<vmem_shared>>
    tpu.wait_indirect_dma semaphore(%arg31 : memref<!tpu.dma_semaphore, #tpu.memory_space<semaphore_mem>>) src(%arg15 : memref<32x128xf32, #tpu.memory_space<vmem>>) dst(%dma_wait3A_455 : memref<10240x128xf32, #tpu.memory_space<vmem_shared>>)
    %dma_wait3A_456 = arith.constant 0 : i32
    %dma_wait3A_457 = arith.constant 0 : i32
    %dma_wait3A_458 = arith.constant 0 : i32
    %dma_wait3A_459 = tpu.memref_slice %arg8[%dma_wait3A_456, %dma_wait3A_457, %dma_wait3A_458] : memref<2x8x32xi32, #tpu.memory_space<vmem>> -> memref<1x1x32xi32, #tpu.memory_space<vmem>>
    %dma_wait3A_460 = tpu.memref_squeeze %dma_wait3A_459 : memref<1x1x32xi32, #tpu.memory_space<vmem>> -> memref<32xi32, #tpu.memory_space<vmem>>
    %dma_wait3A_461 = arith.constant 0 : i32
    %dma_wait3A_462 = arith.constant 0 : i32
    %dma_wait3A_463 = tpu.memref_slice %arg6[%dma_wait3A_461, %dma_wait3A_462] : memref<10240x128xf32, #tpu.memory_space<vmem_shared>> -> memref<10240x128xf32, #tpu.memory_space<vmem_shared>>
    tpu.wait_indirect_dma semaphore(%arg32 : memref<!tpu.dma_semaphore, #tpu.memory_space<semaphore_mem>>) src(%arg16 : memref<32x128xf32, #tpu.memory_space<vmem>>) dst(%dma_wait3A_463 : memref<10240x128xf32, #tpu.memory_space<vmem_shared>>)
    %barrier3A_464 = arith.constant 0 : index
    tpu.barrier barrier_id(%barrier3A_464)
    %mul3A_465 = arith.constant 640 : i32
    %mul3A_466 = arith.muli %arg1, %mul3A_465 : i32
    %add3A_467 = arith.constant 0 : i32
    %add3A_468 = arith.addi %mul3A_466, %add3A_467 : i32
    %dma_start3A_469 = arith.constant 0 : i32
    %dma_start3A_470 = tpu.memref_slice %arg5[%arg0, %add3A_468, %dma_start3A_469] : memref<2x10240x128xf32, #tpu.memory_space<hbm>> -> memref<1x128x128xf32, #tpu.memory_space<hbm>>
    %dma_start3A_471 = tpu.memref_squeeze %dma_start3A_470 : memref<1x128x128xf32, #tpu.memory_space<hbm>> -> memref<128x128xf32, #tpu.memory_space<hbm>>
    %dma_start3A_472 = arith.constant 0 : i32
    %dma_start3A_473 = tpu.memref_slice %arg6[%add3A_468, %dma_start3A_472] : memref<10240x128xf32, #tpu.memory_space<vmem_shared>> -> memref<128x128xf32, #tpu.memory_space<vmem_shared>>
    tpu.enqueue_dma source(%dma_start3A_473 : memref<128x128xf32, #tpu.memory_space<vmem_shared>>) target(%dma_start3A_471 : memref<128x128xf32, #tpu.memory_space<hbm>>) target_semaphore(%arg17 : memref<!tpu.dma_semaphore, #tpu.memory_space<semaphore_mem>>)
    %mul3A_474 = arith.constant 640 : i32
    %mul3A_475 = arith.muli %arg1, %mul3A_474 : i32
    %add3A_476 = arith.constant 128 : i32
    %add3A_477 = arith.addi %mul3A_475, %add3A_476 : i32
    %dma_start3A_478 = arith.constant 0 : i32
    %dma_start3A_479 = tpu.memref_slice %arg5[%arg0, %add3A_477, %dma_start3A_478] : memref<2x10240x128xf32, #tpu.memory_space<hbm>> -> memref<1x128x128xf32, #tpu.memory_space<hbm>>
    %dma_start3A_480 = tpu.memref_squeeze %dma_start3A_479 : memref<1x128x128xf32, #tpu.memory_space<hbm>> -> memref<128x128xf32, #tpu.memory_space<hbm>>
    %dma_start3A_481 = arith.constant 0 : i32
    %dma_start3A_482 = tpu.memref_slice %arg6[%add3A_477, %dma_start3A_481] : memref<10240x128xf32, #tpu.memory_space<vmem_shared>> -> memref<128x128xf32, #tpu.memory_space<vmem_shared>>
    tpu.enqueue_dma source(%dma_start3A_482 : memref<128x128xf32, #tpu.memory_space<vmem_shared>>) target(%dma_start3A_480 : memref<128x128xf32, #tpu.memory_space<hbm>>) target_semaphore(%arg18 : memref<!tpu.dma_semaphore, #tpu.memory_space<semaphore_mem>>)
    %mul3A_483 = arith.constant 640 : i32
    %mul3A_484 = arith.muli %arg1, %mul3A_483 : i32
    %add3A_485 = arith.constant 256 : i32
    %add3A_486 = arith.addi %mul3A_484, %add3A_485 : i32
    %dma_start3A_487 = arith.constant 0 : i32
    %dma_start3A_488 = tpu.memref_slice %arg5[%arg0, %add3A_486, %dma_start3A_487] : memref<2x10240x128xf32, #tpu.memory_space<hbm>> -> memref<1x128x128xf32, #tpu.memory_space<hbm>>
    %dma_start3A_489 = tpu.memref_squeeze %dma_start3A_488 : memref<1x128x128xf32, #tpu.memory_space<hbm>> -> memref<128x128xf32, #tpu.memory_space<hbm>>
    %dma_start3A_490 = arith.constant 0 : i32
    %dma_start3A_491 = tpu.memref_slice %arg6[%add3A_486, %dma_start3A_490] : memref<10240x128xf32, #tpu.memory_space<vmem_shared>> -> memref<128x128xf32, #tpu.memory_space<vmem_shared>>
    tpu.enqueue_dma source(%dma_start3A_491 : memref<128x128xf32, #tpu.memory_space<vmem_shared>>) target(%dma_start3A_489 : memref<128x128xf32, #tpu.memory_space<hbm>>) target_semaphore(%arg19 : memref<!tpu.dma_semaphore, #tpu.memory_space<semaphore_mem>>)
    %mul3A_492 = arith.constant 640 : i32
    %mul3A_493 = arith.muli %arg1, %mul3A_492 : i32
    %add3A_494 = arith.constant 384 : i32
    %add3A_495 = arith.addi %mul3A_493, %add3A_494 : i32
    %dma_start3A_496 = arith.constant 0 : i32
    %dma_start3A_497 = tpu.memref_slice %arg5[%arg0, %add3A_495, %dma_start3A_496] : memref<2x10240x128xf32, #tpu.memory_space<hbm>> -> memref<1x128x128xf32, #tpu.memory_space<hbm>>
    %dma_start3A_498 = tpu.memref_squeeze %dma_start3A_497 : memref<1x128x128xf32, #tpu.memory_space<hbm>> -> memref<128x128xf32, #tpu.memory_space<hbm>>
    %dma_start3A_499 = arith.constant 0 : i32
    %dma_start3A_500 = tpu.memref_slice %arg6[%add3A_495, %dma_start3A_499] : memref<10240x128xf32, #tpu.memory_space<vmem_shared>> -> memref<128x128xf32, #tpu.memory_space<vmem_shared>>
    tpu.enqueue_dma source(%dma_start3A_500 : memref<128x128xf32, #tpu.memory_space<vmem_shared>>) target(%dma_start3A_498 : memref<128x128xf32, #tpu.memory_space<hbm>>) target_semaphore(%arg20 : memref<!tpu.dma_semaphore, #tpu.memory_space<semaphore_mem>>)
    %mul3A_501 = arith.constant 640 : i32
    %mul3A_502 = arith.muli %arg1, %mul3A_501 : i32
    %add3A_503 = arith.constant 512 : i32
    %add3A_504 = arith.addi %mul3A_502, %add3A_503 : i32
    %dma_start3A_505 = arith.constant 0 : i32
    %dma_start3A_506 = tpu.memref_slice %arg5[%arg0, %add3A_504, %dma_start3A_505] : memref<2x10240x128xf32, #tpu.memory_space<hbm>> -> memref<1x128x128xf32, #tpu.memory_space<hbm>>
    %dma_start3A_507 = tpu.memref_squeeze %dma_start3A_506 : memref<1x128x128xf32, #tpu.memory_space<hbm>> -> memref<128x128xf32, #tpu.memory_space<hbm>>
    %dma_start3A_508 = arith.constant 0 : i32
    %dma_start3A_509 = tpu.memref_slice %arg6[%add3A_504, %dma_start3A_508] : memref<10240x128xf32, #tpu.memory_space<vmem_shared>> -> memref<128x128xf32, #tpu.memory_space<vmem_shared>>
    tpu.enqueue_dma source(%dma_start3A_509 : memref<128x128xf32, #tpu.memory_space<vmem_shared>>) target(%dma_start3A_507 : memref<128x128xf32, #tpu.memory_space<hbm>>) target_semaphore(%arg21 : memref<!tpu.dma_semaphore, #tpu.memory_space<semaphore_mem>>)
    %mul3A_510 = arith.constant 640 : i32
    %mul3A_511 = arith.muli %arg1, %mul3A_510 : i32
    %add3A_512 = arith.constant 0 : i32
    %add3A_513 = arith.addi %mul3A_511, %add3A_512 : i32
    %dma_wait3A_514 = arith.constant 0 : i32
    %dma_wait3A_515 = tpu.memref_slice %arg5[%arg0, %add3A_513, %dma_wait3A_514] : memref<2x10240x128xf32, #tpu.memory_space<hbm>> -> memref<1x128x128xf32, #tpu.memory_space<hbm>>
    %dma_wait3A_516 = tpu.memref_squeeze %dma_wait3A_515 : memref<1x128x128xf32, #tpu.memory_space<hbm>> -> memref<128x128xf32, #tpu.memory_space<hbm>>
    %dma_wait3A_517 = arith.constant 0 : i32
    %dma_wait3A_518 = tpu.memref_slice %arg6[%add3A_513, %dma_wait3A_517] : memref<10240x128xf32, #tpu.memory_space<vmem_shared>> -> memref<128x128xf32, #tpu.memory_space<vmem_shared>>
    tpu.wait_dma2 semaphore(%arg17 : memref<!tpu.dma_semaphore, #tpu.memory_space<semaphore_mem>>) src(%dma_wait3A_518 : memref<128x128xf32, #tpu.memory_space<vmem_shared>>) dst(%dma_wait3A_516 : memref<128x128xf32, #tpu.memory_space<hbm>>)
    %mul3A_519 = arith.constant 640 : i32
    %mul3A_520 = arith.muli %arg1, %mul3A_519 : i32
    %add3A_521 = arith.constant 128 : i32
    %add3A_522 = arith.addi %mul3A_520, %add3A_521 : i32
    %dma_wait3A_523 = arith.constant 0 : i32
    %dma_wait3A_524 = tpu.memref_slice %arg5[%arg0, %add3A_522, %dma_wait3A_523] : memref<2x10240x128xf32, #tpu.memory_space<hbm>> -> memref<1x128x128xf32, #tpu.memory_space<hbm>>
    %dma_wait3A_525 = tpu.memref_squeeze %dma_wait3A_524 : memref<1x128x128xf32, #tpu.memory_space<hbm>> -> memref<128x128xf32, #tpu.memory_space<hbm>>
    %dma_wait3A_526 = arith.constant 0 : i32
    %dma_wait3A_527 = tpu.memref_slice %arg6[%add3A_522, %dma_wait3A_526] : memref<10240x128xf32, #tpu.memory_space<vmem_shared>> -> memref<128x128xf32, #tpu.memory_space<vmem_shared>>
    tpu.wait_dma2 semaphore(%arg18 : memref<!tpu.dma_semaphore, #tpu.memory_space<semaphore_mem>>) src(%dma_wait3A_527 : memref<128x128xf32, #tpu.memory_space<vmem_shared>>) dst(%dma_wait3A_525 : memref<128x128xf32, #tpu.memory_space<hbm>>)
    %mul3A_528 = arith.constant 640 : i32
    %mul3A_529 = arith.muli %arg1, %mul3A_528 : i32
    %add3A_530 = arith.constant 256 : i32
    %add3A_531 = arith.addi %mul3A_529, %add3A_530 : i32
    %dma_wait3A_532 = arith.constant 0 : i32
    %dma_wait3A_533 = tpu.memref_slice %arg5[%arg0, %add3A_531, %dma_wait3A_532] : memref<2x10240x128xf32, #tpu.memory_space<hbm>> -> memref<1x128x128xf32, #tpu.memory_space<hbm>>
    %dma_wait3A_534 = tpu.memref_squeeze %dma_wait3A_533 : memref<1x128x128xf32, #tpu.memory_space<hbm>> -> memref<128x128xf32, #tpu.memory_space<hbm>>
    %dma_wait3A_535 = arith.constant 0 : i32
    %dma_wait3A_536 = tpu.memref_slice %arg6[%add3A_531, %dma_wait3A_535] : memref<10240x128xf32, #tpu.memory_space<vmem_shared>> -> memref<128x128xf32, #tpu.memory_space<vmem_shared>>
    tpu.wait_dma2 semaphore(%arg19 : memref<!tpu.dma_semaphore, #tpu.memory_space<semaphore_mem>>) src(%dma_wait3A_536 : memref<128x128xf32, #tpu.memory_space<vmem_shared>>) dst(%dma_wait3A_534 : memref<128x128xf32, #tpu.memory_space<hbm>>)
    %mul3A_537 = arith.constant 640 : i32
    %mul3A_538 = arith.muli %arg1, %mul3A_537 : i32
    %add3A_539 = arith.constant 384 : i32
    %add3A_540 = arith.addi %mul3A_538, %add3A_539 : i32
    %dma_wait3A_541 = arith.constant 0 : i32
    %dma_wait3A_542 = tpu.memref_slice %arg5[%arg0, %add3A_540, %dma_wait3A_541] : memref<2x10240x128xf32, #tpu.memory_space<hbm>> -> memref<1x128x128xf32, #tpu.memory_space<hbm>>
    %dma_wait3A_543 = tpu.memref_squeeze %dma_wait3A_542 : memref<1x128x128xf32, #tpu.memory_space<hbm>> -> memref<128x128xf32, #tpu.memory_space<hbm>>
    %dma_wait3A_544 = arith.constant 0 : i32
    %dma_wait3A_545 = tpu.memref_slice %arg6[%add3A_540, %dma_wait3A_544] : memref<10240x128xf32, #tpu.memory_space<vmem_shared>> -> memref<128x128xf32, #tpu.memory_space<vmem_shared>>
    tpu.wait_dma2 semaphore(%arg20 : memref<!tpu.dma_semaphore, #tpu.memory_space<semaphore_mem>>) src(%dma_wait3A_545 : memref<128x128xf32, #tpu.memory_space<vmem_shared>>) dst(%dma_wait3A_543 : memref<128x128xf32, #tpu.memory_space<hbm>>)
    %mul3A_546 = arith.constant 640 : i32
    %mul3A_547 = arith.muli %arg1, %mul3A_546 : i32
    %add3A_548 = arith.constant 512 : i32
    %add3A_549 = arith.addi %mul3A_547, %add3A_548 : i32
    %dma_wait3A_550 = arith.constant 0 : i32
    %dma_wait3A_551 = tpu.memref_slice %arg5[%arg0, %add3A_549, %dma_wait3A_550] : memref<2x10240x128xf32, #tpu.memory_space<hbm>> -> memref<1x128x128xf32, #tpu.memory_space<hbm>>
    %dma_wait3A_552 = tpu.memref_squeeze %dma_wait3A_551 : memref<1x128x128xf32, #tpu.memory_space<hbm>> -> memref<128x128xf32, #tpu.memory_space<hbm>>
    %dma_wait3A_553 = arith.constant 0 : i32
    %dma_wait3A_554 = tpu.memref_slice %arg6[%add3A_549, %dma_wait3A_553] : memref<10240x128xf32, #tpu.memory_space<vmem_shared>> -> memref<128x128xf32, #tpu.memory_space<vmem_shared>>
    tpu.wait_dma2 semaphore(%arg21 : memref<!tpu.dma_semaphore, #tpu.memory_space<semaphore_mem>>) src(%dma_wait3A_554 : memref<128x128xf32, #tpu.memory_space<vmem_shared>>) dst(%dma_wait3A_552 : memref<128x128xf32, #tpu.memory_space<hbm>>)
    return
  }
}

module attributes {stable_mosaic.version = 14 : i64} {
  func.func @_mm_body(%arg0: i32, %arg1: memref<1000x128xf32, #tpu.memory_space<vmem>>, %arg2: memref<128x128xf32, #tpu.memory_space<vmem>>, %arg3: memref<1000x1xf32, #tpu.memory_space<vmem>>, %arg4: memref<1000x128xf32, #tpu.memory_space<vmem>>) attributes {dimension_semantics = [#tpu.dimension_semantics<arbitrary>], iteration_bounds = array<i64: 10>, scalar_prefetch = 0 : i64, scratch_operands = 0 : i64, tpu.core_type = #tpu.core_type<tc>, window_params = [{transform_indices = @transform_0, window_bounds = array<i64: 1000, 128>}, {pipeline_mode = #tpu.pipeline_mode<synchronous>, transform_indices = @transform_1, window_bounds = array<i64: 128, 128>}, {transform_indices = @transform_2, window_bounds = array<i64: 1000, 1>}, {transform_indices = @transform_3, window_bounds = array<i64: 1000, 128>}]} {
    %get3A = arith.constant 0 : index
    %get3A_0 = arith.constant 0 : index
    %get3A_1 = vector.load %arg1[%get3A, %get3A_0] : memref<1000x128xf32, #tpu.memory_space<vmem>>, vector<1000x128xf32>
    %get3A_2 = arith.constant 0 : index
    %get3A_3 = arith.constant 0 : index
    %get3A_4 = vector.load %arg2[%get3A_2, %get3A_3] : memref<128x128xf32, #tpu.memory_space<vmem>>, vector<128x128xf32>
    %dot_general3A = arith.constant dense<0.000000e+00> : vector<1000x128xf32>
    %dot_general3A_5 = tpu.matmul %get3A_1, %get3A_4, %dot_general3A {dimension_numbers = #tpu.dot_dimension_numbers<[1], [0], [0], [1], [0, 0, 1, 1], [], []>, transpose_lhs_hint = false} : vector<1000x128xf32>, vector<128x128xf32>, vector<1000x128xf32> -> vector<1000x128xf32>
    %get3A_6 = arith.constant 0 : index
    %get3A_7 = arith.constant 0 : index
    %get3A_8 = vector.load %arg3[%get3A_6, %get3A_7] : memref<1000x1xf32, #tpu.memory_space<vmem>>, vector<1000x1xf32>
    %mul3A = vector.broadcast %get3A_8 : vector<1000x1xf32> to vector<1000x128xf32>
    %mul3A_9 = arith.mulf %dot_general3A_5, %mul3A : vector<1000x128xf32>
    %swap3A = arith.constant 0 : index
    %swap3A_10 = arith.constant 0 : index
    %swap3A_11 = vector.load %arg4[%swap3A, %swap3A_10] : memref<1000x128xf32, #tpu.memory_space<vmem>>, vector<1000x128xf32>
    tpu.vector_store %arg4[%swap3A, %swap3A_10], %mul3A_9 {strides = array<i32>} : memref<1000x128xf32, #tpu.memory_space<vmem>>, vector<1000x128xf32>,
    return
  }
  func.func @transform_0(%arg0: i32) -> (i32, i32) {
    %c0_i32 = arith.constant 0 : i32
    %c0_i32_0 = arith.constant 0 : i32
    return %arg0, %c0_i32 : i32, i32
  }
  func.func @transform_1(%arg0: i32) -> (i32, i32) {
    %c0_i32 = arith.constant 0 : i32
    %c0_i32_0 = arith.constant 0 : i32
    %c0_i32_1 = arith.constant 0 : i32
    return %c0_i32, %c0_i32_0 : i32, i32
  }
  func.func @transform_2(%arg0: i32) -> (i32, i32) {
    %c0_i32 = arith.constant 0 : i32
    %c0_i32_0 = arith.constant 0 : i32
    return %arg0, %c0_i32 : i32, i32
  }
  func.func @transform_3(%arg0: i32) -> (i32, i32) {
    %c0_i32 = arith.constant 0 : i32
    %c0_i32_0 = arith.constant 0 : i32
    return %arg0, %c0_i32 : i32, i32
  }
}

module attributes {stable_mosaic.version = 14 : i64} {
  func.func @_fuse_body(%arg0: i32, %arg1: memref<2x1000x128xf32, #tpu.memory_space<vmem>>, %arg2: memref<1000x1xf32, #tpu.memory_space<vmem>>, %arg3: memref<1x128xf32, #tpu.memory_space<vmem>>, %arg4: memref<128x128xf32, #tpu.memory_space<vmem>>, %arg5: memref<1000x1xf32, #tpu.memory_space<vmem>>, %arg6: memref<1000x128xf32, #tpu.memory_space<vmem>>) attributes {dimension_semantics = [#tpu.dimension_semantics<arbitrary>], iteration_bounds = array<i64: 10>, scalar_prefetch = 0 : i64, scratch_operands = 0 : i64, tpu.core_type = #tpu.core_type<tc>, window_params = [{transform_indices = @transform_0, window_bounds = array<i64: 2, 1000, 128>}, {transform_indices = @transform_1, window_bounds = array<i64: 1000, 1>}, {pipeline_mode = #tpu.pipeline_mode<synchronous>, transform_indices = @transform_2, window_bounds = array<i64: 1, 128>}, {pipeline_mode = #tpu.pipeline_mode<synchronous>, transform_indices = @transform_3, window_bounds = array<i64: 128, 128>}, {transform_indices = @transform_4, window_bounds = array<i64: 1000, 1>}, {transform_indices = @transform_5, window_bounds = array<i64: 1000, 128>}]} {
    %get3A = arith.constant 0 : index
    %get3A_0 = arith.constant 0 : index
    %get3A_1 = arith.constant 0 : index
    %get3A_2 = vector.load %arg1[%get3A, %get3A_0, %get3A_1] : memref<2x1000x128xf32, #tpu.memory_space<vmem>>, vector<1x1000x128xf32>
    %get3A_3 = vector.shape_cast %get3A_2 : vector<1x1000x128xf32> to vector<1000x128xf32>
    %get3A_4 = arith.constant 1 : index
    %get3A_5 = arith.constant 0 : index
    %get3A_6 = arith.constant 0 : index
    %get3A_7 = vector.load %arg1[%get3A_4, %get3A_5, %get3A_6] : memref<2x1000x128xf32, #tpu.memory_space<vmem>>, vector<1x1000x128xf32>
    %get3A_8 = vector.shape_cast %get3A_7 : vector<1x1000x128xf32> to vector<1000x128xf32>
    %add3A = arith.addf %get3A_3, %get3A_8 : vector<1000x128xf32>
    %get3A_9 = arith.constant 0 : index
    %get3A_10 = arith.constant 0 : index
    %get3A_11 = vector.load %arg2[%get3A_9, %get3A_10] : memref<1000x1xf32, #tpu.memory_space<vmem>>, vector<1000x1xf32>
    %mul3A = vector.broadcast %get3A_11 : vector<1000x1xf32> to vector<1000x128xf32>
    %mul3A_12 = arith.mulf %add3A, %mul3A : vector<1000x128xf32>
    %get3A_13 = arith.constant 0 : index
    %get3A_14 = arith.constant 0 : index
    %get3A_15 = vector.load %arg3[%get3A_13, %get3A_14] : memref<1x128xf32, #tpu.memory_space<vmem>>, vector<1x128xf32>
    %add3A_16 = vector.broadcast %get3A_15 : vector<1x128xf32> to vector<1000x128xf32>
    %add3A_17 = arith.addf %mul3A_12, %add3A_16 : vector<1000x128xf32>
    %max3A = arith.constant 0.000000e+00 : f32
    %max3A_18 = vector.broadcast %max3A : f32 to vector<1000x128xf32>
    %max3A_19 = arith.maximumf %add3A_17, %max3A_18 : vector<1000x128xf32>
    %get3A_20 = arith.constant 0 : index
    %get3A_21 = arith.constant 0 : index
    %get3A_22 = vector.load %arg4[%get3A_20, %get3A_21] : memref<128x128xf32, #tpu.memory_space<vmem>>, vector<128x128xf32>
    %dot_general3A = arith.constant dense<0.000000e+00> : vector<1000x128xf32>
    %dot_general3A_23 = tpu.matmul %max3A_19, %get3A_22, %dot_general3A {dimension_numbers = #tpu.dot_dimension_numbers<[1], [0], [0], [1], [0, 0, 1, 1], [], []>, transpose_lhs_hint = false} : vector<1000x128xf32>, vector<128x128xf32>, vector<1000x128xf32> -> vector<1000x128xf32>
    %get3A_24 = arith.constant 0 : index
    %get3A_25 = arith.constant 0 : index
    %get3A_26 = vector.load %arg5[%get3A_24, %get3A_25] : memref<1000x1xf32, #tpu.memory_space<vmem>>, vector<1000x1xf32>
    %mul3A_27 = vector.broadcast %get3A_26 : vector<1000x1xf32> to vector<1000x128xf32>
    %mul3A_28 = arith.mulf %dot_general3A_23, %mul3A_27 : vector<1000x128xf32>
    %swap3A = arith.constant 0 : index
    %swap3A_29 = arith.constant 0 : index
    %swap3A_30 = vector.load %arg6[%swap3A, %swap3A_29] : memref<1000x128xf32, #tpu.memory_space<vmem>>, vector<1000x128xf32>
    tpu.vector_store %arg6[%swap3A, %swap3A_29], %mul3A_28 {strides = array<i32>} : memref<1000x128xf32, #tpu.memory_space<vmem>>, vector<1000x128xf32>,
    return
  }
  func.func @transform_0(%arg0: i32) -> (i32, i32, i32) {
    %c0_i32 = arith.constant 0 : i32
    %c0_i32_0 = arith.constant 0 : i32
    %c0_i32_1 = arith.constant 0 : i32
    return %c0_i32, %arg0, %c0_i32_0 : i32, i32, i32
  }
  func.func @transform_1(%arg0: i32) -> (i32, i32) {
    %c0_i32 = arith.constant 0 : i32
    %c0_i32_0 = arith.constant 0 : i32
    return %arg0, %c0_i32 : i32, i32
  }
  func.func @transform_2(%arg0: i32) -> (i32, i32) {
    %c0_i32 = arith.constant 0 : i32
    %c0_i32_0 = arith.constant 0 : i32
    %c0_i32_1 = arith.constant 0 : i32
    return %c0_i32, %c0_i32_0 : i32, i32
  }
  func.func @transform_3(%arg0: i32) -> (i32, i32) {
    %c0_i32 = arith.constant 0 : i32
    %c0_i32_0 = arith.constant 0 : i32
    %c0_i32_1 = arith.constant 0 : i32
    return %c0_i32, %c0_i32_0 : i32, i32
  }
  func.func @transform_4(%arg0: i32) -> (i32, i32) {
    %c0_i32 = arith.constant 0 : i32
    %c0_i32_0 = arith.constant 0 : i32
    return %arg0, %c0_i32 : i32, i32
  }
  func.func @transform_5(%arg0: i32) -> (i32, i32) {
    %c0_i32 = arith.constant 0 : i32
    %c0_i32_0 = arith.constant 0 : i32
    return %arg0, %c0_i32 : i32, i32
  }
}

module attributes {stable_mosaic.version = 14 : i64} {
  func.func @_final_body(%arg0: i32, %arg1: memref<2x1000x128xf32, #tpu.memory_space<vmem>>, %arg2: memref<1000x1xf32, #tpu.memory_space<vmem>>, %arg3: memref<1x128xf32, #tpu.memory_space<vmem>>, %arg4: memref<1000x128xf32, #tpu.memory_space<vmem>>) attributes {dimension_semantics = [#tpu.dimension_semantics<arbitrary>], iteration_bounds = array<i64: 10>, scalar_prefetch = 0 : i64, scratch_operands = 0 : i64, tpu.core_type = #tpu.core_type<tc>, window_params = [{transform_indices = @transform_0, window_bounds = array<i64: 2, 1000, 128>}, {transform_indices = @transform_1, window_bounds = array<i64: 1000, 1>}, {pipeline_mode = #tpu.pipeline_mode<synchronous>, transform_indices = @transform_2, window_bounds = array<i64: 1, 128>}, {transform_indices = @transform_3, window_bounds = array<i64: 1000, 128>}]} {
    %get3A = arith.constant 0 : index
    %get3A_0 = arith.constant 0 : index
    %get3A_1 = arith.constant 0 : index
    %get3A_2 = vector.load %arg1[%get3A, %get3A_0, %get3A_1] : memref<2x1000x128xf32, #tpu.memory_space<vmem>>, vector<1x1000x128xf32>
    %get3A_3 = vector.shape_cast %get3A_2 : vector<1x1000x128xf32> to vector<1000x128xf32>
    %get3A_4 = arith.constant 1 : index
    %get3A_5 = arith.constant 0 : index
    %get3A_6 = arith.constant 0 : index
    %get3A_7 = vector.load %arg1[%get3A_4, %get3A_5, %get3A_6] : memref<2x1000x128xf32, #tpu.memory_space<vmem>>, vector<1x1000x128xf32>
    %get3A_8 = vector.shape_cast %get3A_7 : vector<1x1000x128xf32> to vector<1000x128xf32>
    %add3A = arith.addf %get3A_3, %get3A_8 : vector<1000x128xf32>
    %get3A_9 = arith.constant 0 : index
    %get3A_10 = arith.constant 0 : index
    %get3A_11 = vector.load %arg2[%get3A_9, %get3A_10] : memref<1000x1xf32, #tpu.memory_space<vmem>>, vector<1000x1xf32>
    %mul3A = vector.broadcast %get3A_11 : vector<1000x1xf32> to vector<1000x128xf32>
    %mul3A_12 = arith.mulf %add3A, %mul3A : vector<1000x128xf32>
    %get3A_13 = arith.constant 0 : index
    %get3A_14 = arith.constant 0 : index
    %get3A_15 = vector.load %arg3[%get3A_13, %get3A_14] : memref<1x128xf32, #tpu.memory_space<vmem>>, vector<1x128xf32>
    %add3A_16 = vector.broadcast %get3A_15 : vector<1x128xf32> to vector<1000x128xf32>
    %add3A_17 = arith.addf %mul3A_12, %add3A_16 : vector<1000x128xf32>
    %swap3A = arith.constant 0 : index
    %swap3A_18 = arith.constant 0 : index
    %swap3A_19 = vector.load %arg4[%swap3A, %swap3A_18] : memref<1000x128xf32, #tpu.memory_space<vmem>>, vector<1000x128xf32>
    tpu.vector_store %arg4[%swap3A, %swap3A_18], %add3A_17 {strides = array<i32>} : memref<1000x128xf32, #tpu.memory_space<vmem>>, vector<1000x128xf32>,
    return
  }
  func.func @transform_0(%arg0: i32) -> (i32, i32, i32) {
    %c0_i32 = arith.constant 0 : i32
    %c0_i32_0 = arith.constant 0 : i32
    %c0_i32_1 = arith.constant 0 : i32
    return %c0_i32, %arg0, %c0_i32_0 : i32, i32, i32
  }
  func.func @transform_1(%arg0: i32) -> (i32, i32) {
    %c0_i32 = arith.constant 0 : i32
    %c0_i32_0 = arith.constant 0 : i32
    return %arg0, %c0_i32 : i32, i32
  }
  func.func @transform_2(%arg0: i32) -> (i32, i32) {
    %c0_i32 = arith.constant 0 : i32
    %c0_i32_0 = arith.constant 0 : i32
    %c0_i32_1 = arith.constant 0 : i32
    return %c0_i32, %c0_i32_0 : i32, i32
  }
  func.func @transform_3(%arg0: i32) -> (i32, i32) {
    %c0_i32 = arith.constant 0 : i32
    %c0_i32_0 = arith.constant 0 : i32
    return %arg0, %c0_i32 : i32, i32
  }
}

</mosaic_0001>

<sc_bundles>
// kernel: kernel.11.cloned.1.call-start
scs
__scs_entry_jumppad:
0x0: {  	(pc) =	sbr.rel $0x88, $3  }
0x1: {  	(tag) =	ssettag $0x0;
	lr =	simm.s32 $0x1  }
0x2: {  	[smem:$0x3F9B] =	sst lr;
	_ =	strace $0xD0000000  }
0x3: {  	_ = 	snop  }
0x4: {  	_ = 	snop  }
0x5: {  	_ = 	snop  }
0x6: {  	_ = 	snop  }
0x7: {  	_ = 	snop  }
__scs_overlays_trampoline_lowered:
0x8: {  	[smem:$0x3FAA] =	sst s0  }
0x9: {  	[smem:$0x3FAB] =	sst s1  }
0xa: {  	[smem:$0x3FAC] =	sst s2  }
0xb: {  	[smem:$0x3FAD] =	sst s3  }
0xc: {  	[smem:$0x3FAE] =	sst s4  }
0xd: {  	[smem:$0x3FAF] =	sst s5  }
0xe: {  	[smem:$0x3FB0] =	sst s6  }
0xf: {  	[smem:$0x3FB1] =	sst s7  }
0x10: {  	[smem:$0x3FB2] =	sst s8  }
0x11: {  	[smem:$0x3FB3] =	sst s9;
	s0 =	simm.s32 @!p0 $0x0  }
0x12: {  	s1 =	sld [smem:$0x3F99];
	s0 =	simm.s32 @p0 $0x1  }
0x13: {  	[smem:$0x3FB4] =	sst s0;
	s0 =	simm.s32 @!p1 $0x0  }
0x14: {  	s2 =	sld [smem:$0x3F98];
	s0 =	simm.s32 @p1 $0x1  }
0x15: {  	[smem:$0x3FB5] =	sst s0;
	s0 =	simm.s32 @!p2 $0x0  }
0x16: {  	s3 =	sld [smem:$0x3FDB];
	s0 =	simm.s32 @p2 $0x1  }
0x17: {  	s4 =	simm.s32 $0x1BF5;
	[smem:$0x3FB7] =	sst s0  }
0x18: {  	s0 =	sld [smem:$0x3F9A];
	_ =	swait.ge [sflag:s4], $0x0  }
0x19: {  	s7 =	sld [smem:$0x3F9B]  }
0x1a: {  	s8 =	sadd.s32 $0xFFFFE003, lr  }
0x1b: {  	s9 =	sadd.s32 $0xFFFFFEF7, lr;
	s5 =	simm.s32 $0xFFFFFFFF;
	p2 =	slt.u32 s8, $0xFFFFF086  }
0x1c: {  	p1 =	slt.u32 s9, $0xF7A;
	s5 =	simm.s32 @!p2 $0x0  }
0x1d: {  	s5 =	simm.s32 @p1 $0x1;
	p0 =	seq.s32 s7, s2  }
0x1e: {  	s7 =	smul.u32 @!p0 $0xF7A, s2;
	p2 =	seq.s32 @!p0 s5, $0x0  }
0x1f: {  	s9 =	smul.u32 $0xF7A, s1;
	s8 =	simm.s32 @!p0 $0x1BF5;
	p2 =	por !p2, p0  }
0x20: {  	[sflag:s8] =	ssyncset.s32 @!p0 $0xFFFFF086;
	s6 =	sadd.s32 @!p0 s3, s7;
	s7 =	simm.s32 @!p0 $0x108  }
0x21: {  	s3 =	sadd.s32 s3, s9;
	s6 =	sadd.s32 @!p0 $0x88, s6;
	s7 =	simm.s32 @p2 $0x1082  }
0x22: {  	[simem:s7], [sflag:s8] =	dma.local @!p0 [hbm:s6], $0xF7A  }
0x23: {  	s9 =	sor.u32 $0xD0000000, s2;
	s6 =	simm.s32 $0x108;
	_ =	swait.ge @!p0 [sflag:s8], $0x0  }
0x24: {  	s3 =	sadd.s32 $0x88, s3;
	s6 =	simm.s32 @!p1 $0x1082;
	[sflag:s4] =	ssyncset.s32 $0xFFFFF086  }
0x25: {  	[simem:s6], [sflag:s4] =	dma.local [hbm:s3], $0xF7A  }
0x26: {  	[smem:$0x3F9B] =	sst s1;
	(tag) =	ssettag s2;
	_ =	strace s9  }
0x27: {  	s1 =	sld [smem:$0x3FAB]  }
0x28: {  	s2 =	sld [smem:$0x3FAC]  }
0x29: {  	s4 =	sld [smem:$0x3FAE]  }
0x2a: {  	p0 =	seq.s32 s5, $0x0;
	s5 =	sld [smem:$0x3FAF]  }
0x2b: {  	s6 =	sld [smem:$0x3FB0]  }
0x2c: {  	s7 =	sld [smem:$0x3FB1]  }
0x2d: {  	s3 =	simm.s32 $0x108;
	s8 =	sld [smem:$0x3FB2]  }
0x2e: {  	s3 =	simm.s32 @!p0 $0x1082;
	s9 =	sld [smem:$0x3FB3]  }
0x2f: {  	lr =	sadd.s32 s0, s3;
	s0 =	sld [smem:$0x3FAA]  }
0x30: {  	s3 =	sld [smem:$0x3FAD]  }
0x31: {  	[smem:$0x3FB6] =	sst s10  }
0x32: {  	s10 =	sld [smem:$0x3FB4];
	_ =	sdelay $0x3  }
0x33: {  	p0 =	seq.s32 s10, $0x1;
	s10 =	sld [smem:$0x3FB6];
	_ =	sdelay $0x3  }
0x34: {  	[smem:$0x3FB6] =	sst s10  }
0x35: {  	s10 =	sld [smem:$0x3FB5];
	_ =	sdelay $0x3  }
0x36: {  	p1 =	seq.s32 s10, $0x1;
	s10 =	sld [smem:$0x3FB6];
	_ =	sdelay $0x3  }
0x37: {  	[smem:$0x3FB6] =	sst s10  }
0x38: {  	s10 =	sld [smem:$0x3FB7]  }
0x39: {  	_ = 	snop;
	(pc) =	sbr.ind lr, $3  }
0x3a: {  	_ = 	snop  }
0x3b: {  	_ = 	snop  }
0x3c: {  	p2 =	seq.s32 s10, $0x1;
	s10 =	sld [smem:$0x3FB6]  }
0x3d: {  	_ =	shalt  }
0x3e: {  	_ =	shalt  }
0x3f: {  	_ =	shalt  }
0x40: {  	_ =	shalt  }
0x41: {  	_ =	shalt  }
0x42: {  	_ =	shalt  }
0x43: {  	_ =	shalt  }
0x44: {  	_ =	shalt  }
0x45: {  	_ =	shalt  }
0x46: {  	_ =	shalt  }
0x47: {  	_ =	shalt  }
0x48: {  	_ =	shalt  }
0x49: {  	_ =	shalt  }
0x4a: {  	_ =	shalt  }
0x4b: {  	_ =	shalt  }
0x4c: {  	_ =	shalt  }
0x4d: {  	_ =	shalt  }
0x4e: {  	_ =	shalt  }
0x4f: {  	_ =	shalt  }
0x50: {  	_ =	shalt  }
0x51: {  	_ =	shalt  }
0x52: {  	_ =	shalt  }
0x53: {  	_ =	shalt  }
0x54: {  	_ =	shalt  }
0x55: {  	_ =	shalt  }
0x56: {  	_ =	shalt  }
0x57: {  	_ =	shalt  }
0x58: {  	_ =	shalt  }
0x59: {  	_ =	shalt  }
0x5a: {  	_ =	shalt  }
0x5b: {  	_ =	shalt  }
0x5c: {  	_ =	shalt  }
0x5d: {  	_ =	shalt  }
0x5e: {  	_ =	shalt  }
0x5f: {  	_ =	shalt  }
0x60: {  	_ =	shalt  }
0x61: {  	_ =	shalt  }
0x62: {  	_ =	shalt  }
0x63: {  	_ =	shalt  }
0x64: {  	_ =	shalt  }
0x65: {  	_ =	shalt  }
0x66: {  	_ =	shalt  }
0x67: {  	_ =	shalt  }
0x68: {  	_ =	shalt  }
0x69: {  	_ =	shalt  }
0x6a: {  	_ =	shalt  }
0x6b: {  	_ =	shalt  }
0x6c: {  	_ =	shalt  }
0x6d: {  	_ =	shalt  }
0x6e: {  	_ =	shalt  }
0x6f: {  	_ =	shalt  }
0x70: {  	_ =	shalt  }
0x71: {  	_ =	shalt  }
0x72: {  	_ =	shalt  }
0x73: {  	_ =	shalt  }
0x74: {  	_ =	shalt  }
0x75: {  	_ =	shalt  }
0x76: {  	_ =	shalt  }
0x77: {  	_ =	shalt  }
0x78: {  	_ =	shalt  }
0x79: {  	_ =	shalt  }
0x7a: {  	_ =	shalt  }
0x7b: {  	_ =	shalt  }
0x7c: {  	_ =	shalt  }
0x7d: {  	_ =	shalt  }
0x7e: {  	_ =	shalt  }
0x7f: {  	_ =	shalt  }
0x80: {  	_ =	shalt  }
0x81: {  	_ =	shalt  }
0x82: {  	_ =	shalt  }
0x83: {  	_ =	shalt  }
0x84: {  	_ =	shalt  }
0x85: {  	_ =	shalt  }
0x86: {  	_ =	shalt  }
0x87: {  	_ =	shalt  }
.Lfunc_end0:
.L_simem_size_0:
called_computation.1_lowered:
.L_overlay_start_0:
0x88: {  	s2 =	sld [smem:$0x3FD9]  }
0x89: {  	s3 =	sld [smem:$0x3FFE];
	_ =	sdelay $0x1  }
0x8a: {  	s1 =	srdreg.scid  }
0x8b: {  	s0 =	sand.u32 $0x1, s1  }
0x8c: {  	s17 =	sshll.u32 s0, $0xA;
	s2 =	sadd.s32 s3, s2  }
0x8d: {  	s2 =	sadd.s32 s2, s17  }
0x8e: {  	[smem:$0x3FC2] =	sst s2  }
0x8f: {  	_ = 	snop  }
0x90: {  	s2 =	sld [smem:$0x3FD0];
	(tm) =	ssettm $0x1  }
0x91: {  	s18 =	sld [smem:$0x3FFB];
	_ =	sdelay $0x3  }
0x92: {  	_ =	strace s18  }
0x93: {  	s3 =	sld [smem:$0x3FFC];
	_ =	sdelay $0x3  }
0x94: {  	_ =	strace s3  }
0x95: {  	s3 =	sld [smem:$0x3FFD];
	_ =	sdelay $0x3  }
0x96: {  	_ =	strace s3  }
0x97: {  	_ =	strace $0x8FFFFFFF  }
0x98: {  	s19 =	sld [smem:$0x3FDB];
	_ =	sdelay $0x1  }
0x99: {  	s4 =	simm.s32 $_scs_section_size  }
0x9a: {  	s5 =	simm.s32 $_size__tile_overlayer_lowered;
	s6 =	simm.s32 $_tile_overlayer_lowered  }
0x9b: {  	s22 =	simm.s32 $0x1BFF;
	s21 =	sshll.u32 s6, $0x1;
	s3 =	sadd.s32 s4, s19  }
0x9c: {  	s7 =	simm.s32 $0x0;
	s20 =	sshll.u32 s5, $0x1;
	s5 =	sadd.s32 s21, s3  }
0x9d: {  	[timem:s7], [sflag:s22] =	dma.local [hbm:s5], s20  }
0x9e: {  	_ =	swait.ge [sflag:s22], s20  }
0x9f: {  	s4 =	ssub.s32 $0x0, s20;
	[sflag:s22] =	ssyncset.done $0x0  }
0xa0: {  	[sflag:s22] =	ssyncadd.s32 s4;
	_ =	sdelay $0x1  }
0xa1: {  	s23 =	simm.s32 $0x1B8B  }
0xa2: {  	_ =	swait.ge [sflag:s23], $0x1  }
0xa3: {  	[sflag:s23] =	ssyncset.done $0x0  }
0xa4: {  	s25 =	simm.s32 $0x1B8E;
	s24 =	sld [smem:$0x3FFE];
	[sflag:s23] =	ssyncadd.s32 $0xFFFFFFFF  }
0xa5: {  	s26 =	simm.s32 $execute0_lowered;
	[smem:$0x3FD2] =	sst s25  }
0xa6: {  	s5 =	sshll.u32 s26, $0x1;
	_ =	strace $0x80000049;
	[dreg:$0x1] =	wrdreg $0xFFFFFFFF  }
0xa7: {  	s28 =	simm.s32 $_size_execute0_lowered;
	s3 =	sadd.s32 s3, s5;
	[dreg:$0x0] =	wrdreg $0x0  }
0xa8: {  	s5 =	sshll.u32 s28, $0x1;
	[dreg:$0x2] =	wrdreg s3  }
0xa9: {  	[dreg:$0x3] =	wrdreg s5  }
0xaa: {  	[dreg:$0x4] =	wrdreg $0xC0  }
0xab: {  	_ =	task [dreg:s7], $0x5FFFF  }
0xac: {  	[dreg:$0x1] =	wrdreg $0xFFFFFFFF  }
0xad: {  	[dreg:$0x0] =	wrdreg $0x60  }
0xae: {  	[dreg:$0x2] =	wrdreg s2  }
0xaf: {  	[dreg:$0x3] =	wrdreg s24  }
0xb0: {  	[dreg:$0x4] =	wrdreg $0x0  }
0xb1: {  	[dreg:$0x5] =	wrdreg $0x9  }
0xb2: {  	_ =	task.clear_ibuf [dreg:s7], $0x6FFFF;
	_ =	strace $0x90000049  }
0xb3: {  	s29 =	simm.s32 $0x9;
	_ =	strace $0x8000004B  }
0xb4: {  	_ =	swait.ge [sflag:s29], $0x1  }
0xb5: {  	[sflag:s29] =	ssyncadd.s32 $0xFFFFFFFF  }
0xb6: {  	_ =	strace $0x9000004B  }
0xb7: {  	_ =	sfence  }
0xb8: {  	s30 =	sld [smem:$0x0];
	_ =	sdelay $0x2  }
0xb9: {  	s31 =	sshll.u32 s1, $0xD;
	s1 =	sshrl.u32 s1, $0x2  }
0xba: {  	s3 =	sand.u32 $0x4000, s31;
	s1 =	sadd.s32 s1, s30  }
0xbb: {  	s0 =	sor.u32 s3, s0;
	s1 =	sshll.u32 s1, $0x11  }
0xbc: {  	s0 =	sor.u32 s1, s0  }
0xbd: {  	s0 =	sadd.s32 $0x8F2B, s0  }
0xbe: {  	[sflag:s0] =	ssyncadd.remote.s32 $0x1  }
0xbf: {  	_ =	sfence.sel $0xFFFF  }
0xc0: {  	[dreg:$0x0] =	wrdreg $0xFFFFFFFF;
	(pc) =	sbr.abs _section_cstart, $3  }
0xc1: {  	[dreg:$0x1] =	wrdreg $0xFFFFFFFF  }
0xc2: {  	_ =	task.clear_ibuf [dreg:s7], $0x2FFFF;
	_ =	strace $0x9FFFFFFF  }
0xc3: {  	(tm) =	ssettm $0x7FFFFFFF  }
tec
execute0_lowered:
.L_overlay_start_1:
0x0: {  	(tag) =	ssettag $0x1  }
0x1: {  	s1 =	rddreg [dreg:$0x0]  }
0x2: {  	s0 =	rddreg [dreg:$0x1]  }
0x3: {  	s2 =	rddreg [dreg:$0x2];
	s16 =	simm.s32 $0x0;
	s3 =	srdreg.scid  }
0x4: {  	s13 =	stileid.u32;
	s30 =	simm.s32 $0x16000;
	s29 =	simm.s32 $0x10  }
0x5: {  	[smem:$0x7FF] =	sst s16;
	s3 =	sand.u32 $0x1, s3;
	s7 =	smul.u32 $0x50000, s13  }
0x6: {  	s4 =	sadd.s32 $0x2A00, s0;
	s8 =	sadd.s32 $0x2AA00, s0;
	s31 =	smul.u32 $0x14000, s13  }
0x7: {  	s0 =	sadd.s32 $0x52A00, s0;
	_ =	strace $0x8000004A;
	s22 =	smul.u32 $0x140000, s3  }
0x8: {  	s5 =	sshll.u32 s3, $0x4;
	s6 =	ssub.s32 $0x2, s3;
	s3 =	smul.u32 $0xA0000, s3  }
0x9: {  	s5 =	sor.u32 s13, s5;
	s9 =	sshrl.u32 s6, $0x1;
	s7 =	sshrl.u32 s7, $0x2  }
0xa: {  	s20 =	sadd.s32 $0x4000, s31;
	s10 =	sadd.s32 $0x8000, s31;
	s13 =	smul.u32 $0xA000, s13  }
0xb: {  	s11 =	sadd.s32 $0xC000, s31;
	s12 =	sadd.s32 $0x10000, s31;
	s5 =	smul.u32 $0xA000, s5  }
0xc: {  	s6 =	ssub.s32 s6, s9;
	s18 =	sadd.s32 s7, s2;
	s7 =	sadd.s32 s31, s22  }
0xd: {  	s23 =	sadd.s32 s22, s10;
	s28 =	sadd.s32 s11, s2;
	[dreg:$0x5] =	wrdreg s18  }
0xe: {  	s24 =	sadd.s32 s22, s11;
	s15 =	sadd.s32 $0x1000, s18;
	[dreg:$0x17] =	wrdreg s28  }
0xf: {  	s26 =	sadd.s32 s22, s12;
	s17 =	sadd.s32 $0x2000, s18;
	[dreg:$0x8] =	wrdreg s15  }
0x10: {  	s11 =	simm.s32 $0x6;
	s19 =	sadd.s32 $0x3000, s18;
	[dreg:$0x9] =	wrdreg s17  }
0x11: {  	s21 =	sadd.s32 $0x5000, s18;
	s7 =	sshrl.u32 s7, $0x3;
	[dreg:$0xa] =	wrdreg s19  }
0x12: {  	s3 =	sadd.s32 s13, s3;
	s9 =	sadd.s32 $0x7000, s18;
	[dreg:$0xc] =	wrdreg s21  }
0x13: {  	s25 =	sshrl.u32 s24, $0x3;
	s13 =	smax.u32 s6, $0x1;
	[dreg:$0x15] =	wrdreg s9  }
0x14: {  	s31 =	sshrl.u32 s26, $0x3;
	s24 =	sadd.s32 $0x11000, s18;
	[dreg:$0x19] =	wrdreg s13  }
0x15: {  	s26 =	sadd.s32 $0x12000, s18;
	s6 =	simm.s32 $0x2;
	[smem:$0x7FB] =	sst s24  }
0x16: {  	s5 =	sshrl.u32 s5, $0x3;
	s7 =	sadd.s32 s0, s7;
	[smem:$0x7FC] =	sst s26  }
0x17: {  	s19 =	sadd.s32 s20, s2;
	s15 =	sadd.s32 $0xA000, s18;
	[dreg:$0xd] =	wrdreg s7  }
0x18: {  	s3 =	sor.u32 $0x400, s3;
	s17 =	sadd.s32 $0xB000, s18;
	[dreg:$0x1b] =	wrdreg s15  }
0x19: {  	s21 =	sadd.s32 $0xD000, s18;
	s9 =	simm.s32 $0x15000;
	[dreg:$0x1c] =	wrdreg s17  }
0x1a: {  	s24 =	simm.s32 $0x18000;
	s13 =	simm.s32 $0x5;
	[dreg:$0x1d] =	wrdreg s21  }
0x1b: {  	s26 =	simm.s32 $0xF;
	s14 =	sadd.s32 s4, s5;
	[dreg:$0xb] =	wrdreg s19  }
0x1c: {  	s5 =	sadd.s32 s8, s5;
	s7 =	sshrl.u32 s3, $0x3;
	[dreg:$0x6] =	wrdreg s14  }
0x1d: {  	s15 =	simm.s32 $0x1B000;
	[dreg:$0x7] =	wrdreg s5;
	s3 =	sadd.s32 s7, s8  }
0x1e: {  	s21 =	simm.s32 $0x1C000;
	s14 =	sadd.s32 $0x9000, s18;
	[dreg:$0x13] =	wrdreg s3  }
0x1f: {  	s5 =	sadd.s32 s22, s20;
	s22 =	sadd.s32 $0xE000, s18;
	[dreg:$0x1a] =	wrdreg s14  }
0x20: {  	s20 =	sadd.s32 s12, s2;
	s5 =	sshrl.u32 s5, $0x3;
	[dreg:$0x1e] =	wrdreg s22  }
0x21: {  	s12 =	simm.s32 $0x4;
	[dreg:$0x18] =	wrdreg s20;
	s5 =	sadd.s32 s0, s5  }
0x22: {  	[dreg:$0xe] =	wrdreg s5;
	s5 =	sshrl.u32 s23, $0x3;
	s23 =	sadd.s32 $0xF000, s18  }
0x23: {  	s14 =	simm.s32 $0x20;
	s5 =	sadd.s32 s0, s5;
	[dreg:$0x1f] =	wrdreg s23  }
0x24: {  	s3 =	simm.s32 $0x1A000;
	[dreg:$0xf] =	wrdreg s5;
	s5 =	sadd.s32 s0, s25  }
0x25: {  	s22 =	simm.s32 $0x7;
	s0 =	sadd.s32 s0, s31;
	[dreg:$0x10] =	wrdreg s5  }
.Ltmp0:
0x26: {  	s31 =	sadd.s32 $0x13000, s18;
	[dreg:$0x11] =	wrdreg s0;
	(pc) =	sbr.rel .LBB2_1-.Ltmp0, $4  }
0x27: {  	s23 =	simm.s32 $0x8;
	s25 =	sadd.s32 s10, s2;
	[smem:$0x7FD] =	sst s31  }
0x28: {  	s10 =	simm.s32 $0x1;
	s5 =	sadd.s32 $0x6000, s18;
	[dreg:$0x16] =	wrdreg s25  }
0x29: {  	s0 =	sadd.s32 s7, s4;
	s4 =	simm.s32 $0x17000;
	[dreg:$0x12] =	wrdreg s5  }
0x2a: {  	v0 =	vimm.f32 $0.0e+00;
	s7 =	simm.s32 $0x3;
	[dreg:$0x14] =	wrdreg s0;
	s5 =	simm.s32 $0x19000  }
.LBB2_8:
0x2b: {  	s0 =	simm.s32 $0x9  }
0x2c: {  	_ =	swait.ge [sflag:s0], $0x1000  }
0x2d: {  	[sflag:s0] =	ssyncset.done $0x0  }
0x2e: {  	s8 =	simm.s32 $0xA;
	[sflag:s0] =	ssyncadd.s32 $0xFFFFF000  }
0x2f: {  	_ =	swait.ge [sflag:s8], $0x1000  }
0x30: {  	[sflag:s8] =	ssyncset.done $0x0  }
0x31: {  	s16 =	simm.s32 $0xB;
	[sflag:s8] =	ssyncadd.s32 $0xFFFFF000  }
0x32: {  	_ =	swait.ge [sflag:s16], $0x1000  }
0x33: {  	[sflag:s16] =	ssyncset.done $0x0  }
0x34: {  	s17 =	simm.s32 $0xC;
	[sflag:s16] =	ssyncadd.s32 $0xFFFFF000  }
0x35: {  	_ =	swait.ge [sflag:s17], $0x1000  }
0x36: {  	[sflag:s17] =	ssyncset.done $0x0  }
0x37: {  	s18 =	simm.s32 $0xD;
	[sflag:s17] =	ssyncadd.s32 $0xFFFFF000  }
0x38: {  	_ =	swait.ge [sflag:s18], $0x1000  }
0x39: {  	[sflag:s18] =	ssyncset.done $0x0  }
0x3a: {  	s19 =	simm.s32 $0xE;
	[sflag:s18] =	ssyncadd.s32 $0xFFFFF000  }
0x3b: {  	_ =	swait.ge [sflag:s19], $0x1000  }
0x3c: {  	[sflag:s19] =	ssyncset.done $0x0  }
0x3d: {  	[sflag:s19] =	ssyncadd.s32 $0xFFFFF000  }
0x3e: {  	_ =	swait.ge [sflag:s26], $0x1000  }
0x3f: {  	[sflag:s26] =	ssyncset.done $0x0  }
0x40: {  	[sflag:s26] =	ssyncadd.s32 $0xFFFFF000  }
0x41: {  	_ =	swait.ge [sflag:s29], $0x1000  }
0x42: {  	[sflag:s29] =	ssyncset.done $0x0  }
0x43: {  	[sflag:s29] =	ssyncadd.s32 $0xFFFFF000  }
0x44: {  	s20 =	stileid.u32;
	[bflag:$0x0] =	sbarrier.arrive $0xFFFF  }
0x45: {  	s0 =	sshll.u32 s20, $0x6;
	s18 =	rddreg [dreg:$0x5]  }
0x46: {  	s8 =	sor.u32 $0x1C01, s0;
	s19 =	rddreg [dreg:$0xd];
	s16 =	sshrl.u32 s18, $0x3  }
0x47: {  	[hbm:s19], [sflag:s8] =	dma.local [spmem:s16], $0x800  }
0x48: {  	s19 =	rddreg [dreg:$0xb]  }
0x49: {  	s25 =	sor.u32 $0x1C02, s0;
	s20 =	rddreg [dreg:$0xe];
	s31 =	sshrl.u32 s19, $0x3  }
0x4a: {  	[hbm:s20], [sflag:s25] =	dma.local [spmem:s31], $0x800  }
0x4b: {  	s25 =	rddreg [dreg:$0x16]  }
0x4c: {  	s17 =	sor.u32 $0x1C03, s0;
	s20 =	rddreg [dreg:$0xf];
	s31 =	sshrl.u32 s25, $0x3  }
0x4d: {  	[hbm:s20], [sflag:s17] =	dma.local [spmem:s31], $0x800  }
0x4e: {  	s28 =	rddreg [dreg:$0x17]  }
0x4f: {  	s16 =	sor.u32 $0x1C04, s0;
	s20 =	rddreg [dreg:$0x10];
	s17 =	sshrl.u32 s28, $0x3  }
0x50: {  	[hbm:s20], [sflag:s16] =	dma.local [spmem:s17], $0x800  }
0x51: {  	s20 =	rddreg [dreg:$0x18]  }
0x52: {  	s0 =	sor.u32 $0x1C05, s0;
	s16 =	rddreg [dreg:$0x11];
	s31 =	sshrl.u32 s20, $0x3  }
0x53: {  	[hbm:s16], [sflag:s0] =	dma.local [spmem:s31], $0x800  }
0x54: {  	_ =	swait.ge [sflag:s10], $0x800  }
0x55: {  	[sflag:s10] =	ssyncset.done $0x0  }
0x56: {  	[sflag:s10] =	ssyncadd.s32 $0xFFFFF800  }
0x57: {  	_ =	swait.ge [sflag:s6], $0x800  }
0x58: {  	[sflag:s6] =	ssyncset.done $0x0  }
0x59: {  	[sflag:s6] =	ssyncadd.s32 $0xFFFFF800  }
0x5a: {  	_ =	swait.ge [sflag:s7], $0x800  }
0x5b: {  	[sflag:s7] =	ssyncset.done $0x0  }
0x5c: {  	[sflag:s7] =	ssyncadd.s32 $0xFFFFF800  }
0x5d: {  	_ =	swait.ge [sflag:s12], $0x800  }
0x5e: {  	[sflag:s12] =	ssyncset.done $0x0  }
0x5f: {  	[sflag:s12] =	ssyncadd.s32 $0xFFFFF800  }
0x60: {  	_ =	swait.ge [sflag:s13], $0x800  }
0x61: {  	s17 =	rddreg [dreg:$0x4]  }
0x62: {  	s31 =	rddreg [dreg:$0x19];
	s16 =	sadd.s32 $0x1, s17  }
0x63: {  	p0 =	sne.s32 s16, s31  }
.Ltmp1:
0x64: {  	_ = 	snop;
	(pc) =	sbr.rel @!p0 .LBB2_9-.Ltmp1, $3  }
0x65: {  	_ =	sdelay $0x1  }
0x66: {  	[sflag:s13] =	ssyncset.done $0x0  }
0x67: {  	[sflag:s13] =	ssyncadd.s32 $0xFFFFF800  }
.LBB2_1:
0x68: {  	[dreg:$0x4] =	wrdreg s16;
	s8 =	simm.s32 $0x0;
	s16 =	simm.s32 $0x200  }
.LBB2_2:
0x69: {  	p0 =	sne.s32 s16, $0x3E00;
	[tilespmem:s8+$0x15070] =	vst v0  }
0x6a: {  	[tilespmem:s8+$0x15000] =	vst v0  }
0x6b: {  	[tilespmem:s8+$0x15010] =	vst v0  }
.Ltmp2:
0x6c: {  	[tilespmem:s8+$0x15020] =	vst v0;
	(pc) =	sbr.rel @p0 .LBB2_2-.Ltmp2, $4  }
0x6d: {  	[tilespmem:s8+$0x15030] =	vst v0  }
0x6e: {  	[tilespmem:s8+$0x15040] =	vst v0  }
0x6f: {  	[tilespmem:s8+$0x15050] =	vst v0  }
0x70: {  	[tilespmem:s8+$0x15060] =	vst v0;
	s8 =	sshra.s32 s16, $0x2;
	s16 =	sadd.s32 $0x200, s16  }
0x71: {  	[tilespmem:s8+$0x15070] =	vst v0  }
0x72: {  	[tilespmem:s8+$0x15000] =	vst v0  }
0x73: {  	[tilespmem:s8+$0x15010] =	vst v0  }
0x74: {  	[tilespmem:s8+$0x15020] =	vst v0  }
0x75: {  	[tilespmem:s8+$0x15030] =	vst v0  }
0x76: {  	[tilespmem:s8+$0x15040] =	vst v0  }
0x77: {  	[tilespmem:s8+$0x15050] =	vst v0  }
0x78: {  	[tilespmem:s8+$0x15060] =	vst v0;
	s31 =	simm.s32 $0x0;
	s0 =	rddreg [dreg:$0x6];
	s17 =	simm.s32 $0x14000  }
0x79: {  	[tilespmem:s17], [sflag:$0x11] =	stream.linear.gather [hbm4b:s0+s31], $0x400, $0x38;
	[tilespmem:$0x1D000] =	vst v63  }
0x7a: {  	s16 =	rddreg [dreg:$0x7];
	s17 =	simm.s32 $0x14800  }
0x7b: {  	[tilespmem:s17], [sflag:$0x12] =	stream.linear.gather [hbm4b:s16+s31], $0x400, $0x38;
	[tilespmem:$0x1D000] =	vst v63  }
0x7c: {  	_ = 	snop  }
0x7d: {  	[spmem:s18] =	stream.linear.scatter [tilespmem:s9], [sflag:$0x1], $0x1000, $0x38;
	[tilespmem:$0x1D000] =	vst v63  }
0x7e: {  	s16 =	rddreg [dreg:$0x8]  }
0x7f: {  	[spmem:s16] =	stream.linear.scatter [tilespmem:s9], [sflag:$0x1], $0x1000, $0x38;
	[tilespmem:$0x1D000] =	vst v63  }
0x80: {  	s17 =	rddreg [dreg:$0x9]  }
0x81: {  	[spmem:s17] =	stream.linear.scatter [tilespmem:s9], [sflag:$0x1], $0x1000, $0x38;
	[tilespmem:$0x1D000] =	vst v63  }
0x82: {  	s18 =	rddreg [dreg:$0xa]  }
0x83: {  	[spmem:s18] =	stream.linear.scatter [tilespmem:s9], [sflag:$0x1], $0x1000, $0x38;
	[tilespmem:$0x1D000] =	vst v63  }
0x84: {  	_ = 	snop  }
0x85: {  	[spmem:s19] =	stream.linear.scatter [tilespmem:s9], [sflag:$0x1], $0x1000, $0x38;
	[tilespmem:$0x1D000] =	vst v63  }
0x86: {  	s8 =	rddreg [dreg:$0xc]  }
0x87: {  	[spmem:s8] =	stream.linear.scatter [tilespmem:s9], [sflag:$0x1], $0x1000, $0x38;
	[tilespmem:$0x1D000] =	vst v63  }
0x88: {  	s16 =	rddreg [dreg:$0x12]  }
0x89: {  	[spmem:s16] =	stream.linear.scatter [tilespmem:s9], [sflag:$0x1], $0x1000, $0x38;
	[tilespmem:$0x1D000] =	vst v63  }
0x8a: {  	s17 =	rddreg [dreg:$0x15]  }
0x8b: {  	[spmem:s17] =	stream.linear.scatter [tilespmem:s9], [sflag:$0x1], $0x1000, $0x38;
	[tilespmem:$0x1D000] =	vst v63  }
0x8c: {  	_ = 	snop  }
0x8d: {  	[spmem:s25] =	stream.linear.scatter [tilespmem:s9], [sflag:$0x1], $0x1000, $0x38;
	[tilespmem:$0x1D000] =	vst v63  }
0x8e: {  	s18 =	rddreg [dreg:$0x1a]  }
0x8f: {  	[spmem:s18] =	stream.linear.scatter [tilespmem:s9], [sflag:$0x1], $0x1000, $0x38;
	[tilespmem:$0x1D000] =	vst v63  }
0x90: {  	s19 =	rddreg [dreg:$0x1b]  }
0x91: {  	[spmem:s19] =	stream.linear.scatter [tilespmem:s9], [sflag:$0x1], $0x1000, $0x38;
	[tilespmem:$0x1D000] =	vst v63  }
0x92: {  	s25 =	rddreg [dreg:$0x1c]  }
0x93: {  	[spmem:s25] =	stream.linear.scatter [tilespmem:s9], [sflag:$0x1], $0x1000, $0x38;
	[tilespmem:$0x1D000] =	vst v63  }
0x94: {  	_ = 	snop  }
0x95: {  	[spmem:s28] =	stream.linear.scatter [tilespmem:s9], [sflag:$0x1], $0x1000, $0x38;
	[tilespmem:$0x1D000] =	vst v63  }
0x96: {  	s8 =	rddreg [dreg:$0x1d]  }
0x97: {  	[spmem:s8] =	stream.linear.scatter [tilespmem:s9], [sflag:$0x1], $0x1000, $0x38;
	[tilespmem:$0x1D000] =	vst v63  }
0x98: {  	s16 =	rddreg [dreg:$0x1e]  }
0x99: {  	[spmem:s16] =	stream.linear.scatter [tilespmem:s9], [sflag:$0x1], $0x1000, $0x38;
	[tilespmem:$0x1D000] =	vst v63  }
0x9a: {  	s17 =	rddreg [dreg:$0x1f]  }
0x9b: {  	[spmem:s17] =	stream.linear.scatter [tilespmem:s9], [sflag:$0x1], $0x1000, $0x38;
	[tilespmem:$0x1D000] =	vst v63  }
0x9c: {  	s18 =	sld [smem:$0x7FB]  }
0x9d: {  	[spmem:s20] =	stream.linear.scatter [tilespmem:s9], [sflag:$0x1], $0x1000, $0x38;
	[tilespmem:$0x1D000] =	vst v63  }
0x9e: {  	s19 =	sld [smem:$0x7FC]  }
0x9f: {  	[spmem:s18] =	stream.linear.scatter [tilespmem:s9], [sflag:$0x1], $0x1000, $0x38;
	[tilespmem:$0x1D000] =	vst v63  }
0xa0: {  	s20 =	sld [smem:$0x7FD]  }
0xa1: {  	[spmem:s19] =	stream.linear.scatter [tilespmem:s9], [sflag:$0x1], $0x1000, $0x38;
	[tilespmem:$0x1D000] =	vst v63  }
0xa2: {  	_ = 	snop  }
0xa3: {  	[spmem:s20] =	stream.linear.scatter [tilespmem:s9], [sflag:$0x1], $0x1000, $0x38;
	[tilespmem:$0x1D000] =	vst v63  }
0xa4: {  	_ =	swait.ge [sflag:s10], $0x1000  }
0xa5: {  	[sflag:s10] =	ssyncset.done $0x0  }
0xa6: {  	[sflag:s10] =	ssyncadd.s32 $0xFFFFF000  }
0xa7: {  	_ =	swait.ge [sflag:s10], $0x1000  }
0xa8: {  	[sflag:s10] =	ssyncset.done $0x0  }
0xa9: {  	[sflag:s10] =	ssyncadd.s32 $0xFFFFF000  }
0xaa: {  	_ =	swait.ge [sflag:s10], $0x1000  }
0xab: {  	[sflag:s10] =	ssyncset.done $0x0  }
0xac: {  	[sflag:s10] =	ssyncadd.s32 $0xFFFFF000  }
0xad: {  	_ =	swait.ge [sflag:s10], $0x1000  }
0xae: {  	[sflag:s10] =	ssyncset.done $0x0  }
0xaf: {  	[sflag:s10] =	ssyncadd.s32 $0xFFFFF000  }
0xb0: {  	_ =	swait.ge [sflag:s10], $0x1000  }
0xb1: {  	[sflag:s10] =	ssyncset.done $0x0  }
0xb2: {  	[sflag:s10] =	ssyncadd.s32 $0xFFFFF000  }
0xb3: {  	_ =	swait.ge [sflag:s10], $0x1000  }
0xb4: {  	[sflag:s10] =	ssyncset.done $0x0  }
0xb5: {  	[sflag:s10] =	ssyncadd.s32 $0xFFFFF000  }
0xb6: {  	_ =	swait.ge [sflag:s10], $0x1000  }
0xb7: {  	[sflag:s10] =	ssyncset.done $0x0  }
0xb8: {  	[sflag:s10] =	ssyncadd.s32 $0xFFFFF000  }
0xb9: {  	_ =	swait.ge [sflag:s10], $0x1000  }
0xba: {  	[sflag:s10] =	ssyncset.done $0x0  }
0xbb: {  	[sflag:s10] =	ssyncadd.s32 $0xFFFFF000  }
0xbc: {  	_ =	swait.ge [sflag:s10], $0x1000  }
0xbd: {  	[sflag:s10] =	ssyncset.done $0x0  }
0xbe: {  	[sflag:s10] =	ssyncadd.s32 $0xFFFFF000  }
0xbf: {  	_ =	swait.ge [sflag:s10], $0x1000  }
0xc0: {  	[sflag:s10] =	ssyncset.done $0x0  }
0xc1: {  	[sflag:s10] =	ssyncadd.s32 $0xFFFFF000  }
0xc2: {  	_ =	swait.ge [sflag:s10], $0x1000  }
0xc3: {  	[sflag:s10] =	ssyncset.done $0x0  }
0xc4: {  	[sflag:s10] =	ssyncadd.s32 $0xFFFFF000  }
0xc5: {  	_ =	swait.ge [sflag:s10], $0x1000  }
0xc6: {  	[sflag:s10] =	ssyncset.done $0x0  }
0xc7: {  	[sflag:s10] =	ssyncadd.s32 $0xFFFFF000  }
0xc8: {  	_ =	swait.ge [sflag:s10], $0x1000  }
0xc9: {  	[sflag:s10] =	ssyncset.done $0x0  }
0xca: {  	[sflag:s10] =	ssyncadd.s32 $0xFFFFF000  }
0xcb: {  	_ =	swait.ge [sflag:s10], $0x1000  }
0xcc: {  	[sflag:s10] =	ssyncset.done $0x0  }
0xcd: {  	[sflag:s10] =	ssyncadd.s32 $0xFFFFF000  }
0xce: {  	_ =	swait.ge [sflag:s10], $0x1000  }
0xcf: {  	[sflag:s10] =	ssyncset.done $0x0  }
0xd0: {  	[sflag:s10] =	ssyncadd.s32 $0xFFFFF000  }
0xd1: {  	_ =	swait.ge [sflag:s10], $0x1000  }
0xd2: {  	[sflag:s10] =	ssyncset.done $0x0  }
0xd3: {  	[sflag:s10] =	ssyncadd.s32 $0xFFFFF000  }
0xd4: {  	_ =	swait.ge [sflag:s10], $0x1000  }
0xd5: {  	[sflag:s10] =	ssyncset.done $0x0  }
0xd6: {  	[sflag:s10] =	ssyncadd.s32 $0xFFFFF000  }
0xd7: {  	_ =	swait.ge [sflag:s10], $0x1000  }
0xd8: {  	[sflag:s10] =	ssyncset.done $0x0  }
0xd9: {  	[sflag:s10] =	ssyncadd.s32 $0xFFFFF000  }
0xda: {  	_ =	swait.ge [sflag:s10], $0x1000  }
0xdb: {  	[sflag:s10] =	ssyncset.done $0x0  }
0xdc: {  	[sflag:s10] =	ssyncadd.s32 $0xFFFFF000  }
0xdd: {  	_ =	swait.ge [sflag:s10], $0x1000  }
0xde: {  	[sflag:s10] =	ssyncset.done $0x0  }
0xdf: {  	s25 =	simm.s32 $0x11;
	[sflag:s10] =	ssyncadd.s32 $0xFFFFF000  }
0xe0: {  	_ =	swait.ge [sflag:s25], $0x400  }
0xe1: {  	[sflag:s25] =	ssyncset.done $0x0  }
0xe2: {  	s28 =	simm.s32 $0x12;
	[sflag:s25] =	ssyncadd.s32 $0xFFFFFC00  }
.Ltmp3:
0xe3: {  	_ =	swait.ge [sflag:s28], $0x400;
	(pc) =	sbr.rel .LBB2_4-.Ltmp3, $4  }
0xe4: {  	[sflag:s28] =	ssyncset.done $0x0  }
0xe5: {  	[sflag:s28] =	ssyncadd.s32 $0xFFFFFC00  }
0xe6: {  	[bflag:$0x0] =	sbarrier.arrive $0xFFFF  }
0xe7: {  	s8 =	simm.s32 $0x0  }
.LBB2_6:
0xe8: {  	s0 =	simm.s32 $0x9  }
0xe9: {  	_ =	swait.ge [sflag:s0], $0x1000  }
0xea: {  	s19 =	simm.s32 @p0 $0x400;
	[sflag:s0] =	ssyncset.done $0x0  }
0xeb: {  	s16 =	sor.u32 $0x14000, s19;
	[sflag:s0] =	ssyncadd.s32 $0xFFFFF000  }
0xec: {  	[tilespmem:s9], [sflag:$0x1] =	stream.indirect.gather [hbm4b:s1+s14], $0x80, s16, s14, $0xb8;
	[tilespmem:$0x1D000] =	vst v63  }
0xed: {  	s16 =	simm.s32 $0xA  }
0xee: {  	_ =	swait.ge [sflag:s16], $0x1000  }
0xef: {  	[sflag:s16] =	ssyncset.done $0x0  }
0xf0: {  	s18 =	simm.s32 $0xB;
	s17 =	sor.u32 $0x14080, s19;
	[sflag:s16] =	ssyncadd.s32 $0xFFFFF000  }
0xf1: {  	[tilespmem:s30], [sflag:$0x2] =	stream.indirect.gather [hbm4b:s1+s14], $0x80, s17, s14, $0xb8;
	[tilespmem:$0x1D000] =	vst v63  }
0xf2: {  	_ =	swait.ge [sflag:s18], $0x1000  }
0xf3: {  	[sflag:s18] =	ssyncset.done $0x0  }
0xf4: {  	s25 =	simm.s32 $0xC;
	s20 =	sor.u32 $0x14100, s19;
	[sflag:s18] =	ssyncadd.s32 $0xFFFFF000  }
0xf5: {  	[tilespmem:s4], [sflag:$0x3] =	stream.indirect.gather [hbm4b:s1+s14], $0x80, s20, s14, $0xb8;
	[tilespmem:$0x1D000] =	vst v63  }
0xf6: {  	_ =	swait.ge [sflag:s25], $0x1000  }
0xf7: {  	[sflag:s25] =	ssyncset.done $0x0  }
0xf8: {  	s17 =	simm.s32 $0xD;
	s4 =	sor.u32 $0x14180, s19;
	[sflag:s25] =	ssyncadd.s32 $0xFFFFF000  }
0xf9: {  	[tilespmem:s24], [sflag:$0x4] =	stream.indirect.gather [hbm4b:s1+s14], $0x80, s4, s14, $0xb8;
	[tilespmem:$0x1D000] =	vst v63  }
0xfa: {  	_ =	swait.ge [sflag:s17], $0x1000  }
0xfb: {  	[sflag:s17] =	ssyncset.done $0x0  }
0xfc: {  	s18 =	sor.u32 $0x14200, s19;
	s20 =	simm.s32 $0xE;
	[sflag:s17] =	ssyncadd.s32 $0xFFFFF000  }
0xfd: {  	[tilespmem:s5], [sflag:$0x5] =	stream.indirect.gather [hbm4b:s1+s14], $0x80, s18, s14, $0xb8;
	[tilespmem:$0x1D000] =	vst v63  }
0xfe: {  	_ =	swait.ge [sflag:s20], $0x1000  }
0xff: {  	[sflag:s20] =	ssyncset.done $0x0  }
0x100: {  	s28 =	sor.u32 $0x100, s19;
	s24 =	sor.u32 $0x14280, s19;
	[sflag:s20] =	ssyncadd.s32 $0xFFFFF000  }
0x101: {  	[tilespmem:s3], [sflag:$0x6] =	stream.indirect.gather [hbm4b:s1+s14], $0x80, s24, s14, $0xb8;
	[tilespmem:$0x1D000] =	vst v63  }
0x102: {  	s16 =	sor.u32 $0x300, s19;
	s30 =	sor.u32 $0x80, s19;
	_ =	swait.ge [sflag:s26], $0x1000  }
0x103: {  	s25 =	sor.u32 $0x14300, s19;
	s4 =	simm.s32 $0x16000;
	[sflag:s26] =	ssyncset.done $0x0  }
0x104: {  	s17 =	simm.s32 $0x1B000;
	s5 =	simm.s32 $0x18000;
	[sflag:s26] =	ssyncadd.s32 $0xFFFFF000  }
0x105: {  	[tilespmem:s15], [sflag:$0x7] =	stream.indirect.gather [hbm4b:s1+s14], $0x80, s25, s14, $0xb8;
	[tilespmem:$0x1D000] =	vst v63  }
0x106: {  	s18 =	sor.u32 $0x200, s19;
	s20 =	sor.u32 $0x280, s19;
	_ =	swait.ge [sflag:s29], $0x1000  }
0x107: {  	s3 =	simm.s32 $0x19000;
	s24 =	simm.s32 $0x17000;
	[sflag:s29] =	ssyncset.done $0x0  }
0x108: {  	s15 =	simm.s32 $0x1A000;
	s25 =	sor.u32 $0x180, s19;
	[sflag:s29] =	ssyncadd.s32 $0xFFFFF000  }
.LBB2_7:
0x109: {  	s0 =	sor.u32 $0x14380, s19  }
0x10a: {  	[tilespmem:s21], [sflag:$0x8] =	stream.indirect.gather [hbm4b:s1+s14], $0x80, s0, s14, $0xb8;
	[tilespmem:$0x1D000] =	vst v63  }
0x10b: {  	_ =	swait.ge [sflag:s10], $0x1000  }
0x10c: {  	[sflag:s10] =	ssyncset.done $0x0  }
0x10d: {  	s0 =	sor.u32 $0x14800, s19;
	[sflag:s10] =	ssyncadd.s32 $0xFFFFF000  }
0x10e: {  	[spmem:s2] =	stream.indirect.scatter.add.f32 [tilespmem:s9], [sflag:$0x9], $0x80, s0, s14, $0xb8;
	[tilespmem:$0x1D000] =	vst v63  }
0x10f: {  	_ =	swait.ge [sflag:s6], $0x1000  }
0x110: {  	[sflag:s6] =	ssyncset.done $0x0  }
0x111: {  	s0 =	sor.u32 $0x14800, s30;
	[sflag:s6] =	ssyncadd.s32 $0xFFFFF000  }
0x112: {  	[spmem:s2] =	stream.indirect.scatter.add.f32 [tilespmem:s4], [sflag:$0xA], $0x80, s0, s14, $0xb8;
	[tilespmem:$0x1D000] =	vst v63  }
0x113: {  	_ =	swait.ge [sflag:s7], $0x1000  }
0x114: {  	[sflag:s7] =	ssyncset.done $0x0  }
0x115: {  	s28 =	sor.u32 $0x14800, s28;
	[sflag:s7] =	ssyncadd.s32 $0xFFFFF000  }
0x116: {  	[spmem:s2] =	stream.indirect.scatter.add.f32 [tilespmem:s24], [sflag:$0xB], $0x80, s28, s14, $0xb8;
	[tilespmem:$0x1D000] =	vst v63  }
0x117: {  	_ =	swait.ge [sflag:s12], $0x1000  }
0x118: {  	[sflag:s12] =	ssyncset.done $0x0  }
0x119: {  	s4 =	sor.u32 $0x14800, s25;
	[sflag:s12] =	ssyncadd.s32 $0xFFFFF000  }
0x11a: {  	[spmem:s2] =	stream.indirect.scatter.add.f32 [tilespmem:s5], [sflag:$0xC], $0x80, s4, s14, $0xb8;
	[tilespmem:$0x1D000] =	vst v63  }
0x11b: {  	_ =	swait.ge [sflag:s13], $0x1000  }
0x11c: {  	[sflag:s13] =	ssyncset.done $0x0  }
0x11d: {  	s18 =	sor.u32 $0x14800, s18;
	[sflag:s13] =	ssyncadd.s32 $0xFFFFF000  }
0x11e: {  	[spmem:s2] =	stream.indirect.scatter.add.f32 [tilespmem:s3], [sflag:$0xD], $0x80, s18, s14, $0xb8;
	[tilespmem:$0x1D000] =	vst v63  }
0x11f: {  	_ =	swait.ge [sflag:s11], $0x1000  }
0x120: {  	[sflag:s11] =	ssyncset.done $0x0  }
0x121: {  	s24 =	sor.u32 $0x14800, s20;
	[sflag:s11] =	ssyncadd.s32 $0xFFFFF000  }
0x122: {  	[spmem:s2] =	stream.indirect.scatter.add.f32 [tilespmem:s15], [sflag:$0xE], $0x80, s24, s14, $0xb8;
	[tilespmem:$0x1D000] =	vst v63  }
0x123: {  	_ =	swait.ge [sflag:s22], $0x1000  }
0x124: {  	[sflag:s22] =	ssyncset.done $0x0  }
0x125: {  	s25 =	sor.u32 $0x14800, s16;
	[sflag:s22] =	ssyncadd.s32 $0xFFFFF000  }
0x126: {  	[spmem:s2] =	stream.indirect.scatter.add.f32 [tilespmem:s17], [sflag:$0xF], $0x80, s25, s14, $0xb8;
	[tilespmem:$0x1D000] =	vst v63  }
0x127: {  	s31 =	sadd.s32 @!p0 $0x80, s31;
	_ =	swait.ge [sflag:s23], $0x1000  }
0x128: {  	p1 =	sne.s32 @!p0 s31, $0x1400;
	[sflag:s23] =	ssyncset.done $0x0  }
0x129: {  	s0 =	simm.s32 @!p0 $0x11;
	s28 =	sor.u32 $0x14B80, s19;
	[sflag:s23] =	ssyncadd.s32 $0xFFFFF000  }
0x12a: {  	[spmem:s2] =	stream.indirect.scatter.add.f32 [tilespmem:s21], [sflag:$0x10], $0x80, s28, s14, $0xb8;
	[tilespmem:$0x1D000] =	vst v63  }
0x12b: {  	p1 =	por p0, !p1;
	_ =	swait.ge @!p0 [sflag:s0], $0x400  }
.Ltmp4:
0x12c: {  	[sflag:s0] =	ssyncset.done @!p0 $0x0;
	(pc) =	sbr.rel @p1 .LBB2_8-.Ltmp4, $4  }
0x12d: {  	s8 =	sadd.s32 @!p0 $0x400, s8;
	[sflag:s0] =	ssyncadd.s32 @!p0 $0xFFFFFC00;
	s0 =	simm.s32 @!p0 $0x12  }
0x12e: {  	s30 =	simm.s32 $0x16000;
	s4 =	simm.s32 $0x17000;
	_ =	swait.ge @!p0 [sflag:s0], $0x400  }
0x12f: {  	s5 =	simm.s32 $0x19000;
	s3 =	simm.s32 $0x1A000;
	[sflag:s0] =	ssyncset.done @!p0 $0x0  }
0x130: {  	s24 =	simm.s32 $0x18000;
	s15 =	simm.s32 $0x1B000;
	[sflag:s0] =	ssyncadd.s32 @!p0 $0xFFFFFC00  }
.LBB2_4:
0x131: {  	p0 =	seq.s32 s31, $0x1380  }
0x132: {  	p1 =	sne.s32 @!p0 s31, $0x0  }
0x133: {  	s0 =	rddreg [dreg:$0x14];
	p1 =	por p0, p1  }
.Ltmp5:
0x134: {  	s19 =	sand.u32 @!p0 $0x400, s8;
	s18 =	sadd.s32 @!p0 s31, s0;
	(pc) =	sbr.rel @p1 .LBB2_6-.Ltmp5, $4  }
0x135: {  	s20 =	simm.s32 @!p0 $0x0;
	s0 =	rddreg [dreg:$0x13];
	s16 =	sxor.u32 @!p0 $0x14400, s19  }
0x136: {  	[tilespmem:s16], [sflag:$0x11] =	stream.linear.gather @!p0 [hbm4b:s18+s20], $0x400, $0x38;
	[tilespmem:$0x1D000] =	vst v63  }
0x137: {  	s16 =	sxor.u32 @!p0 $0x14C00, s19;
	s18 =	sadd.s32 @!p0 s31, s0  }
0x138: {  	[tilespmem:s16], [sflag:$0x12] =	stream.linear.gather @!p0 [hbm4b:s18+s20], $0x400, $0x38;
	[tilespmem:$0x1D000] =	vst v63  }
0x139: {  	s0 =	simm.s32 $0x14000  }
0x13a: {  	[tilespmem:s9], [sflag:$0x1] =	stream.indirect.gather [hbm4b:s1+s14], $0x80, s0, s14, $0xb8;
	[tilespmem:$0x1D000] =	vst v63  }
0x13b: {  	s17 =	simm.s32 $0x14080;
	s18 =	simm.s32 $0x14100  }
0x13c: {  	[tilespmem:s30], [sflag:$0x2] =	stream.indirect.gather [hbm4b:s1+s14], $0x80, s17, s14, $0xb8;
	[tilespmem:$0x1D000] =	vst v63  }
0x13d: {  	s19 =	simm.s32 $0x14180;
	s20 =	simm.s32 $0x14200;
	s25 =	simm.s32 $0x14300  }
0x13e: {  	[tilespmem:s4], [sflag:$0x3] =	stream.indirect.gather [hbm4b:s1+s14], $0x80, s18, s14, $0xb8;
	[tilespmem:$0x1D000] =	vst v63  }
0x13f: {  	s28 =	simm.s32 $0x100;
	s16 =	simm.s32 $0x300;
	s17 =	simm.s32 $0x1B000  }
0x140: {  	[tilespmem:s24], [sflag:$0x4] =	stream.indirect.gather [hbm4b:s1+s14], $0x80, s19, s14, $0xb8;
	[tilespmem:$0x1D000] =	vst v63  }
0x141: {  	s30 =	simm.s32 $0x80;
	s4 =	simm.s32 $0x16000;
	s18 =	simm.s32 $0x200  }
0x142: {  	[tilespmem:s5], [sflag:$0x5] =	stream.indirect.gather [hbm4b:s1+s14], $0x80, s20, s14, $0xb8;
	[tilespmem:$0x1D000] =	vst v63  }
.Ltmp6:
0x143: {  	s24 =	simm.s32 $0x14280;
	s19 =	simm.s32 $0x0;
	(pc) =	sbr.rel .LBB2_7-.Ltmp6, $4  }
0x144: {  	[tilespmem:s3], [sflag:$0x6] =	stream.indirect.gather [hbm4b:s1+s14], $0x80, s24, s14, $0xb8;
	[tilespmem:$0x1D000] =	vst v63  }
0x145: {  	s20 =	simm.s32 $0x280;
	s5 =	simm.s32 $0x18000;
	s3 =	simm.s32 $0x19000  }
0x146: {  	[tilespmem:s15], [sflag:$0x7] =	stream.indirect.gather [hbm4b:s1+s14], $0x80, s25, s14, $0xb8;
	[tilespmem:$0x1D000] =	vst v63  }
0x147: {  	s24 =	simm.s32 $0x17000;
	s25 =	simm.s32 $0x180;
	s15 =	simm.s32 $0x1A000  }
.LBB2_9:
0x148: {  	_ =	sfence.sel $0x180000  }
0x149: {  	[bflag:$0x0] =	sbarrier.arrive $0xFFFF  }
0x14a: {  	_ =	strace $0x9000004A  }
0x14b: {  	s0 =	stileid.u32;
	[bflag:$0x2] =	sbarrier.arrive $0xFFFF  }
0x14c: {  	p0 =	sne.s32 s0, $0x0;
	s0 =	rddreg [dreg:$0x3]  }
0x14d: {  	s0 =	sadd.s32 @!p0 $0x100000, s0  }
0x14e: {  	[sflag:s0] =	ssyncadd.tile.s32 @!p0 $0x1;
	_ =	shalt  }
.Lfunc_end2:
_tile_overlayer_lowered:
.L_overlay_start_2:
0x14f: {  	(tag) =	ssettag $0x2  }
0x150: {  	s0 =	rddreg [dreg:$0x0];
	s2 =	stileid.u32  }
0x151: {  	s1 =	rddreg [dreg:$0x1];
	p0 =	sne.s32 s2, $0x0  }
0x152: {  	s3 =	rddreg [dreg:$0x2];
	[bflag:$0x3] =	sbarrier.arrive $0xFFFF;
	s2 =	simm.s32 @!p0 $0x1C13  }
0x153: {  	[timem:s3], [sflag:s2] =	dma.local @!p0 [hbm:s0], s1  }
0x154: {  	s0 =	simm.s32 @!p0 $0x13  }
0x155: {  	_ =	swait.ge @!p0 [sflag:s0], s1  }
0x156: {  	s1 =	ssub.s32 @!p0 $0x0, s1;
	[sflag:s0] =	ssyncset.done @!p0 $0x0  }
0x157: {  	[sflag:s0] =	ssyncadd.s32 @!p0 s1  }
0x158: {  	[bflag:$0x3] =	sbarrier.arrive $0xFFFF  }
0x159: {  	_ =	shalt  }

// kernel: kernel.14.cloned.1.call-start
scs
__scs_entry_jumppad:
0x0: {  	(pc) =	sbr.rel $0x88, $3  }
0x1: {  	(tag) =	ssettag $0x0;
	lr =	simm.s32 $0x1  }
0x2: {  	[smem:$0x3F9B] =	sst lr;
	_ =	strace $0xD0000000  }
0x3: {  	_ = 	snop  }
0x4: {  	_ = 	snop  }
0x5: {  	_ = 	snop  }
0x6: {  	_ = 	snop  }
0x7: {  	_ = 	snop  }
__scs_overlays_trampoline_lowered:
0x8: {  	[smem:$0x3FAA] =	sst s0  }
0x9: {  	[smem:$0x3FAB] =	sst s1  }
0xa: {  	[smem:$0x3FAC] =	sst s2  }
0xb: {  	[smem:$0x3FAD] =	sst s3  }
0xc: {  	[smem:$0x3FAE] =	sst s4  }
0xd: {  	[smem:$0x3FAF] =	sst s5  }
0xe: {  	[smem:$0x3FB0] =	sst s6  }
0xf: {  	[smem:$0x3FB1] =	sst s7  }
0x10: {  	[smem:$0x3FB2] =	sst s8  }
0x11: {  	[smem:$0x3FB3] =	sst s9;
	s0 =	simm.s32 @!p0 $0x0  }
0x12: {  	s1 =	sld [smem:$0x3F99];
	s0 =	simm.s32 @p0 $0x1  }
0x13: {  	[smem:$0x3FB4] =	sst s0;
	s0 =	simm.s32 @!p1 $0x0  }
0x14: {  	s2 =	sld [smem:$0x3F98];
	s0 =	simm.s32 @p1 $0x1  }
0x15: {  	[smem:$0x3FB5] =	sst s0;
	s0 =	simm.s32 @!p2 $0x0  }
0x16: {  	s3 =	sld [smem:$0x3FDB];
	s0 =	simm.s32 @p2 $0x1  }
0x17: {  	s4 =	simm.s32 $0x1BF5;
	[smem:$0x3FB7] =	sst s0  }
0x18: {  	s0 =	sld [smem:$0x3F9A];
	_ =	swait.ge [sflag:s4], $0x0  }
0x19: {  	s7 =	sld [smem:$0x3F9B]  }
0x1a: {  	s8 =	sadd.s32 $0xFFFFE003, lr  }
0x1b: {  	s9 =	sadd.s32 $0xFFFFFEF7, lr;
	s5 =	simm.s32 $0xFFFFFFFF;
	p2 =	slt.u32 s8, $0xFFFFF086  }
0x1c: {  	p1 =	slt.u32 s9, $0xF7A;
	s5 =	simm.s32 @!p2 $0x0  }
0x1d: {  	s5 =	simm.s32 @p1 $0x1;
	p0 =	seq.s32 s7, s2  }
0x1e: {  	s7 =	smul.u32 @!p0 $0xF7A, s2;
	p2 =	seq.s32 @!p0 s5, $0x0  }
0x1f: {  	s9 =	smul.u32 $0xF7A, s1;
	s8 =	simm.s32 @!p0 $0x1BF5;
	p2 =	por !p2, p0  }
0x20: {  	[sflag:s8] =	ssyncset.s32 @!p0 $0xFFFFF086;
	s6 =	sadd.s32 @!p0 s3, s7;
	s7 =	simm.s32 @!p0 $0x108  }
0x21: {  	s3 =	sadd.s32 s3, s9;
	s6 =	sadd.s32 @!p0 $0x88, s6;
	s7 =	simm.s32 @p2 $0x1082  }
0x22: {  	[simem:s7], [sflag:s8] =	dma.local @!p0 [hbm:s6], $0xF7A  }
0x23: {  	s9 =	sor.u32 $0xD0000000, s2;
	s6 =	simm.s32 $0x108;
	_ =	swait.ge @!p0 [sflag:s8], $0x0  }
0x24: {  	s3 =	sadd.s32 $0x88, s3;
	s6 =	simm.s32 @!p1 $0x1082;
	[sflag:s4] =	ssyncset.s32 $0xFFFFF086  }
0x25: {  	[simem:s6], [sflag:s4] =	dma.local [hbm:s3], $0xF7A  }
0x26: {  	[smem:$0x3F9B] =	sst s1;
	(tag) =	ssettag s2;
	_ =	strace s9  }
0x27: {  	s1 =	sld [smem:$0x3FAB]  }
0x28: {  	s2 =	sld [smem:$0x3FAC]  }
0x29: {  	s4 =	sld [smem:$0x3FAE]  }
0x2a: {  	p0 =	seq.s32 s5, $0x0;
	s5 =	sld [smem:$0x3FAF]  }
0x2b: {  	s6 =	sld [smem:$0x3FB0]  }
0x2c: {  	s7 =	sld [smem:$0x3FB1]  }
0x2d: {  	s3 =	simm.s32 $0x108;
	s8 =	sld [smem:$0x3FB2]  }
0x2e: {  	s3 =	simm.s32 @!p0 $0x1082;
	s9 =	sld [smem:$0x3FB3]  }
0x2f: {  	lr =	sadd.s32 s0, s3;
	s0 =	sld [smem:$0x3FAA]  }
0x30: {  	s3 =	sld [smem:$0x3FAD]  }
0x31: {  	[smem:$0x3FB6] =	sst s10  }
0x32: {  	s10 =	sld [smem:$0x3FB4];
	_ =	sdelay $0x3  }
0x33: {  	p0 =	seq.s32 s10, $0x1;
	s10 =	sld [smem:$0x3FB6];
	_ =	sdelay $0x3  }
0x34: {  	[smem:$0x3FB6] =	sst s10  }
0x35: {  	s10 =	sld [smem:$0x3FB5];
	_ =	sdelay $0x3  }
0x36: {  	p1 =	seq.s32 s10, $0x1;
	s10 =	sld [smem:$0x3FB6];
	_ =	sdelay $0x3  }
0x37: {  	[smem:$0x3FB6] =	sst s10  }
0x38: {  	s10 =	sld [smem:$0x3FB7]  }
0x39: {  	_ = 	snop;
	(pc) =	sbr.ind lr, $3  }
0x3a: {  	_ = 	snop  }
0x3b: {  	_ = 	snop  }
0x3c: {  	p2 =	seq.s32 s10, $0x1;
	s10 =	sld [smem:$0x3FB6]  }
0x3d: {  	_ =	shalt  }
0x3e: {  	_ =	shalt  }
0x3f: {  	_ =	shalt  }
0x40: {  	_ =	shalt  }
0x41: {  	_ =	shalt  }
0x42: {  	_ =	shalt  }
0x43: {  	_ =	shalt  }
0x44: {  	_ =	shalt  }
0x45: {  	_ =	shalt  }
0x46: {  	_ =	shalt  }
0x47: {  	_ =	shalt  }
0x48: {  	_ =	shalt  }
0x49: {  	_ =	shalt  }
0x4a: {  	_ =	shalt  }
0x4b: {  	_ =	shalt  }
0x4c: {  	_ =	shalt  }
0x4d: {  	_ =	shalt  }
0x4e: {  	_ =	shalt  }
0x4f: {  	_ =	shalt  }
0x50: {  	_ =	shalt  }
0x51: {  	_ =	shalt  }
0x52: {  	_ =	shalt  }
0x53: {  	_ =	shalt  }
0x54: {  	_ =	shalt  }
0x55: {  	_ =	shalt  }
0x56: {  	_ =	shalt  }
0x57: {  	_ =	shalt  }
0x58: {  	_ =	shalt  }
0x59: {  	_ =	shalt  }
0x5a: {  	_ =	shalt  }
0x5b: {  	_ =	shalt  }
0x5c: {  	_ =	shalt  }
0x5d: {  	_ =	shalt  }
0x5e: {  	_ =	shalt  }
0x5f: {  	_ =	shalt  }
0x60: {  	_ =	shalt  }
0x61: {  	_ =	shalt  }
0x62: {  	_ =	shalt  }
0x63: {  	_ =	shalt  }
0x64: {  	_ =	shalt  }
0x65: {  	_ =	shalt  }
0x66: {  	_ =	shalt  }
0x67: {  	_ =	shalt  }
0x68: {  	_ =	shalt  }
0x69: {  	_ =	shalt  }
0x6a: {  	_ =	shalt  }
0x6b: {  	_ =	shalt  }
0x6c: {  	_ =	shalt  }
0x6d: {  	_ =	shalt  }
0x6e: {  	_ =	shalt  }
0x6f: {  	_ =	shalt  }
0x70: {  	_ =	shalt  }
0x71: {  	_ =	shalt  }
0x72: {  	_ =	shalt  }
0x73: {  	_ =	shalt  }
0x74: {  	_ =	shalt  }
0x75: {  	_ =	shalt  }
0x76: {  	_ =	shalt  }
0x77: {  	_ =	shalt  }
0x78: {  	_ =	shalt  }
0x79: {  	_ =	shalt  }
0x7a: {  	_ =	shalt  }
0x7b: {  	_ =	shalt  }
0x7c: {  	_ =	shalt  }
0x7d: {  	_ =	shalt  }
0x7e: {  	_ =	shalt  }
0x7f: {  	_ =	shalt  }
0x80: {  	_ =	shalt  }
0x81: {  	_ =	shalt  }
0x82: {  	_ =	shalt  }
0x83: {  	_ =	shalt  }
0x84: {  	_ =	shalt  }
0x85: {  	_ =	shalt  }
0x86: {  	_ =	shalt  }
0x87: {  	_ =	shalt  }
.Lfunc_end0:
.L_simem_size_0:
called_computation.2_lowered:
.L_overlay_start_0:
0x88: {  	s2 =	sld [smem:$0x3FD9]  }
0x89: {  	s3 =	sld [smem:$0x3FFE];
	_ =	sdelay $0x1  }
0x8a: {  	s1 =	srdreg.scid  }
0x8b: {  	s0 =	sand.u32 $0x1, s1  }
0x8c: {  	s17 =	sshll.u32 s0, $0xA;
	s2 =	sadd.s32 s3, s2  }
0x8d: {  	s2 =	sadd.s32 s2, s17  }
0x8e: {  	[smem:$0x3FC2] =	sst s2  }
0x8f: {  	_ = 	snop  }
0x90: {  	s2 =	sld [smem:$0x3FD0];
	(tm) =	ssettm $0x1  }
0x91: {  	s18 =	sld [smem:$0x3FFB];
	_ =	sdelay $0x3  }
0x92: {  	_ =	strace s18  }
0x93: {  	s3 =	sld [smem:$0x3FFC];
	_ =	sdelay $0x3  }
0x94: {  	_ =	strace s3  }
0x95: {  	s3 =	sld [smem:$0x3FFD];
	_ =	sdelay $0x3  }
0x96: {  	_ =	strace s3  }
0x97: {  	_ =	strace $0x8FFFFFFF  }
0x98: {  	s19 =	sld [smem:$0x3FDB];
	_ =	sdelay $0x1  }
0x99: {  	s4 =	simm.s32 $_scs_section_size  }
0x9a: {  	s5 =	simm.s32 $_size__tile_overlayer_lowered;
	s6 =	simm.s32 $_tile_overlayer_lowered  }
0x9b: {  	s22 =	simm.s32 $0x1BFF;
	s21 =	sshll.u32 s6, $0x1;
	s3 =	sadd.s32 s4, s19  }
0x9c: {  	s7 =	simm.s32 $0x0;
	s20 =	sshll.u32 s5, $0x1;
	s5 =	sadd.s32 s21, s3  }
0x9d: {  	[timem:s7], [sflag:s22] =	dma.local [hbm:s5], s20  }
0x9e: {  	_ =	swait.ge [sflag:s22], s20  }
0x9f: {  	s4 =	ssub.s32 $0x0, s20;
	[sflag:s22] =	ssyncset.done $0x0  }
0xa0: {  	[sflag:s22] =	ssyncadd.s32 s4;
	_ =	sdelay $0x1  }
0xa1: {  	s23 =	simm.s32 $0x1B8B  }
0xa2: {  	_ =	swait.ge [sflag:s23], $0x1  }
0xa3: {  	[sflag:s23] =	ssyncset.done $0x0  }
0xa4: {  	s25 =	simm.s32 $0x1B8E;
	s24 =	sld [smem:$0x3FFE];
	[sflag:s23] =	ssyncadd.s32 $0xFFFFFFFF  }
0xa5: {  	s26 =	simm.s32 $execute0_lowered;
	[smem:$0x3FD2] =	sst s25  }
0xa6: {  	s5 =	sshll.u32 s26, $0x1;
	_ =	strace $0x8000004C;
	[dreg:$0x1] =	wrdreg $0xFFFFFFFF  }
0xa7: {  	s28 =	simm.s32 $_size_execute0_lowered;
	s3 =	sadd.s32 s3, s5;
	[dreg:$0x0] =	wrdreg $0x0  }
0xa8: {  	s5 =	sshll.u32 s28, $0x1;
	[dreg:$0x2] =	wrdreg s3  }
0xa9: {  	[dreg:$0x3] =	wrdreg s5  }
0xaa: {  	[dreg:$0x4] =	wrdreg $0xC0  }
0xab: {  	_ =	task [dreg:s7], $0x5FFFF  }
0xac: {  	[dreg:$0x1] =	wrdreg $0xFFFFFFFF  }
0xad: {  	[dreg:$0x0] =	wrdreg $0x60  }
0xae: {  	[dreg:$0x2] =	wrdreg s2  }
0xaf: {  	[dreg:$0x3] =	wrdreg s24  }
0xb0: {  	[dreg:$0x4] =	wrdreg $0x0  }
0xb1: {  	[dreg:$0x5] =	wrdreg $0x9  }
0xb2: {  	_ =	task.clear_ibuf [dreg:s7], $0x6FFFF;
	_ =	strace $0x9000004C  }
0xb3: {  	s29 =	simm.s32 $0x9;
	_ =	strace $0x8000004E  }
0xb4: {  	_ =	swait.ge [sflag:s29], $0x1  }
0xb5: {  	[sflag:s29] =	ssyncadd.s32 $0xFFFFFFFF  }
0xb6: {  	_ =	strace $0x9000004E  }
0xb7: {  	_ =	sfence  }
0xb8: {  	s30 =	sld [smem:$0x0];
	_ =	sdelay $0x2  }
0xb9: {  	s31 =	sshll.u32 s1, $0xD;
	s1 =	sshrl.u32 s1, $0x2  }
0xba: {  	s3 =	sand.u32 $0x4000, s31;
	s1 =	sadd.s32 s1, s30  }
0xbb: {  	s0 =	sor.u32 s3, s0;
	s1 =	sshll.u32 s1, $0x11  }
0xbc: {  	s0 =	sor.u32 s1, s0  }
0xbd: {  	s0 =	sadd.s32 $0x8F2B, s0  }
0xbe: {  	[sflag:s0] =	ssyncadd.remote.s32 $0x1  }
0xbf: {  	_ =	sfence.sel $0xFFFF  }
0xc0: {  	[dreg:$0x0] =	wrdreg $0xFFFFFFFF;
	(pc) =	sbr.abs _section_cstart, $3  }
0xc1: {  	[dreg:$0x1] =	wrdreg $0xFFFFFFFF  }
0xc2: {  	_ =	task.clear_ibuf [dreg:s7], $0x2FFFF;
	_ =	strace $0x9FFFFFFF  }
0xc3: {  	(tm) =	ssettm $0x7FFFFFFF  }
tec
execute0_lowered:
.L_overlay_start_1:
0x0: {  	(tag) =	ssettag $0x1  }
0x1: {  	s1 =	rddreg [dreg:$0x0]  }
0x2: {  	s0 =	rddreg [dreg:$0x1]  }
0x3: {  	s2 =	rddreg [dreg:$0x2];
	s16 =	simm.s32 $0x0;
	s3 =	srdreg.scid  }
0x4: {  	s13 =	stileid.u32;
	s30 =	simm.s32 $0x16000;
	s29 =	simm.s32 $0x10  }
0x5: {  	[smem:$0x7FF] =	sst s16;
	s3 =	sand.u32 $0x1, s3;
	s7 =	smul.u32 $0x50000, s13  }
0x6: {  	s4 =	sadd.s32 $0x2A00, s0;
	s8 =	sadd.s32 $0x2AA00, s0;
	s31 =	smul.u32 $0x14000, s13  }
0x7: {  	s0 =	sadd.s32 $0x52A00, s0;
	_ =	strace $0x8000004D;
	s22 =	smul.u32 $0x140000, s3  }
0x8: {  	s5 =	sshll.u32 s3, $0x4;
	s6 =	ssub.s32 $0x2, s3;
	s3 =	smul.u32 $0xA0000, s3  }
0x9: {  	s5 =	sor.u32 s13, s5;
	s9 =	sshrl.u32 s6, $0x1;
	s7 =	sshrl.u32 s7, $0x2  }
0xa: {  	s20 =	sadd.s32 $0x4000, s31;
	s10 =	sadd.s32 $0x8000, s31;
	s13 =	smul.u32 $0xA000, s13  }
0xb: {  	s11 =	sadd.s32 $0xC000, s31;
	s12 =	sadd.s32 $0x10000, s31;
	s5 =	smul.u32 $0xA000, s5  }
0xc: {  	s6 =	ssub.s32 s6, s9;
	s18 =	sadd.s32 s7, s2;
	s7 =	sadd.s32 s31, s22  }
0xd: {  	s23 =	sadd.s32 s22, s10;
	s28 =	sadd.s32 s11, s2;
	[dreg:$0x5] =	wrdreg s18  }
0xe: {  	s24 =	sadd.s32 s22, s11;
	s15 =	sadd.s32 $0x1000, s18;
	[dreg:$0x17] =	wrdreg s28  }
0xf: {  	s26 =	sadd.s32 s22, s12;
	s17 =	sadd.s32 $0x2000, s18;
	[dreg:$0x8] =	wrdreg s15  }
0x10: {  	s11 =	simm.s32 $0x6;
	s19 =	sadd.s32 $0x3000, s18;
	[dreg:$0x9] =	wrdreg s17  }
0x11: {  	s21 =	sadd.s32 $0x5000, s18;
	s7 =	sshrl.u32 s7, $0x3;
	[dreg:$0xa] =	wrdreg s19  }
0x12: {  	s3 =	sadd.s32 s13, s3;
	s9 =	sadd.s32 $0x7000, s18;
	[dreg:$0xc] =	wrdreg s21  }
0x13: {  	s25 =	sshrl.u32 s24, $0x3;
	s13 =	smax.u32 s6, $0x1;
	[dreg:$0x15] =	wrdreg s9  }
0x14: {  	s31 =	sshrl.u32 s26, $0x3;
	s24 =	sadd.s32 $0x11000, s18;
	[dreg:$0x19] =	wrdreg s13  }
0x15: {  	s26 =	sadd.s32 $0x12000, s18;
	s6 =	simm.s32 $0x2;
	[smem:$0x7FB] =	sst s24  }
0x16: {  	s5 =	sshrl.u32 s5, $0x3;
	s7 =	sadd.s32 s0, s7;
	[smem:$0x7FC] =	sst s26  }
0x17: {  	s19 =	sadd.s32 s20, s2;
	s15 =	sadd.s32 $0xA000, s18;
	[dreg:$0xd] =	wrdreg s7  }
0x18: {  	s3 =	sor.u32 $0x400, s3;
	s17 =	sadd.s32 $0xB000, s18;
	[dreg:$0x1b] =	wrdreg s15  }
0x19: {  	s21 =	sadd.s32 $0xD000, s18;
	s9 =	simm.s32 $0x15000;
	[dreg:$0x1c] =	wrdreg s17  }
0x1a: {  	s24 =	simm.s32 $0x18000;
	s13 =	simm.s32 $0x5;
	[dreg:$0x1d] =	wrdreg s21  }
0x1b: {  	s26 =	simm.s32 $0xF;
	s14 =	sadd.s32 s4, s5;
	[dreg:$0xb] =	wrdreg s19  }
0x1c: {  	s5 =	sadd.s32 s8, s5;
	s7 =	sshrl.u32 s3, $0x3;
	[dreg:$0x6] =	wrdreg s14  }
0x1d: {  	s15 =	simm.s32 $0x1B000;
	[dreg:$0x7] =	wrdreg s5;
	s3 =	sadd.s32 s7, s8  }
0x1e: {  	s21 =	simm.s32 $0x1C000;
	s14 =	sadd.s32 $0x9000, s18;
	[dreg:$0x13] =	wrdreg s3  }
0x1f: {  	s5 =	sadd.s32 s22, s20;
	s22 =	sadd.s32 $0xE000, s18;
	[dreg:$0x1a] =	wrdreg s14  }
0x20: {  	s20 =	sadd.s32 s12, s2;
	s5 =	sshrl.u32 s5, $0x3;
	[dreg:$0x1e] =	wrdreg s22  }
0x21: {  	s12 =	simm.s32 $0x4;
	[dreg:$0x18] =	wrdreg s20;
	s5 =	sadd.s32 s0, s5  }
0x22: {  	[dreg:$0xe] =	wrdreg s5;
	s5 =	sshrl.u32 s23, $0x3;
	s23 =	sadd.s32 $0xF000, s18  }
0x23: {  	s14 =	simm.s32 $0x20;
	s5 =	sadd.s32 s0, s5;
	[dreg:$0x1f] =	wrdreg s23  }
0x24: {  	s3 =	simm.s32 $0x1A000;
	[dreg:$0xf] =	wrdreg s5;
	s5 =	sadd.s32 s0, s25  }
0x25: {  	s22 =	simm.s32 $0x7;
	s0 =	sadd.s32 s0, s31;
	[dreg:$0x10] =	wrdreg s5  }
.Ltmp0:
0x26: {  	s31 =	sadd.s32 $0x13000, s18;
	[dreg:$0x11] =	wrdreg s0;
	(pc) =	sbr.rel .LBB2_1-.Ltmp0, $4  }
0x27: {  	s23 =	simm.s32 $0x8;
	s25 =	sadd.s32 s10, s2;
	[smem:$0x7FD] =	sst s31  }
0x28: {  	s10 =	simm.s32 $0x1;
	s5 =	sadd.s32 $0x6000, s18;
	[dreg:$0x16] =	wrdreg s25  }
0x29: {  	s0 =	sadd.s32 s7, s4;
	s4 =	simm.s32 $0x17000;
	[dreg:$0x12] =	wrdreg s5  }
0x2a: {  	v0 =	vimm.f32 $0.0e+00;
	s7 =	simm.s32 $0x3;
	[dreg:$0x14] =	wrdreg s0;
	s5 =	simm.s32 $0x19000  }
.LBB2_8:
0x2b: {  	s0 =	simm.s32 $0x9  }
0x2c: {  	_ =	swait.ge [sflag:s0], $0x1000  }
0x2d: {  	[sflag:s0] =	ssyncset.done $0x0  }
0x2e: {  	s8 =	simm.s32 $0xA;
	[sflag:s0] =	ssyncadd.s32 $0xFFFFF000  }
0x2f: {  	_ =	swait.ge [sflag:s8], $0x1000  }
0x30: {  	[sflag:s8] =	ssyncset.done $0x0  }
0x31: {  	s16 =	simm.s32 $0xB;
	[sflag:s8] =	ssyncadd.s32 $0xFFFFF000  }
0x32: {  	_ =	swait.ge [sflag:s16], $0x1000  }
0x33: {  	[sflag:s16] =	ssyncset.done $0x0  }
0x34: {  	s17 =	simm.s32 $0xC;
	[sflag:s16] =	ssyncadd.s32 $0xFFFFF000  }
0x35: {  	_ =	swait.ge [sflag:s17], $0x1000  }
0x36: {  	[sflag:s17] =	ssyncset.done $0x0  }
0x37: {  	s18 =	simm.s32 $0xD;
	[sflag:s17] =	ssyncadd.s32 $0xFFFFF000  }
0x38: {  	_ =	swait.ge [sflag:s18], $0x1000  }
0x39: {  	[sflag:s18] =	ssyncset.done $0x0  }
0x3a: {  	s19 =	simm.s32 $0xE;
	[sflag:s18] =	ssyncadd.s32 $0xFFFFF000  }
0x3b: {  	_ =	swait.ge [sflag:s19], $0x1000  }
0x3c: {  	[sflag:s19] =	ssyncset.done $0x0  }
0x3d: {  	[sflag:s19] =	ssyncadd.s32 $0xFFFFF000  }
0x3e: {  	_ =	swait.ge [sflag:s26], $0x1000  }
0x3f: {  	[sflag:s26] =	ssyncset.done $0x0  }
0x40: {  	[sflag:s26] =	ssyncadd.s32 $0xFFFFF000  }
0x41: {  	_ =	swait.ge [sflag:s29], $0x1000  }
0x42: {  	[sflag:s29] =	ssyncset.done $0x0  }
0x43: {  	[sflag:s29] =	ssyncadd.s32 $0xFFFFF000  }
0x44: {  	s20 =	stileid.u32;
	[bflag:$0x0] =	sbarrier.arrive $0xFFFF  }
0x45: {  	s0 =	sshll.u32 s20, $0x6;
	s18 =	rddreg [dreg:$0x5]  }
0x46: {  	s8 =	sor.u32 $0x1C01, s0;
	s19 =	rddreg [dreg:$0xd];
	s16 =	sshrl.u32 s18, $0x3  }
0x47: {  	[hbm:s19], [sflag:s8] =	dma.local [spmem:s16], $0x800  }
0x48: {  	s19 =	rddreg [dreg:$0xb]  }
0x49: {  	s25 =	sor.u32 $0x1C02, s0;
	s20 =	rddreg [dreg:$0xe];
	s31 =	sshrl.u32 s19, $0x3  }
0x4a: {  	[hbm:s20], [sflag:s25] =	dma.local [spmem:s31], $0x800  }
0x4b: {  	s25 =	rddreg [dreg:$0x16]  }
0x4c: {  	s17 =	sor.u32 $0x1C03, s0;
	s20 =	rddreg [dreg:$0xf];
	s31 =	sshrl.u32 s25, $0x3  }
0x4d: {  	[hbm:s20], [sflag:s17] =	dma.local [spmem:s31], $0x800  }
0x4e: {  	s28 =	rddreg [dreg:$0x17]  }
0x4f: {  	s16 =	sor.u32 $0x1C04, s0;
	s20 =	rddreg [dreg:$0x10];
	s17 =	sshrl.u32 s28, $0x3  }
0x50: {  	[hbm:s20], [sflag:s16] =	dma.local [spmem:s17], $0x800  }
0x51: {  	s20 =	rddreg [dreg:$0x18]  }
0x52: {  	s0 =	sor.u32 $0x1C05, s0;
	s16 =	rddreg [dreg:$0x11];
	s31 =	sshrl.u32 s20, $0x3  }
0x53: {  	[hbm:s16], [sflag:s0] =	dma.local [spmem:s31], $0x800  }
0x54: {  	_ =	swait.ge [sflag:s10], $0x800  }
0x55: {  	[sflag:s10] =	ssyncset.done $0x0  }
0x56: {  	[sflag:s10] =	ssyncadd.s32 $0xFFFFF800  }
0x57: {  	_ =	swait.ge [sflag:s6], $0x800  }
0x58: {  	[sflag:s6] =	ssyncset.done $0x0  }
0x59: {  	[sflag:s6] =	ssyncadd.s32 $0xFFFFF800  }
0x5a: {  	_ =	swait.ge [sflag:s7], $0x800  }
0x5b: {  	[sflag:s7] =	ssyncset.done $0x0  }
0x5c: {  	[sflag:s7] =	ssyncadd.s32 $0xFFFFF800  }
0x5d: {  	_ =	swait.ge [sflag:s12], $0x800  }
0x5e: {  	[sflag:s12] =	ssyncset.done $0x0  }
0x5f: {  	[sflag:s12] =	ssyncadd.s32 $0xFFFFF800  }
0x60: {  	_ =	swait.ge [sflag:s13], $0x800  }
0x61: {  	s17 =	rddreg [dreg:$0x4]  }
0x62: {  	s31 =	rddreg [dreg:$0x19];
	s16 =	sadd.s32 $0x1, s17  }
0x63: {  	p0 =	sne.s32 s16, s31  }
.Ltmp1:
0x64: {  	_ = 	snop;
	(pc) =	sbr.rel @!p0 .LBB2_9-.Ltmp1, $3  }
0x65: {  	_ =	sdelay $0x1  }
0x66: {  	[sflag:s13] =	ssyncset.done $0x0  }
0x67: {  	[sflag:s13] =	ssyncadd.s32 $0xFFFFF800  }
.LBB2_1:
0x68: {  	[dreg:$0x4] =	wrdreg s16;
	s8 =	simm.s32 $0x0;
	s16 =	simm.s32 $0x200  }
.LBB2_2:
0x69: {  	p0 =	sne.s32 s16, $0x3E00;
	[tilespmem:s8+$0x15070] =	vst v0  }
0x6a: {  	[tilespmem:s8+$0x15000] =	vst v0  }
0x6b: {  	[tilespmem:s8+$0x15010] =	vst v0  }
.Ltmp2:
0x6c: {  	[tilespmem:s8+$0x15020] =	vst v0;
	(pc) =	sbr.rel @p0 .LBB2_2-.Ltmp2, $4  }
0x6d: {  	[tilespmem:s8+$0x15030] =	vst v0  }
0x6e: {  	[tilespmem:s8+$0x15040] =	vst v0  }
0x6f: {  	[tilespmem:s8+$0x15050] =	vst v0  }
0x70: {  	[tilespmem:s8+$0x15060] =	vst v0;
	s8 =	sshra.s32 s16, $0x2;
	s16 =	sadd.s32 $0x200, s16  }
0x71: {  	[tilespmem:s8+$0x15070] =	vst v0  }
0x72: {  	[tilespmem:s8+$0x15000] =	vst v0  }
0x73: {  	[tilespmem:s8+$0x15010] =	vst v0  }
0x74: {  	[tilespmem:s8+$0x15020] =	vst v0  }
0x75: {  	[tilespmem:s8+$0x15030] =	vst v0  }
0x76: {  	[tilespmem:s8+$0x15040] =	vst v0  }
0x77: {  	[tilespmem:s8+$0x15050] =	vst v0  }
0x78: {  	[tilespmem:s8+$0x15060] =	vst v0;
	s31 =	simm.s32 $0x0;
	s0 =	rddreg [dreg:$0x6];
	s17 =	simm.s32 $0x14000  }
0x79: {  	[tilespmem:s17], [sflag:$0x11] =	stream.linear.gather [hbm4b:s0+s31], $0x400, $0x38;
	[tilespmem:$0x1D000] =	vst v63  }
0x7a: {  	s16 =	rddreg [dreg:$0x7];
	s17 =	simm.s32 $0x14800  }
0x7b: {  	[tilespmem:s17], [sflag:$0x12] =	stream.linear.gather [hbm4b:s16+s31], $0x400, $0x38;
	[tilespmem:$0x1D000] =	vst v63  }
0x7c: {  	_ = 	snop  }
0x7d: {  	[spmem:s18] =	stream.linear.scatter [tilespmem:s9], [sflag:$0x1], $0x1000, $0x38;
	[tilespmem:$0x1D000] =	vst v63  }
0x7e: {  	s16 =	rddreg [dreg:$0x8]  }
0x7f: {  	[spmem:s16] =	stream.linear.scatter [tilespmem:s9], [sflag:$0x1], $0x1000, $0x38;
	[tilespmem:$0x1D000] =	vst v63  }
0x80: {  	s17 =	rddreg [dreg:$0x9]  }
0x81: {  	[spmem:s17] =	stream.linear.scatter [tilespmem:s9], [sflag:$0x1], $0x1000, $0x38;
	[tilespmem:$0x1D000] =	vst v63  }
0x82: {  	s18 =	rddreg [dreg:$0xa]  }
0x83: {  	[spmem:s18] =	stream.linear.scatter [tilespmem:s9], [sflag:$0x1], $0x1000, $0x38;
	[tilespmem:$0x1D000] =	vst v63  }
0x84: {  	_ = 	snop  }
0x85: {  	[spmem:s19] =	stream.linear.scatter [tilespmem:s9], [sflag:$0x1], $0x1000, $0x38;
	[tilespmem:$0x1D000] =	vst v63  }
0x86: {  	s8 =	rddreg [dreg:$0xc]  }
0x87: {  	[spmem:s8] =	stream.linear.scatter [tilespmem:s9], [sflag:$0x1], $0x1000, $0x38;
	[tilespmem:$0x1D000] =	vst v63  }
0x88: {  	s16 =	rddreg [dreg:$0x12]  }
0x89: {  	[spmem:s16] =	stream.linear.scatter [tilespmem:s9], [sflag:$0x1], $0x1000, $0x38;
	[tilespmem:$0x1D000] =	vst v63  }
0x8a: {  	s17 =	rddreg [dreg:$0x15]  }
0x8b: {  	[spmem:s17] =	stream.linear.scatter [tilespmem:s9], [sflag:$0x1], $0x1000, $0x38;
	[tilespmem:$0x1D000] =	vst v63  }
0x8c: {  	_ = 	snop  }
0x8d: {  	[spmem:s25] =	stream.linear.scatter [tilespmem:s9], [sflag:$0x1], $0x1000, $0x38;
	[tilespmem:$0x1D000] =	vst v63  }
0x8e: {  	s18 =	rddreg [dreg:$0x1a]  }
0x8f: {  	[spmem:s18] =	stream.linear.scatter [tilespmem:s9], [sflag:$0x1], $0x1000, $0x38;
	[tilespmem:$0x1D000] =	vst v63  }
0x90: {  	s19 =	rddreg [dreg:$0x1b]  }
0x91: {  	[spmem:s19] =	stream.linear.scatter [tilespmem:s9], [sflag:$0x1], $0x1000, $0x38;
	[tilespmem:$0x1D000] =	vst v63  }
0x92: {  	s25 =	rddreg [dreg:$0x1c]  }
0x93: {  	[spmem:s25] =	stream.linear.scatter [tilespmem:s9], [sflag:$0x1], $0x1000, $0x38;
	[tilespmem:$0x1D000] =	vst v63  }
0x94: {  	_ = 	snop  }
0x95: {  	[spmem:s28] =	stream.linear.scatter [tilespmem:s9], [sflag:$0x1], $0x1000, $0x38;
	[tilespmem:$0x1D000] =	vst v63  }
0x96: {  	s8 =	rddreg [dreg:$0x1d]  }
0x97: {  	[spmem:s8] =	stream.linear.scatter [tilespmem:s9], [sflag:$0x1], $0x1000, $0x38;
	[tilespmem:$0x1D000] =	vst v63  }
0x98: {  	s16 =	rddreg [dreg:$0x1e]  }
0x99: {  	[spmem:s16] =	stream.linear.scatter [tilespmem:s9], [sflag:$0x1], $0x1000, $0x38;
	[tilespmem:$0x1D000] =	vst v63  }
0x9a: {  	s17 =	rddreg [dreg:$0x1f]  }
0x9b: {  	[spmem:s17] =	stream.linear.scatter [tilespmem:s9], [sflag:$0x1], $0x1000, $0x38;
	[tilespmem:$0x1D000] =	vst v63  }
0x9c: {  	s18 =	sld [smem:$0x7FB]  }
0x9d: {  	[spmem:s20] =	stream.linear.scatter [tilespmem:s9], [sflag:$0x1], $0x1000, $0x38;
	[tilespmem:$0x1D000] =	vst v63  }
0x9e: {  	s19 =	sld [smem:$0x7FC]  }
0x9f: {  	[spmem:s18] =	stream.linear.scatter [tilespmem:s9], [sflag:$0x1], $0x1000, $0x38;
	[tilespmem:$0x1D000] =	vst v63  }
0xa0: {  	s20 =	sld [smem:$0x7FD]  }
0xa1: {  	[spmem:s19] =	stream.linear.scatter [tilespmem:s9], [sflag:$0x1], $0x1000, $0x38;
	[tilespmem:$0x1D000] =	vst v63  }
0xa2: {  	_ = 	snop  }
0xa3: {  	[spmem:s20] =	stream.linear.scatter [tilespmem:s9], [sflag:$0x1], $0x1000, $0x38;
	[tilespmem:$0x1D000] =	vst v63  }
0xa4: {  	_ =	swait.ge [sflag:s10], $0x1000  }
0xa5: {  	[sflag:s10] =	ssyncset.done $0x0  }
0xa6: {  	[sflag:s10] =	ssyncadd.s32 $0xFFFFF000  }
0xa7: {  	_ =	swait.ge [sflag:s10], $0x1000  }
0xa8: {  	[sflag:s10] =	ssyncset.done $0x0  }
0xa9: {  	[sflag:s10] =	ssyncadd.s32 $0xFFFFF000  }
0xaa: {  	_ =	swait.ge [sflag:s10], $0x1000  }
0xab: {  	[sflag:s10] =	ssyncset.done $0x0  }
0xac: {  	[sflag:s10] =	ssyncadd.s32 $0xFFFFF000  }
0xad: {  	_ =	swait.ge [sflag:s10], $0x1000  }
0xae: {  	[sflag:s10] =	ssyncset.done $0x0  }
0xaf: {  	[sflag:s10] =	ssyncadd.s32 $0xFFFFF000  }
0xb0: {  	_ =	swait.ge [sflag:s10], $0x1000  }
0xb1: {  	[sflag:s10] =	ssyncset.done $0x0  }
0xb2: {  	[sflag:s10] =	ssyncadd.s32 $0xFFFFF000  }
0xb3: {  	_ =	swait.ge [sflag:s10], $0x1000  }
0xb4: {  	[sflag:s10] =	ssyncset.done $0x0  }
0xb5: {  	[sflag:s10] =	ssyncadd.s32 $0xFFFFF000  }
0xb6: {  	_ =	swait.ge [sflag:s10], $0x1000  }
0xb7: {  	[sflag:s10] =	ssyncset.done $0x0  }
0xb8: {  	[sflag:s10] =	ssyncadd.s32 $0xFFFFF000  }
0xb9: {  	_ =	swait.ge [sflag:s10], $0x1000  }
0xba: {  	[sflag:s10] =	ssyncset.done $0x0  }
0xbb: {  	[sflag:s10] =	ssyncadd.s32 $0xFFFFF000  }
0xbc: {  	_ =	swait.ge [sflag:s10], $0x1000  }
0xbd: {  	[sflag:s10] =	ssyncset.done $0x0  }
0xbe: {  	[sflag:s10] =	ssyncadd.s32 $0xFFFFF000  }
0xbf: {  	_ =	swait.ge [sflag:s10], $0x1000  }
0xc0: {  	[sflag:s10] =	ssyncset.done $0x0  }
0xc1: {  	[sflag:s10] =	ssyncadd.s32 $0xFFFFF000  }
0xc2: {  	_ =	swait.ge [sflag:s10], $0x1000  }
0xc3: {  	[sflag:s10] =	ssyncset.done $0x0  }
0xc4: {  	[sflag:s10] =	ssyncadd.s32 $0xFFFFF000  }
0xc5: {  	_ =	swait.ge [sflag:s10], $0x1000  }
0xc6: {  	[sflag:s10] =	ssyncset.done $0x0  }
0xc7: {  	[sflag:s10] =	ssyncadd.s32 $0xFFFFF000  }
0xc8: {  	_ =	swait.ge [sflag:s10], $0x1000  }
0xc9: {  	[sflag:s10] =	ssyncset.done $0x0  }
0xca: {  	[sflag:s10] =	ssyncadd.s32 $0xFFFFF000  }
0xcb: {  	_ =	swait.ge [sflag:s10], $0x1000  }
0xcc: {  	[sflag:s10] =	ssyncset.done $0x0  }
0xcd: {  	[sflag:s10] =	ssyncadd.s32 $0xFFFFF000  }
0xce: {  	_ =	swait.ge [sflag:s10], $0x1000  }
0xcf: {  	[sflag:s10] =	ssyncset.done $0x0  }
0xd0: {  	[sflag:s10] =	ssyncadd.s32 $0xFFFFF000  }
0xd1: {  	_ =	swait.ge [sflag:s10], $0x1000  }
0xd2: {  	[sflag:s10] =	ssyncset.done $0x0  }
0xd3: {  	[sflag:s10] =	ssyncadd.s32 $0xFFFFF000  }
0xd4: {  	_ =	swait.ge [sflag:s10], $0x1000  }
0xd5: {  	[sflag:s10] =	ssyncset.done $0x0  }
0xd6: {  	[sflag:s10] =	ssyncadd.s32 $0xFFFFF000  }
0xd7: {  	_ =	swait.ge [sflag:s10], $0x1000  }
0xd8: {  	[sflag:s10] =	ssyncset.done $0x0  }
0xd9: {  	[sflag:s10] =	ssyncadd.s32 $0xFFFFF000  }
0xda: {  	_ =	swait.ge [sflag:s10], $0x1000  }
0xdb: {  	[sflag:s10] =	ssyncset.done $0x0  }
0xdc: {  	[sflag:s10] =	ssyncadd.s32 $0xFFFFF000  }
0xdd: {  	_ =	swait.ge [sflag:s10], $0x1000  }
0xde: {  	[sflag:s10] =	ssyncset.done $0x0  }
0xdf: {  	s25 =	simm.s32 $0x11;
	[sflag:s10] =	ssyncadd.s32 $0xFFFFF000  }
0xe0: {  	_ =	swait.ge [sflag:s25], $0x400  }
0xe1: {  	[sflag:s25] =	ssyncset.done $0x0  }
0xe2: {  	s28 =	simm.s32 $0x12;
	[sflag:s25] =	ssyncadd.s32 $0xFFFFFC00  }
.Ltmp3:
0xe3: {  	_ =	swait.ge [sflag:s28], $0x400;
	(pc) =	sbr.rel .LBB2_4-.Ltmp3, $4  }
0xe4: {  	[sflag:s28] =	ssyncset.done $0x0  }
0xe5: {  	[sflag:s28] =	ssyncadd.s32 $0xFFFFFC00  }
0xe6: {  	[bflag:$0x0] =	sbarrier.arrive $0xFFFF  }
0xe7: {  	s8 =	simm.s32 $0x0  }
.LBB2_6:
0xe8: {  	s0 =	simm.s32 $0x9  }
0xe9: {  	_ =	swait.ge [sflag:s0], $0x1000  }
0xea: {  	s19 =	simm.s32 @p0 $0x400;
	[sflag:s0] =	ssyncset.done $0x0  }
0xeb: {  	s16 =	sor.u32 $0x14000, s19;
	[sflag:s0] =	ssyncadd.s32 $0xFFFFF000  }
0xec: {  	[tilespmem:s9], [sflag:$0x1] =	stream.indirect.gather [hbm4b:s1+s14], $0x80, s16, s14, $0xb8;
	[tilespmem:$0x1D000] =	vst v63  }
0xed: {  	s16 =	simm.s32 $0xA  }
0xee: {  	_ =	swait.ge [sflag:s16], $0x1000  }
0xef: {  	[sflag:s16] =	ssyncset.done $0x0  }
0xf0: {  	s18 =	simm.s32 $0xB;
	s17 =	sor.u32 $0x14080, s19;
	[sflag:s16] =	ssyncadd.s32 $0xFFFFF000  }
0xf1: {  	[tilespmem:s30], [sflag:$0x2] =	stream.indirect.gather [hbm4b:s1+s14], $0x80, s17, s14, $0xb8;
	[tilespmem:$0x1D000] =	vst v63  }
0xf2: {  	_ =	swait.ge [sflag:s18], $0x1000  }
0xf3: {  	[sflag:s18] =	ssyncset.done $0x0  }
0xf4: {  	s25 =	simm.s32 $0xC;
	s20 =	sor.u32 $0x14100, s19;
	[sflag:s18] =	ssyncadd.s32 $0xFFFFF000  }
0xf5: {  	[tilespmem:s4], [sflag:$0x3] =	stream.indirect.gather [hbm4b:s1+s14], $0x80, s20, s14, $0xb8;
	[tilespmem:$0x1D000] =	vst v63  }
0xf6: {  	_ =	swait.ge [sflag:s25], $0x1000  }
0xf7: {  	[sflag:s25] =	ssyncset.done $0x0  }
0xf8: {  	s17 =	simm.s32 $0xD;
	s4 =	sor.u32 $0x14180, s19;
	[sflag:s25] =	ssyncadd.s32 $0xFFFFF000  }
0xf9: {  	[tilespmem:s24], [sflag:$0x4] =	stream.indirect.gather [hbm4b:s1+s14], $0x80, s4, s14, $0xb8;
	[tilespmem:$0x1D000] =	vst v63  }
0xfa: {  	_ =	swait.ge [sflag:s17], $0x1000  }
0xfb: {  	[sflag:s17] =	ssyncset.done $0x0  }
0xfc: {  	s18 =	sor.u32 $0x14200, s19;
	s20 =	simm.s32 $0xE;
	[sflag:s17] =	ssyncadd.s32 $0xFFFFF000  }
0xfd: {  	[tilespmem:s5], [sflag:$0x5] =	stream.indirect.gather [hbm4b:s1+s14], $0x80, s18, s14, $0xb8;
	[tilespmem:$0x1D000] =	vst v63  }
0xfe: {  	_ =	swait.ge [sflag:s20], $0x1000  }
0xff: {  	[sflag:s20] =	ssyncset.done $0x0  }
0x100: {  	s28 =	sor.u32 $0x100, s19;
	s24 =	sor.u32 $0x14280, s19;
	[sflag:s20] =	ssyncadd.s32 $0xFFFFF000  }
0x101: {  	[tilespmem:s3], [sflag:$0x6] =	stream.indirect.gather [hbm4b:s1+s14], $0x80, s24, s14, $0xb8;
	[tilespmem:$0x1D000] =	vst v63  }
0x102: {  	s16 =	sor.u32 $0x300, s19;
	s30 =	sor.u32 $0x80, s19;
	_ =	swait.ge [sflag:s26], $0x1000  }
0x103: {  	s25 =	sor.u32 $0x14300, s19;
	s4 =	simm.s32 $0x16000;
	[sflag:s26] =	ssyncset.done $0x0  }
0x104: {  	s17 =	simm.s32 $0x1B000;
	s5 =	simm.s32 $0x18000;
	[sflag:s26] =	ssyncadd.s32 $0xFFFFF000  }
0x105: {  	[tilespmem:s15], [sflag:$0x7] =	stream.indirect.gather [hbm4b:s1+s14], $0x80, s25, s14, $0xb8;
	[tilespmem:$0x1D000] =	vst v63  }
0x106: {  	s18 =	sor.u32 $0x200, s19;
	s20 =	sor.u32 $0x280, s19;
	_ =	swait.ge [sflag:s29], $0x1000  }
0x107: {  	s3 =	simm.s32 $0x19000;
	s24 =	simm.s32 $0x17000;
	[sflag:s29] =	ssyncset.done $0x0  }
0x108: {  	s15 =	simm.s32 $0x1A000;
	s25 =	sor.u32 $0x180, s19;
	[sflag:s29] =	ssyncadd.s32 $0xFFFFF000  }
.LBB2_7:
0x109: {  	s0 =	sor.u32 $0x14380, s19  }
0x10a: {  	[tilespmem:s21], [sflag:$0x8] =	stream.indirect.gather [hbm4b:s1+s14], $0x80, s0, s14, $0xb8;
	[tilespmem:$0x1D000] =	vst v63  }
0x10b: {  	_ =	swait.ge [sflag:s10], $0x1000  }
0x10c: {  	[sflag:s10] =	ssyncset.done $0x0  }
0x10d: {  	s0 =	sor.u32 $0x14800, s19;
	[sflag:s10] =	ssyncadd.s32 $0xFFFFF000  }
0x10e: {  	[spmem:s2] =	stream.indirect.scatter.add.f32 [tilespmem:s9], [sflag:$0x9], $0x80, s0, s14, $0xb8;
	[tilespmem:$0x1D000] =	vst v63  }
0x10f: {  	_ =	swait.ge [sflag:s6], $0x1000  }
0x110: {  	[sflag:s6] =	ssyncset.done $0x0  }
0x111: {  	s0 =	sor.u32 $0x14800, s30;
	[sflag:s6] =	ssyncadd.s32 $0xFFFFF000  }
0x112: {  	[spmem:s2] =	stream.indirect.scatter.add.f32 [tilespmem:s4], [sflag:$0xA], $0x80, s0, s14, $0xb8;
	[tilespmem:$0x1D000] =	vst v63  }
0x113: {  	_ =	swait.ge [sflag:s7], $0x1000  }
0x114: {  	[sflag:s7] =	ssyncset.done $0x0  }
0x115: {  	s28 =	sor.u32 $0x14800, s28;
	[sflag:s7] =	ssyncadd.s32 $0xFFFFF000  }
0x116: {  	[spmem:s2] =	stream.indirect.scatter.add.f32 [tilespmem:s24], [sflag:$0xB], $0x80, s28, s14, $0xb8;
	[tilespmem:$0x1D000] =	vst v63  }
0x117: {  	_ =	swait.ge [sflag:s12], $0x1000  }
0x118: {  	[sflag:s12] =	ssyncset.done $0x0  }
0x119: {  	s4 =	sor.u32 $0x14800, s25;
	[sflag:s12] =	ssyncadd.s32 $0xFFFFF000  }
0x11a: {  	[spmem:s2] =	stream.indirect.scatter.add.f32 [tilespmem:s5], [sflag:$0xC], $0x80, s4, s14, $0xb8;
	[tilespmem:$0x1D000] =	vst v63  }
0x11b: {  	_ =	swait.ge [sflag:s13], $0x1000  }
0x11c: {  	[sflag:s13] =	ssyncset.done $0x0  }
0x11d: {  	s18 =	sor.u32 $0x14800, s18;
	[sflag:s13] =	ssyncadd.s32 $0xFFFFF000  }
0x11e: {  	[spmem:s2] =	stream.indirect.scatter.add.f32 [tilespmem:s3], [sflag:$0xD], $0x80, s18, s14, $0xb8;
	[tilespmem:$0x1D000] =	vst v63  }
0x11f: {  	_ =	swait.ge [sflag:s11], $0x1000  }
0x120: {  	[sflag:s11] =	ssyncset.done $0x0  }
0x121: {  	s24 =	sor.u32 $0x14800, s20;
	[sflag:s11] =	ssyncadd.s32 $0xFFFFF000  }
0x122: {  	[spmem:s2] =	stream.indirect.scatter.add.f32 [tilespmem:s15], [sflag:$0xE], $0x80, s24, s14, $0xb8;
	[tilespmem:$0x1D000] =	vst v63  }
0x123: {  	_ =	swait.ge [sflag:s22], $0x1000  }
0x124: {  	[sflag:s22] =	ssyncset.done $0x0  }
0x125: {  	s25 =	sor.u32 $0x14800, s16;
	[sflag:s22] =	ssyncadd.s32 $0xFFFFF000  }
0x126: {  	[spmem:s2] =	stream.indirect.scatter.add.f32 [tilespmem:s17], [sflag:$0xF], $0x80, s25, s14, $0xb8;
	[tilespmem:$0x1D000] =	vst v63  }
0x127: {  	s31 =	sadd.s32 @!p0 $0x80, s31;
	_ =	swait.ge [sflag:s23], $0x1000  }
0x128: {  	p1 =	sne.s32 @!p0 s31, $0x1400;
	[sflag:s23] =	ssyncset.done $0x0  }
0x129: {  	s0 =	simm.s32 @!p0 $0x11;
	s28 =	sor.u32 $0x14B80, s19;
	[sflag:s23] =	ssyncadd.s32 $0xFFFFF000  }
0x12a: {  	[spmem:s2] =	stream.indirect.scatter.add.f32 [tilespmem:s21], [sflag:$0x10], $0x80, s28, s14, $0xb8;
	[tilespmem:$0x1D000] =	vst v63  }
0x12b: {  	p1 =	por p0, !p1;
	_ =	swait.ge @!p0 [sflag:s0], $0x400  }
.Ltmp4:
0x12c: {  	[sflag:s0] =	ssyncset.done @!p0 $0x0;
	(pc) =	sbr.rel @p1 .LBB2_8-.Ltmp4, $4  }
0x12d: {  	s8 =	sadd.s32 @!p0 $0x400, s8;
	[sflag:s0] =	ssyncadd.s32 @!p0 $0xFFFFFC00;
	s0 =	simm.s32 @!p0 $0x12  }
0x12e: {  	s30 =	simm.s32 $0x16000;
	s4 =	simm.s32 $0x17000;
	_ =	swait.ge @!p0 [sflag:s0], $0x400  }
0x12f: {  	s5 =	simm.s32 $0x19000;
	s3 =	simm.s32 $0x1A000;
	[sflag:s0] =	ssyncset.done @!p0 $0x0  }
0x130: {  	s24 =	simm.s32 $0x18000;
	s15 =	simm.s32 $0x1B000;
	[sflag:s0] =	ssyncadd.s32 @!p0 $0xFFFFFC00  }
.LBB2_4:
0x131: {  	p0 =	seq.s32 s31, $0x1380  }
0x132: {  	p1 =	sne.s32 @!p0 s31, $0x0  }
0x133: {  	s0 =	rddreg [dreg:$0x14];
	p1 =	por p0, p1  }
.Ltmp5:
0x134: {  	s19 =	sand.u32 @!p0 $0x400, s8;
	s18 =	sadd.s32 @!p0 s31, s0;
	(pc) =	sbr.rel @p1 .LBB2_6-.Ltmp5, $4  }
0x135: {  	s20 =	simm.s32 @!p0 $0x0;
	s0 =	rddreg [dreg:$0x13];
	s16 =	sxor.u32 @!p0 $0x14400, s19  }
0x136: {  	[tilespmem:s16], [sflag:$0x11] =	stream.linear.gather @!p0 [hbm4b:s18+s20], $0x400, $0x38;
	[tilespmem:$0x1D000] =	vst v63  }
0x137: {  	s16 =	sxor.u32 @!p0 $0x14C00, s19;
	s18 =	sadd.s32 @!p0 s31, s0  }
0x138: {  	[tilespmem:s16], [sflag:$0x12] =	stream.linear.gather @!p0 [hbm4b:s18+s20], $0x400, $0x38;
	[tilespmem:$0x1D000] =	vst v63  }
0x139: {  	s0 =	simm.s32 $0x14000  }
0x13a: {  	[tilespmem:s9], [sflag:$0x1] =	stream.indirect.gather [hbm4b:s1+s14], $0x80, s0, s14, $0xb8;
	[tilespmem:$0x1D000] =	vst v63  }
0x13b: {  	s17 =	simm.s32 $0x14080;
	s18 =	simm.s32 $0x14100  }
0x13c: {  	[tilespmem:s30], [sflag:$0x2] =	stream.indirect.gather [hbm4b:s1+s14], $0x80, s17, s14, $0xb8;
	[tilespmem:$0x1D000] =	vst v63  }
0x13d: {  	s19 =	simm.s32 $0x14180;
	s20 =	simm.s32 $0x14200;
	s25 =	simm.s32 $0x14300  }
0x13e: {  	[tilespmem:s4], [sflag:$0x3] =	stream.indirect.gather [hbm4b:s1+s14], $0x80, s18, s14, $0xb8;
	[tilespmem:$0x1D000] =	vst v63  }
0x13f: {  	s28 =	simm.s32 $0x100;
	s16 =	simm.s32 $0x300;
	s17 =	simm.s32 $0x1B000  }
0x140: {  	[tilespmem:s24], [sflag:$0x4] =	stream.indirect.gather [hbm4b:s1+s14], $0x80, s19, s14, $0xb8;
	[tilespmem:$0x1D000] =	vst v63  }
0x141: {  	s30 =	simm.s32 $0x80;
	s4 =	simm.s32 $0x16000;
	s18 =	simm.s32 $0x200  }
0x142: {  	[tilespmem:s5], [sflag:$0x5] =	stream.indirect.gather [hbm4b:s1+s14], $0x80, s20, s14, $0xb8;
	[tilespmem:$0x1D000] =	vst v63  }
.Ltmp6:
0x143: {  	s24 =	simm.s32 $0x14280;
	s19 =	simm.s32 $0x0;
	(pc) =	sbr.rel .LBB2_7-.Ltmp6, $4  }
0x144: {  	[tilespmem:s3], [sflag:$0x6] =	stream.indirect.gather [hbm4b:s1+s14], $0x80, s24, s14, $0xb8;
	[tilespmem:$0x1D000] =	vst v63  }
0x145: {  	s20 =	simm.s32 $0x280;
	s5 =	simm.s32 $0x18000;
	s3 =	simm.s32 $0x19000  }
0x146: {  	[tilespmem:s15], [sflag:$0x7] =	stream.indirect.gather [hbm4b:s1+s14], $0x80, s25, s14, $0xb8;
	[tilespmem:$0x1D000] =	vst v63  }
0x147: {  	s24 =	simm.s32 $0x17000;
	s25 =	simm.s32 $0x180;
	s15 =	simm.s32 $0x1A000  }
.LBB2_9:
0x148: {  	_ =	sfence.sel $0x180000  }
0x149: {  	[bflag:$0x0] =	sbarrier.arrive $0xFFFF  }
0x14a: {  	_ =	strace $0x9000004D  }
0x14b: {  	s0 =	stileid.u32;
	[bflag:$0x2] =	sbarrier.arrive $0xFFFF  }
0x14c: {  	p0 =	sne.s32 s0, $0x0;
	s0 =	rddreg [dreg:$0x3]  }
0x14d: {  	s0 =	sadd.s32 @!p0 $0x100000, s0  }
0x14e: {  	[sflag:s0] =	ssyncadd.tile.s32 @!p0 $0x1;
	_ =	shalt  }
.Lfunc_end2:
_tile_overlayer_lowered:
.L_overlay_start_2:
0x14f: {  	(tag) =	ssettag $0x2  }
0x150: {  	s0 =	rddreg [dreg:$0x0];
	s2 =	stileid.u32  }
0x151: {  	s1 =	rddreg [dreg:$0x1];
	p0 =	sne.s32 s2, $0x0  }
0x152: {  	s3 =	rddreg [dreg:$0x2];
	[bflag:$0x3] =	sbarrier.arrive $0xFFFF;
	s2 =	simm.s32 @!p0 $0x1C13  }
0x153: {  	[timem:s3], [sflag:s2] =	dma.local @!p0 [hbm:s0], s1  }
0x154: {  	s0 =	simm.s32 @!p0 $0x13  }
0x155: {  	_ =	swait.ge @!p0 [sflag:s0], s1  }
0x156: {  	s1 =	ssub.s32 @!p0 $0x0, s1;
	[sflag:s0] =	ssyncset.done @!p0 $0x0  }
0x157: {  	[sflag:s0] =	ssyncadd.s32 @!p0 s1  }
0x158: {  	[bflag:$0x3] =	sbarrier.arrive $0xFFFF  }
0x159: {  	_ =	shalt  }

// kernel: kernel.8.cloned.1.call-start
scs
__scs_entry_jumppad:
0x0: {  	(pc) =	sbr.rel $0x88, $3  }
0x1: {  	(tag) =	ssettag $0x0;
	lr =	simm.s32 $0x1  }
0x2: {  	[smem:$0x3F9B] =	sst lr;
	_ =	strace $0xD0000000  }
0x3: {  	_ = 	snop  }
0x4: {  	_ = 	snop  }
0x5: {  	_ = 	snop  }
0x6: {  	_ = 	snop  }
0x7: {  	_ = 	snop  }
__scs_overlays_trampoline_lowered:
0x8: {  	[smem:$0x3FAA] =	sst s0  }
0x9: {  	[smem:$0x3FAB] =	sst s1  }
0xa: {  	[smem:$0x3FAC] =	sst s2  }
0xb: {  	[smem:$0x3FAD] =	sst s3  }
0xc: {  	[smem:$0x3FAE] =	sst s4  }
0xd: {  	[smem:$0x3FAF] =	sst s5  }
0xe: {  	[smem:$0x3FB0] =	sst s6  }
0xf: {  	[smem:$0x3FB1] =	sst s7  }
0x10: {  	[smem:$0x3FB2] =	sst s8  }
0x11: {  	[smem:$0x3FB3] =	sst s9;
	s0 =	simm.s32 @!p0 $0x0  }
0x12: {  	s1 =	sld [smem:$0x3F99];
	s0 =	simm.s32 @p0 $0x1  }
0x13: {  	[smem:$0x3FB4] =	sst s0;
	s0 =	simm.s32 @!p1 $0x0  }
0x14: {  	s2 =	sld [smem:$0x3F98];
	s0 =	simm.s32 @p1 $0x1  }
0x15: {  	[smem:$0x3FB5] =	sst s0;
	s0 =	simm.s32 @!p2 $0x0  }
0x16: {  	s3 =	sld [smem:$0x3FDB];
	s0 =	simm.s32 @p2 $0x1  }
0x17: {  	s4 =	simm.s32 $0x1BF5;
	[smem:$0x3FB7] =	sst s0  }
0x18: {  	s0 =	sld [smem:$0x3F9A];
	_ =	swait.ge [sflag:s4], $0x0  }
0x19: {  	s7 =	sld [smem:$0x3F9B]  }
0x1a: {  	s8 =	sadd.s32 $0xFFFFE003, lr  }
0x1b: {  	s9 =	sadd.s32 $0xFFFFFEF7, lr;
	s5 =	simm.s32 $0xFFFFFFFF;
	p2 =	slt.u32 s8, $0xFFFFF086  }
0x1c: {  	p1 =	slt.u32 s9, $0xF7A;
	s5 =	simm.s32 @!p2 $0x0  }
0x1d: {  	s5 =	simm.s32 @p1 $0x1;
	p0 =	seq.s32 s7, s2  }
0x1e: {  	s7 =	smul.u32 @!p0 $0xF7A, s2;
	p2 =	seq.s32 @!p0 s5, $0x0  }
0x1f: {  	s9 =	smul.u32 $0xF7A, s1;
	s8 =	simm.s32 @!p0 $0x1BF5;
	p2 =	por !p2, p0  }
0x20: {  	[sflag:s8] =	ssyncset.s32 @!p0 $0xFFFFF086;
	s6 =	sadd.s32 @!p0 s3, s7;
	s7 =	simm.s32 @!p0 $0x108  }
0x21: {  	s3 =	sadd.s32 s3, s9;
	s6 =	sadd.s32 @!p0 $0x88, s6;
	s7 =	simm.s32 @p2 $0x1082  }
0x22: {  	[simem:s7], [sflag:s8] =	dma.local @!p0 [hbm:s6], $0xF7A  }
0x23: {  	s9 =	sor.u32 $0xD0000000, s2;
	s6 =	simm.s32 $0x108;
	_ =	swait.ge @!p0 [sflag:s8], $0x0  }
0x24: {  	s3 =	sadd.s32 $0x88, s3;
	s6 =	simm.s32 @!p1 $0x1082;
	[sflag:s4] =	ssyncset.s32 $0xFFFFF086  }
0x25: {  	[simem:s6], [sflag:s4] =	dma.local [hbm:s3], $0xF7A  }
0x26: {  	[smem:$0x3F9B] =	sst s1;
	(tag) =	ssettag s2;
	_ =	strace s9  }
0x27: {  	s1 =	sld [smem:$0x3FAB]  }
0x28: {  	s2 =	sld [smem:$0x3FAC]  }
0x29: {  	s4 =	sld [smem:$0x3FAE]  }
0x2a: {  	p0 =	seq.s32 s5, $0x0;
	s5 =	sld [smem:$0x3FAF]  }
0x2b: {  	s6 =	sld [smem:$0x3FB0]  }
0x2c: {  	s7 =	sld [smem:$0x3FB1]  }
0x2d: {  	s3 =	simm.s32 $0x108;
	s8 =	sld [smem:$0x3FB2]  }
0x2e: {  	s3 =	simm.s32 @!p0 $0x1082;
	s9 =	sld [smem:$0x3FB3]  }
0x2f: {  	lr =	sadd.s32 s0, s3;
	s0 =	sld [smem:$0x3FAA]  }
0x30: {  	s3 =	sld [smem:$0x3FAD]  }
0x31: {  	[smem:$0x3FB6] =	sst s10  }
0x32: {  	s10 =	sld [smem:$0x3FB4];
	_ =	sdelay $0x3  }
0x33: {  	p0 =	seq.s32 s10, $0x1;
	s10 =	sld [smem:$0x3FB6];
	_ =	sdelay $0x3  }
0x34: {  	[smem:$0x3FB6] =	sst s10  }
0x35: {  	s10 =	sld [smem:$0x3FB5];
	_ =	sdelay $0x3  }
0x36: {  	p1 =	seq.s32 s10, $0x1;
	s10 =	sld [smem:$0x3FB6];
	_ =	sdelay $0x3  }
0x37: {  	[smem:$0x3FB6] =	sst s10  }
0x38: {  	s10 =	sld [smem:$0x3FB7]  }
0x39: {  	_ = 	snop;
	(pc) =	sbr.ind lr, $3  }
0x3a: {  	_ = 	snop  }
0x3b: {  	_ = 	snop  }
0x3c: {  	p2 =	seq.s32 s10, $0x1;
	s10 =	sld [smem:$0x3FB6]  }
0x3d: {  	_ =	shalt  }
0x3e: {  	_ =	shalt  }
0x3f: {  	_ =	shalt  }
0x40: {  	_ =	shalt  }
0x41: {  	_ =	shalt  }
0x42: {  	_ =	shalt  }
0x43: {  	_ =	shalt  }
0x44: {  	_ =	shalt  }
0x45: {  	_ =	shalt  }
0x46: {  	_ =	shalt  }
0x47: {  	_ =	shalt  }
0x48: {  	_ =	shalt  }
0x49: {  	_ =	shalt  }
0x4a: {  	_ =	shalt  }
0x4b: {  	_ =	shalt  }
0x4c: {  	_ =	shalt  }
0x4d: {  	_ =	shalt  }
0x4e: {  	_ =	shalt  }
0x4f: {  	_ =	shalt  }
0x50: {  	_ =	shalt  }
0x51: {  	_ =	shalt  }
0x52: {  	_ =	shalt  }
0x53: {  	_ =	shalt  }
0x54: {  	_ =	shalt  }
0x55: {  	_ =	shalt  }
0x56: {  	_ =	shalt  }
0x57: {  	_ =	shalt  }
0x58: {  	_ =	shalt  }
0x59: {  	_ =	shalt  }
0x5a: {  	_ =	shalt  }
0x5b: {  	_ =	shalt  }
0x5c: {  	_ =	shalt  }
0x5d: {  	_ =	shalt  }
0x5e: {  	_ =	shalt  }
0x5f: {  	_ =	shalt  }
0x60: {  	_ =	shalt  }
0x61: {  	_ =	shalt  }
0x62: {  	_ =	shalt  }
0x63: {  	_ =	shalt  }
0x64: {  	_ =	shalt  }
0x65: {  	_ =	shalt  }
0x66: {  	_ =	shalt  }
0x67: {  	_ =	shalt  }
0x68: {  	_ =	shalt  }
0x69: {  	_ =	shalt  }
0x6a: {  	_ =	shalt  }
0x6b: {  	_ =	shalt  }
0x6c: {  	_ =	shalt  }
0x6d: {  	_ =	shalt  }
0x6e: {  	_ =	shalt  }
0x6f: {  	_ =	shalt  }
0x70: {  	_ =	shalt  }
0x71: {  	_ =	shalt  }
0x72: {  	_ =	shalt  }
0x73: {  	_ =	shalt  }
0x74: {  	_ =	shalt  }
0x75: {  	_ =	shalt  }
0x76: {  	_ =	shalt  }
0x77: {  	_ =	shalt  }
0x78: {  	_ =	shalt  }
0x79: {  	_ =	shalt  }
0x7a: {  	_ =	shalt  }
0x7b: {  	_ =	shalt  }
0x7c: {  	_ =	shalt  }
0x7d: {  	_ =	shalt  }
0x7e: {  	_ =	shalt  }
0x7f: {  	_ =	shalt  }
0x80: {  	_ =	shalt  }
0x81: {  	_ =	shalt  }
0x82: {  	_ =	shalt  }
0x83: {  	_ =	shalt  }
0x84: {  	_ =	shalt  }
0x85: {  	_ =	shalt  }
0x86: {  	_ =	shalt  }
0x87: {  	_ =	shalt  }
.Lfunc_end0:
.L_simem_size_0:
called_computation_lowered:
.L_overlay_start_0:
0x88: {  	s2 =	sld [smem:$0x3FD9]  }
0x89: {  	s3 =	sld [smem:$0x3FFE];
	_ =	sdelay $0x1  }
0x8a: {  	s1 =	srdreg.scid  }
0x8b: {  	s0 =	sand.u32 $0x1, s1  }
0x8c: {  	s17 =	sshll.u32 s0, $0xA;
	s2 =	sadd.s32 s3, s2  }
0x8d: {  	s2 =	sadd.s32 s2, s17  }
0x8e: {  	[smem:$0x3FC2] =	sst s2  }
0x8f: {  	_ = 	snop  }
0x90: {  	s2 =	sld [smem:$0x3FD0];
	(tm) =	ssettm $0x1  }
0x91: {  	s18 =	sld [smem:$0x3FFB];
	_ =	sdelay $0x3  }
0x92: {  	_ =	strace s18  }
0x93: {  	s3 =	sld [smem:$0x3FFC];
	_ =	sdelay $0x3  }
0x94: {  	_ =	strace s3  }
0x95: {  	s3 =	sld [smem:$0x3FFD];
	_ =	sdelay $0x3  }
0x96: {  	_ =	strace s3  }
0x97: {  	_ =	strace $0x8FFFFFFF  }
0x98: {  	s19 =	sld [smem:$0x3FDB];
	_ =	sdelay $0x1  }
0x99: {  	s4 =	simm.s32 $_scs_section_size  }
0x9a: {  	s5 =	simm.s32 $_size__tile_overlayer_lowered;
	s6 =	simm.s32 $_tile_overlayer_lowered  }
0x9b: {  	s22 =	simm.s32 $0x1BFF;
	s21 =	sshll.u32 s6, $0x1;
	s3 =	sadd.s32 s4, s19  }
0x9c: {  	s7 =	simm.s32 $0x0;
	s20 =	sshll.u32 s5, $0x1;
	s5 =	sadd.s32 s21, s3  }
0x9d: {  	[timem:s7], [sflag:s22] =	dma.local [hbm:s5], s20  }
0x9e: {  	_ =	swait.ge [sflag:s22], s20  }
0x9f: {  	s4 =	ssub.s32 $0x0, s20;
	[sflag:s22] =	ssyncset.done $0x0  }
0xa0: {  	[sflag:s22] =	ssyncadd.s32 s4;
	_ =	sdelay $0x1  }
0xa1: {  	s23 =	simm.s32 $0x1B8B  }
0xa2: {  	_ =	swait.ge [sflag:s23], $0x1  }
0xa3: {  	[sflag:s23] =	ssyncset.done $0x0  }
0xa4: {  	s25 =	simm.s32 $0x1B8E;
	s24 =	sld [smem:$0x3FFE];
	[sflag:s23] =	ssyncadd.s32 $0xFFFFFFFF  }
0xa5: {  	s26 =	simm.s32 $execute0_lowered;
	[smem:$0x3FD2] =	sst s25  }
0xa6: {  	s5 =	sshll.u32 s26, $0x1;
	_ =	strace $0x80000046;
	[dreg:$0x1] =	wrdreg $0xFFFFFFFF  }
0xa7: {  	s28 =	simm.s32 $_size_execute0_lowered;
	s3 =	sadd.s32 s3, s5;
	[dreg:$0x0] =	wrdreg $0x0  }
0xa8: {  	s5 =	sshll.u32 s28, $0x1;
	[dreg:$0x2] =	wrdreg s3  }
0xa9: {  	[dreg:$0x3] =	wrdreg s5  }
0xaa: {  	[dreg:$0x4] =	wrdreg $0xC0  }
0xab: {  	_ =	task [dreg:s7], $0x5FFFF  }
0xac: {  	[dreg:$0x1] =	wrdreg $0xFFFFFFFF  }
0xad: {  	[dreg:$0x0] =	wrdreg $0x60  }
0xae: {  	[dreg:$0x2] =	wrdreg s2  }
0xaf: {  	[dreg:$0x3] =	wrdreg s24  }
0xb0: {  	[dreg:$0x4] =	wrdreg $0x85800  }
0xb1: {  	[dreg:$0x5] =	wrdreg $0x9  }
0xb2: {  	_ =	task.clear_ibuf [dreg:s7], $0x6FFFF;
	_ =	strace $0x90000046  }
0xb3: {  	s29 =	simm.s32 $0x9;
	_ =	strace $0x80000048  }
0xb4: {  	_ =	swait.ge [sflag:s29], $0x1  }
0xb5: {  	[sflag:s29] =	ssyncadd.s32 $0xFFFFFFFF  }
0xb6: {  	_ =	strace $0x90000048  }
0xb7: {  	_ =	sfence  }
0xb8: {  	s30 =	sld [smem:$0x0];
	_ =	sdelay $0x2  }
0xb9: {  	s31 =	sshll.u32 s1, $0xD;
	s1 =	sshrl.u32 s1, $0x2  }
0xba: {  	s3 =	sand.u32 $0x4000, s31;
	s1 =	sadd.s32 s1, s30  }
0xbb: {  	s0 =	sor.u32 s3, s0;
	s1 =	sshll.u32 s1, $0x11  }
0xbc: {  	s0 =	sor.u32 s1, s0  }
0xbd: {  	s0 =	sadd.s32 $0x8F2B, s0  }
0xbe: {  	[sflag:s0] =	ssyncadd.remote.s32 $0x1  }
0xbf: {  	_ =	sfence.sel $0xFFFF  }
0xc0: {  	[dreg:$0x0] =	wrdreg $0xFFFFFFFF;
	(pc) =	sbr.abs _section_cstart, $3  }
0xc1: {  	[dreg:$0x1] =	wrdreg $0xFFFFFFFF  }
0xc2: {  	_ =	task.clear_ibuf [dreg:s7], $0x2FFFF;
	_ =	strace $0x9FFFFFFF  }
0xc3: {  	(tm) =	ssettm $0x7FFFFFFF  }
tec
execute0_lowered:
.L_overlay_start_1:
0x0: {  	(tag) =	ssettag $0x1  }
0x1: {  	s5 =	rddreg [dreg:$0x0]  }
0x2: {  	s4 =	rddreg [dreg:$0x1];
	s1 =	srdreg.scid  }
0x3: {  	s0 =	stileid.u32;
	s2 =	rddreg [dreg:$0x2];
	s3 =	simm.s32 $0x0  }
0x4: {  	s10 =	simm.s32 $0x50;
	s11 =	simm.s32 $0x8000;
	s12 =	simm.s32 $0x1  }
0x5: {  	s13 =	simm.s32 $0x80;
	s14 =	simm.s32 $0x100;
	s15 =	simm.s32 $0x8300  }
0x6: {  	s6 =	sand.u32 $0x1, s1;
	s7 =	smul.u32 $0x500, s0;
	s1 =	rddreg [dreg:$0x3]  }
0x7: {  	s16 =	simm.s32 $0x0;
	[smem:$0x7FF] =	sst s3;
	s9 =	smul.u32 $0xA00, s0  }
0x8: {  	s31 =	sshll.u32 s0, $0xC;
	s8 =	sshll.u32 s6, $0x7;
	s28 =	ssub.s32 $0x2, s6  }
0x9: {  	_ =	strace $0x80000047;
	s6 =	sshll.u32 s6, $0x10;
	s5 =	sadd.s32 s5, s31  }
0xa: {  	s7 =	sor.u32 s8, s7;
	s29 =	sshrl.u32 s28, $0x1;
	s30 =	sshrl.u32 s9, $0x2  }
0xb: {  	s5 =	sadd.s32 s6, s5;
	s9 =	simm.s32 $0x2;
	s7 =	sshrl.u32 s7, $0x3  }
0xc: {  	s8 =	ssub.s32 s28, s29;
	s7 =	sadd.s32 s7, s4;
	s4 =	sadd.s32 s30, s2  }
0xd: {  	v0 =	vimm.f32 $1.000000000e+00;
	v1 =	vimm.f32 $0.0e+00;
	s6 =	sadd.s32 $0x2000, s7;
	s7 =	smax.u32 s8, $0x1;
	s8 =	simm.s32 $0x8080  }
.LBB2_1:
0xe: {  	[tilespmem:$0x8000] =	vst v0  }
0xf: {  	[tilespmem:$0x8010] =	vst v0  }
0x10: {  	[tilespmem:$0x8020] =	vst v0  }
0x11: {  	[tilespmem:$0x8030] =	vst v0  }
0x12: {  	[tilespmem:$0x8040] =	vst v0  }
0x13: {  	[tilespmem:$0x8080] =	vst v1  }
0x14: {  	[tilespmem:$0x8090] =	vst v1  }
0x15: {  	[tilespmem:$0x80A0] =	vst v1  }
0x16: {  	[tilespmem:$0x80B0] =	vst v1  }
0x17: {  	[tilespmem:$0x80C0] =	vst v1  }
0x18: {  	[tilespmem:$0x80D0] =	vst v1  }
0x19: {  	[tilespmem:$0x80E0] =	vst v1  }
0x1a: {  	[tilespmem:$0x80F0] =	vst v1  }
0x1b: {  	[tilespmem:$0x8100] =	vst v1  }
0x1c: {  	[tilespmem:$0x8110] =	vst v1  }
0x1d: {  	[tilespmem:$0x8120] =	vst v1  }
0x1e: {  	[tilespmem:$0x8130] =	vst v1  }
0x1f: {  	[tilespmem:$0x8140] =	vst v1  }
0x20: {  	[tilespmem:$0x8150] =	vst v1  }
0x21: {  	[tilespmem:$0x8160] =	vst v1  }
0x22: {  	[tilespmem:$0x8170] =	vst v1  }
0x23: {  	[tilespmem:$0x8180] =	vst v1  }
0x24: {  	[tilespmem:$0x8190] =	vst v1  }
0x25: {  	[tilespmem:$0x81A0] =	vst v1  }
0x26: {  	[tilespmem:$0x81B0] =	vst v1  }
0x27: {  	[tilespmem:$0x81C0] =	vst v1  }
0x28: {  	[tilespmem:$0x81D0] =	vst v1  }
0x29: {  	[tilespmem:$0x81E0] =	vst v1  }
0x2a: {  	[tilespmem:$0x81F0] =	vst v1  }
0x2b: {  	[tilespmem:$0x8200] =	vst v1  }
0x2c: {  	[tilespmem:$0x8210] =	vst v1  }
0x2d: {  	[tilespmem:$0x8220] =	vst v1  }
0x2e: {  	[tilespmem:$0x8230] =	vst v1  }
0x2f: {  	[tilespmem:$0x8240] =	vst v1  }
0x30: {  	[tilespmem:$0x8250] =	vst v1  }
0x31: {  	[tilespmem:$0x8260] =	vst v1  }
0x32: {  	[tilespmem:$0x8270] =	vst v1  }
0x33: {  	[tilespmem:$0x8280] =	vst v1  }
0x34: {  	[tilespmem:$0x8290] =	vst v1  }
0x35: {  	[tilespmem:$0x82A0] =	vst v1  }
0x36: {  	[tilespmem:$0x82B0] =	vst v1  }
0x37: {  	[tilespmem:$0x82C0] =	vst v1  }
0x38: {  	[tilespmem:$0x82D0] =	vst v1  }
0x39: {  	[tilespmem:$0x82E0] =	vst v1  }
0x3a: {  	[tilespmem:$0x82F0] =	vst v1  }
0x3b: {  	[spmem:s4] =	stream.linear.scatter [tilespmem:s8], [sflag:$0x2], $0x280, $0x38;
	[tilespmem:$0x8800] =	vst v63  }
0x3c: {  	_ =	swait.ge [sflag:s9], $0x280  }
0x3d: {  	[sflag:s9] =	ssyncset.done $0x0  }
0x3e: {  	[sflag:s9] =	ssyncadd.s32 $0xFFFFFD80  }
0x3f: {  	[tilespmem:s3], [sflag:$0x2] =	stream.linear.gather [hbm4b:s5+s3], $0x7D00, $0x38;
	[tilespmem:$0x8800] =	vst v63  }
0x40: {  	_ =	swait.ge [sflag:s9], $0x7D00  }
0x41: {  	[sflag:s9] =	ssyncset.done $0x0  }
0x42: {  	[sflag:s9] =	ssyncadd.s32 $0xFFFF8300  }
0x43: {  	s17 =	simm.s32 $0x0;
	[bflag:$0x0] =	sbarrier.arrive $0xFFFF  }
0x44: {  	[spmem:s2] =	stream.indirect.scatter.add.f32 [tilespmem:s11], [sflag:$0x1], $0x1, s17, s10, $0xb8;
	[tilespmem:$0x8800] =	vst v63  }
0x45: {  	s28 =	simm.s32 $0x80  }
0x46: {  	[spmem:s2] =	stream.indirect.scatter.add.f32 [tilespmem:s11], [sflag:$0x1], $0x1, s28, s10, $0xb8;
	[tilespmem:$0x8800] =	vst v63  }
0x47: {  	s29 =	simm.s32 $0x100  }
0x48: {  	[spmem:s2] =	stream.indirect.scatter.add.f32 [tilespmem:s11], [sflag:$0x1], $0x1, s29, s10, $0xb8;
	[tilespmem:$0x8800] =	vst v63  }
0x49: {  	s30 =	simm.s32 $0x180  }
0x4a: {  	[spmem:s2] =	stream.indirect.scatter.add.f32 [tilespmem:s11], [sflag:$0x1], $0x1, s30, s10, $0xb8;
	[tilespmem:$0x8800] =	vst v63  }
0x4b: {  	s31 =	simm.s32 $0x200  }
0x4c: {  	[spmem:s2] =	stream.indirect.scatter.add.f32 [tilespmem:s11], [sflag:$0x1], $0x1, s31, s10, $0xb8;
	[tilespmem:$0x8800] =	vst v63  }
0x4d: {  	_ =	swait.ge [sflag:s12], $0x50  }
0x4e: {  	[sflag:s12] =	ssyncset.done $0x0  }
0x4f: {  	[sflag:s12] =	ssyncadd.s32 $0xFFFFFFB0  }
0x50: {  	_ =	swait.ge [sflag:s12], $0x50  }
0x51: {  	[sflag:s12] =	ssyncset.done $0x0  }
0x52: {  	[sflag:s12] =	ssyncadd.s32 $0xFFFFFFB0  }
0x53: {  	_ =	swait.ge [sflag:s12], $0x50  }
0x54: {  	[sflag:s12] =	ssyncset.done $0x0  }
0x55: {  	[sflag:s12] =	ssyncadd.s32 $0xFFFFFFB0  }
0x56: {  	_ =	swait.ge [sflag:s12], $0x50  }
0x57: {  	[sflag:s12] =	ssyncset.done $0x0  }
0x58: {  	[sflag:s12] =	ssyncadd.s32 $0xFFFFFFB0  }
0x59: {  	_ =	swait.ge [sflag:s12], $0x50  }
0x5a: {  	s18 =	simm.s32 $0x1400;
	s17 =	simm.s32 $0xA00;
	[sflag:s12] =	ssyncset.done $0x0  }
.LBB2_2:
0x5b: {  	s19 =	sshra.s32 s17, $0x2  }
0x5c: {  	[sflag:s12] =	ssyncadd.s32 $0xFFFFFFB0;
	s17 =	smov.u32 s18;
	s20 =	sadd.s32 $0xA00, s18  }
0x5d: {  	[spmem:s2] =	stream.indirect.scatter.add.f32 [tilespmem:s11], [sflag:$0x1], $0x1, s19, s10, $0xb8;
	[tilespmem:$0x8800] =	vst v63  }
0x5e: {  	p0 =	sne.s32 s18, $0x1EA00;
	s18 =	sadd.s32 $0x80, s19  }
0x5f: {  	[spmem:s2] =	stream.indirect.scatter.add.f32 [tilespmem:s11], [sflag:$0x1], $0x1, s18, s10, $0xb8;
	[tilespmem:$0x8800] =	vst v63  }
0x60: {  	s18 =	sadd.s32 $0x100, s19  }
0x61: {  	[spmem:s2] =	stream.indirect.scatter.add.f32 [tilespmem:s11], [sflag:$0x1], $0x1, s18, s10, $0xb8;
	[tilespmem:$0x8800] =	vst v63  }
0x62: {  	s18 =	sadd.s32 $0x180, s19  }
0x63: {  	[spmem:s2] =	stream.indirect.scatter.add.f32 [tilespmem:s11], [sflag:$0x1], $0x1, s18, s10, $0xb8;
	[tilespmem:$0x8800] =	vst v63  }
0x64: {  	s18 =	sadd.s32 $0x200, s19  }
0x65: {  	[spmem:s2] =	stream.indirect.scatter.add.f32 [tilespmem:s11], [sflag:$0x1], $0x1, s18, s10, $0xb8;
	[tilespmem:$0x8800] =	vst v63  }
0x66: {  	_ =	swait.ge [sflag:s12], $0x50  }
0x67: {  	[sflag:s12] =	ssyncset.done $0x0  }
0x68: {  	[sflag:s12] =	ssyncadd.s32 $0xFFFFFFB0  }
0x69: {  	_ =	swait.ge [sflag:s12], $0x50  }
0x6a: {  	[sflag:s12] =	ssyncset.done $0x0  }
0x6b: {  	[sflag:s12] =	ssyncadd.s32 $0xFFFFFFB0  }
0x6c: {  	_ =	swait.ge [sflag:s12], $0x50  }
0x6d: {  	[sflag:s12] =	ssyncset.done $0x0  }
0x6e: {  	[sflag:s12] =	ssyncadd.s32 $0xFFFFFFB0  }
.Ltmp0:
0x6f: {  	_ =	swait.ge [sflag:s12], $0x50;
	(pc) =	sbr.rel @p0 .LBB2_2-.Ltmp0, $4  }
0x70: {  	[sflag:s12] =	ssyncset.done $0x0  }
0x71: {  	[sflag:s12] =	ssyncadd.s32 $0xFFFFFFB0  }
0x72: {  	_ =	swait.ge [sflag:s12], $0x50  }
0x73: {  	s18 =	smov.u32 s20;
	[sflag:s12] =	ssyncset.done $0x0  }
0x74: {  	s17 =	sshra.s32 s17, $0x2;
	[sflag:s12] =	ssyncadd.s32 $0xFFFFFFB0  }
0x75: {  	[spmem:s2] =	stream.indirect.scatter.add.f32 [tilespmem:s11], [sflag:$0x1], $0x1, s17, s10, $0xb8;
	[tilespmem:$0x8800] =	vst v63  }
0x76: {  	s18 =	sadd.s32 $0x80, s17  }
0x77: {  	[spmem:s2] =	stream.indirect.scatter.add.f32 [tilespmem:s11], [sflag:$0x1], $0x1, s18, s10, $0xb8;
	[tilespmem:$0x8800] =	vst v63  }
0x78: {  	s30 =	sadd.s32 $0x100, s17  }
0x79: {  	[spmem:s2] =	stream.indirect.scatter.add.f32 [tilespmem:s11], [sflag:$0x1], $0x1, s30, s10, $0xb8;
	[tilespmem:$0x8800] =	vst v63  }
0x7a: {  	s31 =	sadd.s32 $0x180, s17  }
0x7b: {  	[spmem:s2] =	stream.indirect.scatter.add.f32 [tilespmem:s11], [sflag:$0x1], $0x1, s31, s10, $0xb8;
	[tilespmem:$0x8800] =	vst v63  }
0x7c: {  	s17 =	sadd.s32 $0x200, s17  }
0x7d: {  	[spmem:s2] =	stream.indirect.scatter.add.f32 [tilespmem:s11], [sflag:$0x1], $0x1, s17, s10, $0xb8;
	[tilespmem:$0x8800] =	vst v63  }
0x7e: {  	_ =	swait.ge [sflag:s12], $0x50  }
0x7f: {  	[sflag:s12] =	ssyncset.done $0x0  }
0x80: {  	[sflag:s12] =	ssyncadd.s32 $0xFFFFFFB0  }
0x81: {  	_ =	swait.ge [sflag:s12], $0x50  }
0x82: {  	[sflag:s12] =	ssyncset.done $0x0  }
0x83: {  	[sflag:s12] =	ssyncadd.s32 $0xFFFFFFB0  }
0x84: {  	_ =	swait.ge [sflag:s12], $0x50  }
0x85: {  	[sflag:s12] =	ssyncset.done $0x0  }
0x86: {  	[sflag:s12] =	ssyncadd.s32 $0xFFFFFFB0  }
0x87: {  	_ =	swait.ge [sflag:s12], $0x50  }
0x88: {  	[sflag:s12] =	ssyncset.done $0x0  }
0x89: {  	[sflag:s12] =	ssyncadd.s32 $0xFFFFFFB0  }
0x8a: {  	_ =	swait.ge [sflag:s12], $0x50  }
0x8b: {  	[sflag:s12] =	ssyncset.done $0x0  }
0x8c: {  	[sflag:s12] =	ssyncadd.s32 $0xFFFFFFB0  }
0x8d: {  	[bflag:$0x0] =	sbarrier.arrive $0xFFFF  }
0x8e: {  	[tilespmem:s8], [sflag:$0x2] =	stream.linear.gather [spmem:s4], $0x280, $0x38;
	[tilespmem:$0x8800] =	vst v63  }
0x8f: {  	_ =	swait.ge [sflag:s9], $0x280  }
0x90: {  	[sflag:s9] =	ssyncset.done $0x0  }
0x91: {  	s17 =	simm.s32 $0x0;
	[sflag:s9] =	ssyncadd.s32 $0xFFFFFD80  }
0x92: {  	v2 =	vld [tilespmem:s17+$0x8080];
	_ =	sdelay $0x4  }
0x93: {  	v2 =	vmax.f32 v2, $1.000000000e+00  }
0x94: {  	(erf) = vrcp.f32 v2;
	_ =	sdelay $0x7  }
0x95: {  	v2 =	vmul.f32 $5.000000000e-01, v2  }
0x96: {  	v3 =	vpop (erf)  }
0x97: {  	v4 =	vmul.f32 v3, v2;
	_ =	sdelay $0x1  }
0x98: {  	v4 =	vmul.f32 v4, v3;
	_ =	sdelay $0x1  }
0x99: {  	v4 =	vsub.f32 $1.500000000e+00, v4;
	_ =	sdelay $0x1  }
0x9a: {  	v3 =	vmul.f32 v4, v3;
	_ =	sdelay $0x1  }
0x9b: {  	v4 =	vmul.f32 v3, v2;
	_ =	sdelay $0x1  }
0x9c: {  	v4 =	vmul.f32 v4, v3;
	_ =	sdelay $0x1  }
0x9d: {  	v4 =	vsub.f32 $1.500000000e+00, v4;
	_ =	sdelay $0x1  }
0x9e: {  	v3 =	vmul.f32 v4, v3  }
0x9f: {  	s18 =	simm.s32 $0x10  }
0xa0: {  	v5 =	vld [tilespmem:s18+$0x8080];
	v4 =	vmul.f32 v3, v2;
	_ =	sdelay $0x1  }
0xa1: {  	v4 =	vmul.f32 v4, v3;
	_ =	sdelay $0x1  }
0xa2: {  	v4 =	vsub.f32 $1.500000000e+00, v4  }
0xa3: {  	v5 =	vmax.f32 v5, $1.000000000e+00  }
0xa4: {  	(erf) = vrcp.f32 v5;
	v3 =	vmul.f32 v4, v3;
	_ =	sdelay $0x1  }
0xa5: {  	v4 =	vmul.f32 v3, v2;
	_ =	sdelay $0x1  }
0xa6: {  	v4 =	vmul.f32 v4, v3;
	_ =	sdelay $0x1  }
0xa7: {  	v4 =	vsub.f32 $1.500000000e+00, v4;
	_ =	sdelay $0x1  }
0xa8: {  	v4 =	vmul.f32 v4, v3;
	v3 =	vmul.f32 $5.000000000e-01, v5  }
0xa9: {  	v5 =	vpop (erf)  }
0xaa: {  	v6 =	vmul.f32 v4, v2;
	v7 =	vmul.f32 v5, v3;
	_ =	sdelay $0x1  }
0xab: {  	v6 =	vmul.f32 v6, v4;
	v7 =	vmul.f32 v7, v5;
	_ =	sdelay $0x1  }
0xac: {  	v6 =	vsub.f32 $1.500000000e+00, v6;
	v7 =	vsub.f32 $1.500000000e+00, v7;
	_ =	sdelay $0x1  }
0xad: {  	v4 =	vmul.f32 v6, v4;
	v5 =	vmul.f32 v7, v5;
	_ =	sdelay $0x1  }
0xae: {  	v6 =	vmul.f32 v4, v2;
	v7 =	vmul.f32 v5, v3;
	_ =	sdelay $0x1  }
0xaf: {  	v6 =	vmul.f32 v6, v4;
	v7 =	vmul.f32 v7, v5;
	_ =	sdelay $0x1  }
0xb0: {  	v6 =	vsub.f32 $1.500000000e+00, v6;
	v7 =	vsub.f32 $1.500000000e+00, v7;
	_ =	sdelay $0x1  }
0xb1: {  	v4 =	vmul.f32 v6, v4;
	v5 =	vmul.f32 v7, v5;
	_ =	sdelay $0x1  }
0xb2: {  	s19 =	simm.s32 $0x20;
	v6 =	vmul.f32 v4, v2;
	v7 =	vmul.f32 v5, v3  }
0xb3: {  	v8 =	vld [tilespmem:s19+$0x8080]  }
0xb4: {  	v6 =	vmul.f32 v6, v4;
	v7 =	vmul.f32 v7, v5;
	_ =	sdelay $0x1  }
0xb5: {  	v6 =	vsub.f32 $1.500000000e+00, v6;
	v7 =	vsub.f32 $1.500000000e+00, v7;
	_ =	sdelay $0x1  }
0xb6: {  	v4 =	vmul.f32 v6, v4;
	v6 =	vmax.f32 v8, $1.000000000e+00;
	v5 =	vmul.f32 v7, v5  }
0xb7: {  	(erf) = vrcp.f32 v6  }
0xb8: {  	v7 =	vmul.f32 v4, v2;
	v8 =	vmul.f32 v5, v3;
	_ =	sdelay $0x1  }
0xb9: {  	v7 =	vmul.f32 v7, v4;
	v8 =	vmul.f32 v8, v5;
	_ =	sdelay $0x1  }
0xba: {  	v7 =	vsub.f32 $1.500000000e+00, v7;
	v8 =	vsub.f32 $1.500000000e+00, v8;
	_ =	sdelay $0x1  }
0xbb: {  	v7 =	vmul.f32 v7, v4;
	v5 =	vmul.f32 v8, v5  }
0xbc: {  	v4 =	vmul.f32 $5.000000000e-01, v6  }
0xbd: {  	v6 =	vmul.f32 v7, v2;
	v8 =	vpop (erf);
	v9 =	vmul.f32 v5, v3  }
0xbe: {  	v10 =	vmul.f32 v8, v4  }
0xbf: {  	v6 =	vmul.f32 v6, v7;
	v9 =	vmul.f32 v9, v5  }
0xc0: {  	v10 =	vmul.f32 v10, v8  }
0xc1: {  	v6 =	vsub.f32 $1.500000000e+00, v6;
	v9 =	vsub.f32 $1.500000000e+00, v9  }
0xc2: {  	v10 =	vsub.f32 $1.500000000e+00, v10  }
0xc3: {  	v6 =	vmul.f32 v6, v7;
	v5 =	vmul.f32 v9, v5  }
0xc4: {  	v7 =	vmul.f32 v10, v8  }
0xc5: {  	v8 =	vmul.f32 v6, v2;
	v9 =	vmul.f32 v5, v3  }
0xc6: {  	v10 =	vmul.f32 v7, v4  }
0xc7: {  	v8 =	vmul.f32 v8, v6;
	v9 =	vmul.f32 v9, v5  }
0xc8: {  	v10 =	vmul.f32 v10, v7  }
0xc9: {  	v8 =	vsub.f32 $1.500000000e+00, v8;
	v9 =	vsub.f32 $1.500000000e+00, v9  }
0xca: {  	v10 =	vsub.f32 $1.500000000e+00, v10  }
0xcb: {  	s20 =	simm.s32 $0x30;
	v6 =	vmul.f32 v8, v6;
	v5 =	vmul.f32 v9, v5  }
0xcc: {  	v8 =	vld [tilespmem:s20+$0x8080];
	v7 =	vmul.f32 v10, v7  }
0xcd: {  	v9 =	vmul.f32 v6, v2;
	v10 =	vmul.f32 v5, v3  }
0xce: {  	v11 =	vmul.f32 v7, v4  }
0xcf: {  	v9 =	vmul.f32 v9, v6;
	v10 =	vmul.f32 v10, v5  }
0xd0: {  	v11 =	vmul.f32 v11, v7  }
0xd1: {  	v8 =	vmax.f32 v8, $1.000000000e+00;
	v9 =	vsub.f32 $1.500000000e+00, v9;
	v10 =	vsub.f32 $1.500000000e+00, v10  }
0xd2: {  	(erf) = vrcp.f32 v8;
	v11 =	vsub.f32 $1.500000000e+00, v11  }
0xd3: {  	v6 =	vmul.f32 v9, v6;
	v9 =	vmul.f32 v10, v5  }
0xd4: {  	v7 =	vmul.f32 v11, v7  }
0xd5: {  	v5 =	vmul.f32 v6, v2;
	v10 =	vmul.f32 v9, v3  }
0xd6: {  	v11 =	vmul.f32 v7, v4  }
0xd7: {  	v5 =	vmul.f32 v5, v6;
	v10 =	vmul.f32 v10, v9;
	_ =	sdelay $0x1  }
0xd8: {  	v11 =	vmul.f32 v11, v7;
	v12 =	vsub.f32 $1.500000000e+00, v5  }
0xd9: {  	v5 =	vmul.f32 $5.000000000e-01, v8;
	v8 =	vsub.f32 $1.500000000e+00, v10  }
0xda: {  	s21 =	simm.s32 $0x40;
	v11 =	vsub.f32 $1.500000000e+00, v11;
	v10 =	vpop (erf);
	v6 =	vmul.f32 v12, v6  }
0xdb: {  	v13 =	vld [tilespmem:s21+$0x8080];
	v8 =	vmul.f32 v8, v9;
	v12 =	vmul.f32 v10, v5  }
0xdc: {  	v7 =	vmul.f32 v11, v7;
	v9 =	vmul.f32 v6, v2  }
0xdd: {  	v11 =	vmul.f32 v12, v10;
	v12 =	vmul.f32 v8, v3  }
0xde: {  	v14 =	vmul.f32 v7, v4;
	v9 =	vmul.f32 v9, v6  }
0xdf: {  	v11 =	vsub.f32 $1.500000000e+00, v11;
	v12 =	vmul.f32 v12, v8  }
0xe0: {  	v13 =	vmax.f32 v13, $1.000000000e+00;
	v14 =	vmul.f32 v14, v7;
	v9 =	vsub.f32 $1.500000000e+00, v9  }
0xe1: {  	(erf) = vrcp.f32 v13;
	v10 =	vmul.f32 v11, v10;
	v11 =	vsub.f32 $1.500000000e+00, v12  }
0xe2: {  	v12 =	vsub.f32 $1.500000000e+00, v14;
	v9 =	vmul.f32 v9, v6  }
0xe3: {  	v6 =	vmul.f32 v10, v5;
	v8 =	vmul.f32 v11, v8  }
0xe4: {  	v7 =	vmul.f32 v12, v7;
	v11 =	vmul.f32 v9, v2  }
0xe5: {  	v6 =	vmul.f32 v6, v10;
	v12 =	vmul.f32 v8, v3  }
0xe6: {  	v14 =	vmul.f32 v7, v4;
	v11 =	vmul.f32 v11, v9  }
0xe7: {  	v12 =	vmul.f32 v12, v8  }
0xe8: {  	v15 =	vsub.f32 $1.500000000e+00, v6;
	v14 =	vmul.f32 v14, v7;
	v11 =	vsub.f32 $1.500000000e+00, v11  }
0xe9: {  	v6 =	vmul.f32 $5.000000000e-01, v13;
	v12 =	vsub.f32 $1.500000000e+00, v12  }
0xea: {  	v13 =	vpop (erf);
	v10 =	vmul.f32 v15, v10;
	v14 =	vsub.f32 $1.500000000e+00, v14;
	v9 =	vmul.f32 v11, v9  }
0xeb: {  	v11 =	vmul.f32 v13, v6;
	v8 =	vmul.f32 v12, v8  }
0xec: {  	v7 =	vmul.f32 v14, v7;
	v12 =	vmul.f32 v9, v2  }
0xed: {  	v14 =	vmul.f32 v10, v5;
	v15 =	vmul.f32 v8, v3  }
0xee: {  	v16 =	vmul.f32 v7, v4;
	v12 =	vmul.f32 v12, v9  }
0xef: {  	v11 =	vmul.f32 v11, v13;
	v15 =	vmul.f32 v15, v8  }
0xf0: {  	v16 =	vmul.f32 v16, v7;
	v12 =	vsub.f32 $1.500000000e+00, v12  }
0xf1: {  	v14 =	vmul.f32 v14, v10;
	v11 =	vsub.f32 $1.500000000e+00, v11;
	v15 =	vsub.f32 $1.500000000e+00, v15  }
0xf2: {  	v16 =	vsub.f32 $1.500000000e+00, v16;
	v9 =	vmul.f32 v12, v9  }
0xf3: {  	s22 =	simm.s32 $0x50;
	v11 =	vmul.f32 v11, v13;
	v12 =	vsub.f32 $1.500000000e+00, v14;
	v8 =	vmul.f32 v15, v8  }
0xf4: {  	v14 =	vld [tilespmem:s22+$0x8080];
	v7 =	vmul.f32 v16, v7;
	v13 =	vmul.f32 v9, v2  }
0xf5: {  	v10 =	vmul.f32 v12, v10;
	v12 =	vmul.f32 v8, v3  }
0xf6: {  	v15 =	vmul.f32 v7, v4;
	v13 =	vmul.f32 v13, v9  }
0xf7: {  	v16 =	vmul.f32 v10, v5;
	v12 =	vmul.f32 v12, v8  }
0xf8: {  	v17 =	vmul.f32 v11, v6;
	v15 =	vmul.f32 v15, v7;
	v13 =	vsub.f32 $1.500000000e+00, v13  }
0xf9: {  	v14 =	vmax.f32 v14, $1.000000000e+00;
	v16 =	vmul.f32 v16, v10;
	v12 =	vsub.f32 $1.500000000e+00, v12  }
0xfa: {  	(erf) = vrcp.f32 v14;
	v15 =	vsub.f32 $1.500000000e+00, v15;
	v9 =	vmul.f32 v13, v9  }
0xfb: {  	v13 =	vmul.f32 v17, v11;
	v16 =	vsub.f32 $1.500000000e+00, v16;
	v8 =	vmul.f32 v12, v8  }
0xfc: {  	v15 =	vmul.f32 v15, v7;
	v7 =	vmul.f32 v9, v2  }
0xfd: {  	v10 =	vmul.f32 v16, v10;
	v12 =	vmul.f32 v8, v3  }
0xfe: {  	v16 =	vmul.f32 v15, v4;
	v7 =	vmul.f32 v7, v9  }
0xff: {  	v17 =	vmul.f32 v10, v5;
	v12 =	vmul.f32 v12, v8  }
0x100: {  	v16 =	vmul.f32 v16, v15;
	v18 =	vsub.f32 $1.500000000e+00, v7  }
0x101: {  	v13 =	vsub.f32 $1.500000000e+00, v13;
	v17 =	vmul.f32 v17, v10;
	v19 =	vsub.f32 $1.500000000e+00, v12  }
0x102: {  	v7 =	vmul.f32 $5.000000000e-01, v14;
	v14 =	vsub.f32 $1.500000000e+00, v16;
	v9 =	vmul.f32 v18, v9  }
0x103: {  	v12 =	vmul.f32 v13, v11;
	v11 =	vsub.f32 $1.500000000e+00, v17;
	v13 =	vmul.f32 v19, v8  }
0x104: {  	v14 =	vmul.f32 v14, v15;
	v8 =	vmul.f32 v9, v2  }
0x105: {  	v15 =	vmul.f32 v11, v10;
	v10 =	vmul.f32 v13, v3  }
0x106: {  	v11 =	vmul.f32 v14, v4;
	v8 =	vmul.f32 v8, v9  }
0x107: {  	v16 =	vpop (erf);
	v17 =	vmul.f32 v15, v5;
	v10 =	vmul.f32 v10, v13  }
0x108: {  	v18 =	vmul.f32 v16, v7;
	v11 =	vmul.f32 v11, v14;
	v8 =	vsub.f32 $1.500000000e+00, v8  }
0x109: {  	v19 =	vmul.f32 v12, v6;
	v17 =	vmul.f32 v17, v15;
	v10 =	vsub.f32 $1.500000000e+00, v10  }
0x10a: {  	v20 =	vmul.f32 v18, v16;
	v21 =	vsub.f32 $1.500000000e+00, v11;
	v8 =	vmul.f32 v8, v9  }
0x10b: {  	v18 =	vmul.f32 v19, v12;
	v9 =	vsub.f32 $1.500000000e+00, v17;
	v11 =	vmul.f32 v10, v13  }
0x10c: {  	v10 =	vmul.f32 v21, v14;
	v13 =	vmul.f32 v8, v2  }
0x10d: {  	v15 =	vmul.f32 v9, v15;
	v9 =	vmul.f32 v11, v3  }
0x10e: {  	v14 =	vmul.f32 v10, v4;
	v63 =	vmul.f32 v13, v8  }
0x10f: {  	v17 =	vmul.f32 v15, v5;
	v13 =	vmul.f32 v9, v11  }
0x110: {  	s23 =	simm.s32 $0x180;
	v19 =	vsub.f32 $1.500000000e+00, v20;
	v14 =	vmul.f32 v14, v10;
	v9 =	vsub.f32 $1.500000000e+00, v63  }
.LBB2_4:
0x111: {  	s24 =	sshra.s32 s23, $0x2;
	p0 =	sne.s32 s23, $0x9C0;
	v18 =	vsub.f32 $1.500000000e+00, v18;
	v17 =	vmul.f32 v17, v15;
	v13 =	vsub.f32 $1.500000000e+00, v13  }
0x112: {  	v20 =	vld [tilespmem:s24+$0x8080];
	v19 =	vmul.f32 v19, v16;
	v14 =	vsub.f32 $1.500000000e+00, v14;
	v8 =	vmul.f32 v9, v8  }
0x113: {  	v9 =	vmul.f32 v18, v12;
	v12 =	vsub.f32 $1.500000000e+00, v17;
	v11 =	vmul.f32 v13, v11  }
0x114: {  	v10 =	vmul.f32 v14, v10;
	v13 =	vmul.f32 v8, v2;
	v2 =	vmovc v3;
	v3 =	vmovc v4;
	v4 =	vmov v5  }
0x115: {  	v5 =	vmovc v6;
	v6 =	vmov v7;
	v12 =	vmul.f32 v12, v15;
	v14 =	vmul.f32 v11, v2  }
0x116: {  	v7 =	vmul.f32 v10, v3;
	v13 =	vmul.f32 v13, v8  }
0x117: {  	v15 =	vmax.f32 v20, $1.000000000e+00;
	v16 =	vmul.f32 v12, v4;
	v14 =	vmul.f32 v14, v11  }
0x118: {  	v17 =	vmul.f32 v9, v5;
	v7 =	vmul.f32 v7, v10;
	v13 =	vsub.f32 $1.500000000e+00, v13  }
0x119: {  	v18 =	vmul.f32 v19, v6;
	v16 =	vmul.f32 v16, v12;
	v14 =	vsub.f32 $1.500000000e+00, v14  }
0x11a: {  	v17 =	vmul.f32 v17, v9;
	v7 =	vsub.f32 $1.500000000e+00, v7;
	v8 =	vmul.f32 v13, v8  }
0x11b: {  	(erf) = vrcp.f32 v15;
	v13 =	vsub.f32 $1.500000000e+00, v16;
	v11 =	vmul.f32 v14, v11  }
0x11c: {  	v14 =	vmul.f32 v18, v19;
	v16 =	vsub.f32 $1.500000000e+00, v17;
	v10 =	vmul.f32 v7, v10;
	[tilespmem:s17+$0x8300] =	vst v8;
	s17 =	smov.u32 s18;
	s18 =	smov.u32 s19;
	s19 =	smov.u32 s20  }
0x11d: {  	s20 =	smov.u32 s21;
	s21 =	smov.u32 s22;
	s22 =	smov.u32 s24;
	v8 =	vmul.f32 v13, v12;
	v7 =	vmul.f32 v11, v2  }
0x11e: {  	v9 =	vmul.f32 v16, v9;
	v12 =	vmul.f32 v10, v3  }
0x11f: {  	v13 =	vmul.f32 v8, v4;
	v7 =	vmul.f32 v7, v11  }
0x120: {  	v16 =	vmul.f32 v9, v5;
	v12 =	vmul.f32 v12, v10  }
0x121: {  	v13 =	vmul.f32 v13, v8;
	v17 =	vsub.f32 $1.500000000e+00, v7  }
0x122: {  	v14 =	vsub.f32 $1.500000000e+00, v14;
	v18 =	vmul.f32 v16, v9;
	v20 =	vsub.f32 $1.500000000e+00, v12  }
0x123: {  	v7 =	vmul.f32 $5.000000000e-01, v15;
	v13 =	vsub.f32 $1.500000000e+00, v13;
	v11 =	vmul.f32 v17, v11  }
0x124: {  	v12 =	vmul.f32 v14, v19;
	v14 =	vsub.f32 $1.500000000e+00, v18;
	v16 =	vpop (erf);
	v10 =	vmul.f32 v20, v10  }
0x125: {  	v13 =	vmul.f32 v13, v8;
	v8 =	vmul.f32 v11, v2  }
0x126: {  	v9 =	vmul.f32 v14, v9;
	v14 =	vmul.f32 v10, v3  }
0x127: {  	v15 =	vmul.f32 v13, v4;
	v8 =	vmul.f32 v8, v11  }
0x128: {  	v17 =	vmul.f32 v9, v5;
	v14 =	vmul.f32 v14, v10  }
0x129: {  	v18 =	vmul.f32 v16, v7;
	v15 =	vmul.f32 v15, v13;
	v8 =	vsub.f32 $1.500000000e+00, v8  }
0x12a: {  	v19 =	vmul.f32 v12, v6;
	v17 =	vmul.f32 v17, v9;
	v14 =	vsub.f32 $1.500000000e+00, v14  }
0x12b: {  	v20 =	vmul.f32 v18, v16;
	v15 =	vsub.f32 $1.500000000e+00, v15;
	v8 =	vmul.f32 v8, v11  }
0x12c: {  	v18 =	vmul.f32 v19, v12;
	v17 =	vsub.f32 $1.500000000e+00, v17;
	v11 =	vmul.f32 v14, v10  }
.Ltmp1:
0x12d: {  	v10 =	vmul.f32 v15, v13;
	v13 =	vmul.f32 v8, v2;
	(pc) =	sbr.rel @p0 .LBB2_4-.Ltmp1, $4  }
0x12e: {  	v15 =	vmul.f32 v17, v9;
	v9 =	vmul.f32 v11, v3  }
0x12f: {  	v14 =	vmul.f32 v10, v4;
	v21 =	vmul.f32 v13, v8  }
0x130: {  	v17 =	vmul.f32 v15, v5;
	v13 =	vmul.f32 v9, v11  }
0x131: {  	s23 =	sadd.s32 $0x40, s23;
	v19 =	vsub.f32 $1.500000000e+00, v20;
	v14 =	vmul.f32 v14, v10;
	v9 =	vsub.f32 $1.500000000e+00, v21  }
0x132: {  	_ = 	snop  }
0x133: {  	v16 =	vmul.f32 v19, v16;
	_ =	sdelay $0x1  }
0x134: {  	v19 =	vmul.f32 v16, v7;
	_ =	sdelay $0x1  }
0x135: {  	v19 =	vmul.f32 v19, v16;
	_ =	sdelay $0x1  }
0x136: {  	v19 =	vsub.f32 $1.500000000e+00, v19;
	_ =	sdelay $0x1  }
0x137: {  	v16 =	vmul.f32 v19, v16;
	_ =	sdelay $0x1  }
0x138: {  	v19 =	vmul.f32 v16, v7;
	_ =	sdelay $0x1  }
0x139: {  	v19 =	vmul.f32 v19, v16  }
0x13a: {  	v18 =	vsub.f32 $1.500000000e+00, v18  }
0x13b: {  	v19 =	vsub.f32 $1.500000000e+00, v19  }
0x13c: {  	v12 =	vmul.f32 v18, v12  }
0x13d: {  	v16 =	vmul.f32 v19, v16  }
0x13e: {  	v18 =	vmul.f32 v12, v6  }
0x13f: {  	v19 =	vmul.f32 v16, v7  }
0x140: {  	v18 =	vmul.f32 v18, v12  }
0x141: {  	v19 =	vmul.f32 v19, v16  }
0x142: {  	v18 =	vsub.f32 $1.500000000e+00, v18  }
0x143: {  	v19 =	vsub.f32 $1.500000000e+00, v19  }
0x144: {  	v12 =	vmul.f32 v18, v12  }
0x145: {  	v16 =	vmul.f32 v19, v16  }
0x146: {  	v18 =	vmul.f32 v12, v6  }
0x147: {  	v19 =	vmul.f32 v16, v7  }
0x148: {  	v18 =	vmul.f32 v18, v12  }
0x149: {  	v19 =	vmul.f32 v19, v16  }
0x14a: {  	v18 =	vsub.f32 $1.500000000e+00, v18  }
0x14b: {  	v19 =	vsub.f32 $1.500000000e+00, v19  }
0x14c: {  	v12 =	vmul.f32 v18, v12  }
0x14d: {  	v16 =	vmul.f32 v19, v16  }
0x14e: {  	v18 =	vmul.f32 v12, v6  }
0x14f: {  	v19 =	vmul.f32 v16, v7  }
0x150: {  	v18 =	vmul.f32 v18, v12  }
0x151: {  	v19 =	vmul.f32 v19, v16  }
0x152: {  	v18 =	vsub.f32 $1.500000000e+00, v18  }
0x153: {  	v19 =	vsub.f32 $1.500000000e+00, v19  }
0x154: {  	v12 =	vmul.f32 v18, v12  }
0x155: {  	v16 =	vmul.f32 v19, v16  }
0x156: {  	v18 =	vmul.f32 v12, v6  }
0x157: {  	v17 =	vmul.f32 v17, v15;
	v19 =	vmul.f32 v16, v7  }
0x158: {  	v18 =	vmul.f32 v18, v12  }
0x159: {  	v17 =	vsub.f32 $1.500000000e+00, v17;
	v19 =	vmul.f32 v19, v16  }
0x15a: {  	v18 =	vsub.f32 $1.500000000e+00, v18  }
0x15b: {  	v60 =	vmul.f32 v17, v15;
	v61 =	vsub.f32 $1.500000000e+00, v19  }
0x15c: {  	v12 =	vmul.f32 v18, v12  }
0x15d: {  	v62 =	vmul.f32 v60, v5;
	v16 =	vmul.f32 v61, v16  }
0x15e: {  	v63 =	vmul.f32 v12, v6  }
0x15f: {  	v18 =	vmul.f32 v62, v60;
	v21 =	vmul.f32 v16, v7  }
0x160: {  	v17 =	vmul.f32 v63, v12  }
0x161: {  	v18 =	vsub.f32 $1.500000000e+00, v18;
	v19 =	vmul.f32 v21, v16  }
0x162: {  	v17 =	vsub.f32 $1.500000000e+00, v17  }
0x163: {  	v15 =	vmul.f32 v18, v60;
	v22 =	vsub.f32 $1.500000000e+00, v19  }
0x164: {  	v12 =	vmul.f32 v17, v12  }
0x165: {  	v23 =	vmul.f32 v15, v5;
	v16 =	vmul.f32 v22, v16  }
0x166: {  	v24 =	vmul.f32 v12, v6  }
0x167: {  	v17 =	vmul.f32 v23, v15;
	v25 =	vmul.f32 v16, v7  }
0x168: {  	v18 =	vmul.f32 v24, v12  }
0x169: {  	v17 =	vsub.f32 $1.500000000e+00, v17;
	v19 =	vmul.f32 v25, v16  }
0x16a: {  	v18 =	vsub.f32 $1.500000000e+00, v18  }
0x16b: {  	v15 =	vmul.f32 v17, v15;
	v26 =	vsub.f32 $1.500000000e+00, v19  }
0x16c: {  	v12 =	vmul.f32 v18, v12  }
0x16d: {  	v27 =	vmul.f32 v15, v5;
	v16 =	vmul.f32 v26, v16  }
0x16e: {  	v28 =	vmul.f32 v12, v6  }
0x16f: {  	v18 =	vmul.f32 v27, v15;
	v29 =	vmul.f32 v16, v7  }
0x170: {  	v17 =	vmul.f32 v28, v12  }
0x171: {  	v18 =	vsub.f32 $1.500000000e+00, v18;
	v19 =	vmul.f32 v29, v16  }
0x172: {  	v17 =	vsub.f32 $1.500000000e+00, v17  }
0x173: {  	v15 =	vmul.f32 v18, v15;
	v30 =	vsub.f32 $1.500000000e+00, v19  }
0x174: {  	v12 =	vmul.f32 v17, v12  }
0x175: {  	v31 =	vmul.f32 v15, v5;
	v16 =	vmul.f32 v30, v16  }
0x176: {  	v13 =	vsub.f32 $1.500000000e+00, v13;
	v32 =	vmul.f32 v12, v6  }
0x177: {  	v14 =	vsub.f32 $1.500000000e+00, v14;
	v17 =	vmul.f32 v31, v15;
	v33 =	vmul.f32 v16, v7  }
0x178: {  	v11 =	vmul.f32 v13, v11;
	v34 =	vmul.f32 v32, v12  }
0x179: {  	v10 =	vmul.f32 v14, v10;
	v35 =	vsub.f32 $1.500000000e+00, v17;
	v36 =	vmul.f32 v33, v16  }
0x17a: {  	v37 =	vmul.f32 v11, v3;
	v13 =	vsub.f32 $1.500000000e+00, v34  }
0x17b: {  	v38 =	vmul.f32 v10, v4;
	v14 =	vmul.f32 v35, v15;
	v39 =	vsub.f32 $1.500000000e+00, v36  }
0x17c: {  	v40 =	vmul.f32 v37, v11;
	v12 =	vmul.f32 v13, v12  }
0x17d: {  	v41 =	vmul.f32 v14, v5;
	v15 =	vmul.f32 v39, v16  }
0x17e: {  	v42 =	vmul.f32 v38, v10;
	v43 =	vmul.f32 v12, v6  }
0x17f: {  	v13 =	vmul.f32 v41, v14;
	v44 =	vmul.f32 v15, v7  }
0x180: {  	v18 =	vmul.f32 v43, v12;
	v16 =	vsub.f32 $1.500000000e+00, v42  }
0x181: {  	v17 =	vsub.f32 $1.500000000e+00, v40;
	v13 =	vsub.f32 $1.500000000e+00, v13;
	v19 =	vmul.f32 v44, v15  }
0x182: {  	v45 =	vsub.f32 $1.500000000e+00, v18;
	v10 =	vmul.f32 v16, v10  }
0x183: {  	v11 =	vmul.f32 v17, v11;
	v13 =	vmul.f32 v13, v14;
	v46 =	vsub.f32 $1.500000000e+00, v19  }
0x184: {  	v12 =	vmul.f32 v45, v12;
	v47 =	vmul.f32 v10, v4  }
0x185: {  	v48 =	vmul.f32 v13, v5;
	v14 =	vmul.f32 v46, v15  }
0x186: {  	v50 =	vmul.f32 v12, v6;
	v49 =	vmul.f32 v47, v10  }
0x187: {  	v16 =	vmul.f32 v48, v13;
	v51 =	vmul.f32 v14, v7  }
0x188: {  	v17 =	vmul.f32 v50, v12;
	v15 =	vsub.f32 $1.500000000e+00, v49  }
0x189: {  	v52 =	vmul.f32 v11, v3;
	v16 =	vsub.f32 $1.500000000e+00, v16;
	v18 =	vmul.f32 v51, v14  }
0x18a: {  	v53 =	vsub.f32 $1.500000000e+00, v17;
	v10 =	vmul.f32 v15, v10  }
0x18b: {  	v54 =	vmul.f32 v52, v11;
	v13 =	vmul.f32 v16, v13;
	v55 =	vsub.f32 $1.500000000e+00, v18  }
0x18c: {  	v12 =	vmul.f32 v53, v12;
	v56 =	vmul.f32 v10, v4  }
0x18d: {  	v57 =	vmul.f32 v13, v5;
	v14 =	vmul.f32 v55, v14  }
0x18e: {  	v59 =	vmul.f32 v12, v6;
	v58 =	vmul.f32 v56, v10  }
0x18f: {  	v15 =	vmul.f32 v57, v13;
	v60 =	vmul.f32 v14, v7  }
0x190: {  	v18 =	vmul.f32 v59, v12;
	v16 =	vsub.f32 $1.500000000e+00, v58  }
0x191: {  	v17 =	vsub.f32 $1.500000000e+00, v54;
	v15 =	vsub.f32 $1.500000000e+00, v15;
	v19 =	vmul.f32 v60, v14  }
0x192: {  	v61 =	vsub.f32 $1.500000000e+00, v18;
	v10 =	vmul.f32 v16, v10  }
0x193: {  	v11 =	vmul.f32 v17, v11;
	v13 =	vmul.f32 v15, v13;
	v62 =	vsub.f32 $1.500000000e+00, v19  }
0x194: {  	v12 =	vmul.f32 v61, v12;
	v63 =	vmul.f32 v10, v4  }
0x195: {  	v20 =	vmul.f32 v13, v5;
	v14 =	vmul.f32 v62, v14  }
0x196: {  	v22 =	vmul.f32 v12, v6;
	v21 =	vmul.f32 v63, v10  }
0x197: {  	v16 =	vmul.f32 v20, v13;
	v23 =	vmul.f32 v14, v7  }
0x198: {  	v17 =	vmul.f32 v22, v12;
	v15 =	vsub.f32 $1.500000000e+00, v21  }
0x199: {  	v24 =	vmul.f32 v11, v3;
	v16 =	vsub.f32 $1.500000000e+00, v16;
	v18 =	vmul.f32 v23, v14  }
0x19a: {  	v25 =	vsub.f32 $1.500000000e+00, v17;
	v10 =	vmul.f32 v15, v10  }
0x19b: {  	v26 =	vmul.f32 v24, v11;
	v13 =	vmul.f32 v16, v13;
	v27 =	vsub.f32 $1.500000000e+00, v18  }
0x19c: {  	v12 =	vmul.f32 v25, v12;
	v28 =	vmul.f32 v10, v4  }
0x19d: {  	v29 =	vmul.f32 v13, v5;
	v14 =	vmul.f32 v27, v14  }
0x19e: {  	v31 =	vmul.f32 v12, v6;
	v30 =	vmul.f32 v28, v10  }
0x19f: {  	v15 =	vmul.f32 v29, v13;
	v32 =	vmul.f32 v14, v7  }
0x1a0: {  	v18 =	vmul.f32 v31, v12;
	v16 =	vsub.f32 $1.500000000e+00, v30  }
0x1a1: {  	v17 =	vsub.f32 $1.500000000e+00, v26;
	v15 =	vsub.f32 $1.500000000e+00, v15;
	v19 =	vmul.f32 v32, v14  }
0x1a2: {  	v33 =	vsub.f32 $1.500000000e+00, v18;
	v10 =	vmul.f32 v16, v10  }
0x1a3: {  	v11 =	vmul.f32 v17, v11;
	v13 =	vmul.f32 v15, v13;
	v34 =	vsub.f32 $1.500000000e+00, v19  }
0x1a4: {  	v12 =	vmul.f32 v33, v12;
	v35 =	vmul.f32 v10, v4  }
0x1a5: {  	v36 =	vmul.f32 v13, v5;
	v14 =	vmul.f32 v34, v14  }
0x1a6: {  	v38 =	vmul.f32 v12, v6;
	v37 =	vmul.f32 v35, v10  }
0x1a7: {  	v16 =	vmul.f32 v36, v13;
	v39 =	vmul.f32 v14, v7  }
0x1a8: {  	v17 =	vmul.f32 v38, v12;
	v15 =	vsub.f32 $1.500000000e+00, v37  }
0x1a9: {  	v40 =	vmul.f32 v11, v3;
	v16 =	vsub.f32 $1.500000000e+00, v16;
	v18 =	vmul.f32 v39, v14  }
0x1aa: {  	v41 =	vsub.f32 $1.500000000e+00, v17;
	v10 =	vmul.f32 v15, v10  }
0x1ab: {  	v42 =	vmul.f32 v40, v11;
	v13 =	vmul.f32 v16, v13;
	v43 =	vsub.f32 $1.500000000e+00, v18  }
0x1ac: {  	v12 =	vmul.f32 v41, v12;
	v44 =	vmul.f32 v10, v4  }
0x1ad: {  	v45 =	vmul.f32 v13, v5;
	v14 =	vmul.f32 v43, v14  }
0x1ae: {  	v47 =	vmul.f32 v12, v6;
	v46 =	vmul.f32 v44, v10  }
0x1af: {  	v15 =	vmul.f32 v45, v13;
	v48 =	vmul.f32 v14, v7  }
0x1b0: {  	v18 =	vmul.f32 v47, v12;
	v16 =	vsub.f32 $1.500000000e+00, v46  }
0x1b1: {  	v17 =	vsub.f32 $1.500000000e+00, v42;
	v15 =	vsub.f32 $1.500000000e+00, v15;
	v19 =	vmul.f32 v48, v14  }
0x1b2: {  	v8 =	vmul.f32 v9, v8;
	v50 =	vsub.f32 $1.500000000e+00, v18;
	v49 =	vmul.f32 v16, v10  }
0x1b3: {  	v11 =	vmul.f32 v17, v11;
	v13 =	vmul.f32 v15, v13;
	v51 =	vsub.f32 $1.500000000e+00, v19  }
0x1b4: {  	v10 =	vmul.f32 v50, v12;
	v16 =	vmul.f32 v49, v4  }
0x1b5: {  	v52 =	vmul.f32 v13, v5;
	v14 =	vmul.f32 v51, v14  }
0x1b6: {  	v54 =	vmul.f32 v10, v6;
	v53 =	vmul.f32 v16, v49  }
0x1b7: {  	v12 =	vmul.f32 v52, v13;
	v55 =	vmul.f32 v14, v7  }
0x1b8: {  	v2 =	vmul.f32 v8, v2;
	v16 =	vmul.f32 v54, v10;
	v15 =	vsub.f32 $1.500000000e+00, v53  }
0x1b9: {  	v3 =	vmul.f32 v11, v3;
	v12 =	vsub.f32 $1.500000000e+00, v12;
	v17 =	vmul.f32 v55, v14  }
0x1ba: {  	v2 =	vmul.f32 v2, v8;
	v56 =	vsub.f32 $1.500000000e+00, v16;
	v9 =	vmul.f32 v15, v49  }
0x1bb: {  	v3 =	vmul.f32 v3, v11;
	v12 =	vmul.f32 v12, v13;
	v57 =	vsub.f32 $1.500000000e+00, v17  }
0x1bc: {  	v10 =	vmul.f32 v56, v10;
	v58 =	vmul.f32 v9, v4  }
0x1bd: {  	v59 =	vmul.f32 v12, v5;
	v13 =	vmul.f32 v57, v14  }
0x1be: {  	v2 =	vsub.f32 $1.500000000e+00, v2;
	v60 =	vmul.f32 v10, v6;
	v4 =	vmul.f32 v58, v9  }
0x1bf: {  	v3 =	vsub.f32 $1.500000000e+00, v3;
	v5 =	vmul.f32 v59, v12;
	v61 =	vmul.f32 v13, v7  }
0x1c0: {  	v2 =	vmul.f32 v2, v8;
	v6 =	vmul.f32 v60, v10;
	v4 =	vsub.f32 $1.500000000e+00, v4  }
0x1c1: {  	v3 =	vmul.f32 v3, v11;
	v5 =	vsub.f32 $1.500000000e+00, v5;
	v7 =	vmul.f32 v61, v13  }
0x1c2: {  	[tilespmem:s17+$0x8300] =	vst v2;
	v62 =	vsub.f32 $1.500000000e+00, v6;
	v2 =	vmul.f32 v4, v9  }
0x1c3: {  	[tilespmem:s18+$0x8300] =	vst v3;
	v3 =	vmul.f32 v5, v12;
	v63 =	vsub.f32 $1.500000000e+00, v7  }
0x1c4: {  	[tilespmem:s19+$0x8300] =	vst v2;
	v2 =	vmul.f32 v62, v10  }
0x1c5: {  	s16 =	sadd.s32 $0x1, s16;
	[tilespmem:s20+$0x8300] =	vst v3;
	v3 =	vmul.f32 v63, v13  }
0x1c6: {  	p0 =	sne.s32 s16, s7;
	[tilespmem:s21+$0x8300] =	vst v2  }
.Ltmp2:
0x1c7: {  	[tilespmem:s22+$0x8300] =	vst v3;
	(pc) =	sbr.rel @p0 .LBB2_1-.Ltmp2, $4  }
0x1c8: {  	[hbm4b:s6+s13] =	stream.strided.scatter [tilespmem:s15], [sflag:$0x2], $0x280, s14, s13, $0x38;
	[tilespmem:$0x8800] =	vst v63  }
0x1c9: {  	_ =	swait.ge [sflag:s9], $0x280  }
0x1ca: {  	[sflag:s9] =	ssyncset.done $0x0  }
0x1cb: {  	[sflag:s9] =	ssyncadd.s32 $0xFFFFFD80  }
0x1cc: {  	_ =	sfence.sel $0x180000  }
0x1cd: {  	[bflag:$0x0] =	sbarrier.arrive $0xFFFF  }
0x1ce: {  	p0 =	sne.s32 s0, $0x0;
	_ =	strace $0x90000047  }
0x1cf: {  	s0 =	sadd.s32 @!p0 $0x100000, s1;
	[bflag:$0x2] =	sbarrier.arrive $0xFFFF  }
0x1d0: {  	[sflag:s0] =	ssyncadd.tile.s32 @!p0 $0x1;
	_ =	shalt  }
.Lfunc_end2:
_tile_overlayer_lowered:
.L_overlay_start_2:
0x1d1: {  	(tag) =	ssettag $0x2  }
0x1d2: {  	s0 =	rddreg [dreg:$0x0];
	s2 =	stileid.u32  }
0x1d3: {  	s1 =	rddreg [dreg:$0x1];
	p0 =	sne.s32 s2, $0x0  }
0x1d4: {  	s3 =	rddreg [dreg:$0x2];
	[bflag:$0x3] =	sbarrier.arrive $0xFFFF;
	s2 =	simm.s32 @!p0 $0x1C02  }
0x1d5: {  	[timem:s3], [sflag:s2] =	dma.local @!p0 [hbm:s0], s1  }
0x1d6: {  	s0 =	simm.s32 @!p0 $0x2  }
0x1d7: {  	_ =	swait.ge @!p0 [sflag:s0], s1  }
0x1d8: {  	s1 =	ssub.s32 @!p0 $0x0, s1;
	[sflag:s0] =	ssyncset.done @!p0 $0x0  }
0x1d9: {  	[sflag:s0] =	ssyncadd.s32 @!p0 s1  }
0x1da: {  	[bflag:$0x3] =	sbarrier.arrive $0xFFFF  }
0x1db: {  	_ =	shalt  }

</sc_bundles>
